<compile_context>
chip_gen: v7x
topology: tpu7x:2x2x1
jax: 0.10.2.dev20260603
libtpu: 0.0.44.dev20260713+nightly
codegen_flags: <defaults>
</compile_context>

<pallas_src>
import functools

import jax
import jax.numpy as jnp
from jax import lax
from jax.experimental import pallas as pl
from jax.experimental.pallas import tpu as pltpu
from jax.experimental.pallas import tpu_sc as plsc

F_XT = 5
F_E = 10
D1 = 15
LANES = 16
CHUNK = 1024
SUB = 128
N_BLK = 2000


def _leaky(x):
    return jnp.where(x >= 0, x, 0.1 * x)


def _kron8(w):
    return jnp.kron(jnp.eye(8, dtype=jnp.float32), w)



def _prep_y_body(xpk_ref, wy_ref, ypk_ref):
    ypk_ref[...] = jnp.dot(xpk_ref[...], wy_ref[...],
                           preferred_element_type=jnp.float32)


def _msg_body(attr_ref, ypk_ref, wz_ref, b1a_ref, wm_ref, b1b_ref, out_ref):
    z = jnp.dot(attr_ref[...], wz_ref[...], preferred_element_type=jnp.float32)
    h = _leaky(ypk_ref[...] + z + b1a_ref[...])
    out_ref[...] = (jnp.dot(h, wm_ref[...], preferred_element_type=jnp.float32)
                    + b1b_ref[...])


def _final_body(xs_ref, p1_ref, p2_ref, p3_ref, p4_ref, bs_ref, g_ref,
                selcnt_ref, kcnt_ref, kmean_ref, kstd_ref, kskew_ref,
                kkurt_ref, kxs_ref, krep_ref, iota_ref, kub_ref,
                b2a_ref, kw2b_ref, b2b_ref, out_ref):
    dot = functools.partial(jnp.dot, preferred_element_type=jnp.float32)
    p1 = p1_ref[0]
    p2 = p2_ref[0]
    p3 = p3_ref[0]
    p4 = p4_ref[0]
    cnt = dot(p1, selcnt_ref[...])
    denom = jnp.maximum(cnt, 1.0)
    mean = p1 / denom
    var = jnp.maximum(p2 / denom - mean * mean, 0.0)
    std = jnp.sqrt(var + 1e-6)
    m2 = mean * mean
    c3 = p3 - 3.0 * mean * p2 + 2.0 * m2 * mean * cnt
    c4 = p4 - 4.0 * mean * p3 + 6.0 * m2 * p2 - 3.0 * m2 * m2 * cnt
    std2 = std * std
    skew = (c3 / denom) / (std2 * std)
    kurt = (c4 / denom) / (std2 * std2)
    bs_rep = dot(bs_ref[...], krep_ref[...])
    onehot = (bs_rep == iota_ref[...]).astype(jnp.float32)
    pre = (dot(xs_ref[...], kxs_ref[...]) + dot(p1, kcnt_ref[...])
           + dot(mean + g_ref[...], kmean_ref[...]) + dot(std, kstd_ref[...])
           + dot(skew, kskew_ref[...]) + dot(kurt, kkurt_ref[...])
           + dot(onehot, kub_ref[...]) + b2a_ref[...])
    h1 = _leaky(pre)
    out_ref[...] = dot(h1, kw2b_ref[...]) + b2b_ref[...]



def _sc_mesh():
    return plsc.VectorSubcoreMesh(core_axis_name="c", subcore_axis_name="s",
                                  num_cores=2, num_subcores=16)


def _gather_rows(y, tgt2d, e_pad):
    per_w = e_pad // 32
    n_chunks = per_w // CHUNK
    k_sub = CHUNK // SUB

    @functools.partial(
        pl.kernel,
        out_type=jax.ShapeDtypeStruct((e_pad, LANES), jnp.float32),
        mesh=_sc_mesh(),
        compiler_params=pltpu.CompilerParams(use_tc_tiling_on_sc=False),
        scratch_types=[
            pltpu.VMEM((k_sub, SUB), jnp.int32),
            pltpu.VMEM((CHUNK, LANES), jnp.float32),
            pltpu.SemaphoreType.DMA,
        ],
    )
    def k(y_hbm, tgt_hbm, out_hbm, idx_v, rows_v, sem):
        c = lax.axis_index("c")
        s = lax.axis_index("s")
        wid = s * 2 + c
        base = wid * per_w
        rbase = wid * (per_w // SUB)

        def chunk_body(i, carry):
            cb = base + i * CHUNK
            rb = rbase + i * k_sub
            pltpu.sync_copy(tgt_hbm.at[pl.ds(rb, k_sub), :], idx_v)
            descs = [
                pltpu.async_copy(y_hbm.at[idx_v.at[j]],
                                 rows_v.at[pl.ds(j * SUB, SUB), :], sem)
                for j in range(k_sub)
            ]
            for d in descs:
                d.wait()
            pltpu.sync_copy(rows_v, out_hbm.at[pl.ds(cb, CHUNK), :])
            return carry

        lax.fori_loop(0, n_chunks, chunk_body, 0)

    return k(y, tgt2d)


def _scatter_moments(msg, src2d, zeros, g2d, e_pad, n_acc):
    chunk = CHUNK // 2
    per_t = e_pad // 16
    n_chunks = per_t // chunk
    k_sub = chunk // SUB
    stripe = n_acc // 16

    @functools.partial(
        pl.kernel,
        out_type=jax.ShapeDtypeStruct((4, n_acc, LANES), jnp.float32),
        mesh=_sc_mesh(),
        compiler_params=pltpu.CompilerParams(use_tc_tiling_on_sc=False),
        scratch_types=[
            pltpu.VMEM((2, k_sub, SUB), jnp.int32),
            pltpu.VMEM((2, chunk, LANES), jnp.float32),
            pltpu.VMEM((1, LANES), jnp.float32),
            pltpu.VMEM_SHARED((n_acc, LANES), jnp.float32),
            pltpu.SemaphoreType.DMA,
            pltpu.SemaphoreType.DMA,
            pltpu.SemaphoreType.DMA,
        ],
    )
    def k(msg_hbm, src_hbm, zeros_hbm, g_hbm, out_hbm, idx_v, rows_v, g_v,
          acc, sem, lsem0, lsem1):
        c = lax.axis_index("c")
        s = lax.axis_index("s")
        is_c0 = c == 0
        lsem = (lsem0, lsem1)
        pltpu.sync_copy(g_hbm, g_v)
        gv = g_v[0]

        def load_pair(i, b, issue):
            cb = s * per_t + i * chunk
            rb = s * (per_t // SUB) + i * k_sub
            f = pltpu.async_copy if issue else (
                lambda a, d, sm: pltpu.make_async_copy(a, d, sm))
            return (f(src_hbm.at[pl.ds(rb, k_sub), :], idx_v.at[b], lsem[b]),
                    f(msg_hbm.at[pl.ds(cb, chunk), :], rows_v.at[b], lsem[b]))

        for sweep in range(2):
            pltpu.sync_copy(zeros_hbm, acc.at[pl.ds(s * stripe, stripe), :])
            plsc.subcore_barrier()
            load_pair(0, 0, True)

            def outer_body(i0, carry):
                for b in range(2):
                    i = 2 * i0 + b
                    for d in load_pair(i, b, False):
                        d.wait()

                    @pl.when(i + 1 < n_chunks)
                    def _():
                        load_pair(i + 1, 1 - b, True)

                    def power_loop(fn):
                        def row_body(r, rcarry):
                            rows_v[b, r] = fn(rows_v[b, r])
                            return rcarry
                        lax.fori_loop(0, chunk, row_body, 0, unroll=8)

                    if sweep == 0:
                        @pl.when(is_c0)
                        def _():
                            power_loop(lambda v: v - gv)

                        @pl.when(jnp.logical_not(is_c0))
                        def _():
                            def sq(v):
                                w = v - gv
                                return w * w
                            power_loop(sq)
                    else:
                        @pl.when(is_c0)
                        def _():
                            def cube(v):
                                w = v - gv
                                return w * w * w
                            power_loop(cube)

                        @pl.when(jnp.logical_not(is_c0))
                        def _():
                            def quad(v):
                                w = v - gv
                                w2 = w * w
                                return w2 * w2
                            power_loop(quad)

                    descs = [
                        pltpu.async_copy(rows_v.at[b, pl.ds(j * SUB, SUB), :],
                                         acc.at[idx_v.at[b, j]], sem, add=True)
                        for j in range(k_sub)
                    ]
                    for d in descs:
                        d.wait()
                return carry

            lax.fori_loop(0, n_chunks // 2, outer_body, 0)
            plsc.subcore_barrier()
            pltpu.sync_copy(acc.at[pl.ds(s * stripe, stripe), :],
                            out_hbm.at[2 * sweep + c,
                                       pl.ds(s * stripe, stripe), :])

    return k(msg, src2d, zeros, g2d)



def kernel(x_s, x_t, edge_index, edge_attr, u, batch_s,
           W1a, b1a, W1b, b1b, W2a, b2a, W2b, b2b):
    n = x_s.shape[0]
    e = edge_attr.shape[0]
    e_pad = -(-e // (32 * CHUNK)) * (32 * CHUNK)
    epk = e_pad // 8
    n_acc = -(-(n + 256) // SUB) * SUB
    pad = e_pad - e

    ei2d = edge_index.reshape(2, e // SUB, SUB)
    if pad:
        trash = (n + (jnp.arange(pad, dtype=jnp.int32) % (n_acc - n))
                 ).reshape(1, pad // SUB, SUB)
        pad_blk = jnp.concatenate(
            [trash, jnp.zeros((1, pad // SUB, SUB), jnp.int32)], axis=0)
        ei2d = jnp.concatenate([ei2d, pad_blk], axis=1)
    src2d = ei2d[0]
    tgt2d = ei2d[1]

    pad_c = lambda w: jnp.pad(w, ((0, 0), (0, LANES - w.shape[1])))
    wy = _kron8(pad_c(W1a[:F_XT]))
    wz = _kron8(pad_c(W1a[F_XT:]))
    wm = _kron8(jnp.pad(W1b, ((0, 1), (0, 1))))
    b1a_pk = jnp.tile(jnp.pad(b1a, (0, 1)), 8).reshape(1, 128)
    b1b_pk = jnp.tile(jnp.pad(b1b, (0, 1), constant_values=1.0), 8).reshape(1, 128)

    full = lambda shape: pl.BlockSpec(shape, lambda i: tuple(0 for _ in shape))

    n8 = n // 8
    xpk = x_t.reshape(n8, 8 * F_XT)
    ypk = pl.pallas_call(
        _prep_y_body,
        grid=(1,),
        in_specs=[pl.BlockSpec((n8, 8 * F_XT), lambda i: (0, 0)),
                  full((8 * F_XT, 128))],
        out_specs=pl.BlockSpec((n8, 128), lambda i: (0, 0)),
        out_shape=jax.ShapeDtypeStruct((n8, 128), jnp.float32),
    )(xpk, wy)
    y = ypk.reshape(n, LANES)

    yg = _gather_rows(y, tgt2d, e_pad)

    attr_pk = edge_attr.reshape(e // 8, 8 * F_E)
    ypk_e = yg.reshape(epk, 128)
    e_blk = 2048
    e_grid = epk // e_blk
    msg_pk = pl.pallas_call(
        _msg_body,
        grid=(e_grid,),
        in_specs=[pl.BlockSpec((e_blk, 8 * F_E), lambda i: (i, 0)),
                  pl.BlockSpec((e_blk, 128), lambda i: (i, 0)),
                  full((8 * F_E, 128)), full((1, 128)),
                  full((128, 128)), full((1, 128))],
        out_specs=pl.BlockSpec((e_blk, 128), lambda i: (i, 0)),
        out_shape=jax.ShapeDtypeStruct((epk, 128), jnp.float32),
    )(attr_pk, ypk_e, wz, b1a_pk, wm, b1b_pk)
    msg = msg_pk.reshape(e_pad, LANES)

    g = jnp.mean(msg_pk[:128].reshape(128, 8, LANES), axis=(0, 1))
    g = g.at[LANES - 1].set(0.0)
    g2d = g.reshape(1, LANES)
    g_t = jnp.tile(g, 8).reshape(1, 128)

    zeros = jnp.zeros((n_acc // 16, LANES), jnp.float32)
    p = _scatter_moments(msg, src2d, zeros, g2d, e_pad, n_acc)

    f_xs = x_s.shape[1]
    npk = n_acc // 8
    npk_r = n // 8
    p_pk = p.reshape(4, npk, 128)
    xs_pk = jnp.pad(x_s.reshape(npk_r, 8 * f_xs), ((0, npk - npk_r), (0, 0)))
    bs_pk = jnp.pad(batch_s.astype(jnp.float32).reshape(npk_r, 8),
                    ((0, npk - npk_r), (0, 0)))
    zrow = jnp.zeros((1, 10), jnp.float32)
    pad_r = lambda w: jnp.concatenate([w, zrow], 0)
    selcnt = _kron8(jnp.concatenate([jnp.zeros((15, 16), jnp.float32),
                                     jnp.ones((1, 16), jnp.float32)], 0))
    kcnt = _kron8(jnp.concatenate([jnp.zeros((15, 10), jnp.float32),
                                   W2a[10:11]], 0))
    kmean = _kron8(pad_r(W2a[11:26]))
    kstd = _kron8(pad_r(W2a[26:41]))
    kskew = _kron8(pad_r(W2a[41:56]))
    kkurt = _kron8(pad_r(W2a[56:71]))
    kxs = _kron8(W2a[:f_xs])
    krep = _kron8(jnp.ones((1, 16), jnp.float32))
    iota128 = jnp.tile(jnp.arange(16, dtype=jnp.float32), 8).reshape(1, 128)
    kub = _kron8(u @ W2a[71:81])
    b2a_t = jnp.tile(b2a, 8).reshape(1, -1)
    b2b_t = jnp.tile(b2b, 8).reshape(1, -1)
    kw2b = _kron8(W2b)

    f_blk = 1568
    f_grid = npk // f_blk
    mom_spec = [pl.BlockSpec((1, f_blk, 128), lambda i, _j=j: (_j, i, 0))
                for j in (0, 1, 2, 3)]
    out_pk = pl.pallas_call(
        _final_body,
        grid=(f_grid,),
        in_specs=[pl.BlockSpec((f_blk, 8 * f_xs), lambda i: (i, 0)),
                  mom_spec[0], mom_spec[1], mom_spec[2], mom_spec[3],
                  pl.BlockSpec((f_blk, 8), lambda i: (i, 0)),
                  full((1, 128)),
                  full(selcnt.shape), full(kcnt.shape), full(kmean.shape),
                  full(kstd.shape), full(kskew.shape), full(kkurt.shape),
                  full(kxs.shape), full(krep.shape), full(iota128.shape),
                  full(kub.shape), full(b2a_t.shape), full(kw2b.shape),
                  full(b2b_t.shape)],
        out_specs=pl.BlockSpec((f_blk, 8 * W2b.shape[1]), lambda i: (i, 0)),
        out_shape=jax.ShapeDtypeStruct((npk, 8 * W2b.shape[1]), jnp.float32),
    )(xs_pk, p_pk, p_pk, p_pk, p_pk, bs_pk, g_t, selcnt, kcnt, kmean, kstd,
      kskew, kkurt, kxs, krep, iota128, kub, b2a_t, kw2b, b2b_t)
    return out_pk[:npk_r].reshape(n, W2b.shape[1])

# --- scband reference (transcript-rebuilt; emitter-appended) ---
"""Pipeline reference for scband-smodel-74663711473945 (READ-ONLY COPY).

The authoritative reference and input builder live on the scoring server;
editing this copy changes nothing except your own understanding.
"""

import jax, jax.numpy as jnp
import numpy as np

F_e = 10
F_xs = 10
F_xt = 5
F_u = 10
N = 100000
E = 1600000
B = 16
D1 = F_e + F_xt          # 15
D2 = F_xs + 1 + 4 * D1 + F_u  # 81


def leaky_relu(x):
    return jnp.where(x >= 0, x, 0.1 * x)


def setup_inputs(seed: int = 0) -> dict:
    key = jax.random.key(seed)
    ks = jax.random.split(key, 16)
    x_s = jax.random.normal(ks[0], (N, F_xs), dtype=jnp.float32)
    x_t = jax.random.normal(ks[1], (N, F_xt), dtype=jnp.float32)
    edge_index = jax.random.randint(ks[2], (2, E), 0, N, dtype=jnp.int32)
    edge_attr = jax.random.normal(ks[3], (E, F_e), dtype=jnp.float32)
    u = jax.random.normal(ks[4], (B, F_u), dtype=jnp.float32)
    batch_s = jnp.sort(jax.random.randint(ks[5], (N,), 0, B, dtype=jnp.int32))
    s1 = 1.0 / np.sqrt(D1)
    s2 = 1.0 / np.sqrt(D2)
    s3 = 1.0 / np.sqrt(F_xs)
    W1a = jax.random.normal(ks[6], (D1, D1), dtype=jnp.float32) * s1
    b1a = jax.random.normal(ks[7], (D1,), dtype=jnp.float32) * s1
    W1b = jax.random.normal(ks[8], (D1, D1), dtype=jnp.float32) * s1
    b1b = jax.random.normal(ks[9], (D1,), dtype=jnp.float32) * s1
    W2a = jax.random.normal(ks[10], (D2, F_xs), dtype=jnp.float32) * s2
    b2a = jax.random.normal(ks[11], (F_xs,), dtype=jnp.float32) * s2
    W2b = jax.random.normal(ks[12], (F_xs, F_xs), dtype=jnp.float32) * s3
    b2b = jax.random.normal(ks[13], (F_xs,), dtype=jnp.float32) * s3
    return {"x_s": x_s, "x_t": x_t, "edge_index": edge_index, "edge_attr": edge_attr,
            "u": u, "batch_s": batch_s,
            "W1a": W1a, "b1a": b1a, "W1b": W1b, "b1b": b1b,
            "W2a": W2a, "b2a": b2a, "W2b": W2b, "b2b": b2b}


def reference(x_s, x_t, edge_index, edge_attr, u, batch_s,
              W1a, b1a, W1b, b1b, W2a, b2a, W2b, b2b):
    src = edge_index[0]
    tgt = edge_index[1]
    N_s = x_s.shape[0]
    # message: gather target features per edge, concat edge attrs, MLP1
    msg = jnp.concatenate([x_t[tgt], edge_attr], axis=1)
    msg = leaky_relu(msg @ W1a + b1a) @ W1b + b1b
    # scatter statistics over src nodes
    count = jax.ops.segment_sum(jnp.ones((msg.shape[0], 1), msg.dtype), src, num_segments=N_s)
    denom = jnp.maximum(count, 1.0)
    mean = jax.ops.segment_sum(msg, src, num_segments=N_s) / denom
    var = jax.nn.relu(jax.ops.segment_sum(msg ** 2, src, num_segments=N_s) / denom - mean ** 2)
    std = jnp.sqrt(var + 1e-06)
    skew = (jax.ops.segment_sum((msg - mean[src]) ** 3, src, num_segments=N_s) / denom) / std ** 3
    kurt = (jax.ops.segment_sum((msg - mean[src]) ** 4, src, num_segments=N_s) / denom) / std ** 4
    h_cat = jnp.concatenate([x_s, count, mean, std, skew, kurt, u[batch_s]], axis=1)
    out = leaky_relu(h_cat @ W2a + b2a) @ W2b + b2b
    return out

if __name__ == "__main__":
    import jax
    _d = setup_inputs()
    print(jax.jit(kernel)(*tuple(_d.values())))

</pallas_src>

<mosaic_0001>
#map = affine_map<(d0, d1) -> (0, 0)>
#map1 = affine_map<(d0, d1) -> (0, 0, 0)>
module attributes {stable_mosaic.version = 14 : i64} {
  func.func @k(%arg0: i32, %arg1: i32, %arg2: memref<1605632x16xf32, #tpu.memory_space<hbm>>, %arg3: memref<12544x128xi32, #tpu.memory_space<hbm>>, %arg4: memref<6272x16xf32, #tpu.memory_space<hbm>>, %arg5: memref<1x16xf32, #tpu.memory_space<hbm>>, %arg6: memref<4x100352x16xf32, #tpu.memory_space<hbm>>, %arg7: memref<2x4x128xi32, #tpu.memory_space<vmem>>, %arg8: memref<2x512x16xf32, #tpu.memory_space<vmem>>, %arg9: memref<1x16xf32, #tpu.memory_space<vmem>>, %arg10: memref<100352x16xf32, #tpu.memory_space<vmem_shared>>, %arg11: memref<!tpu.dma_semaphore, #tpu.memory_space<semaphore_mem>>, %arg12: memref<!tpu.dma_semaphore, #tpu.memory_space<semaphore_mem>>, %arg13: memref<!tpu.dma_semaphore, #tpu.memory_space<semaphore_mem>>) attributes {dimension_semantics = [#tpu.dimension_semantics<core_parallel>, #tpu.dimension_semantics<subcore_parallel>], iteration_bounds = array<i64: 2, 16>, scalar_prefetch = 0 : i64, scratch_operands = 7 : i64, tpu.core_type = #tpu.core_type<sc_vector_subcore>, window_params = [{transform_indices = #map}, {transform_indices = #map}, {transform_indices = #map}, {transform_indices = #map}, {transform_indices = #map1}]} {
    %eq3A = arith.constant 0 : i32
    %eq3A_0 = arith.cmpi eq, %arg0, %eq3A : i32
    "tpu.region"() ({
      %run_scoped3A = tpu.sem_alloc : memref<!tpu.dma_semaphore, #tpu.memory_space<semaphore_mem>>
      tpu.enqueue_dma source(%arg5 : memref<1x16xf32, #tpu.memory_space<hbm>>) target(%arg9 : memref<1x16xf32, #tpu.memory_space<vmem>>) target_semaphore(%run_scoped3A : memref<!tpu.dma_semaphore, #tpu.memory_space<semaphore_mem>>)
      tpu.wait_dma2 semaphore(%run_scoped3A : memref<!tpu.dma_semaphore, #tpu.memory_space<semaphore_mem>>) src(%arg5 : memref<1x16xf32, #tpu.memory_space<hbm>>) dst(%arg9 : memref<1x16xf32, #tpu.memory_space<vmem>>)
      tpu.yield
    }) : () -> ()
    %get3A = arith.constant 0 : i32
    %get3A_1 = arith.index_cast %get3A : i32 to index
    %get3A_2 = arith.constant 0 : index
    %get3A_3 = tpu.vector_load %arg9[%get3A_1, %get3A_2] {strides = array<i32>} : memref<1x16xf32, #tpu.memory_space<vmem>>, vector<1x16xf32>,
    %get3A_4 = vector.shape_cast %get3A_3 : vector<1x16xf32> to vector<16xf32>
    %mul3A = arith.constant 6272 : i32
    %mul3A_5 = arith.muli %arg1, %mul3A : i32
    "tpu.region"() ({
      %run_scoped3A = tpu.sem_alloc : memref<!tpu.dma_semaphore, #tpu.memory_space<semaphore_mem>>
      %dma_start3A_100 = arith.constant 0 : i32
      %dma_start3A_101 = tpu.memref_slice %arg10[%mul3A_5, %dma_start3A_100] : memref<100352x16xf32, #tpu.memory_space<vmem_shared>> -> memref<6272x16xf32, #tpu.memory_space<vmem_shared>>
      tpu.enqueue_dma source(%arg4 : memref<6272x16xf32, #tpu.memory_space<hbm>>) target(%dma_start3A_101 : memref<6272x16xf32, #tpu.memory_space<vmem_shared>>) target_semaphore(%run_scoped3A : memref<!tpu.dma_semaphore, #tpu.memory_space<semaphore_mem>>)
      %dma_wait3A = arith.constant 0 : i32
      %dma_wait3A_102 = tpu.memref_slice %arg10[%mul3A_5, %dma_wait3A] : memref<100352x16xf32, #tpu.memory_space<vmem_shared>> -> memref<6272x16xf32, #tpu.memory_space<vmem_shared>>
      tpu.wait_dma2 semaphore(%run_scoped3A : memref<!tpu.dma_semaphore, #tpu.memory_space<semaphore_mem>>) src(%arg4 : memref<6272x16xf32, #tpu.memory_space<hbm>>) dst(%dma_wait3A_102 : memref<6272x16xf32, #tpu.memory_space<vmem_shared>>)
      tpu.yield
    }) : () -> ()
    %barrier3A = arith.constant 0 : index
    tpu.barrier barrier_id(%barrier3A)
    %mul3A_6 = arith.constant 100352 : i32
    %mul3A_7 = arith.muli %arg1, %mul3A_6 : i32
    %add3A = arith.constant 0 : i32
    %add3A_8 = arith.addi %mul3A_7, %add3A : i32
    %mul3A_9 = arith.constant 784 : i32
    %mul3A_10 = arith.muli %arg1, %mul3A_9 : i32
    %add3A_11 = arith.constant 0 : i32
    %add3A_12 = arith.addi %mul3A_10, %add3A_11 : i32
    %dma_start3A = arith.constant 0 : i32
    %dma_start3A_13 = arith.constant 0 : i32
    %dma_start3A_14 = arith.constant 0 : i32
    %dma_start3A_15 = tpu.memref_slice %arg7[%dma_start3A, %dma_start3A_13, %dma_start3A_14] : memref<2x4x128xi32, #tpu.memory_space<vmem>> -> memref<1x4x128xi32, #tpu.memory_space<vmem>>
    %dma_start3A_16 = tpu.memref_squeeze %dma_start3A_15 : memref<1x4x128xi32, #tpu.memory_space<vmem>> -> memref<4x128xi32, #tpu.memory_space<vmem>>
    %dma_start3A_17 = arith.constant 0 : i32
    %dma_start3A_18 = tpu.memref_slice %arg3[%add3A_12, %dma_start3A_17] : memref<12544x128xi32, #tpu.memory_space<hbm>> -> memref<4x128xi32, #tpu.memory_space<hbm>>
    %dma_start3A_19 = arith.constant 0 : i32
    %dma_start3A_20 = arith.constant 0 : i32
    %dma_start3A_21 = tpu.memref_slice %arg7[%dma_start3A, %dma_start3A_19, %dma_start3A_20] : memref<2x4x128xi32, #tpu.memory_space<vmem>> -> memref<1x4x128xi32, #tpu.memory_space<vmem>>
    %dma_start3A_22 = tpu.memref_squeeze %dma_start3A_21 : memref<1x4x128xi32, #tpu.memory_space<vmem>> -> memref<4x128xi32, #tpu.memory_space<vmem>>
    %dma_start3A_23 = arith.constant 0 : i32
    %dma_start3A_24 = tpu.memref_slice %arg3[%add3A_12, %dma_start3A_23] : memref<12544x128xi32, #tpu.memory_space<hbm>> -> memref<4x128xi32, #tpu.memory_space<hbm>>
    tpu.enqueue_dma source(%dma_start3A_24 : memref<4x128xi32, #tpu.memory_space<hbm>>) target(%dma_start3A_22 : memref<4x128xi32, #tpu.memory_space<vmem>>) target_semaphore(%arg12 : memref<!tpu.dma_semaphore, #tpu.memory_space<semaphore_mem>>)
    %dma_start3A_25 = arith.constant 0 : i32
    %dma_start3A_26 = arith.constant 0 : i32
    %dma_start3A_27 = arith.constant 0 : i32
    %dma_start3A_28 = tpu.memref_slice %arg8[%dma_start3A_25, %dma_start3A_26, %dma_start3A_27] : memref<2x512x16xf32, #tpu.memory_space<vmem>> -> memref<1x512x16xf32, #tpu.memory_space<vmem>>
    %dma_start3A_29 = tpu.memref_squeeze %dma_start3A_28 : memref<1x512x16xf32, #tpu.memory_space<vmem>> -> memref<512x16xf32, #tpu.memory_space<vmem>>
    %dma_start3A_30 = arith.constant 0 : i32
    %dma_start3A_31 = tpu.memref_slice %arg2[%add3A_8, %dma_start3A_30] : memref<1605632x16xf32, #tpu.memory_space<hbm>> -> memref<512x16xf32, #tpu.memory_space<hbm>>
    %dma_start3A_32 = arith.constant 0 : i32
    %dma_start3A_33 = arith.constant 0 : i32
    %dma_start3A_34 = tpu.memref_slice %arg8[%dma_start3A_25, %dma_start3A_32, %dma_start3A_33] : memref<2x512x16xf32, #tpu.memory_space<vmem>> -> memref<1x512x16xf32, #tpu.memory_space<vmem>>
    %dma_start3A_35 = tpu.memref_squeeze %dma_start3A_34 : memref<1x512x16xf32, #tpu.memory_space<vmem>> -> memref<512x16xf32, #tpu.memory_space<vmem>>
    %dma_start3A_36 = arith.constant 0 : i32
    %dma_start3A_37 = tpu.memref_slice %arg2[%add3A_8, %dma_start3A_36] : memref<1605632x16xf32, #tpu.memory_space<hbm>> -> memref<512x16xf32, #tpu.memory_space<hbm>>
    tpu.enqueue_dma source(%dma_start3A_37 : memref<512x16xf32, #tpu.memory_space<hbm>>) target(%dma_start3A_35 : memref<512x16xf32, #tpu.memory_space<vmem>>) target_semaphore(%arg12 : memref<!tpu.dma_semaphore, #tpu.memory_space<semaphore_mem>>)
    %scan3A = arith.constant 0 : i32
    %scan3A_38 = arith.constant 0 : i32
    %scan3A_39 = arith.constant 98 : i32
    %scan3A_40 = arith.addi %scan3A_38, %scan3A_39 : i32
    %scan3A_41 = arith.constant 1 : i32
    scf.for %scan3A_100 = %scan3A_38 to %scan3A_40 step %scan3A_41  : i32 {
      %mul3A_101 = arith.constant 2 : i32
      %mul3A_102 = arith.muli %mul3A_101, %scan3A_100 : i32
      %add3A_103 = arith.constant 0 : i32
      %add3A_104 = arith.addi %mul3A_102, %add3A_103 : i32
      %mul3A_105 = arith.constant 100352 : i32
      %mul3A_106 = arith.muli %arg1, %mul3A_105 : i32
      %mul3A_107 = arith.constant 512 : i32
      %mul3A_108 = arith.muli %add3A_104, %mul3A_107 : i32
      %add3A_109 = arith.addi %mul3A_106, %mul3A_108 : i32
      %mul3A_110 = arith.constant 784 : i32
      %mul3A_111 = arith.muli %arg1, %mul3A_110 : i32
      %mul3A_112 = arith.constant 4 : i32
      %mul3A_113 = arith.muli %add3A_104, %mul3A_112 : i32
      %add3A_114 = arith.addi %mul3A_111, %mul3A_113 : i32
      %dma_wait3A = arith.constant 0 : i32
      %dma_wait3A_115 = arith.constant 0 : i32
      %dma_wait3A_116 = arith.constant 0 : i32
      %dma_wait3A_117 = tpu.memref_slice %arg7[%dma_wait3A, %dma_wait3A_115, %dma_wait3A_116] : memref<2x4x128xi32, #tpu.memory_space<vmem>> -> memref<1x4x128xi32, #tpu.memory_space<vmem>>
      %dma_wait3A_118 = tpu.memref_squeeze %dma_wait3A_117 : memref<1x4x128xi32, #tpu.memory_space<vmem>> -> memref<4x128xi32, #tpu.memory_space<vmem>>
      %dma_wait3A_119 = arith.constant 0 : i32
      %dma_wait3A_120 = tpu.memref_slice %arg3[%add3A_114, %dma_wait3A_119] : memref<12544x128xi32, #tpu.memory_space<hbm>> -> memref<4x128xi32, #tpu.memory_space<hbm>>
      %dma_wait3A_121 = arith.constant 0 : i32
      %dma_wait3A_122 = arith.constant 0 : i32
      %dma_wait3A_123 = tpu.memref_slice %arg7[%dma_wait3A, %dma_wait3A_121, %dma_wait3A_122] : memref<2x4x128xi32, #tpu.memory_space<vmem>> -> memref<1x4x128xi32, #tpu.memory_space<vmem>>
      %dma_wait3A_124 = tpu.memref_squeeze %dma_wait3A_123 : memref<1x4x128xi32, #tpu.memory_space<vmem>> -> memref<4x128xi32, #tpu.memory_space<vmem>>
      %dma_wait3A_125 = arith.constant 0 : i32
      %dma_wait3A_126 = tpu.memref_slice %arg3[%add3A_114, %dma_wait3A_125] : memref<12544x128xi32, #tpu.memory_space<hbm>> -> memref<4x128xi32, #tpu.memory_space<hbm>>
      tpu.wait_dma2 semaphore(%arg12 : memref<!tpu.dma_semaphore, #tpu.memory_space<semaphore_mem>>) src(%dma_wait3A_126 : memref<4x128xi32, #tpu.memory_space<hbm>>) dst(%dma_wait3A_124 : memref<4x128xi32, #tpu.memory_space<vmem>>)
      %dma_wait3A_127 = arith.constant 0 : i32
      %dma_wait3A_128 = arith.constant 0 : i32
      %dma_wait3A_129 = arith.constant 0 : i32
      %dma_wait3A_130 = tpu.memref_slice %arg8[%dma_wait3A_127, %dma_wait3A_128, %dma_wait3A_129] : memref<2x512x16xf32, #tpu.memory_space<vmem>> -> memref<1x512x16xf32, #tpu.memory_space<vmem>>
      %dma_wait3A_131 = tpu.memref_squeeze %dma_wait3A_130 : memref<1x512x16xf32, #tpu.memory_space<vmem>> -> memref<512x16xf32, #tpu.memory_space<vmem>>
      %dma_wait3A_132 = arith.constant 0 : i32
      %dma_wait3A_133 = tpu.memref_slice %arg2[%add3A_109, %dma_wait3A_132] : memref<1605632x16xf32, #tpu.memory_space<hbm>> -> memref<512x16xf32, #tpu.memory_space<hbm>>
      %dma_wait3A_134 = arith.constant 0 : i32
      %dma_wait3A_135 = arith.constant 0 : i32
      %dma_wait3A_136 = tpu.memref_slice %arg8[%dma_wait3A_127, %dma_wait3A_134, %dma_wait3A_135] : memref<2x512x16xf32, #tpu.memory_space<vmem>> -> memref<1x512x16xf32, #tpu.memory_space<vmem>>
      %dma_wait3A_137 = tpu.memref_squeeze %dma_wait3A_136 : memref<1x512x16xf32, #tpu.memory_space<vmem>> -> memref<512x16xf32, #tpu.memory_space<vmem>>
      %dma_wait3A_138 = arith.constant 0 : i32
      %dma_wait3A_139 = tpu.memref_slice %arg2[%add3A_109, %dma_wait3A_138] : memref<1605632x16xf32, #tpu.memory_space<hbm>> -> memref<512x16xf32, #tpu.memory_space<hbm>>
      tpu.wait_dma2 semaphore(%arg12 : memref<!tpu.dma_semaphore, #tpu.memory_space<semaphore_mem>>) src(%dma_wait3A_139 : memref<512x16xf32, #tpu.memory_space<hbm>>) dst(%dma_wait3A_137 : memref<512x16xf32, #tpu.memory_space<vmem>>)
      %add3A_140 = arith.constant 1 : i32
      %add3A_141 = arith.addi %add3A_104, %add3A_140 : i32
      %lt3A = arith.constant 196 : i32
      %lt3A_142 = arith.cmpi slt, %add3A_141, %lt3A : i32
      %convert_element_type3A = arith.extui %lt3A_142 : i1 to i32
      %cond3A = arith.constant 0 : i32
      %cond3A_143 = arith.cmpi ne, %convert_element_type3A, %cond3A : i32
      scf.if %cond3A_143 {
        %add3A_414 = arith.constant 1 : i32
        %add3A_415 = arith.addi %add3A_104, %add3A_414 : i32
        %mul3A_416 = arith.constant 100352 : i32
        %mul3A_417 = arith.muli %arg1, %mul3A_416 : i32
        %mul3A_418 = arith.constant 512 : i32
        %mul3A_419 = arith.muli %add3A_415, %mul3A_418 : i32
        %add3A_420 = arith.addi %mul3A_417, %mul3A_419 : i32
        %mul3A_421 = arith.constant 784 : i32
        %mul3A_422 = arith.muli %arg1, %mul3A_421 : i32
        %mul3A_423 = arith.constant 4 : i32
        %mul3A_424 = arith.muli %add3A_415, %mul3A_423 : i32
        %add3A_425 = arith.addi %mul3A_422, %mul3A_424 : i32
        %dma_start3A_426 = arith.constant 1 : i32
        %dma_start3A_427 = arith.constant 0 : i32
        %dma_start3A_428 = arith.constant 0 : i32
        %dma_start3A_429 = tpu.memref_slice %arg7[%dma_start3A_426, %dma_start3A_427, %dma_start3A_428] : memref<2x4x128xi32, #tpu.memory_space<vmem>> -> memref<1x4x128xi32, #tpu.memory_space<vmem>>
        %dma_start3A_430 = tpu.memref_squeeze %dma_start3A_429 : memref<1x4x128xi32, #tpu.memory_space<vmem>> -> memref<4x128xi32, #tpu.memory_space<vmem>>
        %dma_start3A_431 = arith.constant 0 : i32
        %dma_start3A_432 = tpu.memref_slice %arg3[%add3A_425, %dma_start3A_431] : memref<12544x128xi32, #tpu.memory_space<hbm>> -> memref<4x128xi32, #tpu.memory_space<hbm>>
        %dma_start3A_433 = arith.constant 0 : i32
        %dma_start3A_434 = arith.constant 0 : i32
        %dma_start3A_435 = tpu.memref_slice %arg7[%dma_start3A_426, %dma_start3A_433, %dma_start3A_434] : memref<2x4x128xi32, #tpu.memory_space<vmem>> -> memref<1x4x128xi32, #tpu.memory_space<vmem>>
        %dma_start3A_436 = tpu.memref_squeeze %dma_start3A_435 : memref<1x4x128xi32, #tpu.memory_space<vmem>> -> memref<4x128xi32, #tpu.memory_space<vmem>>
        %dma_start3A_437 = arith.constant 0 : i32
        %dma_start3A_438 = tpu.memref_slice %arg3[%add3A_425, %dma_start3A_437] : memref<12544x128xi32, #tpu.memory_space<hbm>> -> memref<4x128xi32, #tpu.memory_space<hbm>>
        tpu.enqueue_dma source(%dma_start3A_438 : memref<4x128xi32, #tpu.memory_space<hbm>>) target(%dma_start3A_436 : memref<4x128xi32, #tpu.memory_space<vmem>>) target_semaphore(%arg13 : memref<!tpu.dma_semaphore, #tpu.memory_space<semaphore_mem>>)
        %dma_start3A_439 = arith.constant 1 : i32
        %dma_start3A_440 = arith.constant 0 : i32
        %dma_start3A_441 = arith.constant 0 : i32
        %dma_start3A_442 = tpu.memref_slice %arg8[%dma_start3A_439, %dma_start3A_440, %dma_start3A_441] : memref<2x512x16xf32, #tpu.memory_space<vmem>> -> memref<1x512x16xf32, #tpu.memory_space<vmem>>
        %dma_start3A_443 = tpu.memref_squeeze %dma_start3A_442 : memref<1x512x16xf32, #tpu.memory_space<vmem>> -> memref<512x16xf32, #tpu.memory_space<vmem>>
        %dma_start3A_444 = arith.constant 0 : i32
        %dma_start3A_445 = tpu.memref_slice %arg2[%add3A_420, %dma_start3A_444] : memref<1605632x16xf32, #tpu.memory_space<hbm>> -> memref<512x16xf32, #tpu.memory_space<hbm>>
        %dma_start3A_446 = arith.constant 0 : i32
        %dma_start3A_447 = arith.constant 0 : i32
        %dma_start3A_448 = tpu.memref_slice %arg8[%dma_start3A_439, %dma_start3A_446, %dma_start3A_447] : memref<2x512x16xf32, #tpu.memory_space<vmem>> -> memref<1x512x16xf32, #tpu.memory_space<vmem>>
        %dma_start3A_449 = tpu.memref_squeeze %dma_start3A_448 : memref<1x512x16xf32, #tpu.memory_space<vmem>> -> memref<512x16xf32, #tpu.memory_space<vmem>>
        %dma_start3A_450 = arith.constant 0 : i32
        %dma_start3A_451 = tpu.memref_slice %arg2[%add3A_420, %dma_start3A_450] : memref<1605632x16xf32, #tpu.memory_space<hbm>> -> memref<512x16xf32, #tpu.memory_space<hbm>>
        tpu.enqueue_dma source(%dma_start3A_451 : memref<512x16xf32, #tpu.memory_space<hbm>>) target(%dma_start3A_449 : memref<512x16xf32, #tpu.memory_space<vmem>>) target_semaphore(%arg13 : memref<!tpu.dma_semaphore, #tpu.memory_space<semaphore_mem>>)
      } else {
      }
      %convert_element_type3A_144 = arith.extui %eq3A_0 : i1 to i32
      %cond3A_145 = arith.constant 0 : i32
      %cond3A_146 = arith.cmpi ne, %convert_element_type3A_144, %cond3A_145 : i32
      scf.if %cond3A_146 {
        %scan3A_414 = arith.constant 0 : i32
        %scan3A_415 = arith.constant 0 : i32
        %scan3A_416 = arith.constant 512 : i32
        %scan3A_417 = arith.addi %scan3A_415, %scan3A_416 : i32
        %scan3A_418 = arith.constant 8 : i32
        scf.for %scan3A_420 = %scan3A_415 to %scan3A_417 step %scan3A_418  : i32 {
          %get3A_421 = arith.constant 0 : i32
          %get3A_422 = arith.index_cast %get3A_421 : i32 to index
          %get3A_423 = arith.index_cast %scan3A_420 : i32 to index
          %get3A_424 = arith.constant 0 : index
          %get3A_425 = tpu.vector_load %arg8[%get3A_422, %get3A_423, %get3A_424] {strides = array<i32>} : memref<2x512x16xf32, #tpu.memory_space<vmem>>, vector<1x1x16xf32>,
          %get3A_426 = vector.shape_cast %get3A_425 : vector<1x1x16xf32> to vector<16xf32>
          %sub3A = arith.subf %get3A_426, %get3A_4 : vector<16xf32>
          %swap3A = arith.constant 0 : i32
          %swap3A_427 = arith.index_cast %swap3A : i32 to index
          %swap3A_428 = arith.index_cast %scan3A_420 : i32 to index
          %swap3A_429 = arith.constant 0 : index
          %swap3A_430 = tpu.vector_load %arg8[%swap3A_427, %swap3A_428, %swap3A_429] {strides = array<i32>} : memref<2x512x16xf32, #tpu.memory_space<vmem>>, vector<1x1x16xf32>,
          %swap3A_431 = vector.shape_cast %swap3A_430 : vector<1x1x16xf32> to vector<16xf32>
          %swap3A_432 = vector.shape_cast %sub3A : vector<16xf32> to vector<1x1x16xf32>
          tpu.vector_store %arg8[%swap3A_427, %swap3A_428, %swap3A_429], %swap3A_432 {strides = array<i32>} : memref<2x512x16xf32, #tpu.memory_space<vmem>>, vector<1x1x16xf32>,
          %scan3A_433 = arith.constant 1 : i32
          %scan3A_434 = arith.addi %scan3A_420, %scan3A_433 : i32
          %get3A_435 = arith.constant 0 : i32
          %get3A_436 = arith.index_cast %get3A_435 : i32 to index
          %get3A_437 = arith.index_cast %scan3A_434 : i32 to index
          %get3A_438 = arith.constant 0 : index
          %get3A_439 = tpu.vector_load %arg8[%get3A_436, %get3A_437, %get3A_438] {strides = array<i32>} : memref<2x512x16xf32, #tpu.memory_space<vmem>>, vector<1x1x16xf32>,
          %get3A_440 = vector.shape_cast %get3A_439 : vector<1x1x16xf32> to vector<16xf32>
          %sub3A_441 = arith.subf %get3A_440, %get3A_4 : vector<16xf32>
          %swap3A_442 = arith.constant 0 : i32
          %swap3A_443 = arith.index_cast %swap3A_442 : i32 to index
          %swap3A_444 = arith.index_cast %scan3A_434 : i32 to index
          %swap3A_445 = arith.constant 0 : index
          %swap3A_446 = tpu.vector_load %arg8[%swap3A_443, %swap3A_444, %swap3A_445] {strides = array<i32>} : memref<2x512x16xf32, #tpu.memory_space<vmem>>, vector<1x1x16xf32>,
          %swap3A_447 = vector.shape_cast %swap3A_446 : vector<1x1x16xf32> to vector<16xf32>
          %swap3A_448 = vector.shape_cast %sub3A_441 : vector<16xf32> to vector<1x1x16xf32>
          tpu.vector_store %arg8[%swap3A_443, %swap3A_444, %swap3A_445], %swap3A_448 {strides = array<i32>} : memref<2x512x16xf32, #tpu.memory_space<vmem>>, vector<1x1x16xf32>,
          %scan3A_449 = arith.constant 2 : i32
          %scan3A_450 = arith.addi %scan3A_420, %scan3A_449 : i32
          %get3A_451 = arith.constant 0 : i32
          %get3A_452 = arith.index_cast %get3A_451 : i32 to index
          %get3A_453 = arith.index_cast %scan3A_450 : i32 to index
          %get3A_454 = arith.constant 0 : index
          %get3A_455 = tpu.vector_load %arg8[%get3A_452, %get3A_453, %get3A_454] {strides = array<i32>} : memref<2x512x16xf32, #tpu.memory_space<vmem>>, vector<1x1x16xf32>,
          %get3A_456 = vector.shape_cast %get3A_455 : vector<1x1x16xf32> to vector<16xf32>
          %sub3A_457 = arith.subf %get3A_456, %get3A_4 : vector<16xf32>
          %swap3A_458 = arith.constant 0 : i32
          %swap3A_459 = arith.index_cast %swap3A_458 : i32 to index
          %swap3A_460 = arith.index_cast %scan3A_450 : i32 to index
          %swap3A_461 = arith.constant 0 : index
          %swap3A_462 = tpu.vector_load %arg8[%swap3A_459, %swap3A_460, %swap3A_461] {strides = array<i32>} : memref<2x512x16xf32, #tpu.memory_space<vmem>>, vector<1x1x16xf32>,
          %swap3A_463 = vector.shape_cast %swap3A_462 : vector<1x1x16xf32> to vector<16xf32>
          %swap3A_464 = vector.shape_cast %sub3A_457 : vector<16xf32> to vector<1x1x16xf32>
          tpu.vector_store %arg8[%swap3A_459, %swap3A_460, %swap3A_461], %swap3A_464 {strides = array<i32>} : memref<2x512x16xf32, #tpu.memory_space<vmem>>, vector<1x1x16xf32>,
          %scan3A_465 = arith.constant 3 : i32
          %scan3A_466 = arith.addi %scan3A_420, %scan3A_465 : i32
          %get3A_467 = arith.constant 0 : i32
          %get3A_468 = arith.index_cast %get3A_467 : i32 to index
          %get3A_469 = arith.index_cast %scan3A_466 : i32 to index
          %get3A_470 = arith.constant 0 : index
          %get3A_471 = tpu.vector_load %arg8[%get3A_468, %get3A_469, %get3A_470] {strides = array<i32>} : memref<2x512x16xf32, #tpu.memory_space<vmem>>, vector<1x1x16xf32>,
          %get3A_472 = vector.shape_cast %get3A_471 : vector<1x1x16xf32> to vector<16xf32>
          %sub3A_473 = arith.subf %get3A_472, %get3A_4 : vector<16xf32>
          %swap3A_474 = arith.constant 0 : i32
          %swap3A_475 = arith.index_cast %swap3A_474 : i32 to index
          %swap3A_476 = arith.index_cast %scan3A_466 : i32 to index
          %swap3A_477 = arith.constant 0 : index
          %swap3A_478 = tpu.vector_load %arg8[%swap3A_475, %swap3A_476, %swap3A_477] {strides = array<i32>} : memref<2x512x16xf32, #tpu.memory_space<vmem>>, vector<1x1x16xf32>,
          %swap3A_479 = vector.shape_cast %swap3A_478 : vector<1x1x16xf32> to vector<16xf32>
          %swap3A_480 = vector.shape_cast %sub3A_473 : vector<16xf32> to vector<1x1x16xf32>
          tpu.vector_store %arg8[%swap3A_475, %swap3A_476, %swap3A_477], %swap3A_480 {strides = array<i32>} : memref<2x512x16xf32, #tpu.memory_space<vmem>>, vector<1x1x16xf32>,
          %scan3A_481 = arith.constant 4 : i32
          %scan3A_482 = arith.addi %scan3A_420, %scan3A_481 : i32
          %get3A_483 = arith.constant 0 : i32
          %get3A_484 = arith.index_cast %get3A_483 : i32 to index
          %get3A_485 = arith.index_cast %scan3A_482 : i32 to index
          %get3A_486 = arith.constant 0 : index
          %get3A_487 = tpu.vector_load %arg8[%get3A_484, %get3A_485, %get3A_486] {strides = array<i32>} : memref<2x512x16xf32, #tpu.memory_space<vmem>>, vector<1x1x16xf32>,
          %get3A_488 = vector.shape_cast %get3A_487 : vector<1x1x16xf32> to vector<16xf32>
          %sub3A_489 = arith.subf %get3A_488, %get3A_4 : vector<16xf32>
          %swap3A_490 = arith.constant 0 : i32
          %swap3A_491 = arith.index_cast %swap3A_490 : i32 to index
          %swap3A_492 = arith.index_cast %scan3A_482 : i32 to index
          %swap3A_493 = arith.constant 0 : index
          %swap3A_494 = tpu.vector_load %arg8[%swap3A_491, %swap3A_492, %swap3A_493] {strides = array<i32>} : memref<2x512x16xf32, #tpu.memory_space<vmem>>, vector<1x1x16xf32>,
          %swap3A_495 = vector.shape_cast %swap3A_494 : vector<1x1x16xf32> to vector<16xf32>
          %swap3A_496 = vector.shape_cast %sub3A_489 : vector<16xf32> to vector<1x1x16xf32>
          tpu.vector_store %arg8[%swap3A_491, %swap3A_492, %swap3A_493], %swap3A_496 {strides = array<i32>} : memref<2x512x16xf32, #tpu.memory_space<vmem>>, vector<1x1x16xf32>,
          %scan3A_497 = arith.constant 5 : i32
          %scan3A_498 = arith.addi %scan3A_420, %scan3A_497 : i32
          %get3A_499 = arith.constant 0 : i32
          %get3A_500 = arith.index_cast %get3A_499 : i32 to index
          %get3A_501 = arith.index_cast %scan3A_498 : i32 to index
          %get3A_502 = arith.constant 0 : index
          %get3A_503 = tpu.vector_load %arg8[%get3A_500, %get3A_501, %get3A_502] {strides = array<i32>} : memref<2x512x16xf32, #tpu.memory_space<vmem>>, vector<1x1x16xf32>,
          %get3A_504 = vector.shape_cast %get3A_503 : vector<1x1x16xf32> to vector<16xf32>
          %sub3A_505 = arith.subf %get3A_504, %get3A_4 : vector<16xf32>
          %swap3A_506 = arith.constant 0 : i32
          %swap3A_507 = arith.index_cast %swap3A_506 : i32 to index
          %swap3A_508 = arith.index_cast %scan3A_498 : i32 to index
          %swap3A_509 = arith.constant 0 : index
          %swap3A_510 = tpu.vector_load %arg8[%swap3A_507, %swap3A_508, %swap3A_509] {strides = array<i32>} : memref<2x512x16xf32, #tpu.memory_space<vmem>>, vector<1x1x16xf32>,
          %swap3A_511 = vector.shape_cast %swap3A_510 : vector<1x1x16xf32> to vector<16xf32>
          %swap3A_512 = vector.shape_cast %sub3A_505 : vector<16xf32> to vector<1x1x16xf32>
          tpu.vector_store %arg8[%swap3A_507, %swap3A_508, %swap3A_509], %swap3A_512 {strides = array<i32>} : memref<2x512x16xf32, #tpu.memory_space<vmem>>, vector<1x1x16xf32>,
          %scan3A_513 = arith.constant 6 : i32
          %scan3A_514 = arith.addi %scan3A_420, %scan3A_513 : i32
          %get3A_515 = arith.constant 0 : i32
          %get3A_516 = arith.index_cast %get3A_515 : i32 to index
          %get3A_517 = arith.index_cast %scan3A_514 : i32 to index
          %get3A_518 = arith.constant 0 : index
          %get3A_519 = tpu.vector_load %arg8[%get3A_516, %get3A_517, %get3A_518] {strides = array<i32>} : memref<2x512x16xf32, #tpu.memory_space<vmem>>, vector<1x1x16xf32>,
          %get3A_520 = vector.shape_cast %get3A_519 : vector<1x1x16xf32> to vector<16xf32>
          %sub3A_521 = arith.subf %get3A_520, %get3A_4 : vector<16xf32>
          %swap3A_522 = arith.constant 0 : i32
          %swap3A_523 = arith.index_cast %swap3A_522 : i32 to index
          %swap3A_524 = arith.index_cast %scan3A_514 : i32 to index
          %swap3A_525 = arith.constant 0 : index
          %swap3A_526 = tpu.vector_load %arg8[%swap3A_523, %swap3A_524, %swap3A_525] {strides = array<i32>} : memref<2x512x16xf32, #tpu.memory_space<vmem>>, vector<1x1x16xf32>,
          %swap3A_527 = vector.shape_cast %swap3A_526 : vector<1x1x16xf32> to vector<16xf32>
          %swap3A_528 = vector.shape_cast %sub3A_521 : vector<16xf32> to vector<1x1x16xf32>
          tpu.vector_store %arg8[%swap3A_523, %swap3A_524, %swap3A_525], %swap3A_528 {strides = array<i32>} : memref<2x512x16xf32, #tpu.memory_space<vmem>>, vector<1x1x16xf32>,
          %scan3A_529 = arith.constant 7 : i32
          %scan3A_530 = arith.addi %scan3A_420, %scan3A_529 : i32
          %get3A_531 = arith.constant 0 : i32
          %get3A_532 = arith.index_cast %get3A_531 : i32 to index
          %get3A_533 = arith.index_cast %scan3A_530 : i32 to index
          %get3A_534 = arith.constant 0 : index
          %get3A_535 = tpu.vector_load %arg8[%get3A_532, %get3A_533, %get3A_534] {strides = array<i32>} : memref<2x512x16xf32, #tpu.memory_space<vmem>>, vector<1x1x16xf32>,
          %get3A_536 = vector.shape_cast %get3A_535 : vector<1x1x16xf32> to vector<16xf32>
          %sub3A_537 = arith.subf %get3A_536, %get3A_4 : vector<16xf32>
          %swap3A_538 = arith.constant 0 : i32
          %swap3A_539 = arith.index_cast %swap3A_538 : i32 to index
          %swap3A_540 = arith.index_cast %scan3A_530 : i32 to index
          %swap3A_541 = arith.constant 0 : index
          %swap3A_542 = tpu.vector_load %arg8[%swap3A_539, %swap3A_540, %swap3A_541] {strides = array<i32>} : memref<2x512x16xf32, #tpu.memory_space<vmem>>, vector<1x1x16xf32>,
          %swap3A_543 = vector.shape_cast %swap3A_542 : vector<1x1x16xf32> to vector<16xf32>
          %swap3A_544 = vector.shape_cast %sub3A_537 : vector<16xf32> to vector<1x1x16xf32>
          tpu.vector_store %arg8[%swap3A_539, %swap3A_540, %swap3A_541], %swap3A_544 {strides = array<i32>} : memref<2x512x16xf32, #tpu.memory_space<vmem>>, vector<1x1x16xf32>,
        }
        %scan3A_419 = arith.constant 512 : i32
      } else {
      }
      %not3A = arith.constant true
      %not3A_147 = arith.xori %eq3A_0, %not3A : i1
      %convert_element_type3A_148 = arith.extui %not3A_147 : i1 to i32
      %cond3A_149 = arith.constant 0 : i32
      %cond3A_150 = arith.cmpi ne, %convert_element_type3A_148, %cond3A_149 : i32
      scf.if %cond3A_150 {
        %scan3A_414 = arith.constant 0 : i32
        %scan3A_415 = arith.constant 0 : i32
        %scan3A_416 = arith.constant 512 : i32
        %scan3A_417 = arith.addi %scan3A_415, %scan3A_416 : i32
        %scan3A_418 = arith.constant 8 : i32
        scf.for %scan3A_420 = %scan3A_415 to %scan3A_417 step %scan3A_418  : i32 {
          %get3A_421 = arith.constant 0 : i32
          %get3A_422 = arith.index_cast %get3A_421 : i32 to index
          %get3A_423 = arith.index_cast %scan3A_420 : i32 to index
          %get3A_424 = arith.constant 0 : index
          %get3A_425 = tpu.vector_load %arg8[%get3A_422, %get3A_423, %get3A_424] {strides = array<i32>} : memref<2x512x16xf32, #tpu.memory_space<vmem>>, vector<1x1x16xf32>,
          %get3A_426 = vector.shape_cast %get3A_425 : vector<1x1x16xf32> to vector<16xf32>
          %sub3A = arith.subf %get3A_426, %get3A_4 : vector<16xf32>
          %mul3A_427 = arith.mulf %sub3A, %sub3A : vector<16xf32>
          %swap3A = arith.constant 0 : i32
          %swap3A_428 = arith.index_cast %swap3A : i32 to index
          %swap3A_429 = arith.index_cast %scan3A_420 : i32 to index
          %swap3A_430 = arith.constant 0 : index
          %swap3A_431 = tpu.vector_load %arg8[%swap3A_428, %swap3A_429, %swap3A_430] {strides = array<i32>} : memref<2x512x16xf32, #tpu.memory_space<vmem>>, vector<1x1x16xf32>,
          %swap3A_432 = vector.shape_cast %swap3A_431 : vector<1x1x16xf32> to vector<16xf32>
          %swap3A_433 = vector.shape_cast %mul3A_427 : vector<16xf32> to vector<1x1x16xf32>
          tpu.vector_store %arg8[%swap3A_428, %swap3A_429, %swap3A_430], %swap3A_433 {strides = array<i32>} : memref<2x512x16xf32, #tpu.memory_space<vmem>>, vector<1x1x16xf32>,
          %scan3A_434 = arith.constant 1 : i32
          %scan3A_435 = arith.addi %scan3A_420, %scan3A_434 : i32
          %get3A_436 = arith.constant 0 : i32
          %get3A_437 = arith.index_cast %get3A_436 : i32 to index
          %get3A_438 = arith.index_cast %scan3A_435 : i32 to index
          %get3A_439 = arith.constant 0 : index
          %get3A_440 = tpu.vector_load %arg8[%get3A_437, %get3A_438, %get3A_439] {strides = array<i32>} : memref<2x512x16xf32, #tpu.memory_space<vmem>>, vector<1x1x16xf32>,
          %get3A_441 = vector.shape_cast %get3A_440 : vector<1x1x16xf32> to vector<16xf32>
          %sub3A_442 = arith.subf %get3A_441, %get3A_4 : vector<16xf32>
          %mul3A_443 = arith.mulf %sub3A_442, %sub3A_442 : vector<16xf32>
          %swap3A_444 = arith.constant 0 : i32
          %swap3A_445 = arith.index_cast %swap3A_444 : i32 to index
          %swap3A_446 = arith.index_cast %scan3A_435 : i32 to index
          %swap3A_447 = arith.constant 0 : index
          %swap3A_448 = tpu.vector_load %arg8[%swap3A_445, %swap3A_446, %swap3A_447] {strides = array<i32>} : memref<2x512x16xf32, #tpu.memory_space<vmem>>, vector<1x1x16xf32>,
          %swap3A_449 = vector.shape_cast %swap3A_448 : vector<1x1x16xf32> to vector<16xf32>
          %swap3A_450 = vector.shape_cast %mul3A_443 : vector<16xf32> to vector<1x1x16xf32>
          tpu.vector_store %arg8[%swap3A_445, %swap3A_446, %swap3A_447], %swap3A_450 {strides = array<i32>} : memref<2x512x16xf32, #tpu.memory_space<vmem>>, vector<1x1x16xf32>,
          %scan3A_451 = arith.constant 2 : i32
          %scan3A_452 = arith.addi %scan3A_420, %scan3A_451 : i32
          %get3A_453 = arith.constant 0 : i32
          %get3A_454 = arith.index_cast %get3A_453 : i32 to index
          %get3A_455 = arith.index_cast %scan3A_452 : i32 to index
          %get3A_456 = arith.constant 0 : index
          %get3A_457 = tpu.vector_load %arg8[%get3A_454, %get3A_455, %get3A_456] {strides = array<i32>} : memref<2x512x16xf32, #tpu.memory_space<vmem>>, vector<1x1x16xf32>,
          %get3A_458 = vector.shape_cast %get3A_457 : vector<1x1x16xf32> to vector<16xf32>
          %sub3A_459 = arith.subf %get3A_458, %get3A_4 : vector<16xf32>
          %mul3A_460 = arith.mulf %sub3A_459, %sub3A_459 : vector<16xf32>
          %swap3A_461 = arith.constant 0 : i32
          %swap3A_462 = arith.index_cast %swap3A_461 : i32 to index
          %swap3A_463 = arith.index_cast %scan3A_452 : i32 to index
          %swap3A_464 = arith.constant 0 : index
          %swap3A_465 = tpu.vector_load %arg8[%swap3A_462, %swap3A_463, %swap3A_464] {strides = array<i32>} : memref<2x512x16xf32, #tpu.memory_space<vmem>>, vector<1x1x16xf32>,
          %swap3A_466 = vector.shape_cast %swap3A_465 : vector<1x1x16xf32> to vector<16xf32>
          %swap3A_467 = vector.shape_cast %mul3A_460 : vector<16xf32> to vector<1x1x16xf32>
          tpu.vector_store %arg8[%swap3A_462, %swap3A_463, %swap3A_464], %swap3A_467 {strides = array<i32>} : memref<2x512x16xf32, #tpu.memory_space<vmem>>, vector<1x1x16xf32>,
          %scan3A_468 = arith.constant 3 : i32
          %scan3A_469 = arith.addi %scan3A_420, %scan3A_468 : i32
          %get3A_470 = arith.constant 0 : i32
          %get3A_471 = arith.index_cast %get3A_470 : i32 to index
          %get3A_472 = arith.index_cast %scan3A_469 : i32 to index
          %get3A_473 = arith.constant 0 : index
          %get3A_474 = tpu.vector_load %arg8[%get3A_471, %get3A_472, %get3A_473] {strides = array<i32>} : memref<2x512x16xf32, #tpu.memory_space<vmem>>, vector<1x1x16xf32>,
          %get3A_475 = vector.shape_cast %get3A_474 : vector<1x1x16xf32> to vector<16xf32>
          %sub3A_476 = arith.subf %get3A_475, %get3A_4 : vector<16xf32>
          %mul3A_477 = arith.mulf %sub3A_476, %sub3A_476 : vector<16xf32>
          %swap3A_478 = arith.constant 0 : i32
          %swap3A_479 = arith.index_cast %swap3A_478 : i32 to index
          %swap3A_480 = arith.index_cast %scan3A_469 : i32 to index
          %swap3A_481 = arith.constant 0 : index
          %swap3A_482 = tpu.vector_load %arg8[%swap3A_479, %swap3A_480, %swap3A_481] {strides = array<i32>} : memref<2x512x16xf32, #tpu.memory_space<vmem>>, vector<1x1x16xf32>,
          %swap3A_483 = vector.shape_cast %swap3A_482 : vector<1x1x16xf32> to vector<16xf32>
          %swap3A_484 = vector.shape_cast %mul3A_477 : vector<16xf32> to vector<1x1x16xf32>
          tpu.vector_store %arg8[%swap3A_479, %swap3A_480, %swap3A_481], %swap3A_484 {strides = array<i32>} : memref<2x512x16xf32, #tpu.memory_space<vmem>>, vector<1x1x16xf32>,
          %scan3A_485 = arith.constant 4 : i32
          %scan3A_486 = arith.addi %scan3A_420, %scan3A_485 : i32
          %get3A_487 = arith.constant 0 : i32
          %get3A_488 = arith.index_cast %get3A_487 : i32 to index
          %get3A_489 = arith.index_cast %scan3A_486 : i32 to index
          %get3A_490 = arith.constant 0 : index
          %get3A_491 = tpu.vector_load %arg8[%get3A_488, %get3A_489, %get3A_490] {strides = array<i32>} : memref<2x512x16xf32, #tpu.memory_space<vmem>>, vector<1x1x16xf32>,
          %get3A_492 = vector.shape_cast %get3A_491 : vector<1x1x16xf32> to vector<16xf32>
          %sub3A_493 = arith.subf %get3A_492, %get3A_4 : vector<16xf32>
          %mul3A_494 = arith.mulf %sub3A_493, %sub3A_493 : vector<16xf32>
          %swap3A_495 = arith.constant 0 : i32
          %swap3A_496 = arith.index_cast %swap3A_495 : i32 to index
          %swap3A_497 = arith.index_cast %scan3A_486 : i32 to index
          %swap3A_498 = arith.constant 0 : index
          %swap3A_499 = tpu.vector_load %arg8[%swap3A_496, %swap3A_497, %swap3A_498] {strides = array<i32>} : memref<2x512x16xf32, #tpu.memory_space<vmem>>, vector<1x1x16xf32>,
          %swap3A_500 = vector.shape_cast %swap3A_499 : vector<1x1x16xf32> to vector<16xf32>
          %swap3A_501 = vector.shape_cast %mul3A_494 : vector<16xf32> to vector<1x1x16xf32>
          tpu.vector_store %arg8[%swap3A_496, %swap3A_497, %swap3A_498], %swap3A_501 {strides = array<i32>} : memref<2x512x16xf32, #tpu.memory_space<vmem>>, vector<1x1x16xf32>,
          %scan3A_502 = arith.constant 5 : i32
          %scan3A_503 = arith.addi %scan3A_420, %scan3A_502 : i32
          %get3A_504 = arith.constant 0 : i32
          %get3A_505 = arith.index_cast %get3A_504 : i32 to index
          %get3A_506 = arith.index_cast %scan3A_503 : i32 to index
          %get3A_507 = arith.constant 0 : index
          %get3A_508 = tpu.vector_load %arg8[%get3A_505, %get3A_506, %get3A_507] {strides = array<i32>} : memref<2x512x16xf32, #tpu.memory_space<vmem>>, vector<1x1x16xf32>,
          %get3A_509 = vector.shape_cast %get3A_508 : vector<1x1x16xf32> to vector<16xf32>
          %sub3A_510 = arith.subf %get3A_509, %get3A_4 : vector<16xf32>
          %mul3A_511 = arith.mulf %sub3A_510, %sub3A_510 : vector<16xf32>
          %swap3A_512 = arith.constant 0 : i32
          %swap3A_513 = arith.index_cast %swap3A_512 : i32 to index
          %swap3A_514 = arith.index_cast %scan3A_503 : i32 to index
          %swap3A_515 = arith.constant 0 : index
          %swap3A_516 = tpu.vector_load %arg8[%swap3A_513, %swap3A_514, %swap3A_515] {strides = array<i32>} : memref<2x512x16xf32, #tpu.memory_space<vmem>>, vector<1x1x16xf32>,
          %swap3A_517 = vector.shape_cast %swap3A_516 : vector<1x1x16xf32> to vector<16xf32>
          %swap3A_518 = vector.shape_cast %mul3A_511 : vector<16xf32> to vector<1x1x16xf32>
          tpu.vector_store %arg8[%swap3A_513, %swap3A_514, %swap3A_515], %swap3A_518 {strides = array<i32>} : memref<2x512x16xf32, #tpu.memory_space<vmem>>, vector<1x1x16xf32>,
          %scan3A_519 = arith.constant 6 : i32
          %scan3A_520 = arith.addi %scan3A_420, %scan3A_519 : i32
          %get3A_521 = arith.constant 0 : i32
          %get3A_522 = arith.index_cast %get3A_521 : i32 to index
          %get3A_523 = arith.index_cast %scan3A_520 : i32 to index
          %get3A_524 = arith.constant 0 : index
          %get3A_525 = tpu.vector_load %arg8[%get3A_522, %get3A_523, %get3A_524] {strides = array<i32>} : memref<2x512x16xf32, #tpu.memory_space<vmem>>, vector<1x1x16xf32>,
          %get3A_526 = vector.shape_cast %get3A_525 : vector<1x1x16xf32> to vector<16xf32>
          %sub3A_527 = arith.subf %get3A_526, %get3A_4 : vector<16xf32>
          %mul3A_528 = arith.mulf %sub3A_527, %sub3A_527 : vector<16xf32>
          %swap3A_529 = arith.constant 0 : i32
          %swap3A_530 = arith.index_cast %swap3A_529 : i32 to index
          %swap3A_531 = arith.index_cast %scan3A_520 : i32 to index
          %swap3A_532 = arith.constant 0 : index
          %swap3A_533 = tpu.vector_load %arg8[%swap3A_530, %swap3A_531, %swap3A_532] {strides = array<i32>} : memref<2x512x16xf32, #tpu.memory_space<vmem>>, vector<1x1x16xf32>,
          %swap3A_534 = vector.shape_cast %swap3A_533 : vector<1x1x16xf32> to vector<16xf32>
          %swap3A_535 = vector.shape_cast %mul3A_528 : vector<16xf32> to vector<1x1x16xf32>
          tpu.vector_store %arg8[%swap3A_530, %swap3A_531, %swap3A_532], %swap3A_535 {strides = array<i32>} : memref<2x512x16xf32, #tpu.memory_space<vmem>>, vector<1x1x16xf32>,
          %scan3A_536 = arith.constant 7 : i32
          %scan3A_537 = arith.addi %scan3A_420, %scan3A_536 : i32
          %get3A_538 = arith.constant 0 : i32
          %get3A_539 = arith.index_cast %get3A_538 : i32 to index
          %get3A_540 = arith.index_cast %scan3A_537 : i32 to index
          %get3A_541 = arith.constant 0 : index
          %get3A_542 = tpu.vector_load %arg8[%get3A_539, %get3A_540, %get3A_541] {strides = array<i32>} : memref<2x512x16xf32, #tpu.memory_space<vmem>>, vector<1x1x16xf32>,
          %get3A_543 = vector.shape_cast %get3A_542 : vector<1x1x16xf32> to vector<16xf32>
          %sub3A_544 = arith.subf %get3A_543, %get3A_4 : vector<16xf32>
          %mul3A_545 = arith.mulf %sub3A_544, %sub3A_544 : vector<16xf32>
          %swap3A_546 = arith.constant 0 : i32
          %swap3A_547 = arith.index_cast %swap3A_546 : i32 to index
          %swap3A_548 = arith.index_cast %scan3A_537 : i32 to index
          %swap3A_549 = arith.constant 0 : index
          %swap3A_550 = tpu.vector_load %arg8[%swap3A_547, %swap3A_548, %swap3A_549] {strides = array<i32>} : memref<2x512x16xf32, #tpu.memory_space<vmem>>, vector<1x1x16xf32>,
          %swap3A_551 = vector.shape_cast %swap3A_550 : vector<1x1x16xf32> to vector<16xf32>
          %swap3A_552 = vector.shape_cast %mul3A_545 : vector<16xf32> to vector<1x1x16xf32>
          tpu.vector_store %arg8[%swap3A_547, %swap3A_548, %swap3A_549], %swap3A_552 {strides = array<i32>} : memref<2x512x16xf32, #tpu.memory_space<vmem>>, vector<1x1x16xf32>,
        }
        %scan3A_419 = arith.constant 512 : i32
      } else {
      }
      %dma_start3A_151 = arith.constant 0 : i32
      %dma_start3A_152 = arith.constant 0 : i32
      %dma_start3A_153 = arith.constant 0 : i32
      %dma_start3A_154 = arith.constant 0 : i32
      %dma_start3A_155 = arith.constant 0 : i32
      %dma_start3A_156 = tpu.memref_slice %arg8[%dma_start3A_151, %dma_start3A_154, %dma_start3A_155] : memref<2x512x16xf32, #tpu.memory_space<vmem>> -> memref<1x128x16xf32, #tpu.memory_space<vmem>>
      %dma_start3A_157 = tpu.memref_squeeze %dma_start3A_156 : memref<1x128x16xf32, #tpu.memory_space<vmem>> -> memref<128x16xf32, #tpu.memory_space<vmem>>
      %dma_start3A_158 = arith.constant 0 : i32
      %dma_start3A_159 = tpu.memref_slice %arg7[%dma_start3A_152, %dma_start3A_153, %dma_start3A_158] : memref<2x4x128xi32, #tpu.memory_space<vmem>> -> memref<1x1x128xi32, #tpu.memory_space<vmem>>
      %dma_start3A_160 = tpu.memref_squeeze %dma_start3A_159 : memref<1x1x128xi32, #tpu.memory_space<vmem>> -> memref<128xi32, #tpu.memory_space<vmem>>
      %dma_start3A_161 = arith.constant 0 : i32
      %dma_start3A_162 = arith.constant 0 : i32
      %dma_start3A_163 = tpu.memref_slice %arg10[%dma_start3A_161, %dma_start3A_162] : memref<100352x16xf32, #tpu.memory_space<vmem_shared>> -> memref<100352x16xf32, #tpu.memory_space<vmem_shared>>
      tpu.enqueue_indirect_dma source(%dma_start3A_157 : memref<128x16xf32, #tpu.memory_space<vmem>>) target(%dma_start3A_163 : memref<100352x16xf32, #tpu.memory_space<vmem_shared>>) offsets(%dma_start3A_160 : memref<128xi32, #tpu.memory_space<vmem>>) semaphore(%arg11 : memref<!tpu.dma_semaphore, #tpu.memory_space<semaphore_mem>>) {add = true}
      %dma_start3A_164 = arith.constant 0 : i32
      %dma_start3A_165 = arith.constant 0 : i32
      %dma_start3A_166 = arith.constant 1 : i32
      %dma_start3A_167 = arith.constant 128 : i32
      %dma_start3A_168 = arith.constant 0 : i32
      %dma_start3A_169 = tpu.memref_slice %arg8[%dma_start3A_164, %dma_start3A_167, %dma_start3A_168] : memref<2x512x16xf32, #tpu.memory_space<vmem>> -> memref<1x128x16xf32, #tpu.memory_space<vmem>>
      %dma_start3A_170 = tpu.memref_squeeze %dma_start3A_169 : memref<1x128x16xf32, #tpu.memory_space<vmem>> -> memref<128x16xf32, #tpu.memory_space<vmem>>
      %dma_start3A_171 = arith.constant 0 : i32
      %dma_start3A_172 = tpu.memref_slice %arg7[%dma_start3A_165, %dma_start3A_166, %dma_start3A_171] : memref<2x4x128xi32, #tpu.memory_space<vmem>> -> memref<1x1x128xi32, #tpu.memory_space<vmem>>
      %dma_start3A_173 = tpu.memref_squeeze %dma_start3A_172 : memref<1x1x128xi32, #tpu.memory_space<vmem>> -> memref<128xi32, #tpu.memory_space<vmem>>
      %dma_start3A_174 = arith.constant 0 : i32
      %dma_start3A_175 = arith.constant 0 : i32
      %dma_start3A_176 = tpu.memref_slice %arg10[%dma_start3A_174, %dma_start3A_175] : memref<100352x16xf32, #tpu.memory_space<vmem_shared>> -> memref<100352x16xf32, #tpu.memory_space<vmem_shared>>
      tpu.enqueue_indirect_dma source(%dma_start3A_170 : memref<128x16xf32, #tpu.memory_space<vmem>>) target(%dma_start3A_176 : memref<100352x16xf32, #tpu.memory_space<vmem_shared>>) offsets(%dma_start3A_173 : memref<128xi32, #tpu.memory_space<vmem>>) semaphore(%arg11 : memref<!tpu.dma_semaphore, #tpu.memory_space<semaphore_mem>>) {add = true}
      %dma_start3A_177 = arith.constant 0 : i32
      %dma_start3A_178 = arith.constant 0 : i32
      %dma_start3A_179 = arith.constant 2 : i32
      %dma_start3A_180 = arith.constant 256 : i32
      %dma_start3A_181 = arith.constant 0 : i32
      %dma_start3A_182 = tpu.memref_slice %arg8[%dma_start3A_177, %dma_start3A_180, %dma_start3A_181] : memref<2x512x16xf32, #tpu.memory_space<vmem>> -> memref<1x128x16xf32, #tpu.memory_space<vmem>>
      %dma_start3A_183 = tpu.memref_squeeze %dma_start3A_182 : memref<1x128x16xf32, #tpu.memory_space<vmem>> -> memref<128x16xf32, #tpu.memory_space<vmem>>
      %dma_start3A_184 = arith.constant 0 : i32
      %dma_start3A_185 = tpu.memref_slice %arg7[%dma_start3A_178, %dma_start3A_179, %dma_start3A_184] : memref<2x4x128xi32, #tpu.memory_space<vmem>> -> memref<1x1x128xi32, #tpu.memory_space<vmem>>
      %dma_start3A_186 = tpu.memref_squeeze %dma_start3A_185 : memref<1x1x128xi32, #tpu.memory_space<vmem>> -> memref<128xi32, #tpu.memory_space<vmem>>
      %dma_start3A_187 = arith.constant 0 : i32
      %dma_start3A_188 = arith.constant 0 : i32
      %dma_start3A_189 = tpu.memref_slice %arg10[%dma_start3A_187, %dma_start3A_188] : memref<100352x16xf32, #tpu.memory_space<vmem_shared>> -> memref<100352x16xf32, #tpu.memory_space<vmem_shared>>
      tpu.enqueue_indirect_dma source(%dma_start3A_183 : memref<128x16xf32, #tpu.memory_space<vmem>>) target(%dma_start3A_189 : memref<100352x16xf32, #tpu.memory_space<vmem_shared>>) offsets(%dma_start3A_186 : memref<128xi32, #tpu.memory_space<vmem>>) semaphore(%arg11 : memref<!tpu.dma_semaphore, #tpu.memory_space<semaphore_mem>>) {add = true}
      %dma_start3A_190 = arith.constant 0 : i32
      %dma_start3A_191 = arith.constant 0 : i32
      %dma_start3A_192 = arith.constant 3 : i32
      %dma_start3A_193 = arith.constant 384 : i32
      %dma_start3A_194 = arith.constant 0 : i32
      %dma_start3A_195 = tpu.memref_slice %arg8[%dma_start3A_190, %dma_start3A_193, %dma_start3A_194] : memref<2x512x16xf32, #tpu.memory_space<vmem>> -> memref<1x128x16xf32, #tpu.memory_space<vmem>>
      %dma_start3A_196 = tpu.memref_squeeze %dma_start3A_195 : memref<1x128x16xf32, #tpu.memory_space<vmem>> -> memref<128x16xf32, #tpu.memory_space<vmem>>
      %dma_start3A_197 = arith.constant 0 : i32
      %dma_start3A_198 = tpu.memref_slice %arg7[%dma_start3A_191, %dma_start3A_192, %dma_start3A_197] : memref<2x4x128xi32, #tpu.memory_space<vmem>> -> memref<1x1x128xi32, #tpu.memory_space<vmem>>
      %dma_start3A_199 = tpu.memref_squeeze %dma_start3A_198 : memref<1x1x128xi32, #tpu.memory_space<vmem>> -> memref<128xi32, #tpu.memory_space<vmem>>
      %dma_start3A_200 = arith.constant 0 : i32
      %dma_start3A_201 = arith.constant 0 : i32
      %dma_start3A_202 = tpu.memref_slice %arg10[%dma_start3A_200, %dma_start3A_201] : memref<100352x16xf32, #tpu.memory_space<vmem_shared>> -> memref<100352x16xf32, #tpu.memory_space<vmem_shared>>
      tpu.enqueue_indirect_dma source(%dma_start3A_196 : memref<128x16xf32, #tpu.memory_space<vmem>>) target(%dma_start3A_202 : memref<100352x16xf32, #tpu.memory_space<vmem_shared>>) offsets(%dma_start3A_199 : memref<128xi32, #tpu.memory_space<vmem>>) semaphore(%arg11 : memref<!tpu.dma_semaphore, #tpu.memory_space<semaphore_mem>>) {add = true}
      %dma_wait3A_203 = arith.constant 0 : i32
      %dma_wait3A_204 = arith.constant 0 : i32
      %dma_wait3A_205 = arith.constant 0 : i32
      %dma_wait3A_206 = arith.constant 0 : i32
      %dma_wait3A_207 = arith.constant 0 : i32
      %dma_wait3A_208 = tpu.memref_slice %arg8[%dma_wait3A_203, %dma_wait3A_206, %dma_wait3A_207] : memref<2x512x16xf32, #tpu.memory_space<vmem>> -> memref<1x128x16xf32, #tpu.memory_space<vmem>>
      %dma_wait3A_209 = tpu.memref_squeeze %dma_wait3A_208 : memref<1x128x16xf32, #tpu.memory_space<vmem>> -> memref<128x16xf32, #tpu.memory_space<vmem>>
      %dma_wait3A_210 = arith.constant 0 : i32
      %dma_wait3A_211 = tpu.memref_slice %arg7[%dma_wait3A_204, %dma_wait3A_205, %dma_wait3A_210] : memref<2x4x128xi32, #tpu.memory_space<vmem>> -> memref<1x1x128xi32, #tpu.memory_space<vmem>>
      %dma_wait3A_212 = tpu.memref_squeeze %dma_wait3A_211 : memref<1x1x128xi32, #tpu.memory_space<vmem>> -> memref<128xi32, #tpu.memory_space<vmem>>
      %dma_wait3A_213 = arith.constant 0 : i32
      %dma_wait3A_214 = arith.constant 0 : i32
      %dma_wait3A_215 = tpu.memref_slice %arg10[%dma_wait3A_213, %dma_wait3A_214] : memref<100352x16xf32, #tpu.memory_space<vmem_shared>> -> memref<100352x16xf32, #tpu.memory_space<vmem_shared>>
      tpu.wait_indirect_dma semaphore(%arg11 : memref<!tpu.dma_semaphore, #tpu.memory_space<semaphore_mem>>) src(%dma_wait3A_209 : memref<128x16xf32, #tpu.memory_space<vmem>>) dst(%dma_wait3A_215 : memref<100352x16xf32, #tpu.memory_space<vmem_shared>>)
      %dma_wait3A_216 = arith.constant 0 : i32
      %dma_wait3A_217 = arith.constant 0 : i32
      %dma_wait3A_218 = arith.constant 1 : i32
      %dma_wait3A_219 = arith.constant 128 : i32
      %dma_wait3A_220 = arith.constant 0 : i32
      %dma_wait3A_221 = tpu.memref_slice %arg8[%dma_wait3A_216, %dma_wait3A_219, %dma_wait3A_220] : memref<2x512x16xf32, #tpu.memory_space<vmem>> -> memref<1x128x16xf32, #tpu.memory_space<vmem>>
      %dma_wait3A_222 = tpu.memref_squeeze %dma_wait3A_221 : memref<1x128x16xf32, #tpu.memory_space<vmem>> -> memref<128x16xf32, #tpu.memory_space<vmem>>
      %dma_wait3A_223 = arith.constant 0 : i32
      %dma_wait3A_224 = tpu.memref_slice %arg7[%dma_wait3A_217, %dma_wait3A_218, %dma_wait3A_223] : memref<2x4x128xi32, #tpu.memory_space<vmem>> -> memref<1x1x128xi32, #tpu.memory_space<vmem>>
      %dma_wait3A_225 = tpu.memref_squeeze %dma_wait3A_224 : memref<1x1x128xi32, #tpu.memory_space<vmem>> -> memref<128xi32, #tpu.memory_space<vmem>>
      %dma_wait3A_226 = arith.constant 0 : i32
      %dma_wait3A_227 = arith.constant 0 : i32
      %dma_wait3A_228 = tpu.memref_slice %arg10[%dma_wait3A_226, %dma_wait3A_227] : memref<100352x16xf32, #tpu.memory_space<vmem_shared>> -> memref<100352x16xf32, #tpu.memory_space<vmem_shared>>
      tpu.wait_indirect_dma semaphore(%arg11 : memref<!tpu.dma_semaphore, #tpu.memory_space<semaphore_mem>>) src(%dma_wait3A_222 : memref<128x16xf32, #tpu.memory_space<vmem>>) dst(%dma_wait3A_228 : memref<100352x16xf32, #tpu.memory_space<vmem_shared>>)
      %dma_wait3A_229 = arith.constant 0 : i32
      %dma_wait3A_230 = arith.constant 0 : i32
      %dma_wait3A_231 = arith.constant 2 : i32
      %dma_wait3A_232 = arith.constant 256 : i32
      %dma_wait3A_233 = arith.constant 0 : i32
      %dma_wait3A_234 = tpu.memref_slice %arg8[%dma_wait3A_229, %dma_wait3A_232, %dma_wait3A_233] : memref<2x512x16xf32, #tpu.memory_space<vmem>> -> memref<1x128x16xf32, #tpu.memory_space<vmem>>
      %dma_wait3A_235 = tpu.memref_squeeze %dma_wait3A_234 : memref<1x128x16xf32, #tpu.memory_space<vmem>> -> memref<128x16xf32, #tpu.memory_space<vmem>>
      %dma_wait3A_236 = arith.constant 0 : i32
      %dma_wait3A_237 = tpu.memref_slice %arg7[%dma_wait3A_230, %dma_wait3A_231, %dma_wait3A_236] : memref<2x4x128xi32, #tpu.memory_space<vmem>> -> memref<1x1x128xi32, #tpu.memory_space<vmem>>
      %dma_wait3A_238 = tpu.memref_squeeze %dma_wait3A_237 : memref<1x1x128xi32, #tpu.memory_space<vmem>> -> memref<128xi32, #tpu.memory_space<vmem>>
      %dma_wait3A_239 = arith.constant 0 : i32
      %dma_wait3A_240 = arith.constant 0 : i32
      %dma_wait3A_241 = tpu.memref_slice %arg10[%dma_wait3A_239, %dma_wait3A_240] : memref<100352x16xf32, #tpu.memory_space<vmem_shared>> -> memref<100352x16xf32, #tpu.memory_space<vmem_shared>>
      tpu.wait_indirect_dma semaphore(%arg11 : memref<!tpu.dma_semaphore, #tpu.memory_space<semaphore_mem>>) src(%dma_wait3A_235 : memref<128x16xf32, #tpu.memory_space<vmem>>) dst(%dma_wait3A_241 : memref<100352x16xf32, #tpu.memory_space<vmem_shared>>)
      %dma_wait3A_242 = arith.constant 0 : i32
      %dma_wait3A_243 = arith.constant 0 : i32
      %dma_wait3A_244 = arith.constant 3 : i32
      %dma_wait3A_245 = arith.constant 384 : i32
      %dma_wait3A_246 = arith.constant 0 : i32
      %dma_wait3A_247 = tpu.memref_slice %arg8[%dma_wait3A_242, %dma_wait3A_245, %dma_wait3A_246] : memref<2x512x16xf32, #tpu.memory_space<vmem>> -> memref<1x128x16xf32, #tpu.memory_space<vmem>>
      %dma_wait3A_248 = tpu.memref_squeeze %dma_wait3A_247 : memref<1x128x16xf32, #tpu.memory_space<vmem>> -> memref<128x16xf32, #tpu.memory_space<vmem>>
      %dma_wait3A_249 = arith.constant 0 : i32
      %dma_wait3A_250 = tpu.memref_slice %arg7[%dma_wait3A_243, %dma_wait3A_244, %dma_wait3A_249] : memref<2x4x128xi32, #tpu.memory_space<vmem>> -> memref<1x1x128xi32, #tpu.memory_space<vmem>>
      %dma_wait3A_251 = tpu.memref_squeeze %dma_wait3A_250 : memref<1x1x128xi32, #tpu.memory_space<vmem>> -> memref<128xi32, #tpu.memory_space<vmem>>
      %dma_wait3A_252 = arith.constant 0 : i32
      %dma_wait3A_253 = arith.constant 0 : i32
      %dma_wait3A_254 = tpu.memref_slice %arg10[%dma_wait3A_252, %dma_wait3A_253] : memref<100352x16xf32, #tpu.memory_space<vmem_shared>> -> memref<100352x16xf32, #tpu.memory_space<vmem_shared>>
      tpu.wait_indirect_dma semaphore(%arg11 : memref<!tpu.dma_semaphore, #tpu.memory_space<semaphore_mem>>) src(%dma_wait3A_248 : memref<128x16xf32, #tpu.memory_space<vmem>>) dst(%dma_wait3A_254 : memref<100352x16xf32, #tpu.memory_space<vmem_shared>>)
      %mul3A_255 = arith.constant 2 : i32
      %mul3A_256 = arith.muli %mul3A_255, %scan3A_100 : i32
      %add3A_257 = arith.constant 1 : i32
      %add3A_258 = arith.addi %mul3A_256, %add3A_257 : i32
      %mul3A_259 = arith.constant 100352 : i32
      %mul3A_260 = arith.muli %arg1, %mul3A_259 : i32
      %mul3A_261 = arith.constant 512 : i32
      %mul3A_262 = arith.muli %add3A_258, %mul3A_261 : i32
      %add3A_263 = arith.addi %mul3A_260, %mul3A_262 : i32
      %mul3A_264 = arith.constant 784 : i32
      %mul3A_265 = arith.muli %arg1, %mul3A_264 : i32
      %mul3A_266 = arith.constant 4 : i32
      %mul3A_267 = arith.muli %add3A_258, %mul3A_266 : i32
      %add3A_268 = arith.addi %mul3A_265, %mul3A_267 : i32
      %dma_wait3A_269 = arith.constant 1 : i32
      %dma_wait3A_270 = arith.constant 0 : i32
      %dma_wait3A_271 = arith.constant 0 : i32
      %dma_wait3A_272 = tpu.memref_slice %arg7[%dma_wait3A_269, %dma_wait3A_270, %dma_wait3A_271] : memref<2x4x128xi32, #tpu.memory_space<vmem>> -> memref<1x4x128xi32, #tpu.memory_space<vmem>>
      %dma_wait3A_273 = tpu.memref_squeeze %dma_wait3A_272 : memref<1x4x128xi32, #tpu.memory_space<vmem>> -> memref<4x128xi32, #tpu.memory_space<vmem>>
      %dma_wait3A_274 = arith.constant 0 : i32
      %dma_wait3A_275 = tpu.memref_slice %arg3[%add3A_268, %dma_wait3A_274] : memref<12544x128xi32, #tpu.memory_space<hbm>> -> memref<4x128xi32, #tpu.memory_space<hbm>>
      %dma_wait3A_276 = arith.constant 0 : i32
      %dma_wait3A_277 = arith.constant 0 : i32
      %dma_wait3A_278 = tpu.memref_slice %arg7[%dma_wait3A_269, %dma_wait3A_276, %dma_wait3A_277] : memref<2x4x128xi32, #tpu.memory_space<vmem>> -> memref<1x4x128xi32, #tpu.memory_space<vmem>>
      %dma_wait3A_279 = tpu.memref_squeeze %dma_wait3A_278 : memref<1x4x128xi32, #tpu.memory_space<vmem>> -> memref<4x128xi32, #tpu.memory_space<vmem>>
      %dma_wait3A_280 = arith.constant 0 : i32
      %dma_wait3A_281 = tpu.memref_slice %arg3[%add3A_268, %dma_wait3A_280] : memref<12544x128xi32, #tpu.memory_space<hbm>> -> memref<4x128xi32, #tpu.memory_space<hbm>>
      tpu.wait_dma2 semaphore(%arg13 : memref<!tpu.dma_semaphore, #tpu.memory_space<semaphore_mem>>) src(%dma_wait3A_281 : memref<4x128xi32, #tpu.memory_space<hbm>>) dst(%dma_wait3A_279 : memref<4x128xi32, #tpu.memory_space<vmem>>)
      %dma_wait3A_282 = arith.constant 1 : i32
      %dma_wait3A_283 = arith.constant 0 : i32
      %dma_wait3A_284 = arith.constant 0 : i32
      %dma_wait3A_285 = tpu.memref_slice %arg8[%dma_wait3A_282, %dma_wait3A_283, %dma_wait3A_284] : memref<2x512x16xf32, #tpu.memory_space<vmem>> -> memref<1x512x16xf32, #tpu.memory_space<vmem>>
      %dma_wait3A_286 = tpu.memref_squeeze %dma_wait3A_285 : memref<1x512x16xf32, #tpu.memory_space<vmem>> -> memref<512x16xf32, #tpu.memory_space<vmem>>
      %dma_wait3A_287 = arith.constant 0 : i32
      %dma_wait3A_288 = tpu.memref_slice %arg2[%add3A_263, %dma_wait3A_287] : memref<1605632x16xf32, #tpu.memory_space<hbm>> -> memref<512x16xf32, #tpu.memory_space<hbm>>
      %dma_wait3A_289 = arith.constant 0 : i32
      %dma_wait3A_290 = arith.constant 0 : i32
      %dma_wait3A_291 = tpu.memref_slice %arg8[%dma_wait3A_282, %dma_wait3A_289, %dma_wait3A_290] : memref<2x512x16xf32, #tpu.memory_space<vmem>> -> memref<1x512x16xf32, #tpu.memory_space<vmem>>
      %dma_wait3A_292 = tpu.memref_squeeze %dma_wait3A_291 : memref<1x512x16xf32, #tpu.memory_space<vmem>> -> memref<512x16xf32, #tpu.memory_space<vmem>>
      %dma_wait3A_293 = arith.constant 0 : i32
      %dma_wait3A_294 = tpu.memref_slice %arg2[%add3A_263, %dma_wait3A_293] : memref<1605632x16xf32, #tpu.memory_space<hbm>> -> memref<512x16xf32, #tpu.memory_space<hbm>>
      tpu.wait_dma2 semaphore(%arg13 : memref<!tpu.dma_semaphore, #tpu.memory_space<semaphore_mem>>) src(%dma_wait3A_294 : memref<512x16xf32, #tpu.memory_space<hbm>>) dst(%dma_wait3A_292 : memref<512x16xf32, #tpu.memory_space<vmem>>)
      %add3A_295 = arith.constant 1 : i32
      %add3A_296 = arith.addi %add3A_258, %add3A_295 : i32
      %lt3A_297 = arith.constant 196 : i32
      %lt3A_298 = arith.cmpi slt, %add3A_296, %lt3A_297 : i32
      %convert_element_type3A_299 = arith.extui %lt3A_298 : i1 to i32
      %cond3A_300 = arith.constant 0 : i32
      %cond3A_301 = arith.cmpi ne, %convert_element_type3A_299, %cond3A_300 : i32
      scf.if %cond3A_301 {
        %add3A_414 = arith.constant 1 : i32
        %add3A_415 = arith.addi %add3A_258, %add3A_414 : i32
        %mul3A_416 = arith.constant 100352 : i32
        %mul3A_417 = arith.muli %arg1, %mul3A_416 : i32
        %mul3A_418 = arith.constant 512 : i32
        %mul3A_419 = arith.muli %add3A_415, %mul3A_418 : i32
        %add3A_420 = arith.addi %mul3A_417, %mul3A_419 : i32
        %mul3A_421 = arith.constant 784 : i32
        %mul3A_422 = arith.muli %arg1, %mul3A_421 : i32
        %mul3A_423 = arith.constant 4 : i32
        %mul3A_424 = arith.muli %add3A_415, %mul3A_423 : i32
        %add3A_425 = arith.addi %mul3A_422, %mul3A_424 : i32
        %dma_start3A_426 = arith.constant 0 : i32
        %dma_start3A_427 = arith.constant 0 : i32
        %dma_start3A_428 = arith.constant 0 : i32
        %dma_start3A_429 = tpu.memref_slice %arg7[%dma_start3A_426, %dma_start3A_427, %dma_start3A_428] : memref<2x4x128xi32, #tpu.memory_space<vmem>> -> memref<1x4x128xi32, #tpu.memory_space<vmem>>
        %dma_start3A_430 = tpu.memref_squeeze %dma_start3A_429 : memref<1x4x128xi32, #tpu.memory_space<vmem>> -> memref<4x128xi32, #tpu.memory_space<vmem>>
        %dma_start3A_431 = arith.constant 0 : i32
        %dma_start3A_432 = tpu.memref_slice %arg3[%add3A_425, %dma_start3A_431] : memref<12544x128xi32, #tpu.memory_space<hbm>> -> memref<4x128xi32, #tpu.memory_space<hbm>>
        %dma_start3A_433 = arith.constant 0 : i32
        %dma_start3A_434 = arith.constant 0 : i32
        %dma_start3A_435 = tpu.memref_slice %arg7[%dma_start3A_426, %dma_start3A_433, %dma_start3A_434] : memref<2x4x128xi32, #tpu.memory_space<vmem>> -> memref<1x4x128xi32, #tpu.memory_space<vmem>>
        %dma_start3A_436 = tpu.memref_squeeze %dma_start3A_435 : memref<1x4x128xi32, #tpu.memory_space<vmem>> -> memref<4x128xi32, #tpu.memory_space<vmem>>
        %dma_start3A_437 = arith.constant 0 : i32
        %dma_start3A_438 = tpu.memref_slice %arg3[%add3A_425, %dma_start3A_437] : memref<12544x128xi32, #tpu.memory_space<hbm>> -> memref<4x128xi32, #tpu.memory_space<hbm>>
        tpu.enqueue_dma source(%dma_start3A_438 : memref<4x128xi32, #tpu.memory_space<hbm>>) target(%dma_start3A_436 : memref<4x128xi32, #tpu.memory_space<vmem>>) target_semaphore(%arg12 : memref<!tpu.dma_semaphore, #tpu.memory_space<semaphore_mem>>)
        %dma_start3A_439 = arith.constant 0 : i32
        %dma_start3A_440 = arith.constant 0 : i32
        %dma_start3A_441 = arith.constant 0 : i32
        %dma_start3A_442 = tpu.memref_slice %arg8[%dma_start3A_439, %dma_start3A_440, %dma_start3A_441] : memref<2x512x16xf32, #tpu.memory_space<vmem>> -> memref<1x512x16xf32, #tpu.memory_space<vmem>>
        %dma_start3A_443 = tpu.memref_squeeze %dma_start3A_442 : memref<1x512x16xf32, #tpu.memory_space<vmem>> -> memref<512x16xf32, #tpu.memory_space<vmem>>
        %dma_start3A_444 = arith.constant 0 : i32
        %dma_start3A_445 = tpu.memref_slice %arg2[%add3A_420, %dma_start3A_444] : memref<1605632x16xf32, #tpu.memory_space<hbm>> -> memref<512x16xf32, #tpu.memory_space<hbm>>
        %dma_start3A_446 = arith.constant 0 : i32
        %dma_start3A_447 = arith.constant 0 : i32
        %dma_start3A_448 = tpu.memref_slice %arg8[%dma_start3A_439, %dma_start3A_446, %dma_start3A_447] : memref<2x512x16xf32, #tpu.memory_space<vmem>> -> memref<1x512x16xf32, #tpu.memory_space<vmem>>
        %dma_start3A_449 = tpu.memref_squeeze %dma_start3A_448 : memref<1x512x16xf32, #tpu.memory_space<vmem>> -> memref<512x16xf32, #tpu.memory_space<vmem>>
        %dma_start3A_450 = arith.constant 0 : i32
        %dma_start3A_451 = tpu.memref_slice %arg2[%add3A_420, %dma_start3A_450] : memref<1605632x16xf32, #tpu.memory_space<hbm>> -> memref<512x16xf32, #tpu.memory_space<hbm>>
        tpu.enqueue_dma source(%dma_start3A_451 : memref<512x16xf32, #tpu.memory_space<hbm>>) target(%dma_start3A_449 : memref<512x16xf32, #tpu.memory_space<vmem>>) target_semaphore(%arg12 : memref<!tpu.dma_semaphore, #tpu.memory_space<semaphore_mem>>)
      } else {
      }
      %convert_element_type3A_302 = arith.extui %eq3A_0 : i1 to i32
      %cond3A_303 = arith.constant 0 : i32
      %cond3A_304 = arith.cmpi ne, %convert_element_type3A_302, %cond3A_303 : i32
      scf.if %cond3A_304 {
        %scan3A_414 = arith.constant 0 : i32
        %scan3A_415 = arith.constant 0 : i32
        %scan3A_416 = arith.constant 512 : i32
        %scan3A_417 = arith.addi %scan3A_415, %scan3A_416 : i32
        %scan3A_418 = arith.constant 8 : i32
        scf.for %scan3A_420 = %scan3A_415 to %scan3A_417 step %scan3A_418  : i32 {
          %get3A_421 = arith.constant 1 : i32
          %get3A_422 = arith.index_cast %get3A_421 : i32 to index
          %get3A_423 = arith.index_cast %scan3A_420 : i32 to index
          %get3A_424 = arith.constant 0 : index
          %get3A_425 = tpu.vector_load %arg8[%get3A_422, %get3A_423, %get3A_424] {strides = array<i32>} : memref<2x512x16xf32, #tpu.memory_space<vmem>>, vector<1x1x16xf32>,
          %get3A_426 = vector.shape_cast %get3A_425 : vector<1x1x16xf32> to vector<16xf32>
          %sub3A = arith.subf %get3A_426, %get3A_4 : vector<16xf32>
          %swap3A = arith.constant 1 : i32
          %swap3A_427 = arith.index_cast %swap3A : i32 to index
          %swap3A_428 = arith.index_cast %scan3A_420 : i32 to index
          %swap3A_429 = arith.constant 0 : index
          %swap3A_430 = tpu.vector_load %arg8[%swap3A_427, %swap3A_428, %swap3A_429] {strides = array<i32>} : memref<2x512x16xf32, #tpu.memory_space<vmem>>, vector<1x1x16xf32>,
          %swap3A_431 = vector.shape_cast %swap3A_430 : vector<1x1x16xf32> to vector<16xf32>
          %swap3A_432 = vector.shape_cast %sub3A : vector<16xf32> to vector<1x1x16xf32>
          tpu.vector_store %arg8[%swap3A_427, %swap3A_428, %swap3A_429], %swap3A_432 {strides = array<i32>} : memref<2x512x16xf32, #tpu.memory_space<vmem>>, vector<1x1x16xf32>,
          %scan3A_433 = arith.constant 1 : i32
          %scan3A_434 = arith.addi %scan3A_420, %scan3A_433 : i32
          %get3A_435 = arith.constant 1 : i32
          %get3A_436 = arith.index_cast %get3A_435 : i32 to index
          %get3A_437 = arith.index_cast %scan3A_434 : i32 to index
          %get3A_438 = arith.constant 0 : index
          %get3A_439 = tpu.vector_load %arg8[%get3A_436, %get3A_437, %get3A_438] {strides = array<i32>} : memref<2x512x16xf32, #tpu.memory_space<vmem>>, vector<1x1x16xf32>,
          %get3A_440 = vector.shape_cast %get3A_439 : vector<1x1x16xf32> to vector<16xf32>
          %sub3A_441 = arith.subf %get3A_440, %get3A_4 : vector<16xf32>
          %swap3A_442 = arith.constant 1 : i32
          %swap3A_443 = arith.index_cast %swap3A_442 : i32 to index
          %swap3A_444 = arith.index_cast %scan3A_434 : i32 to index
          %swap3A_445 = arith.constant 0 : index
          %swap3A_446 = tpu.vector_load %arg8[%swap3A_443, %swap3A_444, %swap3A_445] {strides = array<i32>} : memref<2x512x16xf32, #tpu.memory_space<vmem>>, vector<1x1x16xf32>,
          %swap3A_447 = vector.shape_cast %swap3A_446 : vector<1x1x16xf32> to vector<16xf32>
          %swap3A_448 = vector.shape_cast %sub3A_441 : vector<16xf32> to vector<1x1x16xf32>
          tpu.vector_store %arg8[%swap3A_443, %swap3A_444, %swap3A_445], %swap3A_448 {strides = array<i32>} : memref<2x512x16xf32, #tpu.memory_space<vmem>>, vector<1x1x16xf32>,
          %scan3A_449 = arith.constant 2 : i32
          %scan3A_450 = arith.addi %scan3A_420, %scan3A_449 : i32
          %get3A_451 = arith.constant 1 : i32
          %get3A_452 = arith.index_cast %get3A_451 : i32 to index
          %get3A_453 = arith.index_cast %scan3A_450 : i32 to index
          %get3A_454 = arith.constant 0 : index
          %get3A_455 = tpu.vector_load %arg8[%get3A_452, %get3A_453, %get3A_454] {strides = array<i32>} : memref<2x512x16xf32, #tpu.memory_space<vmem>>, vector<1x1x16xf32>,
          %get3A_456 = vector.shape_cast %get3A_455 : vector<1x1x16xf32> to vector<16xf32>
          %sub3A_457 = arith.subf %get3A_456, %get3A_4 : vector<16xf32>
          %swap3A_458 = arith.constant 1 : i32
          %swap3A_459 = arith.index_cast %swap3A_458 : i32 to index
          %swap3A_460 = arith.index_cast %scan3A_450 : i32 to index
          %swap3A_461 = arith.constant 0 : index
          %swap3A_462 = tpu.vector_load %arg8[%swap3A_459, %swap3A_460, %swap3A_461] {strides = array<i32>} : memref<2x512x16xf32, #tpu.memory_space<vmem>>, vector<1x1x16xf32>,
          %swap3A_463 = vector.shape_cast %swap3A_462 : vector<1x1x16xf32> to vector<16xf32>
          %swap3A_464 = vector.shape_cast %sub3A_457 : vector<16xf32> to vector<1x1x16xf32>
          tpu.vector_store %arg8[%swap3A_459, %swap3A_460, %swap3A_461], %swap3A_464 {strides = array<i32>} : memref<2x512x16xf32, #tpu.memory_space<vmem>>, vector<1x1x16xf32>,
          %scan3A_465 = arith.constant 3 : i32
          %scan3A_466 = arith.addi %scan3A_420, %scan3A_465 : i32
          %get3A_467 = arith.constant 1 : i32
          %get3A_468 = arith.index_cast %get3A_467 : i32 to index
          %get3A_469 = arith.index_cast %scan3A_466 : i32 to index
          %get3A_470 = arith.constant 0 : index
          %get3A_471 = tpu.vector_load %arg8[%get3A_468, %get3A_469, %get3A_470] {strides = array<i32>} : memref<2x512x16xf32, #tpu.memory_space<vmem>>, vector<1x1x16xf32>,
          %get3A_472 = vector.shape_cast %get3A_471 : vector<1x1x16xf32> to vector<16xf32>
          %sub3A_473 = arith.subf %get3A_472, %get3A_4 : vector<16xf32>
          %swap3A_474 = arith.constant 1 : i32
          %swap3A_475 = arith.index_cast %swap3A_474 : i32 to index
          %swap3A_476 = arith.index_cast %scan3A_466 : i32 to index
          %swap3A_477 = arith.constant 0 : index
          %swap3A_478 = tpu.vector_load %arg8[%swap3A_475, %swap3A_476, %swap3A_477] {strides = array<i32>} : memref<2x512x16xf32, #tpu.memory_space<vmem>>, vector<1x1x16xf32>,
          %swap3A_479 = vector.shape_cast %swap3A_478 : vector<1x1x16xf32> to vector<16xf32>
          %swap3A_480 = vector.shape_cast %sub3A_473 : vector<16xf32> to vector<1x1x16xf32>
          tpu.vector_store %arg8[%swap3A_475, %swap3A_476, %swap3A_477], %swap3A_480 {strides = array<i32>} : memref<2x512x16xf32, #tpu.memory_space<vmem>>, vector<1x1x16xf32>,
          %scan3A_481 = arith.constant 4 : i32
          %scan3A_482 = arith.addi %scan3A_420, %scan3A_481 : i32
          %get3A_483 = arith.constant 1 : i32
          %get3A_484 = arith.index_cast %get3A_483 : i32 to index
          %get3A_485 = arith.index_cast %scan3A_482 : i32 to index
          %get3A_486 = arith.constant 0 : index
          %get3A_487 = tpu.vector_load %arg8[%get3A_484, %get3A_485, %get3A_486] {strides = array<i32>} : memref<2x512x16xf32, #tpu.memory_space<vmem>>, vector<1x1x16xf32>,
          %get3A_488 = vector.shape_cast %get3A_487 : vector<1x1x16xf32> to vector<16xf32>
          %sub3A_489 = arith.subf %get3A_488, %get3A_4 : vector<16xf32>
          %swap3A_490 = arith.constant 1 : i32
          %swap3A_491 = arith.index_cast %swap3A_490 : i32 to index
          %swap3A_492 = arith.index_cast %scan3A_482 : i32 to index
          %swap3A_493 = arith.constant 0 : index
          %swap3A_494 = tpu.vector_load %arg8[%swap3A_491, %swap3A_492, %swap3A_493] {strides = array<i32>} : memref<2x512x16xf32, #tpu.memory_space<vmem>>, vector<1x1x16xf32>,
          %swap3A_495 = vector.shape_cast %swap3A_494 : vector<1x1x16xf32> to vector<16xf32>
          %swap3A_496 = vector.shape_cast %sub3A_489 : vector<16xf32> to vector<1x1x16xf32>
          tpu.vector_store %arg8[%swap3A_491, %swap3A_492, %swap3A_493], %swap3A_496 {strides = array<i32>} : memref<2x512x16xf32, #tpu.memory_space<vmem>>, vector<1x1x16xf32>,
          %scan3A_497 = arith.constant 5 : i32
          %scan3A_498 = arith.addi %scan3A_420, %scan3A_497 : i32
          %get3A_499 = arith.constant 1 : i32
          %get3A_500 = arith.index_cast %get3A_499 : i32 to index
          %get3A_501 = arith.index_cast %scan3A_498 : i32 to index
          %get3A_502 = arith.constant 0 : index
          %get3A_503 = tpu.vector_load %arg8[%get3A_500, %get3A_501, %get3A_502] {strides = array<i32>} : memref<2x512x16xf32, #tpu.memory_space<vmem>>, vector<1x1x16xf32>,
          %get3A_504 = vector.shape_cast %get3A_503 : vector<1x1x16xf32> to vector<16xf32>
          %sub3A_505 = arith.subf %get3A_504, %get3A_4 : vector<16xf32>
          %swap3A_506 = arith.constant 1 : i32
          %swap3A_507 = arith.index_cast %swap3A_506 : i32 to index
          %swap3A_508 = arith.index_cast %scan3A_498 : i32 to index
          %swap3A_509 = arith.constant 0 : index
          %swap3A_510 = tpu.vector_load %arg8[%swap3A_507, %swap3A_508, %swap3A_509] {strides = array<i32>} : memref<2x512x16xf32, #tpu.memory_space<vmem>>, vector<1x1x16xf32>,
          %swap3A_511 = vector.shape_cast %swap3A_510 : vector<1x1x16xf32> to vector<16xf32>
          %swap3A_512 = vector.shape_cast %sub3A_505 : vector<16xf32> to vector<1x1x16xf32>
          tpu.vector_store %arg8[%swap3A_507, %swap3A_508, %swap3A_509], %swap3A_512 {strides = array<i32>} : memref<2x512x16xf32, #tpu.memory_space<vmem>>, vector<1x1x16xf32>,
          %scan3A_513 = arith.constant 6 : i32
          %scan3A_514 = arith.addi %scan3A_420, %scan3A_513 : i32
          %get3A_515 = arith.constant 1 : i32
          %get3A_516 = arith.index_cast %get3A_515 : i32 to index
          %get3A_517 = arith.index_cast %scan3A_514 : i32 to index
          %get3A_518 = arith.constant 0 : index
          %get3A_519 = tpu.vector_load %arg8[%get3A_516, %get3A_517, %get3A_518] {strides = array<i32>} : memref<2x512x16xf32, #tpu.memory_space<vmem>>, vector<1x1x16xf32>,
          %get3A_520 = vector.shape_cast %get3A_519 : vector<1x1x16xf32> to vector<16xf32>
          %sub3A_521 = arith.subf %get3A_520, %get3A_4 : vector<16xf32>
          %swap3A_522 = arith.constant 1 : i32
          %swap3A_523 = arith.index_cast %swap3A_522 : i32 to index
          %swap3A_524 = arith.index_cast %scan3A_514 : i32 to index
          %swap3A_525 = arith.constant 0 : index
          %swap3A_526 = tpu.vector_load %arg8[%swap3A_523, %swap3A_524, %swap3A_525] {strides = array<i32>} : memref<2x512x16xf32, #tpu.memory_space<vmem>>, vector<1x1x16xf32>,
          %swap3A_527 = vector.shape_cast %swap3A_526 : vector<1x1x16xf32> to vector<16xf32>
          %swap3A_528 = vector.shape_cast %sub3A_521 : vector<16xf32> to vector<1x1x16xf32>
          tpu.vector_store %arg8[%swap3A_523, %swap3A_524, %swap3A_525], %swap3A_528 {strides = array<i32>} : memref<2x512x16xf32, #tpu.memory_space<vmem>>, vector<1x1x16xf32>,
          %scan3A_529 = arith.constant 7 : i32
          %scan3A_530 = arith.addi %scan3A_420, %scan3A_529 : i32
          %get3A_531 = arith.constant 1 : i32
          %get3A_532 = arith.index_cast %get3A_531 : i32 to index
          %get3A_533 = arith.index_cast %scan3A_530 : i32 to index
          %get3A_534 = arith.constant 0 : index
          %get3A_535 = tpu.vector_load %arg8[%get3A_532, %get3A_533, %get3A_534] {strides = array<i32>} : memref<2x512x16xf32, #tpu.memory_space<vmem>>, vector<1x1x16xf32>,
          %get3A_536 = vector.shape_cast %get3A_535 : vector<1x1x16xf32> to vector<16xf32>
          %sub3A_537 = arith.subf %get3A_536, %get3A_4 : vector<16xf32>
          %swap3A_538 = arith.constant 1 : i32
          %swap3A_539 = arith.index_cast %swap3A_538 : i32 to index
          %swap3A_540 = arith.index_cast %scan3A_530 : i32 to index
          %swap3A_541 = arith.constant 0 : index
          %swap3A_542 = tpu.vector_load %arg8[%swap3A_539, %swap3A_540, %swap3A_541] {strides = array<i32>} : memref<2x512x16xf32, #tpu.memory_space<vmem>>, vector<1x1x16xf32>,
          %swap3A_543 = vector.shape_cast %swap3A_542 : vector<1x1x16xf32> to vector<16xf32>
          %swap3A_544 = vector.shape_cast %sub3A_537 : vector<16xf32> to vector<1x1x16xf32>
          tpu.vector_store %arg8[%swap3A_539, %swap3A_540, %swap3A_541], %swap3A_544 {strides = array<i32>} : memref<2x512x16xf32, #tpu.memory_space<vmem>>, vector<1x1x16xf32>,
        }
        %scan3A_419 = arith.constant 512 : i32
      } else {
      }
      %not3A_305 = arith.constant true
      %not3A_306 = arith.xori %eq3A_0, %not3A_305 : i1
      %convert_element_type3A_307 = arith.extui %not3A_306 : i1 to i32
      %cond3A_308 = arith.constant 0 : i32
      %cond3A_309 = arith.cmpi ne, %convert_element_type3A_307, %cond3A_308 : i32
      scf.if %cond3A_309 {
        %scan3A_414 = arith.constant 0 : i32
        %scan3A_415 = arith.constant 0 : i32
        %scan3A_416 = arith.constant 512 : i32
        %scan3A_417 = arith.addi %scan3A_415, %scan3A_416 : i32
        %scan3A_418 = arith.constant 8 : i32
        scf.for %scan3A_420 = %scan3A_415 to %scan3A_417 step %scan3A_418  : i32 {
          %get3A_421 = arith.constant 1 : i32
          %get3A_422 = arith.index_cast %get3A_421 : i32 to index
          %get3A_423 = arith.index_cast %scan3A_420 : i32 to index
          %get3A_424 = arith.constant 0 : index
          %get3A_425 = tpu.vector_load %arg8[%get3A_422, %get3A_423, %get3A_424] {strides = array<i32>} : memref<2x512x16xf32, #tpu.memory_space<vmem>>, vector<1x1x16xf32>,
          %get3A_426 = vector.shape_cast %get3A_425 : vector<1x1x16xf32> to vector<16xf32>
          %sub3A = arith.subf %get3A_426, %get3A_4 : vector<16xf32>
          %mul3A_427 = arith.mulf %sub3A, %sub3A : vector<16xf32>
          %swap3A = arith.constant 1 : i32
          %swap3A_428 = arith.index_cast %swap3A : i32 to index
          %swap3A_429 = arith.index_cast %scan3A_420 : i32 to index
          %swap3A_430 = arith.constant 0 : index
          %swap3A_431 = tpu.vector_load %arg8[%swap3A_428, %swap3A_429, %swap3A_430] {strides = array<i32>} : memref<2x512x16xf32, #tpu.memory_space<vmem>>, vector<1x1x16xf32>,
          %swap3A_432 = vector.shape_cast %swap3A_431 : vector<1x1x16xf32> to vector<16xf32>
          %swap3A_433 = vector.shape_cast %mul3A_427 : vector<16xf32> to vector<1x1x16xf32>
          tpu.vector_store %arg8[%swap3A_428, %swap3A_429, %swap3A_430], %swap3A_433 {strides = array<i32>} : memref<2x512x16xf32, #tpu.memory_space<vmem>>, vector<1x1x16xf32>,
          %scan3A_434 = arith.constant 1 : i32
          %scan3A_435 = arith.addi %scan3A_420, %scan3A_434 : i32
          %get3A_436 = arith.constant 1 : i32
          %get3A_437 = arith.index_cast %get3A_436 : i32 to index
          %get3A_438 = arith.index_cast %scan3A_435 : i32 to index
          %get3A_439 = arith.constant 0 : index
          %get3A_440 = tpu.vector_load %arg8[%get3A_437, %get3A_438, %get3A_439] {strides = array<i32>} : memref<2x512x16xf32, #tpu.memory_space<vmem>>, vector<1x1x16xf32>,
          %get3A_441 = vector.shape_cast %get3A_440 : vector<1x1x16xf32> to vector<16xf32>
          %sub3A_442 = arith.subf %get3A_441, %get3A_4 : vector<16xf32>
          %mul3A_443 = arith.mulf %sub3A_442, %sub3A_442 : vector<16xf32>
          %swap3A_444 = arith.constant 1 : i32
          %swap3A_445 = arith.index_cast %swap3A_444 : i32 to index
          %swap3A_446 = arith.index_cast %scan3A_435 : i32 to index
          %swap3A_447 = arith.constant 0 : index
          %swap3A_448 = tpu.vector_load %arg8[%swap3A_445, %swap3A_446, %swap3A_447] {strides = array<i32>} : memref<2x512x16xf32, #tpu.memory_space<vmem>>, vector<1x1x16xf32>,
          %swap3A_449 = vector.shape_cast %swap3A_448 : vector<1x1x16xf32> to vector<16xf32>
          %swap3A_450 = vector.shape_cast %mul3A_443 : vector<16xf32> to vector<1x1x16xf32>
          tpu.vector_store %arg8[%swap3A_445, %swap3A_446, %swap3A_447], %swap3A_450 {strides = array<i32>} : memref<2x512x16xf32, #tpu.memory_space<vmem>>, vector<1x1x16xf32>,
          %scan3A_451 = arith.constant 2 : i32
          %scan3A_452 = arith.addi %scan3A_420, %scan3A_451 : i32
          %get3A_453 = arith.constant 1 : i32
          %get3A_454 = arith.index_cast %get3A_453 : i32 to index
          %get3A_455 = arith.index_cast %scan3A_452 : i32 to index
          %get3A_456 = arith.constant 0 : index
          %get3A_457 = tpu.vector_load %arg8[%get3A_454, %get3A_455, %get3A_456] {strides = array<i32>} : memref<2x512x16xf32, #tpu.memory_space<vmem>>, vector<1x1x16xf32>,
          %get3A_458 = vector.shape_cast %get3A_457 : vector<1x1x16xf32> to vector<16xf32>
          %sub3A_459 = arith.subf %get3A_458, %get3A_4 : vector<16xf32>
          %mul3A_460 = arith.mulf %sub3A_459, %sub3A_459 : vector<16xf32>
          %swap3A_461 = arith.constant 1 : i32
          %swap3A_462 = arith.index_cast %swap3A_461 : i32 to index
          %swap3A_463 = arith.index_cast %scan3A_452 : i32 to index
          %swap3A_464 = arith.constant 0 : index
          %swap3A_465 = tpu.vector_load %arg8[%swap3A_462, %swap3A_463, %swap3A_464] {strides = array<i32>} : memref<2x512x16xf32, #tpu.memory_space<vmem>>, vector<1x1x16xf32>,
          %swap3A_466 = vector.shape_cast %swap3A_465 : vector<1x1x16xf32> to vector<16xf32>
          %swap3A_467 = vector.shape_cast %mul3A_460 : vector<16xf32> to vector<1x1x16xf32>
          tpu.vector_store %arg8[%swap3A_462, %swap3A_463, %swap3A_464], %swap3A_467 {strides = array<i32>} : memref<2x512x16xf32, #tpu.memory_space<vmem>>, vector<1x1x16xf32>,
          %scan3A_468 = arith.constant 3 : i32
          %scan3A_469 = arith.addi %scan3A_420, %scan3A_468 : i32
          %get3A_470 = arith.constant 1 : i32
          %get3A_471 = arith.index_cast %get3A_470 : i32 to index
          %get3A_472 = arith.index_cast %scan3A_469 : i32 to index
          %get3A_473 = arith.constant 0 : index
          %get3A_474 = tpu.vector_load %arg8[%get3A_471, %get3A_472, %get3A_473] {strides = array<i32>} : memref<2x512x16xf32, #tpu.memory_space<vmem>>, vector<1x1x16xf32>,
          %get3A_475 = vector.shape_cast %get3A_474 : vector<1x1x16xf32> to vector<16xf32>
          %sub3A_476 = arith.subf %get3A_475, %get3A_4 : vector<16xf32>
          %mul3A_477 = arith.mulf %sub3A_476, %sub3A_476 : vector<16xf32>
          %swap3A_478 = arith.constant 1 : i32
          %swap3A_479 = arith.index_cast %swap3A_478 : i32 to index
          %swap3A_480 = arith.index_cast %scan3A_469 : i32 to index
          %swap3A_481 = arith.constant 0 : index
          %swap3A_482 = tpu.vector_load %arg8[%swap3A_479, %swap3A_480, %swap3A_481] {strides = array<i32>} : memref<2x512x16xf32, #tpu.memory_space<vmem>>, vector<1x1x16xf32>,
          %swap3A_483 = vector.shape_cast %swap3A_482 : vector<1x1x16xf32> to vector<16xf32>
          %swap3A_484 = vector.shape_cast %mul3A_477 : vector<16xf32> to vector<1x1x16xf32>
          tpu.vector_store %arg8[%swap3A_479, %swap3A_480, %swap3A_481], %swap3A_484 {strides = array<i32>} : memref<2x512x16xf32, #tpu.memory_space<vmem>>, vector<1x1x16xf32>,
          %scan3A_485 = arith.constant 4 : i32
          %scan3A_486 = arith.addi %scan3A_420, %scan3A_485 : i32
          %get3A_487 = arith.constant 1 : i32
          %get3A_488 = arith.index_cast %get3A_487 : i32 to index
          %get3A_489 = arith.index_cast %scan3A_486 : i32 to index
          %get3A_490 = arith.constant 0 : index
          %get3A_491 = tpu.vector_load %arg8[%get3A_488, %get3A_489, %get3A_490] {strides = array<i32>} : memref<2x512x16xf32, #tpu.memory_space<vmem>>, vector<1x1x16xf32>,
          %get3A_492 = vector.shape_cast %get3A_491 : vector<1x1x16xf32> to vector<16xf32>
          %sub3A_493 = arith.subf %get3A_492, %get3A_4 : vector<16xf32>
          %mul3A_494 = arith.mulf %sub3A_493, %sub3A_493 : vector<16xf32>
          %swap3A_495 = arith.constant 1 : i32
          %swap3A_496 = arith.index_cast %swap3A_495 : i32 to index
          %swap3A_497 = arith.index_cast %scan3A_486 : i32 to index
          %swap3A_498 = arith.constant 0 : index
          %swap3A_499 = tpu.vector_load %arg8[%swap3A_496, %swap3A_497, %swap3A_498] {strides = array<i32>} : memref<2x512x16xf32, #tpu.memory_space<vmem>>, vector<1x1x16xf32>,
          %swap3A_500 = vector.shape_cast %swap3A_499 : vector<1x1x16xf32> to vector<16xf32>
          %swap3A_501 = vector.shape_cast %mul3A_494 : vector<16xf32> to vector<1x1x16xf32>
          tpu.vector_store %arg8[%swap3A_496, %swap3A_497, %swap3A_498], %swap3A_501 {strides = array<i32>} : memref<2x512x16xf32, #tpu.memory_space<vmem>>, vector<1x1x16xf32>,
          %scan3A_502 = arith.constant 5 : i32
          %scan3A_503 = arith.addi %scan3A_420, %scan3A_502 : i32
          %get3A_504 = arith.constant 1 : i32
          %get3A_505 = arith.index_cast %get3A_504 : i32 to index
          %get3A_506 = arith.index_cast %scan3A_503 : i32 to index
          %get3A_507 = arith.constant 0 : index
          %get3A_508 = tpu.vector_load %arg8[%get3A_505, %get3A_506, %get3A_507] {strides = array<i32>} : memref<2x512x16xf32, #tpu.memory_space<vmem>>, vector<1x1x16xf32>,
          %get3A_509 = vector.shape_cast %get3A_508 : vector<1x1x16xf32> to vector<16xf32>
          %sub3A_510 = arith.subf %get3A_509, %get3A_4 : vector<16xf32>
          %mul3A_511 = arith.mulf %sub3A_510, %sub3A_510 : vector<16xf32>
          %swap3A_512 = arith.constant 1 : i32
          %swap3A_513 = arith.index_cast %swap3A_512 : i32 to index
          %swap3A_514 = arith.index_cast %scan3A_503 : i32 to index
          %swap3A_515 = arith.constant 0 : index
          %swap3A_516 = tpu.vector_load %arg8[%swap3A_513, %swap3A_514, %swap3A_515] {strides = array<i32>} : memref<2x512x16xf32, #tpu.memory_space<vmem>>, vector<1x1x16xf32>,
          %swap3A_517 = vector.shape_cast %swap3A_516 : vector<1x1x16xf32> to vector<16xf32>
          %swap3A_518 = vector.shape_cast %mul3A_511 : vector<16xf32> to vector<1x1x16xf32>
          tpu.vector_store %arg8[%swap3A_513, %swap3A_514, %swap3A_515], %swap3A_518 {strides = array<i32>} : memref<2x512x16xf32, #tpu.memory_space<vmem>>, vector<1x1x16xf32>,
          %scan3A_519 = arith.constant 6 : i32
          %scan3A_520 = arith.addi %scan3A_420, %scan3A_519 : i32
          %get3A_521 = arith.constant 1 : i32
          %get3A_522 = arith.index_cast %get3A_521 : i32 to index
          %get3A_523 = arith.index_cast %scan3A_520 : i32 to index
          %get3A_524 = arith.constant 0 : index
          %get3A_525 = tpu.vector_load %arg8[%get3A_522, %get3A_523, %get3A_524] {strides = array<i32>} : memref<2x512x16xf32, #tpu.memory_space<vmem>>, vector<1x1x16xf32>,
          %get3A_526 = vector.shape_cast %get3A_525 : vector<1x1x16xf32> to vector<16xf32>
          %sub3A_527 = arith.subf %get3A_526, %get3A_4 : vector<16xf32>
          %mul3A_528 = arith.mulf %sub3A_527, %sub3A_527 : vector<16xf32>
          %swap3A_529 = arith.constant 1 : i32
          %swap3A_530 = arith.index_cast %swap3A_529 : i32 to index
          %swap3A_531 = arith.index_cast %scan3A_520 : i32 to index
          %swap3A_532 = arith.constant 0 : index
          %swap3A_533 = tpu.vector_load %arg8[%swap3A_530, %swap3A_531, %swap3A_532] {strides = array<i32>} : memref<2x512x16xf32, #tpu.memory_space<vmem>>, vector<1x1x16xf32>,
          %swap3A_534 = vector.shape_cast %swap3A_533 : vector<1x1x16xf32> to vector<16xf32>
          %swap3A_535 = vector.shape_cast %mul3A_528 : vector<16xf32> to vector<1x1x16xf32>
          tpu.vector_store %arg8[%swap3A_530, %swap3A_531, %swap3A_532], %swap3A_535 {strides = array<i32>} : memref<2x512x16xf32, #tpu.memory_space<vmem>>, vector<1x1x16xf32>,
          %scan3A_536 = arith.constant 7 : i32
          %scan3A_537 = arith.addi %scan3A_420, %scan3A_536 : i32
          %get3A_538 = arith.constant 1 : i32
          %get3A_539 = arith.index_cast %get3A_538 : i32 to index
          %get3A_540 = arith.index_cast %scan3A_537 : i32 to index
          %get3A_541 = arith.constant 0 : index
          %get3A_542 = tpu.vector_load %arg8[%get3A_539, %get3A_540, %get3A_541] {strides = array<i32>} : memref<2x512x16xf32, #tpu.memory_space<vmem>>, vector<1x1x16xf32>,
          %get3A_543 = vector.shape_cast %get3A_542 : vector<1x1x16xf32> to vector<16xf32>
          %sub3A_544 = arith.subf %get3A_543, %get3A_4 : vector<16xf32>
          %mul3A_545 = arith.mulf %sub3A_544, %sub3A_544 : vector<16xf32>
          %swap3A_546 = arith.constant 1 : i32
          %swap3A_547 = arith.index_cast %swap3A_546 : i32 to index
          %swap3A_548 = arith.index_cast %scan3A_537 : i32 to index
          %swap3A_549 = arith.constant 0 : index
          %swap3A_550 = tpu.vector_load %arg8[%swap3A_547, %swap3A_548, %swap3A_549] {strides = array<i32>} : memref<2x512x16xf32, #tpu.memory_space<vmem>>, vector<1x1x16xf32>,
          %swap3A_551 = vector.shape_cast %swap3A_550 : vector<1x1x16xf32> to vector<16xf32>
          %swap3A_552 = vector.shape_cast %mul3A_545 : vector<16xf32> to vector<1x1x16xf32>
          tpu.vector_store %arg8[%swap3A_547, %swap3A_548, %swap3A_549], %swap3A_552 {strides = array<i32>} : memref<2x512x16xf32, #tpu.memory_space<vmem>>, vector<1x1x16xf32>,
        }
        %scan3A_419 = arith.constant 512 : i32
      } else {
      }
      %dma_start3A_310 = arith.constant 1 : i32
      %dma_start3A_311 = arith.constant 1 : i32
      %dma_start3A_312 = arith.constant 0 : i32
      %dma_start3A_313 = arith.constant 0 : i32
      %dma_start3A_314 = arith.constant 0 : i32
      %dma_start3A_315 = tpu.memref_slice %arg8[%dma_start3A_310, %dma_start3A_313, %dma_start3A_314] : memref<2x512x16xf32, #tpu.memory_space<vmem>> -> memref<1x128x16xf32, #tpu.memory_space<vmem>>
      %dma_start3A_316 = tpu.memref_squeeze %dma_start3A_315 : memref<1x128x16xf32, #tpu.memory_space<vmem>> -> memref<128x16xf32, #tpu.memory_space<vmem>>
      %dma_start3A_317 = arith.constant 0 : i32
      %dma_start3A_318 = tpu.memref_slice %arg7[%dma_start3A_311, %dma_start3A_312, %dma_start3A_317] : memref<2x4x128xi32, #tpu.memory_space<vmem>> -> memref<1x1x128xi32, #tpu.memory_space<vmem>>
      %dma_start3A_319 = tpu.memref_squeeze %dma_start3A_318 : memref<1x1x128xi32, #tpu.memory_space<vmem>> -> memref<128xi32, #tpu.memory_space<vmem>>
      %dma_start3A_320 = arith.constant 0 : i32
      %dma_start3A_321 = arith.constant 0 : i32
      %dma_start3A_322 = tpu.memref_slice %arg10[%dma_start3A_320, %dma_start3A_321] : memref<100352x16xf32, #tpu.memory_space<vmem_shared>> -> memref<100352x16xf32, #tpu.memory_space<vmem_shared>>
      tpu.enqueue_indirect_dma source(%dma_start3A_316 : memref<128x16xf32, #tpu.memory_space<vmem>>) target(%dma_start3A_322 : memref<100352x16xf32, #tpu.memory_space<vmem_shared>>) offsets(%dma_start3A_319 : memref<128xi32, #tpu.memory_space<vmem>>) semaphore(%arg11 : memref<!tpu.dma_semaphore, #tpu.memory_space<semaphore_mem>>) {add = true}
      %dma_start3A_323 = arith.constant 1 : i32
      %dma_start3A_324 = arith.constant 1 : i32
      %dma_start3A_325 = arith.constant 1 : i32
      %dma_start3A_326 = arith.constant 128 : i32
      %dma_start3A_327 = arith.constant 0 : i32
      %dma_start3A_328 = tpu.memref_slice %arg8[%dma_start3A_323, %dma_start3A_326, %dma_start3A_327] : memref<2x512x16xf32, #tpu.memory_space<vmem>> -> memref<1x128x16xf32, #tpu.memory_space<vmem>>
      %dma_start3A_329 = tpu.memref_squeeze %dma_start3A_328 : memref<1x128x16xf32, #tpu.memory_space<vmem>> -> memref<128x16xf32, #tpu.memory_space<vmem>>
      %dma_start3A_330 = arith.constant 0 : i32
      %dma_start3A_331 = tpu.memref_slice %arg7[%dma_start3A_324, %dma_start3A_325, %dma_start3A_330] : memref<2x4x128xi32, #tpu.memory_space<vmem>> -> memref<1x1x128xi32, #tpu.memory_space<vmem>>
      %dma_start3A_332 = tpu.memref_squeeze %dma_start3A_331 : memref<1x1x128xi32, #tpu.memory_space<vmem>> -> memref<128xi32, #tpu.memory_space<vmem>>
      %dma_start3A_333 = arith.constant 0 : i32
      %dma_start3A_334 = arith.constant 0 : i32
      %dma_start3A_335 = tpu.memref_slice %arg10[%dma_start3A_333, %dma_start3A_334] : memref<100352x16xf32, #tpu.memory_space<vmem_shared>> -> memref<100352x16xf32, #tpu.memory_space<vmem_shared>>
      tpu.enqueue_indirect_dma source(%dma_start3A_329 : memref<128x16xf32, #tpu.memory_space<vmem>>) target(%dma_start3A_335 : memref<100352x16xf32, #tpu.memory_space<vmem_shared>>) offsets(%dma_start3A_332 : memref<128xi32, #tpu.memory_space<vmem>>) semaphore(%arg11 : memref<!tpu.dma_semaphore, #tpu.memory_space<semaphore_mem>>) {add = true}
      %dma_start3A_336 = arith.constant 1 : i32
      %dma_start3A_337 = arith.constant 1 : i32
      %dma_start3A_338 = arith.constant 2 : i32
      %dma_start3A_339 = arith.constant 256 : i32
      %dma_start3A_340 = arith.constant 0 : i32
      %dma_start3A_341 = tpu.memref_slice %arg8[%dma_start3A_336, %dma_start3A_339, %dma_start3A_340] : memref<2x512x16xf32, #tpu.memory_space<vmem>> -> memref<1x128x16xf32, #tpu.memory_space<vmem>>
      %dma_start3A_342 = tpu.memref_squeeze %dma_start3A_341 : memref<1x128x16xf32, #tpu.memory_space<vmem>> -> memref<128x16xf32, #tpu.memory_space<vmem>>
      %dma_start3A_343 = arith.constant 0 : i32
      %dma_start3A_344 = tpu.memref_slice %arg7[%dma_start3A_337, %dma_start3A_338, %dma_start3A_343] : memref<2x4x128xi32, #tpu.memory_space<vmem>> -> memref<1x1x128xi32, #tpu.memory_space<vmem>>
      %dma_start3A_345 = tpu.memref_squeeze %dma_start3A_344 : memref<1x1x128xi32, #tpu.memory_space<vmem>> -> memref<128xi32, #tpu.memory_space<vmem>>
      %dma_start3A_346 = arith.constant 0 : i32
      %dma_start3A_347 = arith.constant 0 : i32
      %dma_start3A_348 = tpu.memref_slice %arg10[%dma_start3A_346, %dma_start3A_347] : memref<100352x16xf32, #tpu.memory_space<vmem_shared>> -> memref<100352x16xf32, #tpu.memory_space<vmem_shared>>
      tpu.enqueue_indirect_dma source(%dma_start3A_342 : memref<128x16xf32, #tpu.memory_space<vmem>>) target(%dma_start3A_348 : memref<100352x16xf32, #tpu.memory_space<vmem_shared>>) offsets(%dma_start3A_345 : memref<128xi32, #tpu.memory_space<vmem>>) semaphore(%arg11 : memref<!tpu.dma_semaphore, #tpu.memory_space<semaphore_mem>>) {add = true}
      %dma_start3A_349 = arith.constant 1 : i32
      %dma_start3A_350 = arith.constant 1 : i32
      %dma_start3A_351 = arith.constant 3 : i32
      %dma_start3A_352 = arith.constant 384 : i32
      %dma_start3A_353 = arith.constant 0 : i32
      %dma_start3A_354 = tpu.memref_slice %arg8[%dma_start3A_349, %dma_start3A_352, %dma_start3A_353] : memref<2x512x16xf32, #tpu.memory_space<vmem>> -> memref<1x128x16xf32, #tpu.memory_space<vmem>>
      %dma_start3A_355 = tpu.memref_squeeze %dma_start3A_354 : memref<1x128x16xf32, #tpu.memory_space<vmem>> -> memref<128x16xf32, #tpu.memory_space<vmem>>
      %dma_start3A_356 = arith.constant 0 : i32
      %dma_start3A_357 = tpu.memref_slice %arg7[%dma_start3A_350, %dma_start3A_351, %dma_start3A_356] : memref<2x4x128xi32, #tpu.memory_space<vmem>> -> memref<1x1x128xi32, #tpu.memory_space<vmem>>
      %dma_start3A_358 = tpu.memref_squeeze %dma_start3A_357 : memref<1x1x128xi32, #tpu.memory_space<vmem>> -> memref<128xi32, #tpu.memory_space<vmem>>
      %dma_start3A_359 = arith.constant 0 : i32
      %dma_start3A_360 = arith.constant 0 : i32
      %dma_start3A_361 = tpu.memref_slice %arg10[%dma_start3A_359, %dma_start3A_360] : memref<100352x16xf32, #tpu.memory_space<vmem_shared>> -> memref<100352x16xf32, #tpu.memory_space<vmem_shared>>
      tpu.enqueue_indirect_dma source(%dma_start3A_355 : memref<128x16xf32, #tpu.memory_space<vmem>>) target(%dma_start3A_361 : memref<100352x16xf32, #tpu.memory_space<vmem_shared>>) offsets(%dma_start3A_358 : memref<128xi32, #tpu.memory_space<vmem>>) semaphore(%arg11 : memref<!tpu.dma_semaphore, #tpu.memory_space<semaphore_mem>>) {add = true}
      %dma_wait3A_362 = arith.constant 1 : i32
      %dma_wait3A_363 = arith.constant 1 : i32
      %dma_wait3A_364 = arith.constant 0 : i32
      %dma_wait3A_365 = arith.constant 0 : i32
      %dma_wait3A_366 = arith.constant 0 : i32
      %dma_wait3A_367 = tpu.memref_slice %arg8[%dma_wait3A_362, %dma_wait3A_365, %dma_wait3A_366] : memref<2x512x16xf32, #tpu.memory_space<vmem>> -> memref<1x128x16xf32, #tpu.memory_space<vmem>>
      %dma_wait3A_368 = tpu.memref_squeeze %dma_wait3A_367 : memref<1x128x16xf32, #tpu.memory_space<vmem>> -> memref<128x16xf32, #tpu.memory_space<vmem>>
      %dma_wait3A_369 = arith.constant 0 : i32
      %dma_wait3A_370 = tpu.memref_slice %arg7[%dma_wait3A_363, %dma_wait3A_364, %dma_wait3A_369] : memref<2x4x128xi32, #tpu.memory_space<vmem>> -> memref<1x1x128xi32, #tpu.memory_space<vmem>>
      %dma_wait3A_371 = tpu.memref_squeeze %dma_wait3A_370 : memref<1x1x128xi32, #tpu.memory_space<vmem>> -> memref<128xi32, #tpu.memory_space<vmem>>
      %dma_wait3A_372 = arith.constant 0 : i32
      %dma_wait3A_373 = arith.constant 0 : i32
      %dma_wait3A_374 = tpu.memref_slice %arg10[%dma_wait3A_372, %dma_wait3A_373] : memref<100352x16xf32, #tpu.memory_space<vmem_shared>> -> memref<100352x16xf32, #tpu.memory_space<vmem_shared>>
      tpu.wait_indirect_dma semaphore(%arg11 : memref<!tpu.dma_semaphore, #tpu.memory_space<semaphore_mem>>) src(%dma_wait3A_368 : memref<128x16xf32, #tpu.memory_space<vmem>>) dst(%dma_wait3A_374 : memref<100352x16xf32, #tpu.memory_space<vmem_shared>>)
      %dma_wait3A_375 = arith.constant 1 : i32
      %dma_wait3A_376 = arith.constant 1 : i32
      %dma_wait3A_377 = arith.constant 1 : i32
      %dma_wait3A_378 = arith.constant 128 : i32
      %dma_wait3A_379 = arith.constant 0 : i32
      %dma_wait3A_380 = tpu.memref_slice %arg8[%dma_wait3A_375, %dma_wait3A_378, %dma_wait3A_379] : memref<2x512x16xf32, #tpu.memory_space<vmem>> -> memref<1x128x16xf32, #tpu.memory_space<vmem>>
      %dma_wait3A_381 = tpu.memref_squeeze %dma_wait3A_380 : memref<1x128x16xf32, #tpu.memory_space<vmem>> -> memref<128x16xf32, #tpu.memory_space<vmem>>
      %dma_wait3A_382 = arith.constant 0 : i32
      %dma_wait3A_383 = tpu.memref_slice %arg7[%dma_wait3A_376, %dma_wait3A_377, %dma_wait3A_382] : memref<2x4x128xi32, #tpu.memory_space<vmem>> -> memref<1x1x128xi32, #tpu.memory_space<vmem>>
      %dma_wait3A_384 = tpu.memref_squeeze %dma_wait3A_383 : memref<1x1x128xi32, #tpu.memory_space<vmem>> -> memref<128xi32, #tpu.memory_space<vmem>>
      %dma_wait3A_385 = arith.constant 0 : i32
      %dma_wait3A_386 = arith.constant 0 : i32
      %dma_wait3A_387 = tpu.memref_slice %arg10[%dma_wait3A_385, %dma_wait3A_386] : memref<100352x16xf32, #tpu.memory_space<vmem_shared>> -> memref<100352x16xf32, #tpu.memory_space<vmem_shared>>
      tpu.wait_indirect_dma semaphore(%arg11 : memref<!tpu.dma_semaphore, #tpu.memory_space<semaphore_mem>>) src(%dma_wait3A_381 : memref<128x16xf32, #tpu.memory_space<vmem>>) dst(%dma_wait3A_387 : memref<100352x16xf32, #tpu.memory_space<vmem_shared>>)
      %dma_wait3A_388 = arith.constant 1 : i32
      %dma_wait3A_389 = arith.constant 1 : i32
      %dma_wait3A_390 = arith.constant 2 : i32
      %dma_wait3A_391 = arith.constant 256 : i32
      %dma_wait3A_392 = arith.constant 0 : i32
      %dma_wait3A_393 = tpu.memref_slice %arg8[%dma_wait3A_388, %dma_wait3A_391, %dma_wait3A_392] : memref<2x512x16xf32, #tpu.memory_space<vmem>> -> memref<1x128x16xf32, #tpu.memory_space<vmem>>
      %dma_wait3A_394 = tpu.memref_squeeze %dma_wait3A_393 : memref<1x128x16xf32, #tpu.memory_space<vmem>> -> memref<128x16xf32, #tpu.memory_space<vmem>>
      %dma_wait3A_395 = arith.constant 0 : i32
      %dma_wait3A_396 = tpu.memref_slice %arg7[%dma_wait3A_389, %dma_wait3A_390, %dma_wait3A_395] : memref<2x4x128xi32, #tpu.memory_space<vmem>> -> memref<1x1x128xi32, #tpu.memory_space<vmem>>
      %dma_wait3A_397 = tpu.memref_squeeze %dma_wait3A_396 : memref<1x1x128xi32, #tpu.memory_space<vmem>> -> memref<128xi32, #tpu.memory_space<vmem>>
      %dma_wait3A_398 = arith.constant 0 : i32
      %dma_wait3A_399 = arith.constant 0 : i32
      %dma_wait3A_400 = tpu.memref_slice %arg10[%dma_wait3A_398, %dma_wait3A_399] : memref<100352x16xf32, #tpu.memory_space<vmem_shared>> -> memref<100352x16xf32, #tpu.memory_space<vmem_shared>>
      tpu.wait_indirect_dma semaphore(%arg11 : memref<!tpu.dma_semaphore, #tpu.memory_space<semaphore_mem>>) src(%dma_wait3A_394 : memref<128x16xf32, #tpu.memory_space<vmem>>) dst(%dma_wait3A_400 : memref<100352x16xf32, #tpu.memory_space<vmem_shared>>)
      %dma_wait3A_401 = arith.constant 1 : i32
      %dma_wait3A_402 = arith.constant 1 : i32
      %dma_wait3A_403 = arith.constant 3 : i32
      %dma_wait3A_404 = arith.constant 384 : i32
      %dma_wait3A_405 = arith.constant 0 : i32
      %dma_wait3A_406 = tpu.memref_slice %arg8[%dma_wait3A_401, %dma_wait3A_404, %dma_wait3A_405] : memref<2x512x16xf32, #tpu.memory_space<vmem>> -> memref<1x128x16xf32, #tpu.memory_space<vmem>>
      %dma_wait3A_407 = tpu.memref_squeeze %dma_wait3A_406 : memref<1x128x16xf32, #tpu.memory_space<vmem>> -> memref<128x16xf32, #tpu.memory_space<vmem>>
      %dma_wait3A_408 = arith.constant 0 : i32
      %dma_wait3A_409 = tpu.memref_slice %arg7[%dma_wait3A_402, %dma_wait3A_403, %dma_wait3A_408] : memref<2x4x128xi32, #tpu.memory_space<vmem>> -> memref<1x1x128xi32, #tpu.memory_space<vmem>>
      %dma_wait3A_410 = tpu.memref_squeeze %dma_wait3A_409 : memref<1x1x128xi32, #tpu.memory_space<vmem>> -> memref<128xi32, #tpu.memory_space<vmem>>
      %dma_wait3A_411 = arith.constant 0 : i32
      %dma_wait3A_412 = arith.constant 0 : i32
      %dma_wait3A_413 = tpu.memref_slice %arg10[%dma_wait3A_411, %dma_wait3A_412] : memref<100352x16xf32, #tpu.memory_space<vmem_shared>> -> memref<100352x16xf32, #tpu.memory_space<vmem_shared>>
      tpu.wait_indirect_dma semaphore(%arg11 : memref<!tpu.dma_semaphore, #tpu.memory_space<semaphore_mem>>) src(%dma_wait3A_407 : memref<128x16xf32, #tpu.memory_space<vmem>>) dst(%dma_wait3A_413 : memref<100352x16xf32, #tpu.memory_space<vmem_shared>>)
    }
    %scan3A_42 = arith.constant 98 : i32
    %barrier3A_43 = arith.constant 0 : index
    tpu.barrier barrier_id(%barrier3A_43)
    %mul3A_44 = arith.constant 6272 : i32
    %mul3A_45 = arith.muli %arg1, %mul3A_44 : i32
    %add3A_46 = arith.constant 0 : i32
    %add3A_47 = arith.addi %add3A_46, %arg0 : i32
    %mul3A_48 = arith.constant 6272 : i32
    %mul3A_49 = arith.muli %arg1, %mul3A_48 : i32
    "tpu.region"() ({
      %run_scoped3A = tpu.sem_alloc : memref<!tpu.dma_semaphore, #tpu.memory_space<semaphore_mem>>
      %dma_start3A_100 = arith.constant 0 : i32
      %dma_start3A_101 = tpu.memref_slice %arg6[%add3A_47, %mul3A_49, %dma_start3A_100] : memref<4x100352x16xf32, #tpu.memory_space<hbm>> -> memref<1x6272x16xf32, #tpu.memory_space<hbm>>
      %dma_start3A_102 = tpu.memref_squeeze %dma_start3A_101 : memref<1x6272x16xf32, #tpu.memory_space<hbm>> -> memref<6272x16xf32, #tpu.memory_space<hbm>>
      %dma_start3A_103 = arith.constant 0 : i32
      %dma_start3A_104 = tpu.memref_slice %arg10[%mul3A_45, %dma_start3A_103] : memref<100352x16xf32, #tpu.memory_space<vmem_shared>> -> memref<6272x16xf32, #tpu.memory_space<vmem_shared>>
      tpu.enqueue_dma source(%dma_start3A_104 : memref<6272x16xf32, #tpu.memory_space<vmem_shared>>) target(%dma_start3A_102 : memref<6272x16xf32, #tpu.memory_space<hbm>>) target_semaphore(%run_scoped3A : memref<!tpu.dma_semaphore, #tpu.memory_space<semaphore_mem>>)
      %dma_wait3A = arith.constant 0 : i32
      %dma_wait3A_105 = tpu.memref_slice %arg6[%add3A_47, %mul3A_49, %dma_wait3A] : memref<4x100352x16xf32, #tpu.memory_space<hbm>> -> memref<1x6272x16xf32, #tpu.memory_space<hbm>>
      %dma_wait3A_106 = tpu.memref_squeeze %dma_wait3A_105 : memref<1x6272x16xf32, #tpu.memory_space<hbm>> -> memref<6272x16xf32, #tpu.memory_space<hbm>>
      %dma_wait3A_107 = arith.constant 0 : i32
      %dma_wait3A_108 = tpu.memref_slice %arg10[%mul3A_45, %dma_wait3A_107] : memref<100352x16xf32, #tpu.memory_space<vmem_shared>> -> memref<6272x16xf32, #tpu.memory_space<vmem_shared>>
      tpu.wait_dma2 semaphore(%run_scoped3A : memref<!tpu.dma_semaphore, #tpu.memory_space<semaphore_mem>>) src(%dma_wait3A_108 : memref<6272x16xf32, #tpu.memory_space<vmem_shared>>) dst(%dma_wait3A_106 : memref<6272x16xf32, #tpu.memory_space<hbm>>)
      tpu.yield
    }) : () -> ()
    %mul3A_50 = arith.constant 6272 : i32
    %mul3A_51 = arith.muli %arg1, %mul3A_50 : i32
    "tpu.region"() ({
      %run_scoped3A = tpu.sem_alloc : memref<!tpu.dma_semaphore, #tpu.memory_space<semaphore_mem>>
      %dma_start3A_100 = arith.constant 0 : i32
      %dma_start3A_101 = tpu.memref_slice %arg10[%mul3A_51, %dma_start3A_100] : memref<100352x16xf32, #tpu.memory_space<vmem_shared>> -> memref<6272x16xf32, #tpu.memory_space<vmem_shared>>
      tpu.enqueue_dma source(%arg4 : memref<6272x16xf32, #tpu.memory_space<hbm>>) target(%dma_start3A_101 : memref<6272x16xf32, #tpu.memory_space<vmem_shared>>) target_semaphore(%run_scoped3A : memref<!tpu.dma_semaphore, #tpu.memory_space<semaphore_mem>>)
      %dma_wait3A = arith.constant 0 : i32
      %dma_wait3A_102 = tpu.memref_slice %arg10[%mul3A_51, %dma_wait3A] : memref<100352x16xf32, #tpu.memory_space<vmem_shared>> -> memref<6272x16xf32, #tpu.memory_space<vmem_shared>>
      tpu.wait_dma2 semaphore(%run_scoped3A : memref<!tpu.dma_semaphore, #tpu.memory_space<semaphore_mem>>) src(%arg4 : memref<6272x16xf32, #tpu.memory_space<hbm>>) dst(%dma_wait3A_102 : memref<6272x16xf32, #tpu.memory_space<vmem_shared>>)
      tpu.yield
    }) : () -> ()
    %barrier3A_52 = arith.constant 0 : index
    tpu.barrier barrier_id(%barrier3A_52)
    %mul3A_53 = arith.constant 100352 : i32
    %mul3A_54 = arith.muli %arg1, %mul3A_53 : i32
    %add3A_55 = arith.constant 0 : i32
    %add3A_56 = arith.addi %mul3A_54, %add3A_55 : i32
    %mul3A_57 = arith.constant 784 : i32
    %mul3A_58 = arith.muli %arg1, %mul3A_57 : i32
    %add3A_59 = arith.constant 0 : i32
    %add3A_60 = arith.addi %mul3A_58, %add3A_59 : i32
    %dma_start3A_61 = arith.constant 0 : i32
    %dma_start3A_62 = arith.constant 0 : i32
    %dma_start3A_63 = arith.constant 0 : i32
    %dma_start3A_64 = tpu.memref_slice %arg7[%dma_start3A_61, %dma_start3A_62, %dma_start3A_63] : memref<2x4x128xi32, #tpu.memory_space<vmem>> -> memref<1x4x128xi32, #tpu.memory_space<vmem>>
    %dma_start3A_65 = tpu.memref_squeeze %dma_start3A_64 : memref<1x4x128xi32, #tpu.memory_space<vmem>> -> memref<4x128xi32, #tpu.memory_space<vmem>>
    %dma_start3A_66 = arith.constant 0 : i32
    %dma_start3A_67 = tpu.memref_slice %arg3[%add3A_60, %dma_start3A_66] : memref<12544x128xi32, #tpu.memory_space<hbm>> -> memref<4x128xi32, #tpu.memory_space<hbm>>
    %dma_start3A_68 = arith.constant 0 : i32
    %dma_start3A_69 = arith.constant 0 : i32
    %dma_start3A_70 = tpu.memref_slice %arg7[%dma_start3A_61, %dma_start3A_68, %dma_start3A_69] : memref<2x4x128xi32, #tpu.memory_space<vmem>> -> memref<1x4x128xi32, #tpu.memory_space<vmem>>
    %dma_start3A_71 = tpu.memref_squeeze %dma_start3A_70 : memref<1x4x128xi32, #tpu.memory_space<vmem>> -> memref<4x128xi32, #tpu.memory_space<vmem>>
    %dma_start3A_72 = arith.constant 0 : i32
    %dma_start3A_73 = tpu.memref_slice %arg3[%add3A_60, %dma_start3A_72] : memref<12544x128xi32, #tpu.memory_space<hbm>> -> memref<4x128xi32, #tpu.memory_space<hbm>>
    tpu.enqueue_dma source(%dma_start3A_73 : memref<4x128xi32, #tpu.memory_space<hbm>>) target(%dma_start3A_71 : memref<4x128xi32, #tpu.memory_space<vmem>>) target_semaphore(%arg12 : memref<!tpu.dma_semaphore, #tpu.memory_space<semaphore_mem>>)
    %dma_start3A_74 = arith.constant 0 : i32
    %dma_start3A_75 = arith.constant 0 : i32
    %dma_start3A_76 = arith.constant 0 : i32
    %dma_start3A_77 = tpu.memref_slice %arg8[%dma_start3A_74, %dma_start3A_75, %dma_start3A_76] : memref<2x512x16xf32, #tpu.memory_space<vmem>> -> memref<1x512x16xf32, #tpu.memory_space<vmem>>
    %dma_start3A_78 = tpu.memref_squeeze %dma_start3A_77 : memref<1x512x16xf32, #tpu.memory_space<vmem>> -> memref<512x16xf32, #tpu.memory_space<vmem>>
    %dma_start3A_79 = arith.constant 0 : i32
    %dma_start3A_80 = tpu.memref_slice %arg2[%add3A_56, %dma_start3A_79] : memref<1605632x16xf32, #tpu.memory_space<hbm>> -> memref<512x16xf32, #tpu.memory_space<hbm>>
    %dma_start3A_81 = arith.constant 0 : i32
    %dma_start3A_82 = arith.constant 0 : i32
    %dma_start3A_83 = tpu.memref_slice %arg8[%dma_start3A_74, %dma_start3A_81, %dma_start3A_82] : memref<2x512x16xf32, #tpu.memory_space<vmem>> -> memref<1x512x16xf32, #tpu.memory_space<vmem>>
    %dma_start3A_84 = tpu.memref_squeeze %dma_start3A_83 : memref<1x512x16xf32, #tpu.memory_space<vmem>> -> memref<512x16xf32, #tpu.memory_space<vmem>>
    %dma_start3A_85 = arith.constant 0 : i32
    %dma_start3A_86 = tpu.memref_slice %arg2[%add3A_56, %dma_start3A_85] : memref<1605632x16xf32, #tpu.memory_space<hbm>> -> memref<512x16xf32, #tpu.memory_space<hbm>>
    tpu.enqueue_dma source(%dma_start3A_86 : memref<512x16xf32, #tpu.memory_space<hbm>>) target(%dma_start3A_84 : memref<512x16xf32, #tpu.memory_space<vmem>>) target_semaphore(%arg12 : memref<!tpu.dma_semaphore, #tpu.memory_space<semaphore_mem>>)
    %scan3A_87 = arith.constant 0 : i32
    %scan3A_88 = arith.constant 0 : i32
    %scan3A_89 = arith.constant 98 : i32
    %scan3A_90 = arith.addi %scan3A_88, %scan3A_89 : i32
    %scan3A_91 = arith.constant 1 : i32
    scf.for %scan3A_100 = %scan3A_88 to %scan3A_90 step %scan3A_91  : i32 {
      %mul3A_101 = arith.constant 2 : i32
      %mul3A_102 = arith.muli %mul3A_101, %scan3A_100 : i32
      %add3A_103 = arith.constant 0 : i32
      %add3A_104 = arith.addi %mul3A_102, %add3A_103 : i32
      %mul3A_105 = arith.constant 100352 : i32
      %mul3A_106 = arith.muli %arg1, %mul3A_105 : i32
      %mul3A_107 = arith.constant 512 : i32
      %mul3A_108 = arith.muli %add3A_104, %mul3A_107 : i32
      %add3A_109 = arith.addi %mul3A_106, %mul3A_108 : i32
      %mul3A_110 = arith.constant 784 : i32
      %mul3A_111 = arith.muli %arg1, %mul3A_110 : i32
      %mul3A_112 = arith.constant 4 : i32
      %mul3A_113 = arith.muli %add3A_104, %mul3A_112 : i32
      %add3A_114 = arith.addi %mul3A_111, %mul3A_113 : i32
      %dma_wait3A = arith.constant 0 : i32
      %dma_wait3A_115 = arith.constant 0 : i32
      %dma_wait3A_116 = arith.constant 0 : i32
      %dma_wait3A_117 = tpu.memref_slice %arg7[%dma_wait3A, %dma_wait3A_115, %dma_wait3A_116] : memref<2x4x128xi32, #tpu.memory_space<vmem>> -> memref<1x4x128xi32, #tpu.memory_space<vmem>>
      %dma_wait3A_118 = tpu.memref_squeeze %dma_wait3A_117 : memref<1x4x128xi32, #tpu.memory_space<vmem>> -> memref<4x128xi32, #tpu.memory_space<vmem>>
      %dma_wait3A_119 = arith.constant 0 : i32
      %dma_wait3A_120 = tpu.memref_slice %arg3[%add3A_114, %dma_wait3A_119] : memref<12544x128xi32, #tpu.memory_space<hbm>> -> memref<4x128xi32, #tpu.memory_space<hbm>>
      %dma_wait3A_121 = arith.constant 0 : i32
      %dma_wait3A_122 = arith.constant 0 : i32
      %dma_wait3A_123 = tpu.memref_slice %arg7[%dma_wait3A, %dma_wait3A_121, %dma_wait3A_122] : memref<2x4x128xi32, #tpu.memory_space<vmem>> -> memref<1x4x128xi32, #tpu.memory_space<vmem>>
      %dma_wait3A_124 = tpu.memref_squeeze %dma_wait3A_123 : memref<1x4x128xi32, #tpu.memory_space<vmem>> -> memref<4x128xi32, #tpu.memory_space<vmem>>
      %dma_wait3A_125 = arith.constant 0 : i32
      %dma_wait3A_126 = tpu.memref_slice %arg3[%add3A_114, %dma_wait3A_125] : memref<12544x128xi32, #tpu.memory_space<hbm>> -> memref<4x128xi32, #tpu.memory_space<hbm>>
      tpu.wait_dma2 semaphore(%arg12 : memref<!tpu.dma_semaphore, #tpu.memory_space<semaphore_mem>>) src(%dma_wait3A_126 : memref<4x128xi32, #tpu.memory_space<hbm>>) dst(%dma_wait3A_124 : memref<4x128xi32, #tpu.memory_space<vmem>>)
      %dma_wait3A_127 = arith.constant 0 : i32
      %dma_wait3A_128 = arith.constant 0 : i32
      %dma_wait3A_129 = arith.constant 0 : i32
      %dma_wait3A_130 = tpu.memref_slice %arg8[%dma_wait3A_127, %dma_wait3A_128, %dma_wait3A_129] : memref<2x512x16xf32, #tpu.memory_space<vmem>> -> memref<1x512x16xf32, #tpu.memory_space<vmem>>
      %dma_wait3A_131 = tpu.memref_squeeze %dma_wait3A_130 : memref<1x512x16xf32, #tpu.memory_space<vmem>> -> memref<512x16xf32, #tpu.memory_space<vmem>>
      %dma_wait3A_132 = arith.constant 0 : i32
      %dma_wait3A_133 = tpu.memref_slice %arg2[%add3A_109, %dma_wait3A_132] : memref<1605632x16xf32, #tpu.memory_space<hbm>> -> memref<512x16xf32, #tpu.memory_space<hbm>>
      %dma_wait3A_134 = arith.constant 0 : i32
      %dma_wait3A_135 = arith.constant 0 : i32
      %dma_wait3A_136 = tpu.memref_slice %arg8[%dma_wait3A_127, %dma_wait3A_134, %dma_wait3A_135] : memref<2x512x16xf32, #tpu.memory_space<vmem>> -> memref<1x512x16xf32, #tpu.memory_space<vmem>>
      %dma_wait3A_137 = tpu.memref_squeeze %dma_wait3A_136 : memref<1x512x16xf32, #tpu.memory_space<vmem>> -> memref<512x16xf32, #tpu.memory_space<vmem>>
      %dma_wait3A_138 = arith.constant 0 : i32
      %dma_wait3A_139 = tpu.memref_slice %arg2[%add3A_109, %dma_wait3A_138] : memref<1605632x16xf32, #tpu.memory_space<hbm>> -> memref<512x16xf32, #tpu.memory_space<hbm>>
      tpu.wait_dma2 semaphore(%arg12 : memref<!tpu.dma_semaphore, #tpu.memory_space<semaphore_mem>>) src(%dma_wait3A_139 : memref<512x16xf32, #tpu.memory_space<hbm>>) dst(%dma_wait3A_137 : memref<512x16xf32, #tpu.memory_space<vmem>>)
      %add3A_140 = arith.constant 1 : i32
      %add3A_141 = arith.addi %add3A_104, %add3A_140 : i32
      %lt3A = arith.constant 196 : i32
      %lt3A_142 = arith.cmpi slt, %add3A_141, %lt3A : i32
      %convert_element_type3A = arith.extui %lt3A_142 : i1 to i32
      %cond3A = arith.constant 0 : i32
      %cond3A_143 = arith.cmpi ne, %convert_element_type3A, %cond3A : i32
      scf.if %cond3A_143 {
        %add3A_414 = arith.constant 1 : i32
        %add3A_415 = arith.addi %add3A_104, %add3A_414 : i32
        %mul3A_416 = arith.constant 100352 : i32
        %mul3A_417 = arith.muli %arg1, %mul3A_416 : i32
        %mul3A_418 = arith.constant 512 : i32
        %mul3A_419 = arith.muli %add3A_415, %mul3A_418 : i32
        %add3A_420 = arith.addi %mul3A_417, %mul3A_419 : i32
        %mul3A_421 = arith.constant 784 : i32
        %mul3A_422 = arith.muli %arg1, %mul3A_421 : i32
        %mul3A_423 = arith.constant 4 : i32
        %mul3A_424 = arith.muli %add3A_415, %mul3A_423 : i32
        %add3A_425 = arith.addi %mul3A_422, %mul3A_424 : i32
        %dma_start3A_426 = arith.constant 1 : i32
        %dma_start3A_427 = arith.constant 0 : i32
        %dma_start3A_428 = arith.constant 0 : i32
        %dma_start3A_429 = tpu.memref_slice %arg7[%dma_start3A_426, %dma_start3A_427, %dma_start3A_428] : memref<2x4x128xi32, #tpu.memory_space<vmem>> -> memref<1x4x128xi32, #tpu.memory_space<vmem>>
        %dma_start3A_430 = tpu.memref_squeeze %dma_start3A_429 : memref<1x4x128xi32, #tpu.memory_space<vmem>> -> memref<4x128xi32, #tpu.memory_space<vmem>>
        %dma_start3A_431 = arith.constant 0 : i32
        %dma_start3A_432 = tpu.memref_slice %arg3[%add3A_425, %dma_start3A_431] : memref<12544x128xi32, #tpu.memory_space<hbm>> -> memref<4x128xi32, #tpu.memory_space<hbm>>
        %dma_start3A_433 = arith.constant 0 : i32
        %dma_start3A_434 = arith.constant 0 : i32
        %dma_start3A_435 = tpu.memref_slice %arg7[%dma_start3A_426, %dma_start3A_433, %dma_start3A_434] : memref<2x4x128xi32, #tpu.memory_space<vmem>> -> memref<1x4x128xi32, #tpu.memory_space<vmem>>
        %dma_start3A_436 = tpu.memref_squeeze %dma_start3A_435 : memref<1x4x128xi32, #tpu.memory_space<vmem>> -> memref<4x128xi32, #tpu.memory_space<vmem>>
        %dma_start3A_437 = arith.constant 0 : i32
        %dma_start3A_438 = tpu.memref_slice %arg3[%add3A_425, %dma_start3A_437] : memref<12544x128xi32, #tpu.memory_space<hbm>> -> memref<4x128xi32, #tpu.memory_space<hbm>>
        tpu.enqueue_dma source(%dma_start3A_438 : memref<4x128xi32, #tpu.memory_space<hbm>>) target(%dma_start3A_436 : memref<4x128xi32, #tpu.memory_space<vmem>>) target_semaphore(%arg13 : memref<!tpu.dma_semaphore, #tpu.memory_space<semaphore_mem>>)
        %dma_start3A_439 = arith.constant 1 : i32
        %dma_start3A_440 = arith.constant 0 : i32
        %dma_start3A_441 = arith.constant 0 : i32
        %dma_start3A_442 = tpu.memref_slice %arg8[%dma_start3A_439, %dma_start3A_440, %dma_start3A_441] : memref<2x512x16xf32, #tpu.memory_space<vmem>> -> memref<1x512x16xf32, #tpu.memory_space<vmem>>
        %dma_start3A_443 = tpu.memref_squeeze %dma_start3A_442 : memref<1x512x16xf32, #tpu.memory_space<vmem>> -> memref<512x16xf32, #tpu.memory_space<vmem>>
        %dma_start3A_444 = arith.constant 0 : i32
        %dma_start3A_445 = tpu.memref_slice %arg2[%add3A_420, %dma_start3A_444] : memref<1605632x16xf32, #tpu.memory_space<hbm>> -> memref<512x16xf32, #tpu.memory_space<hbm>>
        %dma_start3A_446 = arith.constant 0 : i32
        %dma_start3A_447 = arith.constant 0 : i32
        %dma_start3A_448 = tpu.memref_slice %arg8[%dma_start3A_439, %dma_start3A_446, %dma_start3A_447] : memref<2x512x16xf32, #tpu.memory_space<vmem>> -> memref<1x512x16xf32, #tpu.memory_space<vmem>>
        %dma_start3A_449 = tpu.memref_squeeze %dma_start3A_448 : memref<1x512x16xf32, #tpu.memory_space<vmem>> -> memref<512x16xf32, #tpu.memory_space<vmem>>
        %dma_start3A_450 = arith.constant 0 : i32
        %dma_start3A_451 = tpu.memref_slice %arg2[%add3A_420, %dma_start3A_450] : memref<1605632x16xf32, #tpu.memory_space<hbm>> -> memref<512x16xf32, #tpu.memory_space<hbm>>
        tpu.enqueue_dma source(%dma_start3A_451 : memref<512x16xf32, #tpu.memory_space<hbm>>) target(%dma_start3A_449 : memref<512x16xf32, #tpu.memory_space<vmem>>) target_semaphore(%arg13 : memref<!tpu.dma_semaphore, #tpu.memory_space<semaphore_mem>>)
      } else {
      }
      %convert_element_type3A_144 = arith.extui %eq3A_0 : i1 to i32
      %cond3A_145 = arith.constant 0 : i32
      %cond3A_146 = arith.cmpi ne, %convert_element_type3A_144, %cond3A_145 : i32
      scf.if %cond3A_146 {
        %scan3A_414 = arith.constant 0 : i32
        %scan3A_415 = arith.constant 0 : i32
        %scan3A_416 = arith.constant 512 : i32
        %scan3A_417 = arith.addi %scan3A_415, %scan3A_416 : i32
        %scan3A_418 = arith.constant 8 : i32
        scf.for %scan3A_420 = %scan3A_415 to %scan3A_417 step %scan3A_418  : i32 {
          %get3A_421 = arith.constant 0 : i32
          %get3A_422 = arith.index_cast %get3A_421 : i32 to index
          %get3A_423 = arith.index_cast %scan3A_420 : i32 to index
          %get3A_424 = arith.constant 0 : index
          %get3A_425 = tpu.vector_load %arg8[%get3A_422, %get3A_423, %get3A_424] {strides = array<i32>} : memref<2x512x16xf32, #tpu.memory_space<vmem>>, vector<1x1x16xf32>,
          %get3A_426 = vector.shape_cast %get3A_425 : vector<1x1x16xf32> to vector<16xf32>
          %sub3A = arith.subf %get3A_426, %get3A_4 : vector<16xf32>
          %mul3A_427 = arith.mulf %sub3A, %sub3A : vector<16xf32>
          %mul3A_428 = arith.mulf %mul3A_427, %sub3A : vector<16xf32>
          %swap3A = arith.constant 0 : i32
          %swap3A_429 = arith.index_cast %swap3A : i32 to index
          %swap3A_430 = arith.index_cast %scan3A_420 : i32 to index
          %swap3A_431 = arith.constant 0 : index
          %swap3A_432 = tpu.vector_load %arg8[%swap3A_429, %swap3A_430, %swap3A_431] {strides = array<i32>} : memref<2x512x16xf32, #tpu.memory_space<vmem>>, vector<1x1x16xf32>,
          %swap3A_433 = vector.shape_cast %swap3A_432 : vector<1x1x16xf32> to vector<16xf32>
          %swap3A_434 = vector.shape_cast %mul3A_428 : vector<16xf32> to vector<1x1x16xf32>
          tpu.vector_store %arg8[%swap3A_429, %swap3A_430, %swap3A_431], %swap3A_434 {strides = array<i32>} : memref<2x512x16xf32, #tpu.memory_space<vmem>>, vector<1x1x16xf32>,
          %scan3A_435 = arith.constant 1 : i32
          %scan3A_436 = arith.addi %scan3A_420, %scan3A_435 : i32
          %get3A_437 = arith.constant 0 : i32
          %get3A_438 = arith.index_cast %get3A_437 : i32 to index
          %get3A_439 = arith.index_cast %scan3A_436 : i32 to index
          %get3A_440 = arith.constant 0 : index
          %get3A_441 = tpu.vector_load %arg8[%get3A_438, %get3A_439, %get3A_440] {strides = array<i32>} : memref<2x512x16xf32, #tpu.memory_space<vmem>>, vector<1x1x16xf32>,
          %get3A_442 = vector.shape_cast %get3A_441 : vector<1x1x16xf32> to vector<16xf32>
          %sub3A_443 = arith.subf %get3A_442, %get3A_4 : vector<16xf32>
          %mul3A_444 = arith.mulf %sub3A_443, %sub3A_443 : vector<16xf32>
          %mul3A_445 = arith.mulf %mul3A_444, %sub3A_443 : vector<16xf32>
          %swap3A_446 = arith.constant 0 : i32
          %swap3A_447 = arith.index_cast %swap3A_446 : i32 to index
          %swap3A_448 = arith.index_cast %scan3A_436 : i32 to index
          %swap3A_449 = arith.constant 0 : index
          %swap3A_450 = tpu.vector_load %arg8[%swap3A_447, %swap3A_448, %swap3A_449] {strides = array<i32>} : memref<2x512x16xf32, #tpu.memory_space<vmem>>, vector<1x1x16xf32>,
          %swap3A_451 = vector.shape_cast %swap3A_450 : vector<1x1x16xf32> to vector<16xf32>
          %swap3A_452 = vector.shape_cast %mul3A_445 : vector<16xf32> to vector<1x1x16xf32>
          tpu.vector_store %arg8[%swap3A_447, %swap3A_448, %swap3A_449], %swap3A_452 {strides = array<i32>} : memref<2x512x16xf32, #tpu.memory_space<vmem>>, vector<1x1x16xf32>,
          %scan3A_453 = arith.constant 2 : i32
          %scan3A_454 = arith.addi %scan3A_420, %scan3A_453 : i32
          %get3A_455 = arith.constant 0 : i32
          %get3A_456 = arith.index_cast %get3A_455 : i32 to index
          %get3A_457 = arith.index_cast %scan3A_454 : i32 to index
          %get3A_458 = arith.constant 0 : index
          %get3A_459 = tpu.vector_load %arg8[%get3A_456, %get3A_457, %get3A_458] {strides = array<i32>} : memref<2x512x16xf32, #tpu.memory_space<vmem>>, vector<1x1x16xf32>,
          %get3A_460 = vector.shape_cast %get3A_459 : vector<1x1x16xf32> to vector<16xf32>
          %sub3A_461 = arith.subf %get3A_460, %get3A_4 : vector<16xf32>
          %mul3A_462 = arith.mulf %sub3A_461, %sub3A_461 : vector<16xf32>
          %mul3A_463 = arith.mulf %mul3A_462, %sub3A_461 : vector<16xf32>
          %swap3A_464 = arith.constant 0 : i32
          %swap3A_465 = arith.index_cast %swap3A_464 : i32 to index
          %swap3A_466 = arith.index_cast %scan3A_454 : i32 to index
          %swap3A_467 = arith.constant 0 : index
          %swap3A_468 = tpu.vector_load %arg8[%swap3A_465, %swap3A_466, %swap3A_467] {strides = array<i32>} : memref<2x512x16xf32, #tpu.memory_space<vmem>>, vector<1x1x16xf32>,
          %swap3A_469 = vector.shape_cast %swap3A_468 : vector<1x1x16xf32> to vector<16xf32>
          %swap3A_470 = vector.shape_cast %mul3A_463 : vector<16xf32> to vector<1x1x16xf32>
          tpu.vector_store %arg8[%swap3A_465, %swap3A_466, %swap3A_467], %swap3A_470 {strides = array<i32>} : memref<2x512x16xf32, #tpu.memory_space<vmem>>, vector<1x1x16xf32>,
          %scan3A_471 = arith.constant 3 : i32
          %scan3A_472 = arith.addi %scan3A_420, %scan3A_471 : i32
          %get3A_473 = arith.constant 0 : i32
          %get3A_474 = arith.index_cast %get3A_473 : i32 to index
          %get3A_475 = arith.index_cast %scan3A_472 : i32 to index
          %get3A_476 = arith.constant 0 : index
          %get3A_477 = tpu.vector_load %arg8[%get3A_474, %get3A_475, %get3A_476] {strides = array<i32>} : memref<2x512x16xf32, #tpu.memory_space<vmem>>, vector<1x1x16xf32>,
          %get3A_478 = vector.shape_cast %get3A_477 : vector<1x1x16xf32> to vector<16xf32>
          %sub3A_479 = arith.subf %get3A_478, %get3A_4 : vector<16xf32>
          %mul3A_480 = arith.mulf %sub3A_479, %sub3A_479 : vector<16xf32>
          %mul3A_481 = arith.mulf %mul3A_480, %sub3A_479 : vector<16xf32>
          %swap3A_482 = arith.constant 0 : i32
          %swap3A_483 = arith.index_cast %swap3A_482 : i32 to index
          %swap3A_484 = arith.index_cast %scan3A_472 : i32 to index
          %swap3A_485 = arith.constant 0 : index
          %swap3A_486 = tpu.vector_load %arg8[%swap3A_483, %swap3A_484, %swap3A_485] {strides = array<i32>} : memref<2x512x16xf32, #tpu.memory_space<vmem>>, vector<1x1x16xf32>,
          %swap3A_487 = vector.shape_cast %swap3A_486 : vector<1x1x16xf32> to vector<16xf32>
          %swap3A_488 = vector.shape_cast %mul3A_481 : vector<16xf32> to vector<1x1x16xf32>
          tpu.vector_store %arg8[%swap3A_483, %swap3A_484, %swap3A_485], %swap3A_488 {strides = array<i32>} : memref<2x512x16xf32, #tpu.memory_space<vmem>>, vector<1x1x16xf32>,
          %scan3A_489 = arith.constant 4 : i32
          %scan3A_490 = arith.addi %scan3A_420, %scan3A_489 : i32
          %get3A_491 = arith.constant 0 : i32
          %get3A_492 = arith.index_cast %get3A_491 : i32 to index
          %get3A_493 = arith.index_cast %scan3A_490 : i32 to index
          %get3A_494 = arith.constant 0 : index
          %get3A_495 = tpu.vector_load %arg8[%get3A_492, %get3A_493, %get3A_494] {strides = array<i32>} : memref<2x512x16xf32, #tpu.memory_space<vmem>>, vector<1x1x16xf32>,
          %get3A_496 = vector.shape_cast %get3A_495 : vector<1x1x16xf32> to vector<16xf32>
          %sub3A_497 = arith.subf %get3A_496, %get3A_4 : vector<16xf32>
          %mul3A_498 = arith.mulf %sub3A_497, %sub3A_497 : vector<16xf32>
          %mul3A_499 = arith.mulf %mul3A_498, %sub3A_497 : vector<16xf32>
          %swap3A_500 = arith.constant 0 : i32
          %swap3A_501 = arith.index_cast %swap3A_500 : i32 to index
          %swap3A_502 = arith.index_cast %scan3A_490 : i32 to index
          %swap3A_503 = arith.constant 0 : index
          %swap3A_504 = tpu.vector_load %arg8[%swap3A_501, %swap3A_502, %swap3A_503] {strides = array<i32>} : memref<2x512x16xf32, #tpu.memory_space<vmem>>, vector<1x1x16xf32>,
          %swap3A_505 = vector.shape_cast %swap3A_504 : vector<1x1x16xf32> to vector<16xf32>
          %swap3A_506 = vector.shape_cast %mul3A_499 : vector<16xf32> to vector<1x1x16xf32>
          tpu.vector_store %arg8[%swap3A_501, %swap3A_502, %swap3A_503], %swap3A_506 {strides = array<i32>} : memref<2x512x16xf32, #tpu.memory_space<vmem>>, vector<1x1x16xf32>,
          %scan3A_507 = arith.constant 5 : i32
          %scan3A_508 = arith.addi %scan3A_420, %scan3A_507 : i32
          %get3A_509 = arith.constant 0 : i32
          %get3A_510 = arith.index_cast %get3A_509 : i32 to index
          %get3A_511 = arith.index_cast %scan3A_508 : i32 to index
          %get3A_512 = arith.constant 0 : index
          %get3A_513 = tpu.vector_load %arg8[%get3A_510, %get3A_511, %get3A_512] {strides = array<i32>} : memref<2x512x16xf32, #tpu.memory_space<vmem>>, vector<1x1x16xf32>,
          %get3A_514 = vector.shape_cast %get3A_513 : vector<1x1x16xf32> to vector<16xf32>
          %sub3A_515 = arith.subf %get3A_514, %get3A_4 : vector<16xf32>
          %mul3A_516 = arith.mulf %sub3A_515, %sub3A_515 : vector<16xf32>
          %mul3A_517 = arith.mulf %mul3A_516, %sub3A_515 : vector<16xf32>
          %swap3A_518 = arith.constant 0 : i32
          %swap3A_519 = arith.index_cast %swap3A_518 : i32 to index
          %swap3A_520 = arith.index_cast %scan3A_508 : i32 to index
          %swap3A_521 = arith.constant 0 : index
          %swap3A_522 = tpu.vector_load %arg8[%swap3A_519, %swap3A_520, %swap3A_521] {strides = array<i32>} : memref<2x512x16xf32, #tpu.memory_space<vmem>>, vector<1x1x16xf32>,
          %swap3A_523 = vector.shape_cast %swap3A_522 : vector<1x1x16xf32> to vector<16xf32>
          %swap3A_524 = vector.shape_cast %mul3A_517 : vector<16xf32> to vector<1x1x16xf32>
          tpu.vector_store %arg8[%swap3A_519, %swap3A_520, %swap3A_521], %swap3A_524 {strides = array<i32>} : memref<2x512x16xf32, #tpu.memory_space<vmem>>, vector<1x1x16xf32>,
          %scan3A_525 = arith.constant 6 : i32
          %scan3A_526 = arith.addi %scan3A_420, %scan3A_525 : i32
          %get3A_527 = arith.constant 0 : i32
          %get3A_528 = arith.index_cast %get3A_527 : i32 to index
          %get3A_529 = arith.index_cast %scan3A_526 : i32 to index
          %get3A_530 = arith.constant 0 : index
          %get3A_531 = tpu.vector_load %arg8[%get3A_528, %get3A_529, %get3A_530] {strides = array<i32>} : memref<2x512x16xf32, #tpu.memory_space<vmem>>, vector<1x1x16xf32>,
          %get3A_532 = vector.shape_cast %get3A_531 : vector<1x1x16xf32> to vector<16xf32>
          %sub3A_533 = arith.subf %get3A_532, %get3A_4 : vector<16xf32>
          %mul3A_534 = arith.mulf %sub3A_533, %sub3A_533 : vector<16xf32>
          %mul3A_535 = arith.mulf %mul3A_534, %sub3A_533 : vector<16xf32>
          %swap3A_536 = arith.constant 0 : i32
          %swap3A_537 = arith.index_cast %swap3A_536 : i32 to index
          %swap3A_538 = arith.index_cast %scan3A_526 : i32 to index
          %swap3A_539 = arith.constant 0 : index
          %swap3A_540 = tpu.vector_load %arg8[%swap3A_537, %swap3A_538, %swap3A_539] {strides = array<i32>} : memref<2x512x16xf32, #tpu.memory_space<vmem>>, vector<1x1x16xf32>,
          %swap3A_541 = vector.shape_cast %swap3A_540 : vector<1x1x16xf32> to vector<16xf32>
          %swap3A_542 = vector.shape_cast %mul3A_535 : vector<16xf32> to vector<1x1x16xf32>
          tpu.vector_store %arg8[%swap3A_537, %swap3A_538, %swap3A_539], %swap3A_542 {strides = array<i32>} : memref<2x512x16xf32, #tpu.memory_space<vmem>>, vector<1x1x16xf32>,
          %scan3A_543 = arith.constant 7 : i32
          %scan3A_544 = arith.addi %scan3A_420, %scan3A_543 : i32
          %get3A_545 = arith.constant 0 : i32
          %get3A_546 = arith.index_cast %get3A_545 : i32 to index
          %get3A_547 = arith.index_cast %scan3A_544 : i32 to index
          %get3A_548 = arith.constant 0 : index
          %get3A_549 = tpu.vector_load %arg8[%get3A_546, %get3A_547, %get3A_548] {strides = array<i32>} : memref<2x512x16xf32, #tpu.memory_space<vmem>>, vector<1x1x16xf32>,
          %get3A_550 = vector.shape_cast %get3A_549 : vector<1x1x16xf32> to vector<16xf32>
          %sub3A_551 = arith.subf %get3A_550, %get3A_4 : vector<16xf32>
          %mul3A_552 = arith.mulf %sub3A_551, %sub3A_551 : vector<16xf32>
          %mul3A_553 = arith.mulf %mul3A_552, %sub3A_551 : vector<16xf32>
          %swap3A_554 = arith.constant 0 : i32
          %swap3A_555 = arith.index_cast %swap3A_554 : i32 to index
          %swap3A_556 = arith.index_cast %scan3A_544 : i32 to index
          %swap3A_557 = arith.constant 0 : index
          %swap3A_558 = tpu.vector_load %arg8[%swap3A_555, %swap3A_556, %swap3A_557] {strides = array<i32>} : memref<2x512x16xf32, #tpu.memory_space<vmem>>, vector<1x1x16xf32>,
          %swap3A_559 = vector.shape_cast %swap3A_558 : vector<1x1x16xf32> to vector<16xf32>
          %swap3A_560 = vector.shape_cast %mul3A_553 : vector<16xf32> to vector<1x1x16xf32>
          tpu.vector_store %arg8[%swap3A_555, %swap3A_556, %swap3A_557], %swap3A_560 {strides = array<i32>} : memref<2x512x16xf32, #tpu.memory_space<vmem>>, vector<1x1x16xf32>,
        }
        %scan3A_419 = arith.constant 512 : i32
      } else {
      }
      %not3A = arith.constant true
      %not3A_147 = arith.xori %eq3A_0, %not3A : i1
      %convert_element_type3A_148 = arith.extui %not3A_147 : i1 to i32
      %cond3A_149 = arith.constant 0 : i32
      %cond3A_150 = arith.cmpi ne, %convert_element_type3A_148, %cond3A_149 : i32
      scf.if %cond3A_150 {
        %scan3A_414 = arith.constant 0 : i32
        %scan3A_415 = arith.constant 0 : i32
        %scan3A_416 = arith.constant 512 : i32
        %scan3A_417 = arith.addi %scan3A_415, %scan3A_416 : i32
        %scan3A_418 = arith.constant 8 : i32
        scf.for %scan3A_420 = %scan3A_415 to %scan3A_417 step %scan3A_418  : i32 {
          %get3A_421 = arith.constant 0 : i32
          %get3A_422 = arith.index_cast %get3A_421 : i32 to index
          %get3A_423 = arith.index_cast %scan3A_420 : i32 to index
          %get3A_424 = arith.constant 0 : index
          %get3A_425 = tpu.vector_load %arg8[%get3A_422, %get3A_423, %get3A_424] {strides = array<i32>} : memref<2x512x16xf32, #tpu.memory_space<vmem>>, vector<1x1x16xf32>,
          %get3A_426 = vector.shape_cast %get3A_425 : vector<1x1x16xf32> to vector<16xf32>
          %sub3A = arith.subf %get3A_426, %get3A_4 : vector<16xf32>
          %mul3A_427 = arith.mulf %sub3A, %sub3A : vector<16xf32>
          %mul3A_428 = arith.mulf %mul3A_427, %mul3A_427 : vector<16xf32>
          %swap3A = arith.constant 0 : i32
          %swap3A_429 = arith.index_cast %swap3A : i32 to index
          %swap3A_430 = arith.index_cast %scan3A_420 : i32 to index
          %swap3A_431 = arith.constant 0 : index
          %swap3A_432 = tpu.vector_load %arg8[%swap3A_429, %swap3A_430, %swap3A_431] {strides = array<i32>} : memref<2x512x16xf32, #tpu.memory_space<vmem>>, vector<1x1x16xf32>,
          %swap3A_433 = vector.shape_cast %swap3A_432 : vector<1x1x16xf32> to vector<16xf32>
          %swap3A_434 = vector.shape_cast %mul3A_428 : vector<16xf32> to vector<1x1x16xf32>
          tpu.vector_store %arg8[%swap3A_429, %swap3A_430, %swap3A_431], %swap3A_434 {strides = array<i32>} : memref<2x512x16xf32, #tpu.memory_space<vmem>>, vector<1x1x16xf32>,
          %scan3A_435 = arith.constant 1 : i32
          %scan3A_436 = arith.addi %scan3A_420, %scan3A_435 : i32
          %get3A_437 = arith.constant 0 : i32
          %get3A_438 = arith.index_cast %get3A_437 : i32 to index
          %get3A_439 = arith.index_cast %scan3A_436 : i32 to index
          %get3A_440 = arith.constant 0 : index
          %get3A_441 = tpu.vector_load %arg8[%get3A_438, %get3A_439, %get3A_440] {strides = array<i32>} : memref<2x512x16xf32, #tpu.memory_space<vmem>>, vector<1x1x16xf32>,
          %get3A_442 = vector.shape_cast %get3A_441 : vector<1x1x16xf32> to vector<16xf32>
          %sub3A_443 = arith.subf %get3A_442, %get3A_4 : vector<16xf32>
          %mul3A_444 = arith.mulf %sub3A_443, %sub3A_443 : vector<16xf32>
          %mul3A_445 = arith.mulf %mul3A_444, %mul3A_444 : vector<16xf32>
          %swap3A_446 = arith.constant 0 : i32
          %swap3A_447 = arith.index_cast %swap3A_446 : i32 to index
          %swap3A_448 = arith.index_cast %scan3A_436 : i32 to index
          %swap3A_449 = arith.constant 0 : index
          %swap3A_450 = tpu.vector_load %arg8[%swap3A_447, %swap3A_448, %swap3A_449] {strides = array<i32>} : memref<2x512x16xf32, #tpu.memory_space<vmem>>, vector<1x1x16xf32>,
          %swap3A_451 = vector.shape_cast %swap3A_450 : vector<1x1x16xf32> to vector<16xf32>
          %swap3A_452 = vector.shape_cast %mul3A_445 : vector<16xf32> to vector<1x1x16xf32>
          tpu.vector_store %arg8[%swap3A_447, %swap3A_448, %swap3A_449], %swap3A_452 {strides = array<i32>} : memref<2x512x16xf32, #tpu.memory_space<vmem>>, vector<1x1x16xf32>,
          %scan3A_453 = arith.constant 2 : i32
          %scan3A_454 = arith.addi %scan3A_420, %scan3A_453 : i32
          %get3A_455 = arith.constant 0 : i32
          %get3A_456 = arith.index_cast %get3A_455 : i32 to index
          %get3A_457 = arith.index_cast %scan3A_454 : i32 to index
          %get3A_458 = arith.constant 0 : index
          %get3A_459 = tpu.vector_load %arg8[%get3A_456, %get3A_457, %get3A_458] {strides = array<i32>} : memref<2x512x16xf32, #tpu.memory_space<vmem>>, vector<1x1x16xf32>,
          %get3A_460 = vector.shape_cast %get3A_459 : vector<1x1x16xf32> to vector<16xf32>
          %sub3A_461 = arith.subf %get3A_460, %get3A_4 : vector<16xf32>
          %mul3A_462 = arith.mulf %sub3A_461, %sub3A_461 : vector<16xf32>
          %mul3A_463 = arith.mulf %mul3A_462, %mul3A_462 : vector<16xf32>
          %swap3A_464 = arith.constant 0 : i32
          %swap3A_465 = arith.index_cast %swap3A_464 : i32 to index
          %swap3A_466 = arith.index_cast %scan3A_454 : i32 to index
          %swap3A_467 = arith.constant 0 : index
          %swap3A_468 = tpu.vector_load %arg8[%swap3A_465, %swap3A_466, %swap3A_467] {strides = array<i32>} : memref<2x512x16xf32, #tpu.memory_space<vmem>>, vector<1x1x16xf32>,
          %swap3A_469 = vector.shape_cast %swap3A_468 : vector<1x1x16xf32> to vector<16xf32>
          %swap3A_470 = vector.shape_cast %mul3A_463 : vector<16xf32> to vector<1x1x16xf32>
          tpu.vector_store %arg8[%swap3A_465, %swap3A_466, %swap3A_467], %swap3A_470 {strides = array<i32>} : memref<2x512x16xf32, #tpu.memory_space<vmem>>, vector<1x1x16xf32>,
          %scan3A_471 = arith.constant 3 : i32
          %scan3A_472 = arith.addi %scan3A_420, %scan3A_471 : i32
          %get3A_473 = arith.constant 0 : i32
          %get3A_474 = arith.index_cast %get3A_473 : i32 to index
          %get3A_475 = arith.index_cast %scan3A_472 : i32 to index
          %get3A_476 = arith.constant 0 : index
          %get3A_477 = tpu.vector_load %arg8[%get3A_474, %get3A_475, %get3A_476] {strides = array<i32>} : memref<2x512x16xf32, #tpu.memory_space<vmem>>, vector<1x1x16xf32>,
          %get3A_478 = vector.shape_cast %get3A_477 : vector<1x1x16xf32> to vector<16xf32>
          %sub3A_479 = arith.subf %get3A_478, %get3A_4 : vector<16xf32>
          %mul3A_480 = arith.mulf %sub3A_479, %sub3A_479 : vector<16xf32>
          %mul3A_481 = arith.mulf %mul3A_480, %mul3A_480 : vector<16xf32>
          %swap3A_482 = arith.constant 0 : i32
          %swap3A_483 = arith.index_cast %swap3A_482 : i32 to index
          %swap3A_484 = arith.index_cast %scan3A_472 : i32 to index
          %swap3A_485 = arith.constant 0 : index
          %swap3A_486 = tpu.vector_load %arg8[%swap3A_483, %swap3A_484, %swap3A_485] {strides = array<i32>} : memref<2x512x16xf32, #tpu.memory_space<vmem>>, vector<1x1x16xf32>,
          %swap3A_487 = vector.shape_cast %swap3A_486 : vector<1x1x16xf32> to vector<16xf32>
          %swap3A_488 = vector.shape_cast %mul3A_481 : vector<16xf32> to vector<1x1x16xf32>
          tpu.vector_store %arg8[%swap3A_483, %swap3A_484, %swap3A_485], %swap3A_488 {strides = array<i32>} : memref<2x512x16xf32, #tpu.memory_space<vmem>>, vector<1x1x16xf32>,
          %scan3A_489 = arith.constant 4 : i32
          %scan3A_490 = arith.addi %scan3A_420, %scan3A_489 : i32
          %get3A_491 = arith.constant 0 : i32
          %get3A_492 = arith.index_cast %get3A_491 : i32 to index
          %get3A_493 = arith.index_cast %scan3A_490 : i32 to index
          %get3A_494 = arith.constant 0 : index
          %get3A_495 = tpu.vector_load %arg8[%get3A_492, %get3A_493, %get3A_494] {strides = array<i32>} : memref<2x512x16xf32, #tpu.memory_space<vmem>>, vector<1x1x16xf32>,
          %get3A_496 = vector.shape_cast %get3A_495 : vector<1x1x16xf32> to vector<16xf32>
          %sub3A_497 = arith.subf %get3A_496, %get3A_4 : vector<16xf32>
          %mul3A_498 = arith.mulf %sub3A_497, %sub3A_497 : vector<16xf32>
          %mul3A_499 = arith.mulf %mul3A_498, %mul3A_498 : vector<16xf32>
          %swap3A_500 = arith.constant 0 : i32
          %swap3A_501 = arith.index_cast %swap3A_500 : i32 to index
          %swap3A_502 = arith.index_cast %scan3A_490 : i32 to index
          %swap3A_503 = arith.constant 0 : index
          %swap3A_504 = tpu.vector_load %arg8[%swap3A_501, %swap3A_502, %swap3A_503] {strides = array<i32>} : memref<2x512x16xf32, #tpu.memory_space<vmem>>, vector<1x1x16xf32>,
          %swap3A_505 = vector.shape_cast %swap3A_504 : vector<1x1x16xf32> to vector<16xf32>
          %swap3A_506 = vector.shape_cast %mul3A_499 : vector<16xf32> to vector<1x1x16xf32>
          tpu.vector_store %arg8[%swap3A_501, %swap3A_502, %swap3A_503], %swap3A_506 {strides = array<i32>} : memref<2x512x16xf32, #tpu.memory_space<vmem>>, vector<1x1x16xf32>,
          %scan3A_507 = arith.constant 5 : i32
          %scan3A_508 = arith.addi %scan3A_420, %scan3A_507 : i32
          %get3A_509 = arith.constant 0 : i32
          %get3A_510 = arith.index_cast %get3A_509 : i32 to index
          %get3A_511 = arith.index_cast %scan3A_508 : i32 to index
          %get3A_512 = arith.constant 0 : index
          %get3A_513 = tpu.vector_load %arg8[%get3A_510, %get3A_511, %get3A_512] {strides = array<i32>} : memref<2x512x16xf32, #tpu.memory_space<vmem>>, vector<1x1x16xf32>,
          %get3A_514 = vector.shape_cast %get3A_513 : vector<1x1x16xf32> to vector<16xf32>
          %sub3A_515 = arith.subf %get3A_514, %get3A_4 : vector<16xf32>
          %mul3A_516 = arith.mulf %sub3A_515, %sub3A_515 : vector<16xf32>
          %mul3A_517 = arith.mulf %mul3A_516, %mul3A_516 : vector<16xf32>
          %swap3A_518 = arith.constant 0 : i32
          %swap3A_519 = arith.index_cast %swap3A_518 : i32 to index
          %swap3A_520 = arith.index_cast %scan3A_508 : i32 to index
          %swap3A_521 = arith.constant 0 : index
          %swap3A_522 = tpu.vector_load %arg8[%swap3A_519, %swap3A_520, %swap3A_521] {strides = array<i32>} : memref<2x512x16xf32, #tpu.memory_space<vmem>>, vector<1x1x16xf32>,
          %swap3A_523 = vector.shape_cast %swap3A_522 : vector<1x1x16xf32> to vector<16xf32>
          %swap3A_524 = vector.shape_cast %mul3A_517 : vector<16xf32> to vector<1x1x16xf32>
          tpu.vector_store %arg8[%swap3A_519, %swap3A_520, %swap3A_521], %swap3A_524 {strides = array<i32>} : memref<2x512x16xf32, #tpu.memory_space<vmem>>, vector<1x1x16xf32>,
          %scan3A_525 = arith.constant 6 : i32
          %scan3A_526 = arith.addi %scan3A_420, %scan3A_525 : i32
          %get3A_527 = arith.constant 0 : i32
          %get3A_528 = arith.index_cast %get3A_527 : i32 to index
          %get3A_529 = arith.index_cast %scan3A_526 : i32 to index
          %get3A_530 = arith.constant 0 : index
          %get3A_531 = tpu.vector_load %arg8[%get3A_528, %get3A_529, %get3A_530] {strides = array<i32>} : memref<2x512x16xf32, #tpu.memory_space<vmem>>, vector<1x1x16xf32>,
          %get3A_532 = vector.shape_cast %get3A_531 : vector<1x1x16xf32> to vector<16xf32>
          %sub3A_533 = arith.subf %get3A_532, %get3A_4 : vector<16xf32>
          %mul3A_534 = arith.mulf %sub3A_533, %sub3A_533 : vector<16xf32>
          %mul3A_535 = arith.mulf %mul3A_534, %mul3A_534 : vector<16xf32>
          %swap3A_536 = arith.constant 0 : i32
          %swap3A_537 = arith.index_cast %swap3A_536 : i32 to index
          %swap3A_538 = arith.index_cast %scan3A_526 : i32 to index
          %swap3A_539 = arith.constant 0 : index
          %swap3A_540 = tpu.vector_load %arg8[%swap3A_537, %swap3A_538, %swap3A_539] {strides = array<i32>} : memref<2x512x16xf32, #tpu.memory_space<vmem>>, vector<1x1x16xf32>,
          %swap3A_541 = vector.shape_cast %swap3A_540 : vector<1x1x16xf32> to vector<16xf32>
          %swap3A_542 = vector.shape_cast %mul3A_535 : vector<16xf32> to vector<1x1x16xf32>
          tpu.vector_store %arg8[%swap3A_537, %swap3A_538, %swap3A_539], %swap3A_542 {strides = array<i32>} : memref<2x512x16xf32, #tpu.memory_space<vmem>>, vector<1x1x16xf32>,
          %scan3A_543 = arith.constant 7 : i32
          %scan3A_544 = arith.addi %scan3A_420, %scan3A_543 : i32
          %get3A_545 = arith.constant 0 : i32
          %get3A_546 = arith.index_cast %get3A_545 : i32 to index
          %get3A_547 = arith.index_cast %scan3A_544 : i32 to index
          %get3A_548 = arith.constant 0 : index
          %get3A_549 = tpu.vector_load %arg8[%get3A_546, %get3A_547, %get3A_548] {strides = array<i32>} : memref<2x512x16xf32, #tpu.memory_space<vmem>>, vector<1x1x16xf32>,
          %get3A_550 = vector.shape_cast %get3A_549 : vector<1x1x16xf32> to vector<16xf32>
          %sub3A_551 = arith.subf %get3A_550, %get3A_4 : vector<16xf32>
          %mul3A_552 = arith.mulf %sub3A_551, %sub3A_551 : vector<16xf32>
          %mul3A_553 = arith.mulf %mul3A_552, %mul3A_552 : vector<16xf32>
          %swap3A_554 = arith.constant 0 : i32
          %swap3A_555 = arith.index_cast %swap3A_554 : i32 to index
          %swap3A_556 = arith.index_cast %scan3A_544 : i32 to index
          %swap3A_557 = arith.constant 0 : index
          %swap3A_558 = tpu.vector_load %arg8[%swap3A_555, %swap3A_556, %swap3A_557] {strides = array<i32>} : memref<2x512x16xf32, #tpu.memory_space<vmem>>, vector<1x1x16xf32>,
          %swap3A_559 = vector.shape_cast %swap3A_558 : vector<1x1x16xf32> to vector<16xf32>
          %swap3A_560 = vector.shape_cast %mul3A_553 : vector<16xf32> to vector<1x1x16xf32>
          tpu.vector_store %arg8[%swap3A_555, %swap3A_556, %swap3A_557], %swap3A_560 {strides = array<i32>} : memref<2x512x16xf32, #tpu.memory_space<vmem>>, vector<1x1x16xf32>,
        }
        %scan3A_419 = arith.constant 512 : i32
      } else {
      }
      %dma_start3A_151 = arith.constant 0 : i32
      %dma_start3A_152 = arith.constant 0 : i32
      %dma_start3A_153 = arith.constant 0 : i32
      %dma_start3A_154 = arith.constant 0 : i32
      %dma_start3A_155 = arith.constant 0 : i32
      %dma_start3A_156 = tpu.memref_slice %arg8[%dma_start3A_151, %dma_start3A_154, %dma_start3A_155] : memref<2x512x16xf32, #tpu.memory_space<vmem>> -> memref<1x128x16xf32, #tpu.memory_space<vmem>>
      %dma_start3A_157 = tpu.memref_squeeze %dma_start3A_156 : memref<1x128x16xf32, #tpu.memory_space<vmem>> -> memref<128x16xf32, #tpu.memory_space<vmem>>
      %dma_start3A_158 = arith.constant 0 : i32
      %dma_start3A_159 = tpu.memref_slice %arg7[%dma_start3A_152, %dma_start3A_153, %dma_start3A_158] : memref<2x4x128xi32, #tpu.memory_space<vmem>> -> memref<1x1x128xi32, #tpu.memory_space<vmem>>
      %dma_start3A_160 = tpu.memref_squeeze %dma_start3A_159 : memref<1x1x128xi32, #tpu.memory_space<vmem>> -> memref<128xi32, #tpu.memory_space<vmem>>
      %dma_start3A_161 = arith.constant 0 : i32
      %dma_start3A_162 = arith.constant 0 : i32
      %dma_start3A_163 = tpu.memref_slice %arg10[%dma_start3A_161, %dma_start3A_162] : memref<100352x16xf32, #tpu.memory_space<vmem_shared>> -> memref<100352x16xf32, #tpu.memory_space<vmem_shared>>
      tpu.enqueue_indirect_dma source(%dma_start3A_157 : memref<128x16xf32, #tpu.memory_space<vmem>>) target(%dma_start3A_163 : memref<100352x16xf32, #tpu.memory_space<vmem_shared>>) offsets(%dma_start3A_160 : memref<128xi32, #tpu.memory_space<vmem>>) semaphore(%arg11 : memref<!tpu.dma_semaphore, #tpu.memory_space<semaphore_mem>>) {add = true}
      %dma_start3A_164 = arith.constant 0 : i32
      %dma_start3A_165 = arith.constant 0 : i32
      %dma_start3A_166 = arith.constant 1 : i32
      %dma_start3A_167 = arith.constant 128 : i32
      %dma_start3A_168 = arith.constant 0 : i32
      %dma_start3A_169 = tpu.memref_slice %arg8[%dma_start3A_164, %dma_start3A_167, %dma_start3A_168] : memref<2x512x16xf32, #tpu.memory_space<vmem>> -> memref<1x128x16xf32, #tpu.memory_space<vmem>>
      %dma_start3A_170 = tpu.memref_squeeze %dma_start3A_169 : memref<1x128x16xf32, #tpu.memory_space<vmem>> -> memref<128x16xf32, #tpu.memory_space<vmem>>
      %dma_start3A_171 = arith.constant 0 : i32
      %dma_start3A_172 = tpu.memref_slice %arg7[%dma_start3A_165, %dma_start3A_166, %dma_start3A_171] : memref<2x4x128xi32, #tpu.memory_space<vmem>> -> memref<1x1x128xi32, #tpu.memory_space<vmem>>
      %dma_start3A_173 = tpu.memref_squeeze %dma_start3A_172 : memref<1x1x128xi32, #tpu.memory_space<vmem>> -> memref<128xi32, #tpu.memory_space<vmem>>
      %dma_start3A_174 = arith.constant 0 : i32
      %dma_start3A_175 = arith.constant 0 : i32
      %dma_start3A_176 = tpu.memref_slice %arg10[%dma_start3A_174, %dma_start3A_175] : memref<100352x16xf32, #tpu.memory_space<vmem_shared>> -> memref<100352x16xf32, #tpu.memory_space<vmem_shared>>
      tpu.enqueue_indirect_dma source(%dma_start3A_170 : memref<128x16xf32, #tpu.memory_space<vmem>>) target(%dma_start3A_176 : memref<100352x16xf32, #tpu.memory_space<vmem_shared>>) offsets(%dma_start3A_173 : memref<128xi32, #tpu.memory_space<vmem>>) semaphore(%arg11 : memref<!tpu.dma_semaphore, #tpu.memory_space<semaphore_mem>>) {add = true}
      %dma_start3A_177 = arith.constant 0 : i32
      %dma_start3A_178 = arith.constant 0 : i32
      %dma_start3A_179 = arith.constant 2 : i32
      %dma_start3A_180 = arith.constant 256 : i32
      %dma_start3A_181 = arith.constant 0 : i32
      %dma_start3A_182 = tpu.memref_slice %arg8[%dma_start3A_177, %dma_start3A_180, %dma_start3A_181] : memref<2x512x16xf32, #tpu.memory_space<vmem>> -> memref<1x128x16xf32, #tpu.memory_space<vmem>>
      %dma_start3A_183 = tpu.memref_squeeze %dma_start3A_182 : memref<1x128x16xf32, #tpu.memory_space<vmem>> -> memref<128x16xf32, #tpu.memory_space<vmem>>
      %dma_start3A_184 = arith.constant 0 : i32
      %dma_start3A_185 = tpu.memref_slice %arg7[%dma_start3A_178, %dma_start3A_179, %dma_start3A_184] : memref<2x4x128xi32, #tpu.memory_space<vmem>> -> memref<1x1x128xi32, #tpu.memory_space<vmem>>
      %dma_start3A_186 = tpu.memref_squeeze %dma_start3A_185 : memref<1x1x128xi32, #tpu.memory_space<vmem>> -> memref<128xi32, #tpu.memory_space<vmem>>
      %dma_start3A_187 = arith.constant 0 : i32
      %dma_start3A_188 = arith.constant 0 : i32
      %dma_start3A_189 = tpu.memref_slice %arg10[%dma_start3A_187, %dma_start3A_188] : memref<100352x16xf32, #tpu.memory_space<vmem_shared>> -> memref<100352x16xf32, #tpu.memory_space<vmem_shared>>
      tpu.enqueue_indirect_dma source(%dma_start3A_183 : memref<128x16xf32, #tpu.memory_space<vmem>>) target(%dma_start3A_189 : memref<100352x16xf32, #tpu.memory_space<vmem_shared>>) offsets(%dma_start3A_186 : memref<128xi32, #tpu.memory_space<vmem>>) semaphore(%arg11 : memref<!tpu.dma_semaphore, #tpu.memory_space<semaphore_mem>>) {add = true}
      %dma_start3A_190 = arith.constant 0 : i32
      %dma_start3A_191 = arith.constant 0 : i32
      %dma_start3A_192 = arith.constant 3 : i32
      %dma_start3A_193 = arith.constant 384 : i32
      %dma_start3A_194 = arith.constant 0 : i32
      %dma_start3A_195 = tpu.memref_slice %arg8[%dma_start3A_190, %dma_start3A_193, %dma_start3A_194] : memref<2x512x16xf32, #tpu.memory_space<vmem>> -> memref<1x128x16xf32, #tpu.memory_space<vmem>>
      %dma_start3A_196 = tpu.memref_squeeze %dma_start3A_195 : memref<1x128x16xf32, #tpu.memory_space<vmem>> -> memref<128x16xf32, #tpu.memory_space<vmem>>
      %dma_start3A_197 = arith.constant 0 : i32
      %dma_start3A_198 = tpu.memref_slice %arg7[%dma_start3A_191, %dma_start3A_192, %dma_start3A_197] : memref<2x4x128xi32, #tpu.memory_space<vmem>> -> memref<1x1x128xi32, #tpu.memory_space<vmem>>
      %dma_start3A_199 = tpu.memref_squeeze %dma_start3A_198 : memref<1x1x128xi32, #tpu.memory_space<vmem>> -> memref<128xi32, #tpu.memory_space<vmem>>
      %dma_start3A_200 = arith.constant 0 : i32
      %dma_start3A_201 = arith.constant 0 : i32
      %dma_start3A_202 = tpu.memref_slice %arg10[%dma_start3A_200, %dma_start3A_201] : memref<100352x16xf32, #tpu.memory_space<vmem_shared>> -> memref<100352x16xf32, #tpu.memory_space<vmem_shared>>
      tpu.enqueue_indirect_dma source(%dma_start3A_196 : memref<128x16xf32, #tpu.memory_space<vmem>>) target(%dma_start3A_202 : memref<100352x16xf32, #tpu.memory_space<vmem_shared>>) offsets(%dma_start3A_199 : memref<128xi32, #tpu.memory_space<vmem>>) semaphore(%arg11 : memref<!tpu.dma_semaphore, #tpu.memory_space<semaphore_mem>>) {add = true}
      %dma_wait3A_203 = arith.constant 0 : i32
      %dma_wait3A_204 = arith.constant 0 : i32
      %dma_wait3A_205 = arith.constant 0 : i32
      %dma_wait3A_206 = arith.constant 0 : i32
      %dma_wait3A_207 = arith.constant 0 : i32
      %dma_wait3A_208 = tpu.memref_slice %arg8[%dma_wait3A_203, %dma_wait3A_206, %dma_wait3A_207] : memref<2x512x16xf32, #tpu.memory_space<vmem>> -> memref<1x128x16xf32, #tpu.memory_space<vmem>>
      %dma_wait3A_209 = tpu.memref_squeeze %dma_wait3A_208 : memref<1x128x16xf32, #tpu.memory_space<vmem>> -> memref<128x16xf32, #tpu.memory_space<vmem>>
      %dma_wait3A_210 = arith.constant 0 : i32
      %dma_wait3A_211 = tpu.memref_slice %arg7[%dma_wait3A_204, %dma_wait3A_205, %dma_wait3A_210] : memref<2x4x128xi32, #tpu.memory_space<vmem>> -> memref<1x1x128xi32, #tpu.memory_space<vmem>>
      %dma_wait3A_212 = tpu.memref_squeeze %dma_wait3A_211 : memref<1x1x128xi32, #tpu.memory_space<vmem>> -> memref<128xi32, #tpu.memory_space<vmem>>
      %dma_wait3A_213 = arith.constant 0 : i32
      %dma_wait3A_214 = arith.constant 0 : i32
      %dma_wait3A_215 = tpu.memref_slice %arg10[%dma_wait3A_213, %dma_wait3A_214] : memref<100352x16xf32, #tpu.memory_space<vmem_shared>> -> memref<100352x16xf32, #tpu.memory_space<vmem_shared>>
      tpu.wait_indirect_dma semaphore(%arg11 : memref<!tpu.dma_semaphore, #tpu.memory_space<semaphore_mem>>) src(%dma_wait3A_209 : memref<128x16xf32, #tpu.memory_space<vmem>>) dst(%dma_wait3A_215 : memref<100352x16xf32, #tpu.memory_space<vmem_shared>>)
      %dma_wait3A_216 = arith.constant 0 : i32
      %dma_wait3A_217 = arith.constant 0 : i32
      %dma_wait3A_218 = arith.constant 1 : i32
      %dma_wait3A_219 = arith.constant 128 : i32
      %dma_wait3A_220 = arith.constant 0 : i32
      %dma_wait3A_221 = tpu.memref_slice %arg8[%dma_wait3A_216, %dma_wait3A_219, %dma_wait3A_220] : memref<2x512x16xf32, #tpu.memory_space<vmem>> -> memref<1x128x16xf32, #tpu.memory_space<vmem>>
      %dma_wait3A_222 = tpu.memref_squeeze %dma_wait3A_221 : memref<1x128x16xf32, #tpu.memory_space<vmem>> -> memref<128x16xf32, #tpu.memory_space<vmem>>
      %dma_wait3A_223 = arith.constant 0 : i32
      %dma_wait3A_224 = tpu.memref_slice %arg7[%dma_wait3A_217, %dma_wait3A_218, %dma_wait3A_223] : memref<2x4x128xi32, #tpu.memory_space<vmem>> -> memref<1x1x128xi32, #tpu.memory_space<vmem>>
      %dma_wait3A_225 = tpu.memref_squeeze %dma_wait3A_224 : memref<1x1x128xi32, #tpu.memory_space<vmem>> -> memref<128xi32, #tpu.memory_space<vmem>>
      %dma_wait3A_226 = arith.constant 0 : i32
      %dma_wait3A_227 = arith.constant 0 : i32
      %dma_wait3A_228 = tpu.memref_slice %arg10[%dma_wait3A_226, %dma_wait3A_227] : memref<100352x16xf32, #tpu.memory_space<vmem_shared>> -> memref<100352x16xf32, #tpu.memory_space<vmem_shared>>
      tpu.wait_indirect_dma semaphore(%arg11 : memref<!tpu.dma_semaphore, #tpu.memory_space<semaphore_mem>>) src(%dma_wait3A_222 : memref<128x16xf32, #tpu.memory_space<vmem>>) dst(%dma_wait3A_228 : memref<100352x16xf32, #tpu.memory_space<vmem_shared>>)
      %dma_wait3A_229 = arith.constant 0 : i32
      %dma_wait3A_230 = arith.constant 0 : i32
      %dma_wait3A_231 = arith.constant 2 : i32
      %dma_wait3A_232 = arith.constant 256 : i32
      %dma_wait3A_233 = arith.constant 0 : i32
      %dma_wait3A_234 = tpu.memref_slice %arg8[%dma_wait3A_229, %dma_wait3A_232, %dma_wait3A_233] : memref<2x512x16xf32, #tpu.memory_space<vmem>> -> memref<1x128x16xf32, #tpu.memory_space<vmem>>
      %dma_wait3A_235 = tpu.memref_squeeze %dma_wait3A_234 : memref<1x128x16xf32, #tpu.memory_space<vmem>> -> memref<128x16xf32, #tpu.memory_space<vmem>>
      %dma_wait3A_236 = arith.constant 0 : i32
      %dma_wait3A_237 = tpu.memref_slice %arg7[%dma_wait3A_230, %dma_wait3A_231, %dma_wait3A_236] : memref<2x4x128xi32, #tpu.memory_space<vmem>> -> memref<1x1x128xi32, #tpu.memory_space<vmem>>
      %dma_wait3A_238 = tpu.memref_squeeze %dma_wait3A_237 : memref<1x1x128xi32, #tpu.memory_space<vmem>> -> memref<128xi32, #tpu.memory_space<vmem>>
      %dma_wait3A_239 = arith.constant 0 : i32
      %dma_wait3A_240 = arith.constant 0 : i32
      %dma_wait3A_241 = tpu.memref_slice %arg10[%dma_wait3A_239, %dma_wait3A_240] : memref<100352x16xf32, #tpu.memory_space<vmem_shared>> -> memref<100352x16xf32, #tpu.memory_space<vmem_shared>>
      tpu.wait_indirect_dma semaphore(%arg11 : memref<!tpu.dma_semaphore, #tpu.memory_space<semaphore_mem>>) src(%dma_wait3A_235 : memref<128x16xf32, #tpu.memory_space<vmem>>) dst(%dma_wait3A_241 : memref<100352x16xf32, #tpu.memory_space<vmem_shared>>)
      %dma_wait3A_242 = arith.constant 0 : i32
      %dma_wait3A_243 = arith.constant 0 : i32
      %dma_wait3A_244 = arith.constant 3 : i32
      %dma_wait3A_245 = arith.constant 384 : i32
      %dma_wait3A_246 = arith.constant 0 : i32
      %dma_wait3A_247 = tpu.memref_slice %arg8[%dma_wait3A_242, %dma_wait3A_245, %dma_wait3A_246] : memref<2x512x16xf32, #tpu.memory_space<vmem>> -> memref<1x128x16xf32, #tpu.memory_space<vmem>>
      %dma_wait3A_248 = tpu.memref_squeeze %dma_wait3A_247 : memref<1x128x16xf32, #tpu.memory_space<vmem>> -> memref<128x16xf32, #tpu.memory_space<vmem>>
      %dma_wait3A_249 = arith.constant 0 : i32
      %dma_wait3A_250 = tpu.memref_slice %arg7[%dma_wait3A_243, %dma_wait3A_244, %dma_wait3A_249] : memref<2x4x128xi32, #tpu.memory_space<vmem>> -> memref<1x1x128xi32, #tpu.memory_space<vmem>>
      %dma_wait3A_251 = tpu.memref_squeeze %dma_wait3A_250 : memref<1x1x128xi32, #tpu.memory_space<vmem>> -> memref<128xi32, #tpu.memory_space<vmem>>
      %dma_wait3A_252 = arith.constant 0 : i32
      %dma_wait3A_253 = arith.constant 0 : i32
      %dma_wait3A_254 = tpu.memref_slice %arg10[%dma_wait3A_252, %dma_wait3A_253] : memref<100352x16xf32, #tpu.memory_space<vmem_shared>> -> memref<100352x16xf32, #tpu.memory_space<vmem_shared>>
      tpu.wait_indirect_dma semaphore(%arg11 : memref<!tpu.dma_semaphore, #tpu.memory_space<semaphore_mem>>) src(%dma_wait3A_248 : memref<128x16xf32, #tpu.memory_space<vmem>>) dst(%dma_wait3A_254 : memref<100352x16xf32, #tpu.memory_space<vmem_shared>>)
      %mul3A_255 = arith.constant 2 : i32
      %mul3A_256 = arith.muli %mul3A_255, %scan3A_100 : i32
      %add3A_257 = arith.constant 1 : i32
      %add3A_258 = arith.addi %mul3A_256, %add3A_257 : i32
      %mul3A_259 = arith.constant 100352 : i32
      %mul3A_260 = arith.muli %arg1, %mul3A_259 : i32
      %mul3A_261 = arith.constant 512 : i32
      %mul3A_262 = arith.muli %add3A_258, %mul3A_261 : i32
      %add3A_263 = arith.addi %mul3A_260, %mul3A_262 : i32
      %mul3A_264 = arith.constant 784 : i32
      %mul3A_265 = arith.muli %arg1, %mul3A_264 : i32
      %mul3A_266 = arith.constant 4 : i32
      %mul3A_267 = arith.muli %add3A_258, %mul3A_266 : i32
      %add3A_268 = arith.addi %mul3A_265, %mul3A_267 : i32
      %dma_wait3A_269 = arith.constant 1 : i32
      %dma_wait3A_270 = arith.constant 0 : i32
      %dma_wait3A_271 = arith.constant 0 : i32
      %dma_wait3A_272 = tpu.memref_slice %arg7[%dma_wait3A_269, %dma_wait3A_270, %dma_wait3A_271] : memref<2x4x128xi32, #tpu.memory_space<vmem>> -> memref<1x4x128xi32, #tpu.memory_space<vmem>>
      %dma_wait3A_273 = tpu.memref_squeeze %dma_wait3A_272 : memref<1x4x128xi32, #tpu.memory_space<vmem>> -> memref<4x128xi32, #tpu.memory_space<vmem>>
      %dma_wait3A_274 = arith.constant 0 : i32
      %dma_wait3A_275 = tpu.memref_slice %arg3[%add3A_268, %dma_wait3A_274] : memref<12544x128xi32, #tpu.memory_space<hbm>> -> memref<4x128xi32, #tpu.memory_space<hbm>>
      %dma_wait3A_276 = arith.constant 0 : i32
      %dma_wait3A_277 = arith.constant 0 : i32
      %dma_wait3A_278 = tpu.memref_slice %arg7[%dma_wait3A_269, %dma_wait3A_276, %dma_wait3A_277] : memref<2x4x128xi32, #tpu.memory_space<vmem>> -> memref<1x4x128xi32, #tpu.memory_space<vmem>>
      %dma_wait3A_279 = tpu.memref_squeeze %dma_wait3A_278 : memref<1x4x128xi32, #tpu.memory_space<vmem>> -> memref<4x128xi32, #tpu.memory_space<vmem>>
      %dma_wait3A_280 = arith.constant 0 : i32
      %dma_wait3A_281 = tpu.memref_slice %arg3[%add3A_268, %dma_wait3A_280] : memref<12544x128xi32, #tpu.memory_space<hbm>> -> memref<4x128xi32, #tpu.memory_space<hbm>>
      tpu.wait_dma2 semaphore(%arg13 : memref<!tpu.dma_semaphore, #tpu.memory_space<semaphore_mem>>) src(%dma_wait3A_281 : memref<4x128xi32, #tpu.memory_space<hbm>>) dst(%dma_wait3A_279 : memref<4x128xi32, #tpu.memory_space<vmem>>)
      %dma_wait3A_282 = arith.constant 1 : i32
      %dma_wait3A_283 = arith.constant 0 : i32
      %dma_wait3A_284 = arith.constant 0 : i32
      %dma_wait3A_285 = tpu.memref_slice %arg8[%dma_wait3A_282, %dma_wait3A_283, %dma_wait3A_284] : memref<2x512x16xf32, #tpu.memory_space<vmem>> -> memref<1x512x16xf32, #tpu.memory_space<vmem>>
      %dma_wait3A_286 = tpu.memref_squeeze %dma_wait3A_285 : memref<1x512x16xf32, #tpu.memory_space<vmem>> -> memref<512x16xf32, #tpu.memory_space<vmem>>
      %dma_wait3A_287 = arith.constant 0 : i32
      %dma_wait3A_288 = tpu.memref_slice %arg2[%add3A_263, %dma_wait3A_287] : memref<1605632x16xf32, #tpu.memory_space<hbm>> -> memref<512x16xf32, #tpu.memory_space<hbm>>
      %dma_wait3A_289 = arith.constant 0 : i32
      %dma_wait3A_290 = arith.constant 0 : i32
      %dma_wait3A_291 = tpu.memref_slice %arg8[%dma_wait3A_282, %dma_wait3A_289, %dma_wait3A_290] : memref<2x512x16xf32, #tpu.memory_space<vmem>> -> memref<1x512x16xf32, #tpu.memory_space<vmem>>
      %dma_wait3A_292 = tpu.memref_squeeze %dma_wait3A_291 : memref<1x512x16xf32, #tpu.memory_space<vmem>> -> memref<512x16xf32, #tpu.memory_space<vmem>>
      %dma_wait3A_293 = arith.constant 0 : i32
      %dma_wait3A_294 = tpu.memref_slice %arg2[%add3A_263, %dma_wait3A_293] : memref<1605632x16xf32, #tpu.memory_space<hbm>> -> memref<512x16xf32, #tpu.memory_space<hbm>>
      tpu.wait_dma2 semaphore(%arg13 : memref<!tpu.dma_semaphore, #tpu.memory_space<semaphore_mem>>) src(%dma_wait3A_294 : memref<512x16xf32, #tpu.memory_space<hbm>>) dst(%dma_wait3A_292 : memref<512x16xf32, #tpu.memory_space<vmem>>)
      %add3A_295 = arith.constant 1 : i32
      %add3A_296 = arith.addi %add3A_258, %add3A_295 : i32
      %lt3A_297 = arith.constant 196 : i32
      %lt3A_298 = arith.cmpi slt, %add3A_296, %lt3A_297 : i32
      %convert_element_type3A_299 = arith.extui %lt3A_298 : i1 to i32
      %cond3A_300 = arith.constant 0 : i32
      %cond3A_301 = arith.cmpi ne, %convert_element_type3A_299, %cond3A_300 : i32
      scf.if %cond3A_301 {
        %add3A_414 = arith.constant 1 : i32
        %add3A_415 = arith.addi %add3A_258, %add3A_414 : i32
        %mul3A_416 = arith.constant 100352 : i32
        %mul3A_417 = arith.muli %arg1, %mul3A_416 : i32
        %mul3A_418 = arith.constant 512 : i32
        %mul3A_419 = arith.muli %add3A_415, %mul3A_418 : i32
        %add3A_420 = arith.addi %mul3A_417, %mul3A_419 : i32
        %mul3A_421 = arith.constant 784 : i32
        %mul3A_422 = arith.muli %arg1, %mul3A_421 : i32
        %mul3A_423 = arith.constant 4 : i32
        %mul3A_424 = arith.muli %add3A_415, %mul3A_423 : i32
        %add3A_425 = arith.addi %mul3A_422, %mul3A_424 : i32
        %dma_start3A_426 = arith.constant 0 : i32
        %dma_start3A_427 = arith.constant 0 : i32
        %dma_start3A_428 = arith.constant 0 : i32
        %dma_start3A_429 = tpu.memref_slice %arg7[%dma_start3A_426, %dma_start3A_427, %dma_start3A_428] : memref<2x4x128xi32, #tpu.memory_space<vmem>> -> memref<1x4x128xi32, #tpu.memory_space<vmem>>
        %dma_start3A_430 = tpu.memref_squeeze %dma_start3A_429 : memref<1x4x128xi32, #tpu.memory_space<vmem>> -> memref<4x128xi32, #tpu.memory_space<vmem>>
        %dma_start3A_431 = arith.constant 0 : i32
        %dma_start3A_432 = tpu.memref_slice %arg3[%add3A_425, %dma_start3A_431] : memref<12544x128xi32, #tpu.memory_space<hbm>> -> memref<4x128xi32, #tpu.memory_space<hbm>>
        %dma_start3A_433 = arith.constant 0 : i32
        %dma_start3A_434 = arith.constant 0 : i32
        %dma_start3A_435 = tpu.memref_slice %arg7[%dma_start3A_426, %dma_start3A_433, %dma_start3A_434] : memref<2x4x128xi32, #tpu.memory_space<vmem>> -> memref<1x4x128xi32, #tpu.memory_space<vmem>>
        %dma_start3A_436 = tpu.memref_squeeze %dma_start3A_435 : memref<1x4x128xi32, #tpu.memory_space<vmem>> -> memref<4x128xi32, #tpu.memory_space<vmem>>
        %dma_start3A_437 = arith.constant 0 : i32
        %dma_start3A_438 = tpu.memref_slice %arg3[%add3A_425, %dma_start3A_437] : memref<12544x128xi32, #tpu.memory_space<hbm>> -> memref<4x128xi32, #tpu.memory_space<hbm>>
        tpu.enqueue_dma source(%dma_start3A_438 : memref<4x128xi32, #tpu.memory_space<hbm>>) target(%dma_start3A_436 : memref<4x128xi32, #tpu.memory_space<vmem>>) target_semaphore(%arg12 : memref<!tpu.dma_semaphore, #tpu.memory_space<semaphore_mem>>)
        %dma_start3A_439 = arith.constant 0 : i32
        %dma_start3A_440 = arith.constant 0 : i32
        %dma_start3A_441 = arith.constant 0 : i32
        %dma_start3A_442 = tpu.memref_slice %arg8[%dma_start3A_439, %dma_start3A_440, %dma_start3A_441] : memref<2x512x16xf32, #tpu.memory_space<vmem>> -> memref<1x512x16xf32, #tpu.memory_space<vmem>>
        %dma_start3A_443 = tpu.memref_squeeze %dma_start3A_442 : memref<1x512x16xf32, #tpu.memory_space<vmem>> -> memref<512x16xf32, #tpu.memory_space<vmem>>
        %dma_start3A_444 = arith.constant 0 : i32
        %dma_start3A_445 = tpu.memref_slice %arg2[%add3A_420, %dma_start3A_444] : memref<1605632x16xf32, #tpu.memory_space<hbm>> -> memref<512x16xf32, #tpu.memory_space<hbm>>
        %dma_start3A_446 = arith.constant 0 : i32
        %dma_start3A_447 = arith.constant 0 : i32
        %dma_start3A_448 = tpu.memref_slice %arg8[%dma_start3A_439, %dma_start3A_446, %dma_start3A_447] : memref<2x512x16xf32, #tpu.memory_space<vmem>> -> memref<1x512x16xf32, #tpu.memory_space<vmem>>
        %dma_start3A_449 = tpu.memref_squeeze %dma_start3A_448 : memref<1x512x16xf32, #tpu.memory_space<vmem>> -> memref<512x16xf32, #tpu.memory_space<vmem>>
        %dma_start3A_450 = arith.constant 0 : i32
        %dma_start3A_451 = tpu.memref_slice %arg2[%add3A_420, %dma_start3A_450] : memref<1605632x16xf32, #tpu.memory_space<hbm>> -> memref<512x16xf32, #tpu.memory_space<hbm>>
        tpu.enqueue_dma source(%dma_start3A_451 : memref<512x16xf32, #tpu.memory_space<hbm>>) target(%dma_start3A_449 : memref<512x16xf32, #tpu.memory_space<vmem>>) target_semaphore(%arg12 : memref<!tpu.dma_semaphore, #tpu.memory_space<semaphore_mem>>)
      } else {
      }
      %convert_element_type3A_302 = arith.extui %eq3A_0 : i1 to i32
      %cond3A_303 = arith.constant 0 : i32
      %cond3A_304 = arith.cmpi ne, %convert_element_type3A_302, %cond3A_303 : i32
      scf.if %cond3A_304 {
        %scan3A_414 = arith.constant 0 : i32
        %scan3A_415 = arith.constant 0 : i32
        %scan3A_416 = arith.constant 512 : i32
        %scan3A_417 = arith.addi %scan3A_415, %scan3A_416 : i32
        %scan3A_418 = arith.constant 8 : i32
        scf.for %scan3A_420 = %scan3A_415 to %scan3A_417 step %scan3A_418  : i32 {
          %get3A_421 = arith.constant 1 : i32
          %get3A_422 = arith.index_cast %get3A_421 : i32 to index
          %get3A_423 = arith.index_cast %scan3A_420 : i32 to index
          %get3A_424 = arith.constant 0 : index
          %get3A_425 = tpu.vector_load %arg8[%get3A_422, %get3A_423, %get3A_424] {strides = array<i32>} : memref<2x512x16xf32, #tpu.memory_space<vmem>>, vector<1x1x16xf32>,
          %get3A_426 = vector.shape_cast %get3A_425 : vector<1x1x16xf32> to vector<16xf32>
          %sub3A = arith.subf %get3A_426, %get3A_4 : vector<16xf32>
          %mul3A_427 = arith.mulf %sub3A, %sub3A : vector<16xf32>
          %mul3A_428 = arith.mulf %mul3A_427, %sub3A : vector<16xf32>
          %swap3A = arith.constant 1 : i32
          %swap3A_429 = arith.index_cast %swap3A : i32 to index
          %swap3A_430 = arith.index_cast %scan3A_420 : i32 to index
          %swap3A_431 = arith.constant 0 : index
          %swap3A_432 = tpu.vector_load %arg8[%swap3A_429, %swap3A_430, %swap3A_431] {strides = array<i32>} : memref<2x512x16xf32, #tpu.memory_space<vmem>>, vector<1x1x16xf32>,
          %swap3A_433 = vector.shape_cast %swap3A_432 : vector<1x1x16xf32> to vector<16xf32>
          %swap3A_434 = vector.shape_cast %mul3A_428 : vector<16xf32> to vector<1x1x16xf32>
          tpu.vector_store %arg8[%swap3A_429, %swap3A_430, %swap3A_431], %swap3A_434 {strides = array<i32>} : memref<2x512x16xf32, #tpu.memory_space<vmem>>, vector<1x1x16xf32>,
          %scan3A_435 = arith.constant 1 : i32
          %scan3A_436 = arith.addi %scan3A_420, %scan3A_435 : i32
          %get3A_437 = arith.constant 1 : i32
          %get3A_438 = arith.index_cast %get3A_437 : i32 to index
          %get3A_439 = arith.index_cast %scan3A_436 : i32 to index
          %get3A_440 = arith.constant 0 : index
          %get3A_441 = tpu.vector_load %arg8[%get3A_438, %get3A_439, %get3A_440] {strides = array<i32>} : memref<2x512x16xf32, #tpu.memory_space<vmem>>, vector<1x1x16xf32>,
          %get3A_442 = vector.shape_cast %get3A_441 : vector<1x1x16xf32> to vector<16xf32>
          %sub3A_443 = arith.subf %get3A_442, %get3A_4 : vector<16xf32>
          %mul3A_444 = arith.mulf %sub3A_443, %sub3A_443 : vector<16xf32>
          %mul3A_445 = arith.mulf %mul3A_444, %sub3A_443 : vector<16xf32>
          %swap3A_446 = arith.constant 1 : i32
          %swap3A_447 = arith.index_cast %swap3A_446 : i32 to index
          %swap3A_448 = arith.index_cast %scan3A_436 : i32 to index
          %swap3A_449 = arith.constant 0 : index
          %swap3A_450 = tpu.vector_load %arg8[%swap3A_447, %swap3A_448, %swap3A_449] {strides = array<i32>} : memref<2x512x16xf32, #tpu.memory_space<vmem>>, vector<1x1x16xf32>,
          %swap3A_451 = vector.shape_cast %swap3A_450 : vector<1x1x16xf32> to vector<16xf32>
          %swap3A_452 = vector.shape_cast %mul3A_445 : vector<16xf32> to vector<1x1x16xf32>
          tpu.vector_store %arg8[%swap3A_447, %swap3A_448, %swap3A_449], %swap3A_452 {strides = array<i32>} : memref<2x512x16xf32, #tpu.memory_space<vmem>>, vector<1x1x16xf32>,
          %scan3A_453 = arith.constant 2 : i32
          %scan3A_454 = arith.addi %scan3A_420, %scan3A_453 : i32
          %get3A_455 = arith.constant 1 : i32
          %get3A_456 = arith.index_cast %get3A_455 : i32 to index
          %get3A_457 = arith.index_cast %scan3A_454 : i32 to index
          %get3A_458 = arith.constant 0 : index
          %get3A_459 = tpu.vector_load %arg8[%get3A_456, %get3A_457, %get3A_458] {strides = array<i32>} : memref<2x512x16xf32, #tpu.memory_space<vmem>>, vector<1x1x16xf32>,
          %get3A_460 = vector.shape_cast %get3A_459 : vector<1x1x16xf32> to vector<16xf32>
          %sub3A_461 = arith.subf %get3A_460, %get3A_4 : vector<16xf32>
          %mul3A_462 = arith.mulf %sub3A_461, %sub3A_461 : vector<16xf32>
          %mul3A_463 = arith.mulf %mul3A_462, %sub3A_461 : vector<16xf32>
          %swap3A_464 = arith.constant 1 : i32
          %swap3A_465 = arith.index_cast %swap3A_464 : i32 to index
          %swap3A_466 = arith.index_cast %scan3A_454 : i32 to index
          %swap3A_467 = arith.constant 0 : index
          %swap3A_468 = tpu.vector_load %arg8[%swap3A_465, %swap3A_466, %swap3A_467] {strides = array<i32>} : memref<2x512x16xf32, #tpu.memory_space<vmem>>, vector<1x1x16xf32>,
          %swap3A_469 = vector.shape_cast %swap3A_468 : vector<1x1x16xf32> to vector<16xf32>
          %swap3A_470 = vector.shape_cast %mul3A_463 : vector<16xf32> to vector<1x1x16xf32>
          tpu.vector_store %arg8[%swap3A_465, %swap3A_466, %swap3A_467], %swap3A_470 {strides = array<i32>} : memref<2x512x16xf32, #tpu.memory_space<vmem>>, vector<1x1x16xf32>,
          %scan3A_471 = arith.constant 3 : i32
          %scan3A_472 = arith.addi %scan3A_420, %scan3A_471 : i32
          %get3A_473 = arith.constant 1 : i32
          %get3A_474 = arith.index_cast %get3A_473 : i32 to index
          %get3A_475 = arith.index_cast %scan3A_472 : i32 to index
          %get3A_476 = arith.constant 0 : index
          %get3A_477 = tpu.vector_load %arg8[%get3A_474, %get3A_475, %get3A_476] {strides = array<i32>} : memref<2x512x16xf32, #tpu.memory_space<vmem>>, vector<1x1x16xf32>,
          %get3A_478 = vector.shape_cast %get3A_477 : vector<1x1x16xf32> to vector<16xf32>
          %sub3A_479 = arith.subf %get3A_478, %get3A_4 : vector<16xf32>
          %mul3A_480 = arith.mulf %sub3A_479, %sub3A_479 : vector<16xf32>
          %mul3A_481 = arith.mulf %mul3A_480, %sub3A_479 : vector<16xf32>
          %swap3A_482 = arith.constant 1 : i32
          %swap3A_483 = arith.index_cast %swap3A_482 : i32 to index
          %swap3A_484 = arith.index_cast %scan3A_472 : i32 to index
          %swap3A_485 = arith.constant 0 : index
          %swap3A_486 = tpu.vector_load %arg8[%swap3A_483, %swap3A_484, %swap3A_485] {strides = array<i32>} : memref<2x512x16xf32, #tpu.memory_space<vmem>>, vector<1x1x16xf32>,
          %swap3A_487 = vector.shape_cast %swap3A_486 : vector<1x1x16xf32> to vector<16xf32>
          %swap3A_488 = vector.shape_cast %mul3A_481 : vector<16xf32> to vector<1x1x16xf32>
          tpu.vector_store %arg8[%swap3A_483, %swap3A_484, %swap3A_485], %swap3A_488 {strides = array<i32>} : memref<2x512x16xf32, #tpu.memory_space<vmem>>, vector<1x1x16xf32>,
          %scan3A_489 = arith.constant 4 : i32
          %scan3A_490 = arith.addi %scan3A_420, %scan3A_489 : i32
          %get3A_491 = arith.constant 1 : i32
          %get3A_492 = arith.index_cast %get3A_491 : i32 to index
          %get3A_493 = arith.index_cast %scan3A_490 : i32 to index
          %get3A_494 = arith.constant 0 : index
          %get3A_495 = tpu.vector_load %arg8[%get3A_492, %get3A_493, %get3A_494] {strides = array<i32>} : memref<2x512x16xf32, #tpu.memory_space<vmem>>, vector<1x1x16xf32>,
          %get3A_496 = vector.shape_cast %get3A_495 : vector<1x1x16xf32> to vector<16xf32>
          %sub3A_497 = arith.subf %get3A_496, %get3A_4 : vector<16xf32>
          %mul3A_498 = arith.mulf %sub3A_497, %sub3A_497 : vector<16xf32>
          %mul3A_499 = arith.mulf %mul3A_498, %sub3A_497 : vector<16xf32>
          %swap3A_500 = arith.constant 1 : i32
          %swap3A_501 = arith.index_cast %swap3A_500 : i32 to index
          %swap3A_502 = arith.index_cast %scan3A_490 : i32 to index
          %swap3A_503 = arith.constant 0 : index
          %swap3A_504 = tpu.vector_load %arg8[%swap3A_501, %swap3A_502, %swap3A_503] {strides = array<i32>} : memref<2x512x16xf32, #tpu.memory_space<vmem>>, vector<1x1x16xf32>,
          %swap3A_505 = vector.shape_cast %swap3A_504 : vector<1x1x16xf32> to vector<16xf32>
          %swap3A_506 = vector.shape_cast %mul3A_499 : vector<16xf32> to vector<1x1x16xf32>
          tpu.vector_store %arg8[%swap3A_501, %swap3A_502, %swap3A_503], %swap3A_506 {strides = array<i32>} : memref<2x512x16xf32, #tpu.memory_space<vmem>>, vector<1x1x16xf32>,
          %scan3A_507 = arith.constant 5 : i32
          %scan3A_508 = arith.addi %scan3A_420, %scan3A_507 : i32
          %get3A_509 = arith.constant 1 : i32
          %get3A_510 = arith.index_cast %get3A_509 : i32 to index
          %get3A_511 = arith.index_cast %scan3A_508 : i32 to index
          %get3A_512 = arith.constant 0 : index
          %get3A_513 = tpu.vector_load %arg8[%get3A_510, %get3A_511, %get3A_512] {strides = array<i32>} : memref<2x512x16xf32, #tpu.memory_space<vmem>>, vector<1x1x16xf32>,
          %get3A_514 = vector.shape_cast %get3A_513 : vector<1x1x16xf32> to vector<16xf32>
          %sub3A_515 = arith.subf %get3A_514, %get3A_4 : vector<16xf32>
          %mul3A_516 = arith.mulf %sub3A_515, %sub3A_515 : vector<16xf32>
          %mul3A_517 = arith.mulf %mul3A_516, %sub3A_515 : vector<16xf32>
          %swap3A_518 = arith.constant 1 : i32
          %swap3A_519 = arith.index_cast %swap3A_518 : i32 to index
          %swap3A_520 = arith.index_cast %scan3A_508 : i32 to index
          %swap3A_521 = arith.constant 0 : index
          %swap3A_522 = tpu.vector_load %arg8[%swap3A_519, %swap3A_520, %swap3A_521] {strides = array<i32>} : memref<2x512x16xf32, #tpu.memory_space<vmem>>, vector<1x1x16xf32>,
          %swap3A_523 = vector.shape_cast %swap3A_522 : vector<1x1x16xf32> to vector<16xf32>
          %swap3A_524 = vector.shape_cast %mul3A_517 : vector<16xf32> to vector<1x1x16xf32>
          tpu.vector_store %arg8[%swap3A_519, %swap3A_520, %swap3A_521], %swap3A_524 {strides = array<i32>} : memref<2x512x16xf32, #tpu.memory_space<vmem>>, vector<1x1x16xf32>,
          %scan3A_525 = arith.constant 6 : i32
          %scan3A_526 = arith.addi %scan3A_420, %scan3A_525 : i32
          %get3A_527 = arith.constant 1 : i32
          %get3A_528 = arith.index_cast %get3A_527 : i32 to index
          %get3A_529 = arith.index_cast %scan3A_526 : i32 to index
          %get3A_530 = arith.constant 0 : index
          %get3A_531 = tpu.vector_load %arg8[%get3A_528, %get3A_529, %get3A_530] {strides = array<i32>} : memref<2x512x16xf32, #tpu.memory_space<vmem>>, vector<1x1x16xf32>,
          %get3A_532 = vector.shape_cast %get3A_531 : vector<1x1x16xf32> to vector<16xf32>
          %sub3A_533 = arith.subf %get3A_532, %get3A_4 : vector<16xf32>
          %mul3A_534 = arith.mulf %sub3A_533, %sub3A_533 : vector<16xf32>
          %mul3A_535 = arith.mulf %mul3A_534, %sub3A_533 : vector<16xf32>
          %swap3A_536 = arith.constant 1 : i32
          %swap3A_537 = arith.index_cast %swap3A_536 : i32 to index
          %swap3A_538 = arith.index_cast %scan3A_526 : i32 to index
          %swap3A_539 = arith.constant 0 : index
          %swap3A_540 = tpu.vector_load %arg8[%swap3A_537, %swap3A_538, %swap3A_539] {strides = array<i32>} : memref<2x512x16xf32, #tpu.memory_space<vmem>>, vector<1x1x16xf32>,
          %swap3A_541 = vector.shape_cast %swap3A_540 : vector<1x1x16xf32> to vector<16xf32>
          %swap3A_542 = vector.shape_cast %mul3A_535 : vector<16xf32> to vector<1x1x16xf32>
          tpu.vector_store %arg8[%swap3A_537, %swap3A_538, %swap3A_539], %swap3A_542 {strides = array<i32>} : memref<2x512x16xf32, #tpu.memory_space<vmem>>, vector<1x1x16xf32>,
          %scan3A_543 = arith.constant 7 : i32
          %scan3A_544 = arith.addi %scan3A_420, %scan3A_543 : i32
          %get3A_545 = arith.constant 1 : i32
          %get3A_546 = arith.index_cast %get3A_545 : i32 to index
          %get3A_547 = arith.index_cast %scan3A_544 : i32 to index
          %get3A_548 = arith.constant 0 : index
          %get3A_549 = tpu.vector_load %arg8[%get3A_546, %get3A_547, %get3A_548] {strides = array<i32>} : memref<2x512x16xf32, #tpu.memory_space<vmem>>, vector<1x1x16xf32>,
          %get3A_550 = vector.shape_cast %get3A_549 : vector<1x1x16xf32> to vector<16xf32>
          %sub3A_551 = arith.subf %get3A_550, %get3A_4 : vector<16xf32>
          %mul3A_552 = arith.mulf %sub3A_551, %sub3A_551 : vector<16xf32>
          %mul3A_553 = arith.mulf %mul3A_552, %sub3A_551 : vector<16xf32>
          %swap3A_554 = arith.constant 1 : i32
          %swap3A_555 = arith.index_cast %swap3A_554 : i32 to index
          %swap3A_556 = arith.index_cast %scan3A_544 : i32 to index
          %swap3A_557 = arith.constant 0 : index
          %swap3A_558 = tpu.vector_load %arg8[%swap3A_555, %swap3A_556, %swap3A_557] {strides = array<i32>} : memref<2x512x16xf32, #tpu.memory_space<vmem>>, vector<1x1x16xf32>,
          %swap3A_559 = vector.shape_cast %swap3A_558 : vector<1x1x16xf32> to vector<16xf32>
          %swap3A_560 = vector.shape_cast %mul3A_553 : vector<16xf32> to vector<1x1x16xf32>
          tpu.vector_store %arg8[%swap3A_555, %swap3A_556, %swap3A_557], %swap3A_560 {strides = array<i32>} : memref<2x512x16xf32, #tpu.memory_space<vmem>>, vector<1x1x16xf32>,
        }
        %scan3A_419 = arith.constant 512 : i32
      } else {
      }
      %not3A_305 = arith.constant true
      %not3A_306 = arith.xori %eq3A_0, %not3A_305 : i1
      %convert_element_type3A_307 = arith.extui %not3A_306 : i1 to i32
      %cond3A_308 = arith.constant 0 : i32
      %cond3A_309 = arith.cmpi ne, %convert_element_type3A_307, %cond3A_308 : i32
      scf.if %cond3A_309 {
        %scan3A_414 = arith.constant 0 : i32
        %scan3A_415 = arith.constant 0 : i32
        %scan3A_416 = arith.constant 512 : i32
        %scan3A_417 = arith.addi %scan3A_415, %scan3A_416 : i32
        %scan3A_418 = arith.constant 8 : i32
        scf.for %scan3A_420 = %scan3A_415 to %scan3A_417 step %scan3A_418  : i32 {
          %get3A_421 = arith.constant 1 : i32
          %get3A_422 = arith.index_cast %get3A_421 : i32 to index
          %get3A_423 = arith.index_cast %scan3A_420 : i32 to index
          %get3A_424 = arith.constant 0 : index
          %get3A_425 = tpu.vector_load %arg8[%get3A_422, %get3A_423, %get3A_424] {strides = array<i32>} : memref<2x512x16xf32, #tpu.memory_space<vmem>>, vector<1x1x16xf32>,
          %get3A_426 = vector.shape_cast %get3A_425 : vector<1x1x16xf32> to vector<16xf32>
          %sub3A = arith.subf %get3A_426, %get3A_4 : vector<16xf32>
          %mul3A_427 = arith.mulf %sub3A, %sub3A : vector<16xf32>
          %mul3A_428 = arith.mulf %mul3A_427, %mul3A_427 : vector<16xf32>
          %swap3A = arith.constant 1 : i32
          %swap3A_429 = arith.index_cast %swap3A : i32 to index
          %swap3A_430 = arith.index_cast %scan3A_420 : i32 to index
          %swap3A_431 = arith.constant 0 : index
          %swap3A_432 = tpu.vector_load %arg8[%swap3A_429, %swap3A_430, %swap3A_431] {strides = array<i32>} : memref<2x512x16xf32, #tpu.memory_space<vmem>>, vector<1x1x16xf32>,
          %swap3A_433 = vector.shape_cast %swap3A_432 : vector<1x1x16xf32> to vector<16xf32>
          %swap3A_434 = vector.shape_cast %mul3A_428 : vector<16xf32> to vector<1x1x16xf32>
          tpu.vector_store %arg8[%swap3A_429, %swap3A_430, %swap3A_431], %swap3A_434 {strides = array<i32>} : memref<2x512x16xf32, #tpu.memory_space<vmem>>, vector<1x1x16xf32>,
          %scan3A_435 = arith.constant 1 : i32
          %scan3A_436 = arith.addi %scan3A_420, %scan3A_435 : i32
          %get3A_437 = arith.constant 1 : i32
          %get3A_438 = arith.index_cast %get3A_437 : i32 to index
          %get3A_439 = arith.index_cast %scan3A_436 : i32 to index
          %get3A_440 = arith.constant 0 : index
          %get3A_441 = tpu.vector_load %arg8[%get3A_438, %get3A_439, %get3A_440] {strides = array<i32>} : memref<2x512x16xf32, #tpu.memory_space<vmem>>, vector<1x1x16xf32>,
          %get3A_442 = vector.shape_cast %get3A_441 : vector<1x1x16xf32> to vector<16xf32>
          %sub3A_443 = arith.subf %get3A_442, %get3A_4 : vector<16xf32>
          %mul3A_444 = arith.mulf %sub3A_443, %sub3A_443 : vector<16xf32>
          %mul3A_445 = arith.mulf %mul3A_444, %mul3A_444 : vector<16xf32>
          %swap3A_446 = arith.constant 1 : i32
          %swap3A_447 = arith.index_cast %swap3A_446 : i32 to index
          %swap3A_448 = arith.index_cast %scan3A_436 : i32 to index
          %swap3A_449 = arith.constant 0 : index
          %swap3A_450 = tpu.vector_load %arg8[%swap3A_447, %swap3A_448, %swap3A_449] {strides = array<i32>} : memref<2x512x16xf32, #tpu.memory_space<vmem>>, vector<1x1x16xf32>,
          %swap3A_451 = vector.shape_cast %swap3A_450 : vector<1x1x16xf32> to vector<16xf32>
          %swap3A_452 = vector.shape_cast %mul3A_445 : vector<16xf32> to vector<1x1x16xf32>
          tpu.vector_store %arg8[%swap3A_447, %swap3A_448, %swap3A_449], %swap3A_452 {strides = array<i32>} : memref<2x512x16xf32, #tpu.memory_space<vmem>>, vector<1x1x16xf32>,
          %scan3A_453 = arith.constant 2 : i32
          %scan3A_454 = arith.addi %scan3A_420, %scan3A_453 : i32
          %get3A_455 = arith.constant 1 : i32
          %get3A_456 = arith.index_cast %get3A_455 : i32 to index
          %get3A_457 = arith.index_cast %scan3A_454 : i32 to index
          %get3A_458 = arith.constant 0 : index
          %get3A_459 = tpu.vector_load %arg8[%get3A_456, %get3A_457, %get3A_458] {strides = array<i32>} : memref<2x512x16xf32, #tpu.memory_space<vmem>>, vector<1x1x16xf32>,
          %get3A_460 = vector.shape_cast %get3A_459 : vector<1x1x16xf32> to vector<16xf32>
          %sub3A_461 = arith.subf %get3A_460, %get3A_4 : vector<16xf32>
          %mul3A_462 = arith.mulf %sub3A_461, %sub3A_461 : vector<16xf32>
          %mul3A_463 = arith.mulf %mul3A_462, %mul3A_462 : vector<16xf32>
          %swap3A_464 = arith.constant 1 : i32
          %swap3A_465 = arith.index_cast %swap3A_464 : i32 to index
          %swap3A_466 = arith.index_cast %scan3A_454 : i32 to index
          %swap3A_467 = arith.constant 0 : index
          %swap3A_468 = tpu.vector_load %arg8[%swap3A_465, %swap3A_466, %swap3A_467] {strides = array<i32>} : memref<2x512x16xf32, #tpu.memory_space<vmem>>, vector<1x1x16xf32>,
          %swap3A_469 = vector.shape_cast %swap3A_468 : vector<1x1x16xf32> to vector<16xf32>
          %swap3A_470 = vector.shape_cast %mul3A_463 : vector<16xf32> to vector<1x1x16xf32>
          tpu.vector_store %arg8[%swap3A_465, %swap3A_466, %swap3A_467], %swap3A_470 {strides = array<i32>} : memref<2x512x16xf32, #tpu.memory_space<vmem>>, vector<1x1x16xf32>,
          %scan3A_471 = arith.constant 3 : i32
          %scan3A_472 = arith.addi %scan3A_420, %scan3A_471 : i32
          %get3A_473 = arith.constant 1 : i32
          %get3A_474 = arith.index_cast %get3A_473 : i32 to index
          %get3A_475 = arith.index_cast %scan3A_472 : i32 to index
          %get3A_476 = arith.constant 0 : index
          %get3A_477 = tpu.vector_load %arg8[%get3A_474, %get3A_475, %get3A_476] {strides = array<i32>} : memref<2x512x16xf32, #tpu.memory_space<vmem>>, vector<1x1x16xf32>,
          %get3A_478 = vector.shape_cast %get3A_477 : vector<1x1x16xf32> to vector<16xf32>
          %sub3A_479 = arith.subf %get3A_478, %get3A_4 : vector<16xf32>
          %mul3A_480 = arith.mulf %sub3A_479, %sub3A_479 : vector<16xf32>
          %mul3A_481 = arith.mulf %mul3A_480, %mul3A_480 : vector<16xf32>
          %swap3A_482 = arith.constant 1 : i32
          %swap3A_483 = arith.index_cast %swap3A_482 : i32 to index
          %swap3A_484 = arith.index_cast %scan3A_472 : i32 to index
          %swap3A_485 = arith.constant 0 : index
          %swap3A_486 = tpu.vector_load %arg8[%swap3A_483, %swap3A_484, %swap3A_485] {strides = array<i32>} : memref<2x512x16xf32, #tpu.memory_space<vmem>>, vector<1x1x16xf32>,
          %swap3A_487 = vector.shape_cast %swap3A_486 : vector<1x1x16xf32> to vector<16xf32>
          %swap3A_488 = vector.shape_cast %mul3A_481 : vector<16xf32> to vector<1x1x16xf32>
          tpu.vector_store %arg8[%swap3A_483, %swap3A_484, %swap3A_485], %swap3A_488 {strides = array<i32>} : memref<2x512x16xf32, #tpu.memory_space<vmem>>, vector<1x1x16xf32>,
          %scan3A_489 = arith.constant 4 : i32
          %scan3A_490 = arith.addi %scan3A_420, %scan3A_489 : i32
          %get3A_491 = arith.constant 1 : i32
          %get3A_492 = arith.index_cast %get3A_491 : i32 to index
          %get3A_493 = arith.index_cast %scan3A_490 : i32 to index
          %get3A_494 = arith.constant 0 : index
          %get3A_495 = tpu.vector_load %arg8[%get3A_492, %get3A_493, %get3A_494] {strides = array<i32>} : memref<2x512x16xf32, #tpu.memory_space<vmem>>, vector<1x1x16xf32>,
          %get3A_496 = vector.shape_cast %get3A_495 : vector<1x1x16xf32> to vector<16xf32>
          %sub3A_497 = arith.subf %get3A_496, %get3A_4 : vector<16xf32>
          %mul3A_498 = arith.mulf %sub3A_497, %sub3A_497 : vector<16xf32>
          %mul3A_499 = arith.mulf %mul3A_498, %mul3A_498 : vector<16xf32>
          %swap3A_500 = arith.constant 1 : i32
          %swap3A_501 = arith.index_cast %swap3A_500 : i32 to index
          %swap3A_502 = arith.index_cast %scan3A_490 : i32 to index
          %swap3A_503 = arith.constant 0 : index
          %swap3A_504 = tpu.vector_load %arg8[%swap3A_501, %swap3A_502, %swap3A_503] {strides = array<i32>} : memref<2x512x16xf32, #tpu.memory_space<vmem>>, vector<1x1x16xf32>,
          %swap3A_505 = vector.shape_cast %swap3A_504 : vector<1x1x16xf32> to vector<16xf32>
          %swap3A_506 = vector.shape_cast %mul3A_499 : vector<16xf32> to vector<1x1x16xf32>
          tpu.vector_store %arg8[%swap3A_501, %swap3A_502, %swap3A_503], %swap3A_506 {strides = array<i32>} : memref<2x512x16xf32, #tpu.memory_space<vmem>>, vector<1x1x16xf32>,
          %scan3A_507 = arith.constant 5 : i32
          %scan3A_508 = arith.addi %scan3A_420, %scan3A_507 : i32
          %get3A_509 = arith.constant 1 : i32
          %get3A_510 = arith.index_cast %get3A_509 : i32 to index
          %get3A_511 = arith.index_cast %scan3A_508 : i32 to index
          %get3A_512 = arith.constant 0 : index
          %get3A_513 = tpu.vector_load %arg8[%get3A_510, %get3A_511, %get3A_512] {strides = array<i32>} : memref<2x512x16xf32, #tpu.memory_space<vmem>>, vector<1x1x16xf32>,
          %get3A_514 = vector.shape_cast %get3A_513 : vector<1x1x16xf32> to vector<16xf32>
          %sub3A_515 = arith.subf %get3A_514, %get3A_4 : vector<16xf32>
          %mul3A_516 = arith.mulf %sub3A_515, %sub3A_515 : vector<16xf32>
          %mul3A_517 = arith.mulf %mul3A_516, %mul3A_516 : vector<16xf32>
          %swap3A_518 = arith.constant 1 : i32
          %swap3A_519 = arith.index_cast %swap3A_518 : i32 to index
          %swap3A_520 = arith.index_cast %scan3A_508 : i32 to index
          %swap3A_521 = arith.constant 0 : index
          %swap3A_522 = tpu.vector_load %arg8[%swap3A_519, %swap3A_520, %swap3A_521] {strides = array<i32>} : memref<2x512x16xf32, #tpu.memory_space<vmem>>, vector<1x1x16xf32>,
          %swap3A_523 = vector.shape_cast %swap3A_522 : vector<1x1x16xf32> to vector<16xf32>
          %swap3A_524 = vector.shape_cast %mul3A_517 : vector<16xf32> to vector<1x1x16xf32>
          tpu.vector_store %arg8[%swap3A_519, %swap3A_520, %swap3A_521], %swap3A_524 {strides = array<i32>} : memref<2x512x16xf32, #tpu.memory_space<vmem>>, vector<1x1x16xf32>,
          %scan3A_525 = arith.constant 6 : i32
          %scan3A_526 = arith.addi %scan3A_420, %scan3A_525 : i32
          %get3A_527 = arith.constant 1 : i32
          %get3A_528 = arith.index_cast %get3A_527 : i32 to index
          %get3A_529 = arith.index_cast %scan3A_526 : i32 to index
          %get3A_530 = arith.constant 0 : index
          %get3A_531 = tpu.vector_load %arg8[%get3A_528, %get3A_529, %get3A_530] {strides = array<i32>} : memref<2x512x16xf32, #tpu.memory_space<vmem>>, vector<1x1x16xf32>,
          %get3A_532 = vector.shape_cast %get3A_531 : vector<1x1x16xf32> to vector<16xf32>
          %sub3A_533 = arith.subf %get3A_532, %get3A_4 : vector<16xf32>
          %mul3A_534 = arith.mulf %sub3A_533, %sub3A_533 : vector<16xf32>
          %mul3A_535 = arith.mulf %mul3A_534, %mul3A_534 : vector<16xf32>
          %swap3A_536 = arith.constant 1 : i32
          %swap3A_537 = arith.index_cast %swap3A_536 : i32 to index
          %swap3A_538 = arith.index_cast %scan3A_526 : i32 to index
          %swap3A_539 = arith.constant 0 : index
          %swap3A_540 = tpu.vector_load %arg8[%swap3A_537, %swap3A_538, %swap3A_539] {strides = array<i32>} : memref<2x512x16xf32, #tpu.memory_space<vmem>>, vector<1x1x16xf32>,
          %swap3A_541 = vector.shape_cast %swap3A_540 : vector<1x1x16xf32> to vector<16xf32>
          %swap3A_542 = vector.shape_cast %mul3A_535 : vector<16xf32> to vector<1x1x16xf32>
          tpu.vector_store %arg8[%swap3A_537, %swap3A_538, %swap3A_539], %swap3A_542 {strides = array<i32>} : memref<2x512x16xf32, #tpu.memory_space<vmem>>, vector<1x1x16xf32>,
          %scan3A_543 = arith.constant 7 : i32
          %scan3A_544 = arith.addi %scan3A_420, %scan3A_543 : i32
          %get3A_545 = arith.constant 1 : i32
          %get3A_546 = arith.index_cast %get3A_545 : i32 to index
          %get3A_547 = arith.index_cast %scan3A_544 : i32 to index
          %get3A_548 = arith.constant 0 : index
          %get3A_549 = tpu.vector_load %arg8[%get3A_546, %get3A_547, %get3A_548] {strides = array<i32>} : memref<2x512x16xf32, #tpu.memory_space<vmem>>, vector<1x1x16xf32>,
          %get3A_550 = vector.shape_cast %get3A_549 : vector<1x1x16xf32> to vector<16xf32>
          %sub3A_551 = arith.subf %get3A_550, %get3A_4 : vector<16xf32>
          %mul3A_552 = arith.mulf %sub3A_551, %sub3A_551 : vector<16xf32>
          %mul3A_553 = arith.mulf %mul3A_552, %mul3A_552 : vector<16xf32>
          %swap3A_554 = arith.constant 1 : i32
          %swap3A_555 = arith.index_cast %swap3A_554 : i32 to index
          %swap3A_556 = arith.index_cast %scan3A_544 : i32 to index
          %swap3A_557 = arith.constant 0 : index
          %swap3A_558 = tpu.vector_load %arg8[%swap3A_555, %swap3A_556, %swap3A_557] {strides = array<i32>} : memref<2x512x16xf32, #tpu.memory_space<vmem>>, vector<1x1x16xf32>,
          %swap3A_559 = vector.shape_cast %swap3A_558 : vector<1x1x16xf32> to vector<16xf32>
          %swap3A_560 = vector.shape_cast %mul3A_553 : vector<16xf32> to vector<1x1x16xf32>
          tpu.vector_store %arg8[%swap3A_555, %swap3A_556, %swap3A_557], %swap3A_560 {strides = array<i32>} : memref<2x512x16xf32, #tpu.memory_space<vmem>>, vector<1x1x16xf32>,
        }
        %scan3A_419 = arith.constant 512 : i32
      } else {
      }
      %dma_start3A_310 = arith.constant 1 : i32
      %dma_start3A_311 = arith.constant 1 : i32
      %dma_start3A_312 = arith.constant 0 : i32
      %dma_start3A_313 = arith.constant 0 : i32
      %dma_start3A_314 = arith.constant 0 : i32
      %dma_start3A_315 = tpu.memref_slice %arg8[%dma_start3A_310, %dma_start3A_313, %dma_start3A_314] : memref<2x512x16xf32, #tpu.memory_space<vmem>> -> memref<1x128x16xf32, #tpu.memory_space<vmem>>
      %dma_start3A_316 = tpu.memref_squeeze %dma_start3A_315 : memref<1x128x16xf32, #tpu.memory_space<vmem>> -> memref<128x16xf32, #tpu.memory_space<vmem>>
      %dma_start3A_317 = arith.constant 0 : i32
      %dma_start3A_318 = tpu.memref_slice %arg7[%dma_start3A_311, %dma_start3A_312, %dma_start3A_317] : memref<2x4x128xi32, #tpu.memory_space<vmem>> -> memref<1x1x128xi32, #tpu.memory_space<vmem>>
      %dma_start3A_319 = tpu.memref_squeeze %dma_start3A_318 : memref<1x1x128xi32, #tpu.memory_space<vmem>> -> memref<128xi32, #tpu.memory_space<vmem>>
      %dma_start3A_320 = arith.constant 0 : i32
      %dma_start3A_321 = arith.constant 0 : i32
      %dma_start3A_322 = tpu.memref_slice %arg10[%dma_start3A_320, %dma_start3A_321] : memref<100352x16xf32, #tpu.memory_space<vmem_shared>> -> memref<100352x16xf32, #tpu.memory_space<vmem_shared>>
      tpu.enqueue_indirect_dma source(%dma_start3A_316 : memref<128x16xf32, #tpu.memory_space<vmem>>) target(%dma_start3A_322 : memref<100352x16xf32, #tpu.memory_space<vmem_shared>>) offsets(%dma_start3A_319 : memref<128xi32, #tpu.memory_space<vmem>>) semaphore(%arg11 : memref<!tpu.dma_semaphore, #tpu.memory_space<semaphore_mem>>) {add = true}
      %dma_start3A_323 = arith.constant 1 : i32
      %dma_start3A_324 = arith.constant 1 : i32
      %dma_start3A_325 = arith.constant 1 : i32
      %dma_start3A_326 = arith.constant 128 : i32
      %dma_start3A_327 = arith.constant 0 : i32
      %dma_start3A_328 = tpu.memref_slice %arg8[%dma_start3A_323, %dma_start3A_326, %dma_start3A_327] : memref<2x512x16xf32, #tpu.memory_space<vmem>> -> memref<1x128x16xf32, #tpu.memory_space<vmem>>
      %dma_start3A_329 = tpu.memref_squeeze %dma_start3A_328 : memref<1x128x16xf32, #tpu.memory_space<vmem>> -> memref<128x16xf32, #tpu.memory_space<vmem>>
      %dma_start3A_330 = arith.constant 0 : i32
      %dma_start3A_331 = tpu.memref_slice %arg7[%dma_start3A_324, %dma_start3A_325, %dma_start3A_330] : memref<2x4x128xi32, #tpu.memory_space<vmem>> -> memref<1x1x128xi32, #tpu.memory_space<vmem>>
      %dma_start3A_332 = tpu.memref_squeeze %dma_start3A_331 : memref<1x1x128xi32, #tpu.memory_space<vmem>> -> memref<128xi32, #tpu.memory_space<vmem>>
      %dma_start3A_333 = arith.constant 0 : i32
      %dma_start3A_334 = arith.constant 0 : i32
      %dma_start3A_335 = tpu.memref_slice %arg10[%dma_start3A_333, %dma_start3A_334] : memref<100352x16xf32, #tpu.memory_space<vmem_shared>> -> memref<100352x16xf32, #tpu.memory_space<vmem_shared>>
      tpu.enqueue_indirect_dma source(%dma_start3A_329 : memref<128x16xf32, #tpu.memory_space<vmem>>) target(%dma_start3A_335 : memref<100352x16xf32, #tpu.memory_space<vmem_shared>>) offsets(%dma_start3A_332 : memref<128xi32, #tpu.memory_space<vmem>>) semaphore(%arg11 : memref<!tpu.dma_semaphore, #tpu.memory_space<semaphore_mem>>) {add = true}
      %dma_start3A_336 = arith.constant 1 : i32
      %dma_start3A_337 = arith.constant 1 : i32
      %dma_start3A_338 = arith.constant 2 : i32
      %dma_start3A_339 = arith.constant 256 : i32
      %dma_start3A_340 = arith.constant 0 : i32
      %dma_start3A_341 = tpu.memref_slice %arg8[%dma_start3A_336, %dma_start3A_339, %dma_start3A_340] : memref<2x512x16xf32, #tpu.memory_space<vmem>> -> memref<1x128x16xf32, #tpu.memory_space<vmem>>
      %dma_start3A_342 = tpu.memref_squeeze %dma_start3A_341 : memref<1x128x16xf32, #tpu.memory_space<vmem>> -> memref<128x16xf32, #tpu.memory_space<vmem>>
      %dma_start3A_343 = arith.constant 0 : i32
      %dma_start3A_344 = tpu.memref_slice %arg7[%dma_start3A_337, %dma_start3A_338, %dma_start3A_343] : memref<2x4x128xi32, #tpu.memory_space<vmem>> -> memref<1x1x128xi32, #tpu.memory_space<vmem>>
      %dma_start3A_345 = tpu.memref_squeeze %dma_start3A_344 : memref<1x1x128xi32, #tpu.memory_space<vmem>> -> memref<128xi32, #tpu.memory_space<vmem>>
      %dma_start3A_346 = arith.constant 0 : i32
      %dma_start3A_347 = arith.constant 0 : i32
      %dma_start3A_348 = tpu.memref_slice %arg10[%dma_start3A_346, %dma_start3A_347] : memref<100352x16xf32, #tpu.memory_space<vmem_shared>> -> memref<100352x16xf32, #tpu.memory_space<vmem_shared>>
      tpu.enqueue_indirect_dma source(%dma_start3A_342 : memref<128x16xf32, #tpu.memory_space<vmem>>) target(%dma_start3A_348 : memref<100352x16xf32, #tpu.memory_space<vmem_shared>>) offsets(%dma_start3A_345 : memref<128xi32, #tpu.memory_space<vmem>>) semaphore(%arg11 : memref<!tpu.dma_semaphore, #tpu.memory_space<semaphore_mem>>) {add = true}
      %dma_start3A_349 = arith.constant 1 : i32
      %dma_start3A_350 = arith.constant 1 : i32
      %dma_start3A_351 = arith.constant 3 : i32
      %dma_start3A_352 = arith.constant 384 : i32
      %dma_start3A_353 = arith.constant 0 : i32
      %dma_start3A_354 = tpu.memref_slice %arg8[%dma_start3A_349, %dma_start3A_352, %dma_start3A_353] : memref<2x512x16xf32, #tpu.memory_space<vmem>> -> memref<1x128x16xf32, #tpu.memory_space<vmem>>
      %dma_start3A_355 = tpu.memref_squeeze %dma_start3A_354 : memref<1x128x16xf32, #tpu.memory_space<vmem>> -> memref<128x16xf32, #tpu.memory_space<vmem>>
      %dma_start3A_356 = arith.constant 0 : i32
      %dma_start3A_357 = tpu.memref_slice %arg7[%dma_start3A_350, %dma_start3A_351, %dma_start3A_356] : memref<2x4x128xi32, #tpu.memory_space<vmem>> -> memref<1x1x128xi32, #tpu.memory_space<vmem>>
      %dma_start3A_358 = tpu.memref_squeeze %dma_start3A_357 : memref<1x1x128xi32, #tpu.memory_space<vmem>> -> memref<128xi32, #tpu.memory_space<vmem>>
      %dma_start3A_359 = arith.constant 0 : i32
      %dma_start3A_360 = arith.constant 0 : i32
      %dma_start3A_361 = tpu.memref_slice %arg10[%dma_start3A_359, %dma_start3A_360] : memref<100352x16xf32, #tpu.memory_space<vmem_shared>> -> memref<100352x16xf32, #tpu.memory_space<vmem_shared>>
      tpu.enqueue_indirect_dma source(%dma_start3A_355 : memref<128x16xf32, #tpu.memory_space<vmem>>) target(%dma_start3A_361 : memref<100352x16xf32, #tpu.memory_space<vmem_shared>>) offsets(%dma_start3A_358 : memref<128xi32, #tpu.memory_space<vmem>>) semaphore(%arg11 : memref<!tpu.dma_semaphore, #tpu.memory_space<semaphore_mem>>) {add = true}
      %dma_wait3A_362 = arith.constant 1 : i32
      %dma_wait3A_363 = arith.constant 1 : i32
      %dma_wait3A_364 = arith.constant 0 : i32
      %dma_wait3A_365 = arith.constant 0 : i32
      %dma_wait3A_366 = arith.constant 0 : i32
      %dma_wait3A_367 = tpu.memref_slice %arg8[%dma_wait3A_362, %dma_wait3A_365, %dma_wait3A_366] : memref<2x512x16xf32, #tpu.memory_space<vmem>> -> memref<1x128x16xf32, #tpu.memory_space<vmem>>
      %dma_wait3A_368 = tpu.memref_squeeze %dma_wait3A_367 : memref<1x128x16xf32, #tpu.memory_space<vmem>> -> memref<128x16xf32, #tpu.memory_space<vmem>>
      %dma_wait3A_369 = arith.constant 0 : i32
      %dma_wait3A_370 = tpu.memref_slice %arg7[%dma_wait3A_363, %dma_wait3A_364, %dma_wait3A_369] : memref<2x4x128xi32, #tpu.memory_space<vmem>> -> memref<1x1x128xi32, #tpu.memory_space<vmem>>
      %dma_wait3A_371 = tpu.memref_squeeze %dma_wait3A_370 : memref<1x1x128xi32, #tpu.memory_space<vmem>> -> memref<128xi32, #tpu.memory_space<vmem>>
      %dma_wait3A_372 = arith.constant 0 : i32
      %dma_wait3A_373 = arith.constant 0 : i32
      %dma_wait3A_374 = tpu.memref_slice %arg10[%dma_wait3A_372, %dma_wait3A_373] : memref<100352x16xf32, #tpu.memory_space<vmem_shared>> -> memref<100352x16xf32, #tpu.memory_space<vmem_shared>>
      tpu.wait_indirect_dma semaphore(%arg11 : memref<!tpu.dma_semaphore, #tpu.memory_space<semaphore_mem>>) src(%dma_wait3A_368 : memref<128x16xf32, #tpu.memory_space<vmem>>) dst(%dma_wait3A_374 : memref<100352x16xf32, #tpu.memory_space<vmem_shared>>)
      %dma_wait3A_375 = arith.constant 1 : i32
      %dma_wait3A_376 = arith.constant 1 : i32
      %dma_wait3A_377 = arith.constant 1 : i32
      %dma_wait3A_378 = arith.constant 128 : i32
      %dma_wait3A_379 = arith.constant 0 : i32
      %dma_wait3A_380 = tpu.memref_slice %arg8[%dma_wait3A_375, %dma_wait3A_378, %dma_wait3A_379] : memref<2x512x16xf32, #tpu.memory_space<vmem>> -> memref<1x128x16xf32, #tpu.memory_space<vmem>>
      %dma_wait3A_381 = tpu.memref_squeeze %dma_wait3A_380 : memref<1x128x16xf32, #tpu.memory_space<vmem>> -> memref<128x16xf32, #tpu.memory_space<vmem>>
      %dma_wait3A_382 = arith.constant 0 : i32
      %dma_wait3A_383 = tpu.memref_slice %arg7[%dma_wait3A_376, %dma_wait3A_377, %dma_wait3A_382] : memref<2x4x128xi32, #tpu.memory_space<vmem>> -> memref<1x1x128xi32, #tpu.memory_space<vmem>>
      %dma_wait3A_384 = tpu.memref_squeeze %dma_wait3A_383 : memref<1x1x128xi32, #tpu.memory_space<vmem>> -> memref<128xi32, #tpu.memory_space<vmem>>
      %dma_wait3A_385 = arith.constant 0 : i32
      %dma_wait3A_386 = arith.constant 0 : i32
      %dma_wait3A_387 = tpu.memref_slice %arg10[%dma_wait3A_385, %dma_wait3A_386] : memref<100352x16xf32, #tpu.memory_space<vmem_shared>> -> memref<100352x16xf32, #tpu.memory_space<vmem_shared>>
      tpu.wait_indirect_dma semaphore(%arg11 : memref<!tpu.dma_semaphore, #tpu.memory_space<semaphore_mem>>) src(%dma_wait3A_381 : memref<128x16xf32, #tpu.memory_space<vmem>>) dst(%dma_wait3A_387 : memref<100352x16xf32, #tpu.memory_space<vmem_shared>>)
      %dma_wait3A_388 = arith.constant 1 : i32
      %dma_wait3A_389 = arith.constant 1 : i32
      %dma_wait3A_390 = arith.constant 2 : i32
      %dma_wait3A_391 = arith.constant 256 : i32
      %dma_wait3A_392 = arith.constant 0 : i32
      %dma_wait3A_393 = tpu.memref_slice %arg8[%dma_wait3A_388, %dma_wait3A_391, %dma_wait3A_392] : memref<2x512x16xf32, #tpu.memory_space<vmem>> -> memref<1x128x16xf32, #tpu.memory_space<vmem>>
      %dma_wait3A_394 = tpu.memref_squeeze %dma_wait3A_393 : memref<1x128x16xf32, #tpu.memory_space<vmem>> -> memref<128x16xf32, #tpu.memory_space<vmem>>
      %dma_wait3A_395 = arith.constant 0 : i32
      %dma_wait3A_396 = tpu.memref_slice %arg7[%dma_wait3A_389, %dma_wait3A_390, %dma_wait3A_395] : memref<2x4x128xi32, #tpu.memory_space<vmem>> -> memref<1x1x128xi32, #tpu.memory_space<vmem>>
      %dma_wait3A_397 = tpu.memref_squeeze %dma_wait3A_396 : memref<1x1x128xi32, #tpu.memory_space<vmem>> -> memref<128xi32, #tpu.memory_space<vmem>>
      %dma_wait3A_398 = arith.constant 0 : i32
      %dma_wait3A_399 = arith.constant 0 : i32
      %dma_wait3A_400 = tpu.memref_slice %arg10[%dma_wait3A_398, %dma_wait3A_399] : memref<100352x16xf32, #tpu.memory_space<vmem_shared>> -> memref<100352x16xf32, #tpu.memory_space<vmem_shared>>
      tpu.wait_indirect_dma semaphore(%arg11 : memref<!tpu.dma_semaphore, #tpu.memory_space<semaphore_mem>>) src(%dma_wait3A_394 : memref<128x16xf32, #tpu.memory_space<vmem>>) dst(%dma_wait3A_400 : memref<100352x16xf32, #tpu.memory_space<vmem_shared>>)
      %dma_wait3A_401 = arith.constant 1 : i32
      %dma_wait3A_402 = arith.constant 1 : i32
      %dma_wait3A_403 = arith.constant 3 : i32
      %dma_wait3A_404 = arith.constant 384 : i32
      %dma_wait3A_405 = arith.constant 0 : i32
      %dma_wait3A_406 = tpu.memref_slice %arg8[%dma_wait3A_401, %dma_wait3A_404, %dma_wait3A_405] : memref<2x512x16xf32, #tpu.memory_space<vmem>> -> memref<1x128x16xf32, #tpu.memory_space<vmem>>
      %dma_wait3A_407 = tpu.memref_squeeze %dma_wait3A_406 : memref<1x128x16xf32, #tpu.memory_space<vmem>> -> memref<128x16xf32, #tpu.memory_space<vmem>>
      %dma_wait3A_408 = arith.constant 0 : i32
      %dma_wait3A_409 = tpu.memref_slice %arg7[%dma_wait3A_402, %dma_wait3A_403, %dma_wait3A_408] : memref<2x4x128xi32, #tpu.memory_space<vmem>> -> memref<1x1x128xi32, #tpu.memory_space<vmem>>
      %dma_wait3A_410 = tpu.memref_squeeze %dma_wait3A_409 : memref<1x1x128xi32, #tpu.memory_space<vmem>> -> memref<128xi32, #tpu.memory_space<vmem>>
      %dma_wait3A_411 = arith.constant 0 : i32
      %dma_wait3A_412 = arith.constant 0 : i32
      %dma_wait3A_413 = tpu.memref_slice %arg10[%dma_wait3A_411, %dma_wait3A_412] : memref<100352x16xf32, #tpu.memory_space<vmem_shared>> -> memref<100352x16xf32, #tpu.memory_space<vmem_shared>>
      tpu.wait_indirect_dma semaphore(%arg11 : memref<!tpu.dma_semaphore, #tpu.memory_space<semaphore_mem>>) src(%dma_wait3A_407 : memref<128x16xf32, #tpu.memory_space<vmem>>) dst(%dma_wait3A_413 : memref<100352x16xf32, #tpu.memory_space<vmem_shared>>)
    }
    %scan3A_92 = arith.constant 98 : i32
    %barrier3A_93 = arith.constant 0 : index
    tpu.barrier barrier_id(%barrier3A_93)
    %mul3A_94 = arith.constant 6272 : i32
    %mul3A_95 = arith.muli %arg1, %mul3A_94 : i32
    %add3A_96 = arith.constant 2 : i32
    %add3A_97 = arith.addi %add3A_96, %arg0 : i32
    %mul3A_98 = arith.constant 6272 : i32
    %mul3A_99 = arith.muli %arg1, %mul3A_98 : i32
    "tpu.region"() ({
      %run_scoped3A = tpu.sem_alloc : memref<!tpu.dma_semaphore, #tpu.memory_space<semaphore_mem>>
      %dma_start3A_100 = arith.constant 0 : i32
      %dma_start3A_101 = tpu.memref_slice %arg6[%add3A_97, %mul3A_99, %dma_start3A_100] : memref<4x100352x16xf32, #tpu.memory_space<hbm>> -> memref<1x6272x16xf32, #tpu.memory_space<hbm>>
      %dma_start3A_102 = tpu.memref_squeeze %dma_start3A_101 : memref<1x6272x16xf32, #tpu.memory_space<hbm>> -> memref<6272x16xf32, #tpu.memory_space<hbm>>
      %dma_start3A_103 = arith.constant 0 : i32
      %dma_start3A_104 = tpu.memref_slice %arg10[%mul3A_95, %dma_start3A_103] : memref<100352x16xf32, #tpu.memory_space<vmem_shared>> -> memref<6272x16xf32, #tpu.memory_space<vmem_shared>>
      tpu.enqueue_dma source(%dma_start3A_104 : memref<6272x16xf32, #tpu.memory_space<vmem_shared>>) target(%dma_start3A_102 : memref<6272x16xf32, #tpu.memory_space<hbm>>) target_semaphore(%run_scoped3A : memref<!tpu.dma_semaphore, #tpu.memory_space<semaphore_mem>>)
      %dma_wait3A = arith.constant 0 : i32
      %dma_wait3A_105 = tpu.memref_slice %arg6[%add3A_97, %mul3A_99, %dma_wait3A] : memref<4x100352x16xf32, #tpu.memory_space<hbm>> -> memref<1x6272x16xf32, #tpu.memory_space<hbm>>
      %dma_wait3A_106 = tpu.memref_squeeze %dma_wait3A_105 : memref<1x6272x16xf32, #tpu.memory_space<hbm>> -> memref<6272x16xf32, #tpu.memory_space<hbm>>
      %dma_wait3A_107 = arith.constant 0 : i32
      %dma_wait3A_108 = tpu.memref_slice %arg10[%mul3A_95, %dma_wait3A_107] : memref<100352x16xf32, #tpu.memory_space<vmem_shared>> -> memref<6272x16xf32, #tpu.memory_space<vmem_shared>>
      tpu.wait_dma2 semaphore(%run_scoped3A : memref<!tpu.dma_semaphore, #tpu.memory_space<semaphore_mem>>) src(%dma_wait3A_108 : memref<6272x16xf32, #tpu.memory_space<vmem_shared>>) dst(%dma_wait3A_106 : memref<6272x16xf32, #tpu.memory_space<hbm>>)
      tpu.yield
    }) : () -> ()
    return
  }
}

#map = affine_map<(d0, d1) -> (0, 0)>
module attributes {stable_mosaic.version = 14 : i64} {
  func.func @k(%arg0: i32, %arg1: i32, %arg2: memref<100000x16xf32, #tpu.memory_space<hbm>>, %arg3: memref<12544x128xi32, #tpu.memory_space<hbm>>, %arg4: memref<1605632x16xf32, #tpu.memory_space<hbm>>, %arg5: memref<8x128xi32, #tpu.memory_space<vmem>>, %arg6: memref<1024x16xf32, #tpu.memory_space<vmem>>, %arg7: memref<!tpu.dma_semaphore, #tpu.memory_space<semaphore_mem>>) attributes {dimension_semantics = [#tpu.dimension_semantics<core_parallel>, #tpu.dimension_semantics<subcore_parallel>], iteration_bounds = array<i64: 2, 16>, scalar_prefetch = 0 : i64, scratch_operands = 3 : i64, tpu.core_type = #tpu.core_type<sc_vector_subcore>, window_params = [{transform_indices = #map}, {transform_indices = #map}, {transform_indices = #map}]} {
    %mul3A = arith.constant 2 : i32
    %mul3A_0 = arith.muli %arg1, %mul3A : i32
    %add3A = arith.addi %mul3A_0, %arg0 : i32
    %mul3A_1 = arith.constant 50176 : i32
    %mul3A_2 = arith.muli %add3A, %mul3A_1 : i32
    %mul3A_3 = arith.constant 392 : i32
    %mul3A_4 = arith.muli %add3A, %mul3A_3 : i32
    %scan3A = arith.constant 0 : i32
    %scan3A_5 = arith.constant 0 : i32
    %scan3A_6 = arith.constant 49 : i32
    %scan3A_7 = arith.addi %scan3A_5, %scan3A_6 : i32
    %scan3A_8 = arith.constant 1 : i32
    scf.for %scan3A_10 = %scan3A_5 to %scan3A_7 step %scan3A_8  : i32 {
      %mul3A_11 = arith.constant 1024 : i32
      %mul3A_12 = arith.muli %scan3A_10, %mul3A_11 : i32
      %add3A_13 = arith.addi %mul3A_2, %mul3A_12 : i32
      %mul3A_14 = arith.constant 8 : i32
      %mul3A_15 = arith.muli %scan3A_10, %mul3A_14 : i32
      %add3A_16 = arith.addi %mul3A_4, %mul3A_15 : i32
      "tpu.region"() ({
        %run_scoped3A = tpu.sem_alloc : memref<!tpu.dma_semaphore, #tpu.memory_space<semaphore_mem>>
        %dma_start3A_175 = arith.constant 0 : i32
        %dma_start3A_176 = tpu.memref_slice %arg3[%add3A_16, %dma_start3A_175] : memref<12544x128xi32, #tpu.memory_space<hbm>> -> memref<8x128xi32, #tpu.memory_space<hbm>>
        %dma_start3A_177 = arith.constant 0 : i32
        %dma_start3A_178 = tpu.memref_slice %arg3[%add3A_16, %dma_start3A_177] : memref<12544x128xi32, #tpu.memory_space<hbm>> -> memref<8x128xi32, #tpu.memory_space<hbm>>
        tpu.enqueue_dma source(%dma_start3A_178 : memref<8x128xi32, #tpu.memory_space<hbm>>) target(%arg5 : memref<8x128xi32, #tpu.memory_space<vmem>>) target_semaphore(%run_scoped3A : memref<!tpu.dma_semaphore, #tpu.memory_space<semaphore_mem>>)
        %dma_wait3A_179 = arith.constant 0 : i32
        %dma_wait3A_180 = tpu.memref_slice %arg3[%add3A_16, %dma_wait3A_179] : memref<12544x128xi32, #tpu.memory_space<hbm>> -> memref<8x128xi32, #tpu.memory_space<hbm>>
        %dma_wait3A_181 = arith.constant 0 : i32
        %dma_wait3A_182 = tpu.memref_slice %arg3[%add3A_16, %dma_wait3A_181] : memref<12544x128xi32, #tpu.memory_space<hbm>> -> memref<8x128xi32, #tpu.memory_space<hbm>>
        tpu.wait_dma2 semaphore(%run_scoped3A : memref<!tpu.dma_semaphore, #tpu.memory_space<semaphore_mem>>) src(%dma_wait3A_182 : memref<8x128xi32, #tpu.memory_space<hbm>>) dst(%arg5 : memref<8x128xi32, #tpu.memory_space<vmem>>)
        tpu.yield
      }) : () -> ()
      %dma_start3A = arith.constant 0 : i32
      %dma_start3A_17 = arith.constant 0 : i32
      %dma_start3A_18 = arith.constant 0 : i32
      %dma_start3A_19 = tpu.memref_slice %arg6[%dma_start3A_17, %dma_start3A_18] : memref<1024x16xf32, #tpu.memory_space<vmem>> -> memref<128x16xf32, #tpu.memory_space<vmem>>
      %dma_start3A_20 = arith.constant 0 : i32
      %dma_start3A_21 = tpu.memref_slice %arg5[%dma_start3A, %dma_start3A_20] : memref<8x128xi32, #tpu.memory_space<vmem>> -> memref<1x128xi32, #tpu.memory_space<vmem>>
      %dma_start3A_22 = tpu.memref_squeeze %dma_start3A_21 : memref<1x128xi32, #tpu.memory_space<vmem>> -> memref<128xi32, #tpu.memory_space<vmem>>
      %dma_start3A_23 = arith.constant 0 : i32
      %dma_start3A_24 = arith.constant 0 : i32
      %dma_start3A_25 = tpu.memref_slice %arg2[%dma_start3A_23, %dma_start3A_24] : memref<100000x16xf32, #tpu.memory_space<hbm>> -> memref<100000x16xf32, #tpu.memory_space<hbm>>
      tpu.enqueue_indirect_dma source(%dma_start3A_25 : memref<100000x16xf32, #tpu.memory_space<hbm>>) target(%dma_start3A_19 : memref<128x16xf32, #tpu.memory_space<vmem>>) offsets(%dma_start3A_22 : memref<128xi32, #tpu.memory_space<vmem>>) semaphore(%arg7 : memref<!tpu.dma_semaphore, #tpu.memory_space<semaphore_mem>>)
      %dma_start3A_26 = arith.constant 1 : i32
      %dma_start3A_27 = arith.constant 128 : i32
      %dma_start3A_28 = arith.constant 0 : i32
      %dma_start3A_29 = tpu.memref_slice %arg6[%dma_start3A_27, %dma_start3A_28] : memref<1024x16xf32, #tpu.memory_space<vmem>> -> memref<128x16xf32, #tpu.memory_space<vmem>>
      %dma_start3A_30 = arith.constant 0 : i32
      %dma_start3A_31 = tpu.memref_slice %arg5[%dma_start3A_26, %dma_start3A_30] : memref<8x128xi32, #tpu.memory_space<vmem>> -> memref<1x128xi32, #tpu.memory_space<vmem>>
      %dma_start3A_32 = tpu.memref_squeeze %dma_start3A_31 : memref<1x128xi32, #tpu.memory_space<vmem>> -> memref<128xi32, #tpu.memory_space<vmem>>
      %dma_start3A_33 = arith.constant 0 : i32
      %dma_start3A_34 = arith.constant 0 : i32
      %dma_start3A_35 = tpu.memref_slice %arg2[%dma_start3A_33, %dma_start3A_34] : memref<100000x16xf32, #tpu.memory_space<hbm>> -> memref<100000x16xf32, #tpu.memory_space<hbm>>
      tpu.enqueue_indirect_dma source(%dma_start3A_35 : memref<100000x16xf32, #tpu.memory_space<hbm>>) target(%dma_start3A_29 : memref<128x16xf32, #tpu.memory_space<vmem>>) offsets(%dma_start3A_32 : memref<128xi32, #tpu.memory_space<vmem>>) semaphore(%arg7 : memref<!tpu.dma_semaphore, #tpu.memory_space<semaphore_mem>>)
      %dma_start3A_36 = arith.constant 2 : i32
      %dma_start3A_37 = arith.constant 256 : i32
      %dma_start3A_38 = arith.constant 0 : i32
      %dma_start3A_39 = tpu.memref_slice %arg6[%dma_start3A_37, %dma_start3A_38] : memref<1024x16xf32, #tpu.memory_space<vmem>> -> memref<128x16xf32, #tpu.memory_space<vmem>>
      %dma_start3A_40 = arith.constant 0 : i32
      %dma_start3A_41 = tpu.memref_slice %arg5[%dma_start3A_36, %dma_start3A_40] : memref<8x128xi32, #tpu.memory_space<vmem>> -> memref<1x128xi32, #tpu.memory_space<vmem>>
      %dma_start3A_42 = tpu.memref_squeeze %dma_start3A_41 : memref<1x128xi32, #tpu.memory_space<vmem>> -> memref<128xi32, #tpu.memory_space<vmem>>
      %dma_start3A_43 = arith.constant 0 : i32
      %dma_start3A_44 = arith.constant 0 : i32
      %dma_start3A_45 = tpu.memref_slice %arg2[%dma_start3A_43, %dma_start3A_44] : memref<100000x16xf32, #tpu.memory_space<hbm>> -> memref<100000x16xf32, #tpu.memory_space<hbm>>
      tpu.enqueue_indirect_dma source(%dma_start3A_45 : memref<100000x16xf32, #tpu.memory_space<hbm>>) target(%dma_start3A_39 : memref<128x16xf32, #tpu.memory_space<vmem>>) offsets(%dma_start3A_42 : memref<128xi32, #tpu.memory_space<vmem>>) semaphore(%arg7 : memref<!tpu.dma_semaphore, #tpu.memory_space<semaphore_mem>>)
      %dma_start3A_46 = arith.constant 3 : i32
      %dma_start3A_47 = arith.constant 384 : i32
      %dma_start3A_48 = arith.constant 0 : i32
      %dma_start3A_49 = tpu.memref_slice %arg6[%dma_start3A_47, %dma_start3A_48] : memref<1024x16xf32, #tpu.memory_space<vmem>> -> memref<128x16xf32, #tpu.memory_space<vmem>>
      %dma_start3A_50 = arith.constant 0 : i32
      %dma_start3A_51 = tpu.memref_slice %arg5[%dma_start3A_46, %dma_start3A_50] : memref<8x128xi32, #tpu.memory_space<vmem>> -> memref<1x128xi32, #tpu.memory_space<vmem>>
      %dma_start3A_52 = tpu.memref_squeeze %dma_start3A_51 : memref<1x128xi32, #tpu.memory_space<vmem>> -> memref<128xi32, #tpu.memory_space<vmem>>
      %dma_start3A_53 = arith.constant 0 : i32
      %dma_start3A_54 = arith.constant 0 : i32
      %dma_start3A_55 = tpu.memref_slice %arg2[%dma_start3A_53, %dma_start3A_54] : memref<100000x16xf32, #tpu.memory_space<hbm>> -> memref<100000x16xf32, #tpu.memory_space<hbm>>
      tpu.enqueue_indirect_dma source(%dma_start3A_55 : memref<100000x16xf32, #tpu.memory_space<hbm>>) target(%dma_start3A_49 : memref<128x16xf32, #tpu.memory_space<vmem>>) offsets(%dma_start3A_52 : memref<128xi32, #tpu.memory_space<vmem>>) semaphore(%arg7 : memref<!tpu.dma_semaphore, #tpu.memory_space<semaphore_mem>>)
      %dma_start3A_56 = arith.constant 4 : i32
      %dma_start3A_57 = arith.constant 512 : i32
      %dma_start3A_58 = arith.constant 0 : i32
      %dma_start3A_59 = tpu.memref_slice %arg6[%dma_start3A_57, %dma_start3A_58] : memref<1024x16xf32, #tpu.memory_space<vmem>> -> memref<128x16xf32, #tpu.memory_space<vmem>>
      %dma_start3A_60 = arith.constant 0 : i32
      %dma_start3A_61 = tpu.memref_slice %arg5[%dma_start3A_56, %dma_start3A_60] : memref<8x128xi32, #tpu.memory_space<vmem>> -> memref<1x128xi32, #tpu.memory_space<vmem>>
      %dma_start3A_62 = tpu.memref_squeeze %dma_start3A_61 : memref<1x128xi32, #tpu.memory_space<vmem>> -> memref<128xi32, #tpu.memory_space<vmem>>
      %dma_start3A_63 = arith.constant 0 : i32
      %dma_start3A_64 = arith.constant 0 : i32
      %dma_start3A_65 = tpu.memref_slice %arg2[%dma_start3A_63, %dma_start3A_64] : memref<100000x16xf32, #tpu.memory_space<hbm>> -> memref<100000x16xf32, #tpu.memory_space<hbm>>
      tpu.enqueue_indirect_dma source(%dma_start3A_65 : memref<100000x16xf32, #tpu.memory_space<hbm>>) target(%dma_start3A_59 : memref<128x16xf32, #tpu.memory_space<vmem>>) offsets(%dma_start3A_62 : memref<128xi32, #tpu.memory_space<vmem>>) semaphore(%arg7 : memref<!tpu.dma_semaphore, #tpu.memory_space<semaphore_mem>>)
      %dma_start3A_66 = arith.constant 5 : i32
      %dma_start3A_67 = arith.constant 640 : i32
      %dma_start3A_68 = arith.constant 0 : i32
      %dma_start3A_69 = tpu.memref_slice %arg6[%dma_start3A_67, %dma_start3A_68] : memref<1024x16xf32, #tpu.memory_space<vmem>> -> memref<128x16xf32, #tpu.memory_space<vmem>>
      %dma_start3A_70 = arith.constant 0 : i32
      %dma_start3A_71 = tpu.memref_slice %arg5[%dma_start3A_66, %dma_start3A_70] : memref<8x128xi32, #tpu.memory_space<vmem>> -> memref<1x128xi32, #tpu.memory_space<vmem>>
      %dma_start3A_72 = tpu.memref_squeeze %dma_start3A_71 : memref<1x128xi32, #tpu.memory_space<vmem>> -> memref<128xi32, #tpu.memory_space<vmem>>
      %dma_start3A_73 = arith.constant 0 : i32
      %dma_start3A_74 = arith.constant 0 : i32
      %dma_start3A_75 = tpu.memref_slice %arg2[%dma_start3A_73, %dma_start3A_74] : memref<100000x16xf32, #tpu.memory_space<hbm>> -> memref<100000x16xf32, #tpu.memory_space<hbm>>
      tpu.enqueue_indirect_dma source(%dma_start3A_75 : memref<100000x16xf32, #tpu.memory_space<hbm>>) target(%dma_start3A_69 : memref<128x16xf32, #tpu.memory_space<vmem>>) offsets(%dma_start3A_72 : memref<128xi32, #tpu.memory_space<vmem>>) semaphore(%arg7 : memref<!tpu.dma_semaphore, #tpu.memory_space<semaphore_mem>>)
      %dma_start3A_76 = arith.constant 6 : i32
      %dma_start3A_77 = arith.constant 768 : i32
      %dma_start3A_78 = arith.constant 0 : i32
      %dma_start3A_79 = tpu.memref_slice %arg6[%dma_start3A_77, %dma_start3A_78] : memref<1024x16xf32, #tpu.memory_space<vmem>> -> memref<128x16xf32, #tpu.memory_space<vmem>>
      %dma_start3A_80 = arith.constant 0 : i32
      %dma_start3A_81 = tpu.memref_slice %arg5[%dma_start3A_76, %dma_start3A_80] : memref<8x128xi32, #tpu.memory_space<vmem>> -> memref<1x128xi32, #tpu.memory_space<vmem>>
      %dma_start3A_82 = tpu.memref_squeeze %dma_start3A_81 : memref<1x128xi32, #tpu.memory_space<vmem>> -> memref<128xi32, #tpu.memory_space<vmem>>
      %dma_start3A_83 = arith.constant 0 : i32
      %dma_start3A_84 = arith.constant 0 : i32
      %dma_start3A_85 = tpu.memref_slice %arg2[%dma_start3A_83, %dma_start3A_84] : memref<100000x16xf32, #tpu.memory_space<hbm>> -> memref<100000x16xf32, #tpu.memory_space<hbm>>
      tpu.enqueue_indirect_dma source(%dma_start3A_85 : memref<100000x16xf32, #tpu.memory_space<hbm>>) target(%dma_start3A_79 : memref<128x16xf32, #tpu.memory_space<vmem>>) offsets(%dma_start3A_82 : memref<128xi32, #tpu.memory_space<vmem>>) semaphore(%arg7 : memref<!tpu.dma_semaphore, #tpu.memory_space<semaphore_mem>>)
      %dma_start3A_86 = arith.constant 7 : i32
      %dma_start3A_87 = arith.constant 896 : i32
      %dma_start3A_88 = arith.constant 0 : i32
      %dma_start3A_89 = tpu.memref_slice %arg6[%dma_start3A_87, %dma_start3A_88] : memref<1024x16xf32, #tpu.memory_space<vmem>> -> memref<128x16xf32, #tpu.memory_space<vmem>>
      %dma_start3A_90 = arith.constant 0 : i32
      %dma_start3A_91 = tpu.memref_slice %arg5[%dma_start3A_86, %dma_start3A_90] : memref<8x128xi32, #tpu.memory_space<vmem>> -> memref<1x128xi32, #tpu.memory_space<vmem>>
      %dma_start3A_92 = tpu.memref_squeeze %dma_start3A_91 : memref<1x128xi32, #tpu.memory_space<vmem>> -> memref<128xi32, #tpu.memory_space<vmem>>
      %dma_start3A_93 = arith.constant 0 : i32
      %dma_start3A_94 = arith.constant 0 : i32
      %dma_start3A_95 = tpu.memref_slice %arg2[%dma_start3A_93, %dma_start3A_94] : memref<100000x16xf32, #tpu.memory_space<hbm>> -> memref<100000x16xf32, #tpu.memory_space<hbm>>
      tpu.enqueue_indirect_dma source(%dma_start3A_95 : memref<100000x16xf32, #tpu.memory_space<hbm>>) target(%dma_start3A_89 : memref<128x16xf32, #tpu.memory_space<vmem>>) offsets(%dma_start3A_92 : memref<128xi32, #tpu.memory_space<vmem>>) semaphore(%arg7 : memref<!tpu.dma_semaphore, #tpu.memory_space<semaphore_mem>>)
      %dma_wait3A = arith.constant 0 : i32
      %dma_wait3A_96 = arith.constant 0 : i32
      %dma_wait3A_97 = arith.constant 0 : i32
      %dma_wait3A_98 = tpu.memref_slice %arg6[%dma_wait3A_96, %dma_wait3A_97] : memref<1024x16xf32, #tpu.memory_space<vmem>> -> memref<128x16xf32, #tpu.memory_space<vmem>>
      %dma_wait3A_99 = arith.constant 0 : i32
      %dma_wait3A_100 = tpu.memref_slice %arg5[%dma_wait3A, %dma_wait3A_99] : memref<8x128xi32, #tpu.memory_space<vmem>> -> memref<1x128xi32, #tpu.memory_space<vmem>>
      %dma_wait3A_101 = tpu.memref_squeeze %dma_wait3A_100 : memref<1x128xi32, #tpu.memory_space<vmem>> -> memref<128xi32, #tpu.memory_space<vmem>>
      %dma_wait3A_102 = arith.constant 0 : i32
      %dma_wait3A_103 = arith.constant 0 : i32
      %dma_wait3A_104 = tpu.memref_slice %arg2[%dma_wait3A_102, %dma_wait3A_103] : memref<100000x16xf32, #tpu.memory_space<hbm>> -> memref<100000x16xf32, #tpu.memory_space<hbm>>
      tpu.wait_indirect_dma semaphore(%arg7 : memref<!tpu.dma_semaphore, #tpu.memory_space<semaphore_mem>>) src(%dma_wait3A_104 : memref<100000x16xf32, #tpu.memory_space<hbm>>) dst(%dma_wait3A_98 : memref<128x16xf32, #tpu.memory_space<vmem>>)
      %dma_wait3A_105 = arith.constant 1 : i32
      %dma_wait3A_106 = arith.constant 128 : i32
      %dma_wait3A_107 = arith.constant 0 : i32
      %dma_wait3A_108 = tpu.memref_slice %arg6[%dma_wait3A_106, %dma_wait3A_107] : memref<1024x16xf32, #tpu.memory_space<vmem>> -> memref<128x16xf32, #tpu.memory_space<vmem>>
      %dma_wait3A_109 = arith.constant 0 : i32
      %dma_wait3A_110 = tpu.memref_slice %arg5[%dma_wait3A_105, %dma_wait3A_109] : memref<8x128xi32, #tpu.memory_space<vmem>> -> memref<1x128xi32, #tpu.memory_space<vmem>>
      %dma_wait3A_111 = tpu.memref_squeeze %dma_wait3A_110 : memref<1x128xi32, #tpu.memory_space<vmem>> -> memref<128xi32, #tpu.memory_space<vmem>>
      %dma_wait3A_112 = arith.constant 0 : i32
      %dma_wait3A_113 = arith.constant 0 : i32
      %dma_wait3A_114 = tpu.memref_slice %arg2[%dma_wait3A_112, %dma_wait3A_113] : memref<100000x16xf32, #tpu.memory_space<hbm>> -> memref<100000x16xf32, #tpu.memory_space<hbm>>
      tpu.wait_indirect_dma semaphore(%arg7 : memref<!tpu.dma_semaphore, #tpu.memory_space<semaphore_mem>>) src(%dma_wait3A_114 : memref<100000x16xf32, #tpu.memory_space<hbm>>) dst(%dma_wait3A_108 : memref<128x16xf32, #tpu.memory_space<vmem>>)
      %dma_wait3A_115 = arith.constant 2 : i32
      %dma_wait3A_116 = arith.constant 256 : i32
      %dma_wait3A_117 = arith.constant 0 : i32
      %dma_wait3A_118 = tpu.memref_slice %arg6[%dma_wait3A_116, %dma_wait3A_117] : memref<1024x16xf32, #tpu.memory_space<vmem>> -> memref<128x16xf32, #tpu.memory_space<vmem>>
      %dma_wait3A_119 = arith.constant 0 : i32
      %dma_wait3A_120 = tpu.memref_slice %arg5[%dma_wait3A_115, %dma_wait3A_119] : memref<8x128xi32, #tpu.memory_space<vmem>> -> memref<1x128xi32, #tpu.memory_space<vmem>>
      %dma_wait3A_121 = tpu.memref_squeeze %dma_wait3A_120 : memref<1x128xi32, #tpu.memory_space<vmem>> -> memref<128xi32, #tpu.memory_space<vmem>>
      %dma_wait3A_122 = arith.constant 0 : i32
      %dma_wait3A_123 = arith.constant 0 : i32
      %dma_wait3A_124 = tpu.memref_slice %arg2[%dma_wait3A_122, %dma_wait3A_123] : memref<100000x16xf32, #tpu.memory_space<hbm>> -> memref<100000x16xf32, #tpu.memory_space<hbm>>
      tpu.wait_indirect_dma semaphore(%arg7 : memref<!tpu.dma_semaphore, #tpu.memory_space<semaphore_mem>>) src(%dma_wait3A_124 : memref<100000x16xf32, #tpu.memory_space<hbm>>) dst(%dma_wait3A_118 : memref<128x16xf32, #tpu.memory_space<vmem>>)
      %dma_wait3A_125 = arith.constant 3 : i32
      %dma_wait3A_126 = arith.constant 384 : i32
      %dma_wait3A_127 = arith.constant 0 : i32
      %dma_wait3A_128 = tpu.memref_slice %arg6[%dma_wait3A_126, %dma_wait3A_127] : memref<1024x16xf32, #tpu.memory_space<vmem>> -> memref<128x16xf32, #tpu.memory_space<vmem>>
      %dma_wait3A_129 = arith.constant 0 : i32
      %dma_wait3A_130 = tpu.memref_slice %arg5[%dma_wait3A_125, %dma_wait3A_129] : memref<8x128xi32, #tpu.memory_space<vmem>> -> memref<1x128xi32, #tpu.memory_space<vmem>>
      %dma_wait3A_131 = tpu.memref_squeeze %dma_wait3A_130 : memref<1x128xi32, #tpu.memory_space<vmem>> -> memref<128xi32, #tpu.memory_space<vmem>>
      %dma_wait3A_132 = arith.constant 0 : i32
      %dma_wait3A_133 = arith.constant 0 : i32
      %dma_wait3A_134 = tpu.memref_slice %arg2[%dma_wait3A_132, %dma_wait3A_133] : memref<100000x16xf32, #tpu.memory_space<hbm>> -> memref<100000x16xf32, #tpu.memory_space<hbm>>
      tpu.wait_indirect_dma semaphore(%arg7 : memref<!tpu.dma_semaphore, #tpu.memory_space<semaphore_mem>>) src(%dma_wait3A_134 : memref<100000x16xf32, #tpu.memory_space<hbm>>) dst(%dma_wait3A_128 : memref<128x16xf32, #tpu.memory_space<vmem>>)
      %dma_wait3A_135 = arith.constant 4 : i32
      %dma_wait3A_136 = arith.constant 512 : i32
      %dma_wait3A_137 = arith.constant 0 : i32
      %dma_wait3A_138 = tpu.memref_slice %arg6[%dma_wait3A_136, %dma_wait3A_137] : memref<1024x16xf32, #tpu.memory_space<vmem>> -> memref<128x16xf32, #tpu.memory_space<vmem>>
      %dma_wait3A_139 = arith.constant 0 : i32
      %dma_wait3A_140 = tpu.memref_slice %arg5[%dma_wait3A_135, %dma_wait3A_139] : memref<8x128xi32, #tpu.memory_space<vmem>> -> memref<1x128xi32, #tpu.memory_space<vmem>>
      %dma_wait3A_141 = tpu.memref_squeeze %dma_wait3A_140 : memref<1x128xi32, #tpu.memory_space<vmem>> -> memref<128xi32, #tpu.memory_space<vmem>>
      %dma_wait3A_142 = arith.constant 0 : i32
      %dma_wait3A_143 = arith.constant 0 : i32
      %dma_wait3A_144 = tpu.memref_slice %arg2[%dma_wait3A_142, %dma_wait3A_143] : memref<100000x16xf32, #tpu.memory_space<hbm>> -> memref<100000x16xf32, #tpu.memory_space<hbm>>
      tpu.wait_indirect_dma semaphore(%arg7 : memref<!tpu.dma_semaphore, #tpu.memory_space<semaphore_mem>>) src(%dma_wait3A_144 : memref<100000x16xf32, #tpu.memory_space<hbm>>) dst(%dma_wait3A_138 : memref<128x16xf32, #tpu.memory_space<vmem>>)
      %dma_wait3A_145 = arith.constant 5 : i32
      %dma_wait3A_146 = arith.constant 640 : i32
      %dma_wait3A_147 = arith.constant 0 : i32
      %dma_wait3A_148 = tpu.memref_slice %arg6[%dma_wait3A_146, %dma_wait3A_147] : memref<1024x16xf32, #tpu.memory_space<vmem>> -> memref<128x16xf32, #tpu.memory_space<vmem>>
      %dma_wait3A_149 = arith.constant 0 : i32
      %dma_wait3A_150 = tpu.memref_slice %arg5[%dma_wait3A_145, %dma_wait3A_149] : memref<8x128xi32, #tpu.memory_space<vmem>> -> memref<1x128xi32, #tpu.memory_space<vmem>>
      %dma_wait3A_151 = tpu.memref_squeeze %dma_wait3A_150 : memref<1x128xi32, #tpu.memory_space<vmem>> -> memref<128xi32, #tpu.memory_space<vmem>>
      %dma_wait3A_152 = arith.constant 0 : i32
      %dma_wait3A_153 = arith.constant 0 : i32
      %dma_wait3A_154 = tpu.memref_slice %arg2[%dma_wait3A_152, %dma_wait3A_153] : memref<100000x16xf32, #tpu.memory_space<hbm>> -> memref<100000x16xf32, #tpu.memory_space<hbm>>
      tpu.wait_indirect_dma semaphore(%arg7 : memref<!tpu.dma_semaphore, #tpu.memory_space<semaphore_mem>>) src(%dma_wait3A_154 : memref<100000x16xf32, #tpu.memory_space<hbm>>) dst(%dma_wait3A_148 : memref<128x16xf32, #tpu.memory_space<vmem>>)
      %dma_wait3A_155 = arith.constant 6 : i32
      %dma_wait3A_156 = arith.constant 768 : i32
      %dma_wait3A_157 = arith.constant 0 : i32
      %dma_wait3A_158 = tpu.memref_slice %arg6[%dma_wait3A_156, %dma_wait3A_157] : memref<1024x16xf32, #tpu.memory_space<vmem>> -> memref<128x16xf32, #tpu.memory_space<vmem>>
      %dma_wait3A_159 = arith.constant 0 : i32
      %dma_wait3A_160 = tpu.memref_slice %arg5[%dma_wait3A_155, %dma_wait3A_159] : memref<8x128xi32, #tpu.memory_space<vmem>> -> memref<1x128xi32, #tpu.memory_space<vmem>>
      %dma_wait3A_161 = tpu.memref_squeeze %dma_wait3A_160 : memref<1x128xi32, #tpu.memory_space<vmem>> -> memref<128xi32, #tpu.memory_space<vmem>>
      %dma_wait3A_162 = arith.constant 0 : i32
      %dma_wait3A_163 = arith.constant 0 : i32
      %dma_wait3A_164 = tpu.memref_slice %arg2[%dma_wait3A_162, %dma_wait3A_163] : memref<100000x16xf32, #tpu.memory_space<hbm>> -> memref<100000x16xf32, #tpu.memory_space<hbm>>
      tpu.wait_indirect_dma semaphore(%arg7 : memref<!tpu.dma_semaphore, #tpu.memory_space<semaphore_mem>>) src(%dma_wait3A_164 : memref<100000x16xf32, #tpu.memory_space<hbm>>) dst(%dma_wait3A_158 : memref<128x16xf32, #tpu.memory_space<vmem>>)
      %dma_wait3A_165 = arith.constant 7 : i32
      %dma_wait3A_166 = arith.constant 896 : i32
      %dma_wait3A_167 = arith.constant 0 : i32
      %dma_wait3A_168 = tpu.memref_slice %arg6[%dma_wait3A_166, %dma_wait3A_167] : memref<1024x16xf32, #tpu.memory_space<vmem>> -> memref<128x16xf32, #tpu.memory_space<vmem>>
      %dma_wait3A_169 = arith.constant 0 : i32
      %dma_wait3A_170 = tpu.memref_slice %arg5[%dma_wait3A_165, %dma_wait3A_169] : memref<8x128xi32, #tpu.memory_space<vmem>> -> memref<1x128xi32, #tpu.memory_space<vmem>>
      %dma_wait3A_171 = tpu.memref_squeeze %dma_wait3A_170 : memref<1x128xi32, #tpu.memory_space<vmem>> -> memref<128xi32, #tpu.memory_space<vmem>>
      %dma_wait3A_172 = arith.constant 0 : i32
      %dma_wait3A_173 = arith.constant 0 : i32
      %dma_wait3A_174 = tpu.memref_slice %arg2[%dma_wait3A_172, %dma_wait3A_173] : memref<100000x16xf32, #tpu.memory_space<hbm>> -> memref<100000x16xf32, #tpu.memory_space<hbm>>
      tpu.wait_indirect_dma semaphore(%arg7 : memref<!tpu.dma_semaphore, #tpu.memory_space<semaphore_mem>>) src(%dma_wait3A_174 : memref<100000x16xf32, #tpu.memory_space<hbm>>) dst(%dma_wait3A_168 : memref<128x16xf32, #tpu.memory_space<vmem>>)
      "tpu.region"() ({
        %run_scoped3A = tpu.sem_alloc : memref<!tpu.dma_semaphore, #tpu.memory_space<semaphore_mem>>
        %dma_start3A_175 = arith.constant 0 : i32
        %dma_start3A_176 = tpu.memref_slice %arg4[%add3A_13, %dma_start3A_175] : memref<1605632x16xf32, #tpu.memory_space<hbm>> -> memref<1024x16xf32, #tpu.memory_space<hbm>>
        %dma_start3A_177 = arith.constant 0 : i32
        %dma_start3A_178 = tpu.memref_slice %arg4[%add3A_13, %dma_start3A_177] : memref<1605632x16xf32, #tpu.memory_space<hbm>> -> memref<1024x16xf32, #tpu.memory_space<hbm>>
        tpu.enqueue_dma source(%arg6 : memref<1024x16xf32, #tpu.memory_space<vmem>>) target(%dma_start3A_178 : memref<1024x16xf32, #tpu.memory_space<hbm>>) target_semaphore(%run_scoped3A : memref<!tpu.dma_semaphore, #tpu.memory_space<semaphore_mem>>)
        %dma_wait3A_179 = arith.constant 0 : i32
        %dma_wait3A_180 = tpu.memref_slice %arg4[%add3A_13, %dma_wait3A_179] : memref<1605632x16xf32, #tpu.memory_space<hbm>> -> memref<1024x16xf32, #tpu.memory_space<hbm>>
        %dma_wait3A_181 = arith.constant 0 : i32
        %dma_wait3A_182 = tpu.memref_slice %arg4[%add3A_13, %dma_wait3A_181] : memref<1605632x16xf32, #tpu.memory_space<hbm>> -> memref<1024x16xf32, #tpu.memory_space<hbm>>
        tpu.wait_dma2 semaphore(%run_scoped3A : memref<!tpu.dma_semaphore, #tpu.memory_space<semaphore_mem>>) src(%arg6 : memref<1024x16xf32, #tpu.memory_space<vmem>>) dst(%dma_wait3A_182 : memref<1024x16xf32, #tpu.memory_space<hbm>>)
        tpu.yield
      }) : () -> ()
    }
    %scan3A_9 = arith.constant 49 : i32
    return
  }
}

module attributes {stable_mosaic.version = 14 : i64} {
  func.func @_prep_y_body(%arg0: i32, %arg1: memref<12500x40xf32, #tpu.memory_space<vmem>>, %arg2: memref<40x128xf32, #tpu.memory_space<vmem>>, %arg3: memref<12500x128xf32, #tpu.memory_space<vmem>>) attributes {dimension_semantics = [#tpu.dimension_semantics<arbitrary>], iteration_bounds = array<i64: 1>, scalar_prefetch = 0 : i64, scratch_operands = 0 : i64, tpu.core_type = #tpu.core_type<tc>, window_params = [{pipeline_mode = #tpu.pipeline_mode<synchronous>, transform_indices = @transform_0, window_bounds = array<i64: 12500, 40>}, {pipeline_mode = #tpu.pipeline_mode<synchronous>, transform_indices = @transform_1, window_bounds = array<i64: 40, 128>}, {pipeline_mode = #tpu.pipeline_mode<synchronous>, transform_indices = @transform_2, window_bounds = array<i64: 12500, 128>}]} {
    %get3A = arith.constant 0 : index
    %get3A_0 = arith.constant 0 : index
    %get3A_1 = vector.load %arg1[%get3A, %get3A_0] : memref<12500x40xf32, #tpu.memory_space<vmem>>, vector<12500x40xf32>
    %get3A_2 = arith.constant 0 : index
    %get3A_3 = arith.constant 0 : index
    %get3A_4 = vector.load %arg2[%get3A_2, %get3A_3] : memref<40x128xf32, #tpu.memory_space<vmem>>, vector<40x128xf32>
    %dot_general3A = arith.constant dense<0.000000e+00> : vector<12500x128xf32>
    %dot_general3A_5 = tpu.matmul %get3A_1, %get3A_4, %dot_general3A {dimension_numbers = #tpu.dot_dimension_numbers<[1], [0], [0], [1], [0, 0, 1, 1], [], []>, transpose_lhs_hint = false} : vector<12500x40xf32>, vector<40x128xf32>, vector<12500x128xf32> -> vector<12500x128xf32>
    %swap3A = arith.constant 0 : index
    %swap3A_6 = arith.constant 0 : index
    %swap3A_7 = vector.load %arg3[%swap3A, %swap3A_6] : memref<12500x128xf32, #tpu.memory_space<vmem>>, vector<12500x128xf32>
    tpu.vector_store %arg3[%swap3A, %swap3A_6], %dot_general3A_5 {strides = array<i32>} : memref<12500x128xf32, #tpu.memory_space<vmem>>, vector<12500x128xf32>,
    return
  }
  func.func @transform_0(%arg0: i32) -> (i32, i32) {
    %c0_i32 = arith.constant 0 : i32
    %c0_i32_0 = arith.constant 0 : i32
    %c0_i32_1 = arith.constant 0 : i32
    return %c0_i32, %c0_i32_0 : i32, i32
  }
  func.func @transform_1(%arg0: i32) -> (i32, i32) {
    %c0_i32 = arith.constant 0 : i32
    %c0_i32_0 = arith.constant 0 : i32
    %c0_i32_1 = arith.constant 0 : i32
    return %c0_i32, %c0_i32_0 : i32, i32
  }
  func.func @transform_2(%arg0: i32) -> (i32, i32) {
    %c0_i32 = arith.constant 0 : i32
    %c0_i32_0 = arith.constant 0 : i32
    %c0_i32_1 = arith.constant 0 : i32
    return %c0_i32, %c0_i32_0 : i32, i32
  }
}

module attributes {stable_mosaic.version = 14 : i64} {
  func.func @_msg_body(%arg0: i32, %arg1: memref<2048x80xf32, #tpu.memory_space<vmem>>, %arg2: memref<2048x128xf32, #tpu.memory_space<vmem>>, %arg3: memref<80x128xf32, #tpu.memory_space<vmem>>, %arg4: memref<1x128xf32, #tpu.memory_space<vmem>>, %arg5: memref<128x128xf32, #tpu.memory_space<vmem>>, %arg6: memref<1x128xf32, #tpu.memory_space<vmem>>, %arg7: memref<2048x128xf32, #tpu.memory_space<vmem>>) attributes {dimension_semantics = [#tpu.dimension_semantics<arbitrary>], iteration_bounds = array<i64: 98>, scalar_prefetch = 0 : i64, scratch_operands = 0 : i64, tpu.core_type = #tpu.core_type<tc>, window_params = [{transform_indices = @transform_0, window_bounds = array<i64: 2048, 80>}, {transform_indices = @transform_1, window_bounds = array<i64: 2048, 128>}, {pipeline_mode = #tpu.pipeline_mode<synchronous>, transform_indices = @transform_2, window_bounds = array<i64: 80, 128>}, {pipeline_mode = #tpu.pipeline_mode<synchronous>, transform_indices = @transform_3, window_bounds = array<i64: 1, 128>}, {pipeline_mode = #tpu.pipeline_mode<synchronous>, transform_indices = @transform_4, window_bounds = array<i64: 128, 128>}, {pipeline_mode = #tpu.pipeline_mode<synchronous>, transform_indices = @transform_5, window_bounds = array<i64: 1, 128>}, {transform_indices = @transform_6, window_bounds = array<i64: 2048, 128>}]} {
    %get3A = arith.constant 0 : index
    %get3A_0 = arith.constant 0 : index
    %get3A_1 = vector.load %arg1[%get3A, %get3A_0] : memref<2048x80xf32, #tpu.memory_space<vmem>>, vector<2048x80xf32>
    %get3A_2 = arith.constant 0 : index
    %get3A_3 = arith.constant 0 : index
    %get3A_4 = vector.load %arg3[%get3A_2, %get3A_3] : memref<80x128xf32, #tpu.memory_space<vmem>>, vector<80x128xf32>
    %dot_general3A = arith.constant dense<0.000000e+00> : vector<2048x128xf32>
    %dot_general3A_5 = tpu.matmul %get3A_1, %get3A_4, %dot_general3A {dimension_numbers = #tpu.dot_dimension_numbers<[1], [0], [0], [1], [0, 0, 1, 1], [], []>, transpose_lhs_hint = false} : vector<2048x80xf32>, vector<80x128xf32>, vector<2048x128xf32> -> vector<2048x128xf32>
    %get3A_6 = arith.constant 0 : index
    %get3A_7 = arith.constant 0 : index
    %get3A_8 = vector.load %arg2[%get3A_6, %get3A_7] : memref<2048x128xf32, #tpu.memory_space<vmem>>, vector<2048x128xf32>
    %add3A = arith.addf %get3A_8, %dot_general3A_5 : vector<2048x128xf32>
    %get3A_9 = arith.constant 0 : index
    %get3A_10 = arith.constant 0 : index
    %get3A_11 = vector.load %arg4[%get3A_9, %get3A_10] : memref<1x128xf32, #tpu.memory_space<vmem>>, vector<1x128xf32>
    %add3A_12 = vector.broadcast %get3A_11 : vector<1x128xf32> to vector<2048x128xf32>
    %add3A_13 = arith.addf %add3A, %add3A_12 : vector<2048x128xf32>
    %ge3A = arith.constant 0.000000e+00 : f32
    %ge3A_14 = vector.broadcast %ge3A : f32 to vector<2048x128xf32>
    %ge3A_15 = arith.cmpf oge, %add3A_13, %ge3A_14 : vector<2048x128xf32>
    %mul3A = arith.constant 1.000000e-01 : f32
    %mul3A_16 = vector.broadcast %mul3A : f32 to vector<2048x128xf32>
    %mul3A_17 = arith.mulf %mul3A_16, %add3A_13 : vector<2048x128xf32>
    %select_n3A = arith.select %ge3A_15, %add3A_13, %mul3A_17 : vector<2048x128xi1>, vector<2048x128xf32>
    %get3A_18 = arith.constant 0 : index
    %get3A_19 = arith.constant 0 : index
    %get3A_20 = vector.load %arg5[%get3A_18, %get3A_19] : memref<128x128xf32, #tpu.memory_space<vmem>>, vector<128x128xf32>
    %dot_general3A_21 = arith.constant dense<0.000000e+00> : vector<2048x128xf32>
    %dot_general3A_22 = tpu.matmul %select_n3A, %get3A_20, %dot_general3A_21 {dimension_numbers = #tpu.dot_dimension_numbers<[1], [0], [0], [1], [0, 0, 1, 1], [], []>, transpose_lhs_hint = false} : vector<2048x128xf32>, vector<128x128xf32>, vector<2048x128xf32> -> vector<2048x128xf32>
    %get3A_23 = arith.constant 0 : index
    %get3A_24 = arith.constant 0 : index
    %get3A_25 = vector.load %arg6[%get3A_23, %get3A_24] : memref<1x128xf32, #tpu.memory_space<vmem>>, vector<1x128xf32>
    %add3A_26 = vector.broadcast %get3A_25 : vector<1x128xf32> to vector<2048x128xf32>
    %add3A_27 = arith.addf %dot_general3A_22, %add3A_26 : vector<2048x128xf32>
    %swap3A = arith.constant 0 : index
    %swap3A_28 = arith.constant 0 : index
    %swap3A_29 = vector.load %arg7[%swap3A, %swap3A_28] : memref<2048x128xf32, #tpu.memory_space<vmem>>, vector<2048x128xf32>
    tpu.vector_store %arg7[%swap3A, %swap3A_28], %add3A_27 {strides = array<i32>} : memref<2048x128xf32, #tpu.memory_space<vmem>>, vector<2048x128xf32>,
    return
  }
  func.func @transform_0(%arg0: i32) -> (i32, i32) {
    %c0_i32 = arith.constant 0 : i32
    %c0_i32_0 = arith.constant 0 : i32
    return %arg0, %c0_i32 : i32, i32
  }
  func.func @transform_1(%arg0: i32) -> (i32, i32) {
    %c0_i32 = arith.constant 0 : i32
    %c0_i32_0 = arith.constant 0 : i32
    return %arg0, %c0_i32 : i32, i32
  }
  func.func @transform_2(%arg0: i32) -> (i32, i32) {
    %c0_i32 = arith.constant 0 : i32
    %c0_i32_0 = arith.constant 0 : i32
    %c0_i32_1 = arith.constant 0 : i32
    return %c0_i32, %c0_i32_0 : i32, i32
  }
  func.func @transform_3(%arg0: i32) -> (i32, i32) {
    %c0_i32 = arith.constant 0 : i32
    %c0_i32_0 = arith.constant 0 : i32
    %c0_i32_1 = arith.constant 0 : i32
    return %c0_i32, %c0_i32_0 : i32, i32
  }
  func.func @transform_4(%arg0: i32) -> (i32, i32) {
    %c0_i32 = arith.constant 0 : i32
    %c0_i32_0 = arith.constant 0 : i32
    %c0_i32_1 = arith.constant 0 : i32
    return %c0_i32, %c0_i32_0 : i32, i32
  }
  func.func @transform_5(%arg0: i32) -> (i32, i32) {
    %c0_i32 = arith.constant 0 : i32
    %c0_i32_0 = arith.constant 0 : i32
    %c0_i32_1 = arith.constant 0 : i32
    return %c0_i32, %c0_i32_0 : i32, i32
  }
  func.func @transform_6(%arg0: i32) -> (i32, i32) {
    %c0_i32 = arith.constant 0 : i32
    %c0_i32_0 = arith.constant 0 : i32
    return %arg0, %c0_i32 : i32, i32
  }
}

module attributes {stable_mosaic.version = 14 : i64} {
  func.func @_final_body(%arg0: i32, %arg1: memref<1568x80xf32, #tpu.memory_space<vmem>>, %arg2: memref<1x1568x128xf32, #tpu.memory_space<vmem>>, %arg3: memref<1x1568x128xf32, #tpu.memory_space<vmem>>, %arg4: memref<1x1568x128xf32, #tpu.memory_space<vmem>>, %arg5: memref<1x1568x128xf32, #tpu.memory_space<vmem>>, %arg6: memref<1568x8xf32, #tpu.memory_space<vmem>>, %arg7: memref<1x128xf32, #tpu.memory_space<vmem>>, %arg8: memref<128x128xf32, #tpu.memory_space<vmem>>, %arg9: memref<128x80xf32, #tpu.memory_space<vmem>>, %arg10: memref<128x80xf32, #tpu.memory_space<vmem>>, %arg11: memref<128x80xf32, #tpu.memory_space<vmem>>, %arg12: memref<128x80xf32, #tpu.memory_space<vmem>>, %arg13: memref<128x80xf32, #tpu.memory_space<vmem>>, %arg14: memref<80x80xf32, #tpu.memory_space<vmem>>, %arg15: memref<8x128xf32, #tpu.memory_space<vmem>>, %arg16: memref<1x128xf32, #tpu.memory_space<vmem>>, %arg17: memref<128x80xf32, #tpu.memory_space<vmem>>, %arg18: memref<1x80xf32, #tpu.memory_space<vmem>>, %arg19: memref<80x80xf32, #tpu.memory_space<vmem>>, %arg20: memref<1x80xf32, #tpu.memory_space<vmem>>, %arg21: memref<1568x80xf32, #tpu.memory_space<vmem>>) attributes {dimension_semantics = [#tpu.dimension_semantics<arbitrary>], iteration_bounds = array<i64: 8>, scalar_prefetch = 0 : i64, scratch_operands = 0 : i64, tpu.core_type = #tpu.core_type<tc>, window_params = [{transform_indices = @transform_0, window_bounds = array<i64: 1568, 80>}, {transform_indices = @transform_1, window_bounds = array<i64: 1, 1568, 128>}, {transform_indices = @transform_2, window_bounds = array<i64: 1, 1568, 128>}, {transform_indices = @transform_3, window_bounds = array<i64: 1, 1568, 128>}, {transform_indices = @transform_4, window_bounds = array<i64: 1, 1568, 128>}, {transform_indices = @transform_5, window_bounds = array<i64: 1568, 8>}, {pipeline_mode = #tpu.pipeline_mode<synchronous>, transform_indices = @transform_6, window_bounds = array<i64: 1, 128>}, {pipeline_mode = #tpu.pipeline_mode<synchronous>, transform_indices = @transform_7, window_bounds = array<i64: 128, 128>}, {pipeline_mode = #tpu.pipeline_mode<synchronous>, transform_indices = @transform_8, window_bounds = array<i64: 128, 80>}, {pipeline_mode = #tpu.pipeline_mode<synchronous>, transform_indices = @transform_9, window_bounds = array<i64: 128, 80>}, {pipeline_mode = #tpu.pipeline_mode<synchronous>, transform_indices = @transform_10, window_bounds = array<i64: 128, 80>}, {pipeline_mode = #tpu.pipeline_mode<synchronous>, transform_indices = @transform_11, window_bounds = array<i64: 128, 80>}, {pipeline_mode = #tpu.pipeline_mode<synchronous>, transform_indices = @transform_12, window_bounds = array<i64: 128, 80>}, {pipeline_mode = #tpu.pipeline_mode<synchronous>, transform_indices = @transform_13, window_bounds = array<i64: 80, 80>}, {pipeline_mode = #tpu.pipeline_mode<synchronous>, transform_indices = @transform_14, window_bounds = array<i64: 8, 128>}, {pipeline_mode = #tpu.pipeline_mode<synchronous>, transform_indices = @transform_15, window_bounds = array<i64: 1, 128>}, {pipeline_mode = #tpu.pipeline_mode<synchronous>, transform_indices = @transform_16, window_bounds = array<i64: 128, 80>}, {pipeline_mode = #tpu.pipeline_mode<synchronous>, transform_indices = @transform_17, window_bounds = array<i64: 1, 80>}, {pipeline_mode = #tpu.pipeline_mode<synchronous>, transform_indices = @transform_18, window_bounds = array<i64: 80, 80>}, {pipeline_mode = #tpu.pipeline_mode<synchronous>, transform_indices = @transform_19, window_bounds = array<i64: 1, 80>}, {transform_indices = @transform_20, window_bounds = array<i64: 1568, 80>}]} {
    %get3A = arith.constant 0 : index
    %get3A_0 = arith.constant 0 : index
    %get3A_1 = arith.constant 0 : index
    %get3A_2 = vector.load %arg2[%get3A, %get3A_0, %get3A_1] : memref<1x1568x128xf32, #tpu.memory_space<vmem>>, vector<1x1568x128xf32>
    %get3A_3 = vector.shape_cast %get3A_2 : vector<1x1568x128xf32> to vector<1568x128xf32>
    %get3A_4 = arith.constant 0 : index
    %get3A_5 = arith.constant 0 : index
    %get3A_6 = arith.constant 0 : index
    %get3A_7 = vector.load %arg3[%get3A_4, %get3A_5, %get3A_6] : memref<1x1568x128xf32, #tpu.memory_space<vmem>>, vector<1x1568x128xf32>
    %get3A_8 = vector.shape_cast %get3A_7 : vector<1x1568x128xf32> to vector<1568x128xf32>
    %get3A_9 = arith.constant 0 : index
    %get3A_10 = arith.constant 0 : index
    %get3A_11 = arith.constant 0 : index
    %get3A_12 = vector.load %arg4[%get3A_9, %get3A_10, %get3A_11] : memref<1x1568x128xf32, #tpu.memory_space<vmem>>, vector<1x1568x128xf32>
    %get3A_13 = vector.shape_cast %get3A_12 : vector<1x1568x128xf32> to vector<1568x128xf32>
    %get3A_14 = arith.constant 0 : index
    %get3A_15 = arith.constant 0 : index
    %get3A_16 = arith.constant 0 : index
    %get3A_17 = vector.load %arg5[%get3A_14, %get3A_15, %get3A_16] : memref<1x1568x128xf32, #tpu.memory_space<vmem>>, vector<1x1568x128xf32>
    %get3A_18 = vector.shape_cast %get3A_17 : vector<1x1568x128xf32> to vector<1568x128xf32>
    %get3A_19 = arith.constant 0 : index
    %get3A_20 = arith.constant 0 : index
    %get3A_21 = vector.load %arg8[%get3A_19, %get3A_20] : memref<128x128xf32, #tpu.memory_space<vmem>>, vector<128x128xf32>
    %dot_general3A = arith.constant dense<0.000000e+00> : vector<1568x128xf32>
    %dot_general3A_22 = tpu.matmul %get3A_3, %get3A_21, %dot_general3A {dimension_numbers = #tpu.dot_dimension_numbers<[1], [0], [0], [1], [0, 0, 1, 1], [], []>, transpose_lhs_hint = false} : vector<1568x128xf32>, vector<128x128xf32>, vector<1568x128xf32> -> vector<1568x128xf32>
    %max3A = arith.constant 1.000000e+00 : f32
    %max3A_23 = vector.broadcast %max3A : f32 to vector<1568x128xf32>
    %max3A_24 = arith.maximumf %dot_general3A_22, %max3A_23 : vector<1568x128xf32>
    %div3A = arith.divf %get3A_3, %max3A_24 : vector<1568x128xf32>
    %div3A_25 = arith.divf %get3A_8, %max3A_24 : vector<1568x128xf32>
    %mul3A = arith.mulf %div3A, %div3A : vector<1568x128xf32>
    %sub3A = arith.subf %div3A_25, %mul3A : vector<1568x128xf32>
    %max3A_26 = arith.constant 0.000000e+00 : f32
    %max3A_27 = vector.broadcast %max3A_26 : f32 to vector<1568x128xf32>
    %max3A_28 = arith.maximumf %sub3A, %max3A_27 : vector<1568x128xf32>
    %add3A = arith.constant 9.99999997E-7 : f32
    %add3A_29 = vector.broadcast %add3A : f32 to vector<1568x128xf32>
    %add3A_30 = arith.addf %max3A_28, %add3A_29 : vector<1568x128xf32>
    %sqrt3A = math.sqrt %add3A_30 : vector<1568x128xf32>
    %mul3A_31 = arith.mulf %div3A, %div3A : vector<1568x128xf32>
    %mul3A_32 = arith.constant 3.000000e+00 : f32
    %mul3A_33 = vector.broadcast %mul3A_32 : f32 to vector<1568x128xf32>
    %mul3A_34 = arith.mulf %mul3A_33, %div3A : vector<1568x128xf32>
    %mul3A_35 = arith.mulf %mul3A_34, %get3A_8 : vector<1568x128xf32>
    %sub3A_36 = arith.subf %get3A_13, %mul3A_35 : vector<1568x128xf32>
    %mul3A_37 = arith.constant 2.000000e+00 : f32
    %mul3A_38 = vector.broadcast %mul3A_37 : f32 to vector<1568x128xf32>
    %mul3A_39 = arith.mulf %mul3A_38, %mul3A_31 : vector<1568x128xf32>
    %mul3A_40 = arith.mulf %mul3A_39, %div3A : vector<1568x128xf32>
    %mul3A_41 = arith.mulf %mul3A_40, %dot_general3A_22 : vector<1568x128xf32>
    %add3A_42 = arith.addf %sub3A_36, %mul3A_41 : vector<1568x128xf32>
    %mul3A_43 = arith.constant 4.000000e+00 : f32
    %mul3A_44 = vector.broadcast %mul3A_43 : f32 to vector<1568x128xf32>
    %mul3A_45 = arith.mulf %mul3A_44, %div3A : vector<1568x128xf32>
    %mul3A_46 = arith.mulf %mul3A_45, %get3A_13 : vector<1568x128xf32>
    %sub3A_47 = arith.subf %get3A_18, %mul3A_46 : vector<1568x128xf32>
    %mul3A_48 = arith.constant 6.000000e+00 : f32
    %mul3A_49 = vector.broadcast %mul3A_48 : f32 to vector<1568x128xf32>
    %mul3A_50 = arith.mulf %mul3A_49, %mul3A_31 : vector<1568x128xf32>
    %mul3A_51 = arith.mulf %mul3A_50, %get3A_8 : vector<1568x128xf32>
    %add3A_52 = arith.addf %sub3A_47, %mul3A_51 : vector<1568x128xf32>
    %mul3A_53 = arith.constant 3.000000e+00 : f32
    %mul3A_54 = vector.broadcast %mul3A_53 : f32 to vector<1568x128xf32>
    %mul3A_55 = arith.mulf %mul3A_54, %mul3A_31 : vector<1568x128xf32>
    %mul3A_56 = arith.mulf %mul3A_55, %mul3A_31 : vector<1568x128xf32>
    %mul3A_57 = arith.mulf %mul3A_56, %dot_general3A_22 : vector<1568x128xf32>
    %sub3A_58 = arith.subf %add3A_52, %mul3A_57 : vector<1568x128xf32>
    %mul3A_59 = arith.mulf %sqrt3A, %sqrt3A : vector<1568x128xf32>
    %div3A_60 = arith.divf %add3A_42, %max3A_24 : vector<1568x128xf32>
    %mul3A_61 = arith.mulf %mul3A_59, %sqrt3A : vector<1568x128xf32>
    %div3A_62 = arith.divf %div3A_60, %mul3A_61 : vector<1568x128xf32>
    %div3A_63 = arith.divf %sub3A_58, %max3A_24 : vector<1568x128xf32>
    %mul3A_64 = arith.mulf %mul3A_59, %mul3A_59 : vector<1568x128xf32>
    %div3A_65 = arith.divf %div3A_63, %mul3A_64 : vector<1568x128xf32>
    %get3A_66 = arith.constant 0 : index
    %get3A_67 = arith.constant 0 : index
    %get3A_68 = vector.load %arg6[%get3A_66, %get3A_67] : memref<1568x8xf32, #tpu.memory_space<vmem>>, vector<1568x8xf32>
    %get3A_69 = arith.constant 0 : index
    %get3A_70 = arith.constant 0 : index
    %get3A_71 = vector.load %arg15[%get3A_69, %get3A_70] : memref<8x128xf32, #tpu.memory_space<vmem>>, vector<8x128xf32>
    %dot_general3A_72 = arith.constant dense<0.000000e+00> : vector<1568x128xf32>
    %dot_general3A_73 = tpu.matmul %get3A_68, %get3A_71, %dot_general3A_72 {dimension_numbers = #tpu.dot_dimension_numbers<[1], [0], [0], [1], [0, 0, 1, 1], [], []>, transpose_lhs_hint = false} : vector<1568x8xf32>, vector<8x128xf32>, vector<1568x128xf32> -> vector<1568x128xf32>
    %get3A_74 = arith.constant 0 : index
    %get3A_75 = arith.constant 0 : index
    %get3A_76 = vector.load %arg16[%get3A_74, %get3A_75] : memref<1x128xf32, #tpu.memory_space<vmem>>, vector<1x128xf32>
    %eq3A = vector.broadcast %get3A_76 : vector<1x128xf32> to vector<1568x128xf32>
    %eq3A_77 = arith.cmpf oeq, %dot_general3A_73, %eq3A : vector<1568x128xf32>
    %convert_element_type3A = arith.extui %eq3A_77 : vector<1568x128xi1> to vector<1568x128xi32>
    %convert_element_type3A_78 = arith.sitofp %convert_element_type3A : vector<1568x128xi32> to vector<1568x128xf32>
    %get3A_79 = arith.constant 0 : index
    %get3A_80 = arith.constant 0 : index
    %get3A_81 = vector.load %arg1[%get3A_79, %get3A_80] : memref<1568x80xf32, #tpu.memory_space<vmem>>, vector<1568x80xf32>
    %get3A_82 = arith.constant 0 : index
    %get3A_83 = arith.constant 0 : index
    %get3A_84 = vector.load %arg14[%get3A_82, %get3A_83] : memref<80x80xf32, #tpu.memory_space<vmem>>, vector<80x80xf32>
    %dot_general3A_85 = arith.constant dense<0.000000e+00> : vector<1568x80xf32>
    %dot_general3A_86 = tpu.matmul %get3A_81, %get3A_84, %dot_general3A_85 {dimension_numbers = #tpu.dot_dimension_numbers<[1], [0], [0], [1], [0, 0, 1, 1], [], []>, transpose_lhs_hint = false} : vector<1568x80xf32>, vector<80x80xf32>, vector<1568x80xf32> -> vector<1568x80xf32>
    %get3A_87 = arith.constant 0 : index
    %get3A_88 = arith.constant 0 : index
    %get3A_89 = vector.load %arg9[%get3A_87, %get3A_88] : memref<128x80xf32, #tpu.memory_space<vmem>>, vector<128x80xf32>
    %dot_general3A_90 = arith.constant dense<0.000000e+00> : vector<1568x80xf32>
    %dot_general3A_91 = tpu.matmul %get3A_3, %get3A_89, %dot_general3A_90 {dimension_numbers = #tpu.dot_dimension_numbers<[1], [0], [0], [1], [0, 0, 1, 1], [], []>, transpose_lhs_hint = false} : vector<1568x128xf32>, vector<128x80xf32>, vector<1568x80xf32> -> vector<1568x80xf32>
    %add3A_92 = arith.addf %dot_general3A_86, %dot_general3A_91 : vector<1568x80xf32>
    %get3A_93 = arith.constant 0 : index
    %get3A_94 = arith.constant 0 : index
    %get3A_95 = vector.load %arg7[%get3A_93, %get3A_94] : memref<1x128xf32, #tpu.memory_space<vmem>>, vector<1x128xf32>
    %add3A_96 = vector.broadcast %get3A_95 : vector<1x128xf32> to vector<1568x128xf32>
    %add3A_97 = arith.addf %div3A, %add3A_96 : vector<1568x128xf32>
    %get3A_98 = arith.constant 0 : index
    %get3A_99 = arith.constant 0 : index
    %get3A_100 = vector.load %arg10[%get3A_98, %get3A_99] : memref<128x80xf32, #tpu.memory_space<vmem>>, vector<128x80xf32>
    %dot_general3A_101 = arith.constant dense<0.000000e+00> : vector<1568x80xf32>
    %dot_general3A_102 = tpu.matmul %add3A_97, %get3A_100, %dot_general3A_101 {dimension_numbers = #tpu.dot_dimension_numbers<[1], [0], [0], [1], [0, 0, 1, 1], [], []>, transpose_lhs_hint = false} : vector<1568x128xf32>, vector<128x80xf32>, vector<1568x80xf32> -> vector<1568x80xf32>
    %add3A_103 = arith.addf %add3A_92, %dot_general3A_102 : vector<1568x80xf32>
    %get3A_104 = arith.constant 0 : index
    %get3A_105 = arith.constant 0 : index
    %get3A_106 = vector.load %arg11[%get3A_104, %get3A_105] : memref<128x80xf32, #tpu.memory_space<vmem>>, vector<128x80xf32>
    %dot_general3A_107 = arith.constant dense<0.000000e+00> : vector<1568x80xf32>
    %dot_general3A_108 = tpu.matmul %sqrt3A, %get3A_106, %dot_general3A_107 {dimension_numbers = #tpu.dot_dimension_numbers<[1], [0], [0], [1], [0, 0, 1, 1], [], []>, transpose_lhs_hint = false} : vector<1568x128xf32>, vector<128x80xf32>, vector<1568x80xf32> -> vector<1568x80xf32>
    %add3A_109 = arith.addf %add3A_103, %dot_general3A_108 : vector<1568x80xf32>
    %get3A_110 = arith.constant 0 : index
    %get3A_111 = arith.constant 0 : index
    %get3A_112 = vector.load %arg12[%get3A_110, %get3A_111] : memref<128x80xf32, #tpu.memory_space<vmem>>, vector<128x80xf32>
    %dot_general3A_113 = arith.constant dense<0.000000e+00> : vector<1568x80xf32>
    %dot_general3A_114 = tpu.matmul %div3A_62, %get3A_112, %dot_general3A_113 {dimension_numbers = #tpu.dot_dimension_numbers<[1], [0], [0], [1], [0, 0, 1, 1], [], []>, transpose_lhs_hint = false} : vector<1568x128xf32>, vector<128x80xf32>, vector<1568x80xf32> -> vector<1568x80xf32>
    %add3A_115 = arith.addf %add3A_109, %dot_general3A_114 : vector<1568x80xf32>
    %get3A_116 = arith.constant 0 : index
    %get3A_117 = arith.constant 0 : index
    %get3A_118 = vector.load %arg13[%get3A_116, %get3A_117] : memref<128x80xf32, #tpu.memory_space<vmem>>, vector<128x80xf32>
    %dot_general3A_119 = arith.constant dense<0.000000e+00> : vector<1568x80xf32>
    %dot_general3A_120 = tpu.matmul %div3A_65, %get3A_118, %dot_general3A_119 {dimension_numbers = #tpu.dot_dimension_numbers<[1], [0], [0], [1], [0, 0, 1, 1], [], []>, transpose_lhs_hint = false} : vector<1568x128xf32>, vector<128x80xf32>, vector<1568x80xf32> -> vector<1568x80xf32>
    %add3A_121 = arith.addf %add3A_115, %dot_general3A_120 : vector<1568x80xf32>
    %get3A_122 = arith.constant 0 : index
    %get3A_123 = arith.constant 0 : index
    %get3A_124 = vector.load %arg17[%get3A_122, %get3A_123] : memref<128x80xf32, #tpu.memory_space<vmem>>, vector<128x80xf32>
    %dot_general3A_125 = arith.constant dense<0.000000e+00> : vector<1568x80xf32>
    %dot_general3A_126 = tpu.matmul %convert_element_type3A_78, %get3A_124, %dot_general3A_125 {dimension_numbers = #tpu.dot_dimension_numbers<[1], [0], [0], [1], [0, 0, 1, 1], [], []>, transpose_lhs_hint = false} : vector<1568x128xf32>, vector<128x80xf32>, vector<1568x80xf32> -> vector<1568x80xf32>
    %add3A_127 = arith.addf %add3A_121, %dot_general3A_126 : vector<1568x80xf32>
    %get3A_128 = arith.constant 0 : index
    %get3A_129 = arith.constant 0 : index
    %get3A_130 = vector.load %arg18[%get3A_128, %get3A_129] : memref<1x80xf32, #tpu.memory_space<vmem>>, vector<1x80xf32>
    %add3A_131 = vector.broadcast %get3A_130 : vector<1x80xf32> to vector<1568x80xf32>
    %add3A_132 = arith.addf %add3A_127, %add3A_131 : vector<1568x80xf32>
    %ge3A = arith.constant 0.000000e+00 : f32
    %ge3A_133 = vector.broadcast %ge3A : f32 to vector<1568x80xf32>
    %ge3A_134 = arith.cmpf oge, %add3A_132, %ge3A_133 : vector<1568x80xf32>
    %mul3A_135 = arith.constant 1.000000e-01 : f32
    %mul3A_136 = vector.broadcast %mul3A_135 : f32 to vector<1568x80xf32>
    %mul3A_137 = arith.mulf %mul3A_136, %add3A_132 : vector<1568x80xf32>
    %select_n3A = arith.select %ge3A_134, %add3A_132, %mul3A_137 : vector<1568x80xi1>, vector<1568x80xf32>
    %get3A_138 = arith.constant 0 : index
    %get3A_139 = arith.constant 0 : index
    %get3A_140 = vector.load %arg19[%get3A_138, %get3A_139] : memref<80x80xf32, #tpu.memory_space<vmem>>, vector<80x80xf32>
    %dot_general3A_141 = arith.constant dense<0.000000e+00> : vector<1568x80xf32>
    %dot_general3A_142 = tpu.matmul %select_n3A, %get3A_140, %dot_general3A_141 {dimension_numbers = #tpu.dot_dimension_numbers<[1], [0], [0], [1], [0, 0, 1, 1], [], []>, transpose_lhs_hint = false} : vector<1568x80xf32>, vector<80x80xf32>, vector<1568x80xf32> -> vector<1568x80xf32>
    %get3A_143 = arith.constant 0 : index
    %get3A_144 = arith.constant 0 : index
    %get3A_145 = vector.load %arg20[%get3A_143, %get3A_144] : memref<1x80xf32, #tpu.memory_space<vmem>>, vector<1x80xf32>
    %add3A_146 = vector.broadcast %get3A_145 : vector<1x80xf32> to vector<1568x80xf32>
    %add3A_147 = arith.addf %dot_general3A_142, %add3A_146 : vector<1568x80xf32>
    %swap3A = arith.constant 0 : index
    %swap3A_148 = arith.constant 0 : index
    %swap3A_149 = vector.load %arg21[%swap3A, %swap3A_148] : memref<1568x80xf32, #tpu.memory_space<vmem>>, vector<1568x80xf32>
    tpu.vector_store %arg21[%swap3A, %swap3A_148], %add3A_147 {strides = array<i32>} : memref<1568x80xf32, #tpu.memory_space<vmem>>, vector<1568x80xf32>,
    return
  }
  func.func @transform_0(%arg0: i32) -> (i32, i32) {
    %c0_i32 = arith.constant 0 : i32
    %c0_i32_0 = arith.constant 0 : i32
    return %arg0, %c0_i32 : i32, i32
  }
  func.func @transform_1(%arg0: i32) -> (i32, i32, i32) {
    %c0_i32 = arith.constant 0 : i32
    %c0_i32_0 = arith.constant 0 : i32
    %c0_i32_1 = arith.constant 0 : i32
    return %c0_i32, %arg0, %c0_i32_0 : i32, i32, i32
  }
  func.func @transform_2(%arg0: i32) -> (i32, i32, i32) {
    %c1_i32 = arith.constant 1 : i32
    %c0_i32 = arith.constant 0 : i32
    %c0_i32_0 = arith.constant 0 : i32
    return %c1_i32, %arg0, %c0_i32 : i32, i32, i32
  }
  func.func @transform_3(%arg0: i32) -> (i32, i32, i32) {
    %c2_i32 = arith.constant 2 : i32
    %c0_i32 = arith.constant 0 : i32
    %c0_i32_0 = arith.constant 0 : i32
    return %c2_i32, %arg0, %c0_i32 : i32, i32, i32
  }
  func.func @transform_4(%arg0: i32) -> (i32, i32, i32) {
    %c3_i32 = arith.constant 3 : i32
    %c0_i32 = arith.constant 0 : i32
    %c0_i32_0 = arith.constant 0 : i32
    return %c3_i32, %arg0, %c0_i32 : i32, i32, i32
  }
  func.func @transform_5(%arg0: i32) -> (i32, i32) {
    %c0_i32 = arith.constant 0 : i32
    %c0_i32_0 = arith.constant 0 : i32
    return %arg0, %c0_i32 : i32, i32
  }
  func.func @transform_6(%arg0: i32) -> (i32, i32) {
    %c0_i32 = arith.constant 0 : i32
    %c0_i32_0 = arith.constant 0 : i32
    %c0_i32_1 = arith.constant 0 : i32
    return %c0_i32, %c0_i32_0 : i32, i32
  }
  func.func @transform_7(%arg0: i32) -> (i32, i32) {
    %c0_i32 = arith.constant 0 : i32
    %c0_i32_0 = arith.constant 0 : i32
    %c0_i32_1 = arith.constant 0 : i32
    return %c0_i32, %c0_i32_0 : i32, i32
  }
  func.func @transform_8(%arg0: i32) -> (i32, i32) {
    %c0_i32 = arith.constant 0 : i32
    %c0_i32_0 = arith.constant 0 : i32
    %c0_i32_1 = arith.constant 0 : i32
    return %c0_i32, %c0_i32_0 : i32, i32
  }
  func.func @transform_9(%arg0: i32) -> (i32, i32) {
    %c0_i32 = arith.constant 0 : i32
    %c0_i32_0 = arith.constant 0 : i32
    %c0_i32_1 = arith.constant 0 : i32
    return %c0_i32, %c0_i32_0 : i32, i32
  }
  func.func @transform_10(%arg0: i32) -> (i32, i32) {
    %c0_i32 = arith.constant 0 : i32
    %c0_i32_0 = arith.constant 0 : i32
    %c0_i32_1 = arith.constant 0 : i32
    return %c0_i32, %c0_i32_0 : i32, i32
  }
  func.func @transform_11(%arg0: i32) -> (i32, i32) {
    %c0_i32 = arith.constant 0 : i32
    %c0_i32_0 = arith.constant 0 : i32
    %c0_i32_1 = arith.constant 0 : i32
    return %c0_i32, %c0_i32_0 : i32, i32
  }
  func.func @transform_12(%arg0: i32) -> (i32, i32) {
    %c0_i32 = arith.constant 0 : i32
    %c0_i32_0 = arith.constant 0 : i32
    %c0_i32_1 = arith.constant 0 : i32
    return %c0_i32, %c0_i32_0 : i32, i32
  }
  func.func @transform_13(%arg0: i32) -> (i32, i32) {
    %c0_i32 = arith.constant 0 : i32
    %c0_i32_0 = arith.constant 0 : i32
    %c0_i32_1 = arith.constant 0 : i32
    return %c0_i32, %c0_i32_0 : i32, i32
  }
  func.func @transform_14(%arg0: i32) -> (i32, i32) {
    %c0_i32 = arith.constant 0 : i32
    %c0_i32_0 = arith.constant 0 : i32
    %c0_i32_1 = arith.constant 0 : i32
    return %c0_i32, %c0_i32_0 : i32, i32
  }
  func.func @transform_15(%arg0: i32) -> (i32, i32) {
    %c0_i32 = arith.constant 0 : i32
    %c0_i32_0 = arith.constant 0 : i32
    %c0_i32_1 = arith.constant 0 : i32
    return %c0_i32, %c0_i32_0 : i32, i32
  }
  func.func @transform_16(%arg0: i32) -> (i32, i32) {
    %c0_i32 = arith.constant 0 : i32
    %c0_i32_0 = arith.constant 0 : i32
    %c0_i32_1 = arith.constant 0 : i32
    return %c0_i32, %c0_i32_0 : i32, i32
  }
  func.func @transform_17(%arg0: i32) -> (i32, i32) {
    %c0_i32 = arith.constant 0 : i32
    %c0_i32_0 = arith.constant 0 : i32
    %c0_i32_1 = arith.constant 0 : i32
    return %c0_i32, %c0_i32_0 : i32, i32
  }
  func.func @transform_18(%arg0: i32) -> (i32, i32) {
    %c0_i32 = arith.constant 0 : i32
    %c0_i32_0 = arith.constant 0 : i32
    %c0_i32_1 = arith.constant 0 : i32
    return %c0_i32, %c0_i32_0 : i32, i32
  }
  func.func @transform_19(%arg0: i32) -> (i32, i32) {
    %c0_i32 = arith.constant 0 : i32
    %c0_i32_0 = arith.constant 0 : i32
    %c0_i32_1 = arith.constant 0 : i32
    return %c0_i32, %c0_i32_0 : i32, i32
  }
  func.func @transform_20(%arg0: i32) -> (i32, i32) {
    %c0_i32 = arith.constant 0 : i32
    %c0_i32_0 = arith.constant 0 : i32
    return %arg0, %c0_i32 : i32, i32
  }
}

</mosaic_0001>

<sc_bundles>
// kernel: kernel.10.cloned.1.call-start
scs
__scs_entry_jumppad:
0x0: {  	(pc) =	sbr.rel $0x88, $3  }
0x1: {  	(tag) =	ssettag $0x0;
	lr =	simm.s32 $0x1  }
0x2: {  	[smem:$0x3F93] =	sst lr;
	_ =	strace $0xD0000000  }
0x3: {  	_ = 	snop  }
0x4: {  	_ = 	snop  }
0x5: {  	_ = 	snop  }
0x6: {  	_ = 	snop  }
0x7: {  	_ = 	snop  }
__scs_overlays_trampoline_lowered:
0x8: {  	[smem:$0x3FA2] =	sst s0  }
0x9: {  	[smem:$0x3FA3] =	sst s1  }
0xa: {  	[smem:$0x3FA4] =	sst s2  }
0xb: {  	[smem:$0x3FA5] =	sst s3  }
0xc: {  	[smem:$0x3FA6] =	sst s4  }
0xd: {  	[smem:$0x3FA7] =	sst s5  }
0xe: {  	[smem:$0x3FA8] =	sst s6  }
0xf: {  	[smem:$0x3FA9] =	sst s7  }
0x10: {  	[smem:$0x3FAA] =	sst s8  }
0x11: {  	[smem:$0x3FAB] =	sst s9;
	s0 =	simm.s32 @!p0 $0x0  }
0x12: {  	s1 =	sld [smem:$0x3F91];
	s0 =	simm.s32 @p0 $0x1  }
0x13: {  	[smem:$0x3FAC] =	sst s0;
	s0 =	simm.s32 @!p1 $0x0  }
0x14: {  	s2 =	sld [smem:$0x3F90];
	s0 =	simm.s32 @p1 $0x1  }
0x15: {  	[smem:$0x3FAD] =	sst s0;
	s0 =	simm.s32 @!p2 $0x0  }
0x16: {  	s3 =	sld [smem:$0x3FDB];
	s0 =	simm.s32 @p2 $0x1  }
0x17: {  	s4 =	simm.s32 $0x1BF5;
	[smem:$0x3FAF] =	sst s0  }
0x18: {  	s0 =	sld [smem:$0x3F92];
	_ =	swait.ge [sflag:s4], $0x0  }
0x19: {  	s7 =	sld [smem:$0x3F93]  }
0x1a: {  	s8 =	sadd.s32 $0xFFFFE003, lr  }
0x1b: {  	s9 =	sadd.s32 $0xFFFFFEF7, lr;
	s5 =	simm.s32 $0xFFFFFFFF;
	p2 =	slt.u32 s8, $0xFFFFF086  }
0x1c: {  	p1 =	slt.u32 s9, $0xF7A;
	s5 =	simm.s32 @!p2 $0x0  }
0x1d: {  	s5 =	simm.s32 @p1 $0x1;
	p0 =	seq.s32 s7, s2  }
0x1e: {  	s7 =	smul.u32 @!p0 $0xF7A, s2;
	p2 =	seq.s32 @!p0 s5, $0x0  }
0x1f: {  	s9 =	smul.u32 $0xF7A, s1;
	s8 =	simm.s32 @!p0 $0x1BF5;
	p2 =	por !p2, p0  }
0x20: {  	[sflag:s8] =	ssyncset.s32 @!p0 $0xFFFFF086;
	s6 =	sadd.s32 @!p0 s3, s7;
	s7 =	simm.s32 @!p0 $0x108  }
0x21: {  	s3 =	sadd.s32 s3, s9;
	s6 =	sadd.s32 @!p0 $0x88, s6;
	s7 =	simm.s32 @p2 $0x1082  }
0x22: {  	[simem:s7], [sflag:s8] =	dma.local @!p0 [hbm:s6], $0xF7A  }
0x23: {  	s9 =	sor.u32 $0xD0000000, s2;
	s6 =	simm.s32 $0x108;
	_ =	swait.ge @!p0 [sflag:s8], $0x0  }
0x24: {  	s3 =	sadd.s32 $0x88, s3;
	s6 =	simm.s32 @!p1 $0x1082;
	[sflag:s4] =	ssyncset.s32 $0xFFFFF086  }
0x25: {  	[simem:s6], [sflag:s4] =	dma.local [hbm:s3], $0xF7A  }
0x26: {  	[smem:$0x3F93] =	sst s1;
	(tag) =	ssettag s2;
	_ =	strace s9  }
0x27: {  	s1 =	sld [smem:$0x3FA3]  }
0x28: {  	s2 =	sld [smem:$0x3FA4]  }
0x29: {  	s4 =	sld [smem:$0x3FA6]  }
0x2a: {  	p0 =	seq.s32 s5, $0x0;
	s5 =	sld [smem:$0x3FA7]  }
0x2b: {  	s6 =	sld [smem:$0x3FA8]  }
0x2c: {  	s7 =	sld [smem:$0x3FA9]  }
0x2d: {  	s3 =	simm.s32 $0x108;
	s8 =	sld [smem:$0x3FAA]  }
0x2e: {  	s3 =	simm.s32 @!p0 $0x1082;
	s9 =	sld [smem:$0x3FAB]  }
0x2f: {  	lr =	sadd.s32 s0, s3;
	s0 =	sld [smem:$0x3FA2]  }
0x30: {  	s3 =	sld [smem:$0x3FA5]  }
0x31: {  	[smem:$0x3FAE] =	sst s10  }
0x32: {  	s10 =	sld [smem:$0x3FAC];
	_ =	sdelay $0x3  }
0x33: {  	p0 =	seq.s32 s10, $0x1;
	s10 =	sld [smem:$0x3FAE];
	_ =	sdelay $0x3  }
0x34: {  	[smem:$0x3FAE] =	sst s10  }
0x35: {  	s10 =	sld [smem:$0x3FAD];
	_ =	sdelay $0x3  }
0x36: {  	p1 =	seq.s32 s10, $0x1;
	s10 =	sld [smem:$0x3FAE];
	_ =	sdelay $0x3  }
0x37: {  	[smem:$0x3FAE] =	sst s10  }
0x38: {  	s10 =	sld [smem:$0x3FAF]  }
0x39: {  	_ = 	snop;
	(pc) =	sbr.ind lr, $3  }
0x3a: {  	_ = 	snop  }
0x3b: {  	_ = 	snop  }
0x3c: {  	p2 =	seq.s32 s10, $0x1;
	s10 =	sld [smem:$0x3FAE]  }
0x3d: {  	_ =	shalt  }
0x3e: {  	_ =	shalt  }
0x3f: {  	_ =	shalt  }
0x40: {  	_ =	shalt  }
0x41: {  	_ =	shalt  }
0x42: {  	_ =	shalt  }
0x43: {  	_ =	shalt  }
0x44: {  	_ =	shalt  }
0x45: {  	_ =	shalt  }
0x46: {  	_ =	shalt  }
0x47: {  	_ =	shalt  }
0x48: {  	_ =	shalt  }
0x49: {  	_ =	shalt  }
0x4a: {  	_ =	shalt  }
0x4b: {  	_ =	shalt  }
0x4c: {  	_ =	shalt  }
0x4d: {  	_ =	shalt  }
0x4e: {  	_ =	shalt  }
0x4f: {  	_ =	shalt  }
0x50: {  	_ =	shalt  }
0x51: {  	_ =	shalt  }
0x52: {  	_ =	shalt  }
0x53: {  	_ =	shalt  }
0x54: {  	_ =	shalt  }
0x55: {  	_ =	shalt  }
0x56: {  	_ =	shalt  }
0x57: {  	_ =	shalt  }
0x58: {  	_ =	shalt  }
0x59: {  	_ =	shalt  }
0x5a: {  	_ =	shalt  }
0x5b: {  	_ =	shalt  }
0x5c: {  	_ =	shalt  }
0x5d: {  	_ =	shalt  }
0x5e: {  	_ =	shalt  }
0x5f: {  	_ =	shalt  }
0x60: {  	_ =	shalt  }
0x61: {  	_ =	shalt  }
0x62: {  	_ =	shalt  }
0x63: {  	_ =	shalt  }
0x64: {  	_ =	shalt  }
0x65: {  	_ =	shalt  }
0x66: {  	_ =	shalt  }
0x67: {  	_ =	shalt  }
0x68: {  	_ =	shalt  }
0x69: {  	_ =	shalt  }
0x6a: {  	_ =	shalt  }
0x6b: {  	_ =	shalt  }
0x6c: {  	_ =	shalt  }
0x6d: {  	_ =	shalt  }
0x6e: {  	_ =	shalt  }
0x6f: {  	_ =	shalt  }
0x70: {  	_ =	shalt  }
0x71: {  	_ =	shalt  }
0x72: {  	_ =	shalt  }
0x73: {  	_ =	shalt  }
0x74: {  	_ =	shalt  }
0x75: {  	_ =	shalt  }
0x76: {  	_ =	shalt  }
0x77: {  	_ =	shalt  }
0x78: {  	_ =	shalt  }
0x79: {  	_ =	shalt  }
0x7a: {  	_ =	shalt  }
0x7b: {  	_ =	shalt  }
0x7c: {  	_ =	shalt  }
0x7d: {  	_ =	shalt  }
0x7e: {  	_ =	shalt  }
0x7f: {  	_ =	shalt  }
0x80: {  	_ =	shalt  }
0x81: {  	_ =	shalt  }
0x82: {  	_ =	shalt  }
0x83: {  	_ =	shalt  }
0x84: {  	_ =	shalt  }
0x85: {  	_ =	shalt  }
0x86: {  	_ =	shalt  }
0x87: {  	_ =	shalt  }
.Lfunc_end0:
.L_simem_size_0:
called_computation.1_lowered:
.L_overlay_start_0:
0x88: {  	s2 =	sld [smem:$0x3FD9]  }
0x89: {  	s3 =	sld [smem:$0x3FFE];
	_ =	sdelay $0x1  }
0x8a: {  	s1 =	srdreg.scid  }
0x8b: {  	s0 =	sand.u32 $0x1, s1  }
0x8c: {  	s17 =	sshll.u32 s0, $0xA;
	s2 =	sadd.s32 s3, s2  }
0x8d: {  	s2 =	sadd.s32 s2, s17  }
0x8e: {  	[smem:$0x3FBA] =	sst s2  }
0x8f: {  	_ = 	snop  }
0x90: {  	s2 =	sld [smem:$0x3FD0];
	(tm) =	ssettm $0x1  }
0x91: {  	s18 =	sld [smem:$0x3FFB];
	_ =	sdelay $0x3  }
0x92: {  	_ =	strace s18  }
0x93: {  	s3 =	sld [smem:$0x3FFC];
	_ =	sdelay $0x3  }
0x94: {  	_ =	strace s3  }
0x95: {  	s3 =	sld [smem:$0x3FFD];
	_ =	sdelay $0x3  }
0x96: {  	_ =	strace s3  }
0x97: {  	_ =	strace $0x8FFFFFFF  }
0x98: {  	s19 =	sld [smem:$0x3FDB];
	_ =	sdelay $0x1  }
0x99: {  	s4 =	simm.s32 $_scs_section_size  }
0x9a: {  	s5 =	simm.s32 $_size__tile_overlayer_lowered;
	s6 =	simm.s32 $_tile_overlayer_lowered  }
0x9b: {  	s22 =	simm.s32 $0x1BFF;
	s21 =	sshll.u32 s6, $0x1;
	s3 =	sadd.s32 s4, s19  }
0x9c: {  	s7 =	simm.s32 $0x0;
	s20 =	sshll.u32 s5, $0x1;
	s5 =	sadd.s32 s21, s3  }
0x9d: {  	[timem:s7], [sflag:s22] =	dma.local [hbm:s5], s20  }
0x9e: {  	_ =	swait.ge [sflag:s22], s20  }
0x9f: {  	s4 =	ssub.s32 $0x0, s20;
	[sflag:s22] =	ssyncset.done $0x0  }
0xa0: {  	[sflag:s22] =	ssyncadd.s32 s4;
	_ =	sdelay $0x1  }
0xa1: {  	s23 =	simm.s32 $0x1B8B  }
0xa2: {  	_ =	swait.ge [sflag:s23], $0x1  }
0xa3: {  	[sflag:s23] =	ssyncset.done $0x0  }
0xa4: {  	s25 =	simm.s32 $0x1B8E;
	s24 =	sld [smem:$0x3FFE];
	[sflag:s23] =	ssyncadd.s32 $0xFFFFFFFF  }
0xa5: {  	s26 =	simm.s32 $execute0_lowered;
	[smem:$0x3FD2] =	sst s25  }
0xa6: {  	s5 =	sshll.u32 s26, $0x1;
	_ =	strace $0x80000049;
	[dreg:$0x1] =	wrdreg $0xFFFFFFFF  }
0xa7: {  	s28 =	simm.s32 $_size_execute0_lowered;
	s3 =	sadd.s32 s3, s5;
	[dreg:$0x0] =	wrdreg $0x0  }
0xa8: {  	s5 =	sshll.u32 s28, $0x1;
	[dreg:$0x2] =	wrdreg s3  }
0xa9: {  	[dreg:$0x3] =	wrdreg s5  }
0xaa: {  	[dreg:$0x4] =	wrdreg $0xC0  }
0xab: {  	_ =	task [dreg:s7], $0x5FFFF  }
0xac: {  	[dreg:$0x1] =	wrdreg $0xFFFFFFFF  }
0xad: {  	[dreg:$0x0] =	wrdreg $0x60  }
0xae: {  	[dreg:$0x2] =	wrdreg s24  }
0xaf: {  	[dreg:$0x3] =	wrdreg s2  }
0xb0: {  	[dreg:$0x4] =	wrdreg $0x44100  }
0xb1: {  	[dreg:$0x5] =	wrdreg $0x9  }
0xb2: {  	_ =	task.clear_ibuf [dreg:s7], $0x6FFFF;
	_ =	strace $0x90000049  }
0xb3: {  	s29 =	simm.s32 $0x9;
	_ =	strace $0x8000004B  }
0xb4: {  	_ =	swait.ge [sflag:s29], $0x1  }
0xb5: {  	[sflag:s29] =	ssyncadd.s32 $0xFFFFFFFF  }
0xb6: {  	_ =	strace $0x9000004B  }
0xb7: {  	_ =	sfence  }
0xb8: {  	s30 =	sld [smem:$0x0];
	_ =	sdelay $0x2  }
0xb9: {  	s31 =	sshll.u32 s1, $0xD;
	s1 =	sshrl.u32 s1, $0x2  }
0xba: {  	s3 =	sand.u32 $0x4000, s31;
	s1 =	sadd.s32 s1, s30  }
0xbb: {  	s0 =	sor.u32 s3, s0;
	s1 =	sshll.u32 s1, $0x11  }
0xbc: {  	s0 =	sor.u32 s1, s0  }
0xbd: {  	s0 =	sadd.s32 $0x8F2B, s0  }
0xbe: {  	[sflag:s0] =	ssyncadd.remote.s32 $0x1  }
0xbf: {  	_ =	sfence.sel $0xFFFF  }
0xc0: {  	[dreg:$0x0] =	wrdreg $0xFFFFFFFF;
	(pc) =	sbr.abs _section_cstart, $3  }
0xc1: {  	[dreg:$0x1] =	wrdreg $0xFFFFFFFF  }
0xc2: {  	_ =	task.clear_ibuf [dreg:s7], $0x2FFFF;
	_ =	strace $0x9FFFFFFF  }
0xc3: {  	(tm) =	ssettm $0x7FFFFFFF  }
tec
execute0_lowered:
.L_overlay_start_1:
0x0: {  	(tag) =	ssettag $0x1  }
0x1: {  	s0 =	rddreg [dreg:$0x0]  }
0x2: {  	s3 =	rddreg [dreg:$0x2];
	s1 =	srdreg.scid  }
0x3: {  	s12 =	stileid.u32;
	s4 =	simm.s32 $0x0;
	s16 =	simm.s32 $0x4  }
0x4: {  	s19 =	simm.s32 $0x400;
	s28 =	simm.s32 $0x180;
	s29 =	simm.s32 $0x1C00  }
0x5: {  	s30 =	simm.s32 $0x1;
	s31 =	simm.s32 $0x3;
	s15 =	simm.s32 $0x300  }
0x6: {  	s13 =	simm.s32 $0x0;
	s1 =	sand.u32 $0x1, s1;
	s5 =	smul.u32 $0x18800, s12  }
0x7: {  	[smem:$0x7FF] =	sst s4;
	s6 =	sadd.s32 $0x379C00, s0;
	s9 =	smul.u32 $0x3100, s12  }
0x8: {  	s7 =	sadd.s32 $0x34C00, s0;
	s8 =	sadd.s32 $0x3C00, s0;
	s10 =	smul.u32 $0x31000, s12  }
0x9: {  	s11 =	smul.u32 $0x188000, s12;
	s26 =	sshll.u32 s12, $0x6;
	s12 =	simm.s32 $0x3C00  }
0xa: {  	s2 =	smul.u32 $0x188000, s1;
	_ =	strace $0x8000004A;
	[dreg:$0x4] =	wrdreg s8  }
0xb: {  	s20 =	ssub.s32 $0x2, s1;
	s14 =	sor.u32 $0x1C04, s26;
	p0 =	sne.s32 s1, $0x0  }
0xc: {  	s26 =	simm.s32 $0x1400;
	s1 =	simm.s32 $0x2C00;
	s8 =	simm.s32 $0x380  }
0xd: {  	s21 =	sshrl.u32 s20, $0x1;
	s9 =	sadd.s32 s7, s9;
	[dreg:$0xa] =	wrdreg s14  }
0xe: {  	s23 =	sadd.s32 s6, s10;
	s2 =	sadd.s32 s5, s2;
	[dreg:$0x5] =	wrdreg s9  }
0xf: {  	s22 =	sadd.s32 s5, s3;
	[dreg:$0x6] =	wrdreg s23;
	s2 =	sshrl.u32 s2, $0x3  }
0x10: {  	s18 =	sshrl.u32 s22, $0x3;
	s22 =	simm.s32 $0x2400;
	s0 =	sadd.s32 s2, s0  }
.Ltmp0:
0x11: {  	s23 =	simm.s32 $0x80;
	s24 =	sadd.s32 $0x65C00, s0;
	(pc) =	sbr.rel .LBB2_1-.Ltmp0, $4  }
0x12: {  	s2 =	ssub.s32 s20, s21;
	s0 =	sadd.s32 $0xC7C00, s0;
	[dreg:$0x7] =	wrdreg s24  }
0x13: {  	s20 =	simm.s32 $0x2;
	s25 =	smax.u32 s2, $0x1;
	[dreg:$0x8] =	wrdreg s0  }
0x14: {  	s21 =	simm.s32 $0x200;
	s2 =	simm.s32 $0x3400;
	[dreg:$0x9] =	wrdreg s25  }
0x15: {  	s24 =	simm.s32 $0xC00;
	s25 =	simm.s32 $0x100;
	s0 =	simm.s32 $0x280  }
.LBB2_33:
0x16: {  	[bflag:$0x0] =	sbarrier.arrive $0xFFFF  }
0x17: {  	s9 =	rddreg [dreg:$0x8]  }
0x18: {  	s14 =	rddreg [dreg:$0xa]  }
0x19: {  	[hbm:s9], [sflag:s14] =	dma.local [spmem:s18], $0x3100  }
0x1a: {  	_ =	swait.ge [sflag:s16], $0x3100  }
0x1b: {  	s13 =	sadd.s32 $0x1, s13;
	s17 =	rddreg [dreg:$0x9]  }
0x1c: {  	p1 =	sne.s32 s13, s17  }
.Ltmp1:
0x1d: {  	_ = 	snop;
	(pc) =	sbr.rel @!p1 .LBB2_34-.Ltmp1, $3  }
0x1e: {  	_ =	sdelay $0x1  }
0x1f: {  	[sflag:s16] =	ssyncset.done $0x0  }
0x20: {  	[sflag:s16] =	ssyncadd.s32 $0xFFFFCF00  }
.LBB2_1:
0x21: {  	s9 =	rddreg [dreg:$0x4];
	s10 =	simm.s32 $0x4400  }
0x22: {  	[tilespmem:s10], [sflag:$0x4] =	stream.linear.gather [hbm4b:s9+s4], $0x10, $0x38;
	[tilespmem:$0x1CC10] =	vst v63  }
0x23: {  	_ =	swait.ge [sflag:s16], $0x10  }
0x24: {  	[sflag:s16] =	ssyncset.done $0x0  }
0x25: {  	[sflag:s16] =	ssyncadd.s32 $0xFFFFFFF0  }
0x26: {  	s10 =	rddreg [dreg:$0x1]  }
0x27: {  	v0 =	vld [tilespmem:$0x4400];
	[spmem:s18], [sflag:s14] =	dma.local [hbm:s10], $0x3100  }
0x28: {  	_ =	swait.ge [sflag:s16], $0x3100  }
0x29: {  	[sflag:s16] =	ssyncset.done $0x0  }
0x2a: {  	[sflag:s16] =	ssyncadd.s32 $0xFFFFCF00  }
.Ltmp2:
0x2b: {  	[bflag:$0x0] =	sbarrier.arrive $0xFFFF;
	(pc) =	sbr.rel .LBB2_2-.Ltmp2, $4  }
0x2c: {  	s14 =	rddreg [dreg:$0x5]  }
0x2d: {  	[tilespmem:s4], [sflag:$0x2] =	stream.linear.gather [hbm4b:s14+s4], $0x200, $0x38;
	[tilespmem:$0x1CC10] =	vst v63  }
0x2e: {  	s17 =	rddreg [dreg:$0x6];
	s14 =	simm.s32 $0x0  }
0x2f: {  	[tilespmem:s19], [sflag:$0x2] =	stream.linear.gather [hbm4b:s17+s4], $0x2000, $0x38;
	[tilespmem:$0x1CC10] =	vst v63  }
.LBB2_15:
0x30: {  	[tilespmem:s9+$0xFFFFFFA0] =	vst v4;
	v62 =	vmul.f32 v7, v7;
	v2 =	vsub.f32 v2, v0  }
0x31: {  	[tilespmem:s9+$0xFFFFFFB0] =	vst v5;
	v63 =	vmul.f32 v6, v6;
	v1 =	vsub.f32 v1, v0  }
0x32: {  	v3 =	vsub.f32 v3, v0;
	[tilespmem:s9+$0xFFFFFFC0] =	vst v62;
	v2 =	vmul.f32 v2, v2  }
0x33: {  	[tilespmem:s9+$0xFFFFFFD0] =	vst v63;
	v1 =	vmul.f32 v1, v1  }
0x34: {  	[tilespmem:s9+$0xFFFFFFE0] =	vst v2;
	v2 =	vmul.f32 v3, v3  }
0x35: {  	[tilespmem:s9+$0x0] =	vst v1  }
0x36: {  	[tilespmem:s9+$0xFFFFFFF0] =	vst v2  }
.LBB2_16:
0x37: {  	[spmem:s3] =	stream.indirect.scatter.add.f32 [tilespmem:s22], [sflag:$0x1], $0x10, s21, s23, $0xb8;
	[tilespmem:$0x1CC10] =	vst v63  }
0x38: {  	_ = 	snop  }
0x39: {  	[spmem:s3] =	stream.indirect.scatter.add.f32 [tilespmem:s1], [sflag:$0x1], $0x10, s0, s23, $0xb8;
	[tilespmem:$0x1CC10] =	vst v63  }
0x3a: {  	_ = 	snop  }
0x3b: {  	[spmem:s3] =	stream.indirect.scatter.add.f32 [tilespmem:s2], [sflag:$0x1], $0x10, s15, s23, $0xb8;
	[tilespmem:$0x1CC10] =	vst v63  }
0x3c: {  	_ = 	snop  }
0x3d: {  	[spmem:s3] =	stream.indirect.scatter.add.f32 [tilespmem:s12], [sflag:$0x1], $0x10, s8, s23, $0xb8;
	[tilespmem:$0x1CC10] =	vst v63  }
0x3e: {  	_ =	swait.ge [sflag:s30], $0x800  }
0x3f: {  	[sflag:s30] =	ssyncset.done $0x0  }
0x40: {  	[sflag:s30] =	ssyncadd.s32 $0xFFFFF800  }
0x41: {  	_ =	swait.ge [sflag:s30], $0x800  }
0x42: {  	[sflag:s30] =	ssyncset.done $0x0  }
0x43: {  	s14 =	sadd.s32 $0x1, s14;
	[sflag:s30] =	ssyncadd.s32 $0xFFFFF800  }
0x44: {  	p1 =	sne.s32 s14, $0x62;
	_ =	swait.ge [sflag:s30], $0x800  }
.Ltmp3:
0x45: {  	[sflag:s30] =	ssyncset.done $0x0;
	(pc) =	sbr.rel @!p1 .LBB2_17-.Ltmp3, $4  }
0x46: {  	[sflag:s30] =	ssyncadd.s32 $0xFFFFF800  }
0x47: {  	_ =	swait.ge [sflag:s30], $0x800  }
0x48: {  	[sflag:s30] =	ssyncset.done $0x0  }
0x49: {  	[sflag:s30] =	ssyncadd.s32 $0xFFFFF800  }
.LBB2_2:
0x4a: {  	_ =	swait.ge [sflag:s20], $0x200  }
0x4b: {  	s9 =	sshllo.u32 s14, $0x1;
	[sflag:s20] =	ssyncset.done $0x0  }
0x4c: {  	s10 =	sshll.u32 s9, $0x9;
	s9 =	sshll.u32 s9, $0xD;
	[sflag:s20] =	ssyncadd.s32 $0xFFFFFE00  }
0x4d: {  	s10 =	sadd.s32 s5, s10;
	s9 =	sadd.s32 s11, s9;
	_ =	swait.ge [sflag:s20], $0x2000  }
0x4e: {  	s10 =	sshrl.u32 s10, $0x3;
	s9 =	sshrl.u32 s9, $0x3;
	[sflag:s20] =	ssyncset.done $0x0  }
.Ltmp4:
0x4f: {  	s10 =	sadd.s32 s7, s10;
	[sflag:s20] =	ssyncadd.s32 $0xFFFFE000;
	(pc) =	sbr.rel @p0 .LBB2_6-.Ltmp4, $4  }
0x50: {  	[tilespmem:s21], [sflag:$0x3] =	stream.linear.gather [hbm4b:s10+s4], $0x200, $0x38;
	[tilespmem:$0x1CC10] =	vst v63  }
0x51: {  	s9 =	sadd.s32 s6, s9  }
0x52: {  	[tilespmem:s22], [sflag:$0x3] =	stream.linear.gather [hbm4b:s9+s4], $0x2000, $0x38;
	[tilespmem:$0x1CC10] =	vst v63  }
0x53: {  	s9 =	simm.s32 $0x440  }
0x54: {  	v2 =	vld [tilespmem:s9+$0xFFFFFFC0];
	_ =	sdelay $0x1  }
0x55: {  	v5 =	vld [tilespmem:s9+$0xFFFFFFD0]  }
0x56: {  	v7 =	vld [tilespmem:s9+$0xFFFFFFE0]  }
0x57: {  	v3 =	vld [tilespmem:s9+$0x0]  }
0x58: {  	v1 =	vld [tilespmem:s9+$0x10];
	v6 =	vsub.f32 v2, v0  }
0x59: {  	v4 =	vld [tilespmem:s9+$0x20]  }
0x5a: {  	v2 =	vld [tilespmem:s9+$0x30];
	[tilespmem:s9+$0xFFFFFFC0] =	vst v6;
	v6 =	vsub.f32 v5, v0  }
0x5b: {  	s10 =	simm.s32 $0x0;
	s17 =	simm.s32 $0x4C0;
	v7 =	vsub.f32 v7, v0;
	v5 =	vld [tilespmem:s9+$0xFFFFFFF0]  }
.LBB2_4:
0x5c: {  	v8 =	vld [tilespmem:s17+$0xFFFFFFC0];
	[tilespmem:s9+$0xFFFFFFD0] =	vst v6;
	v3 =	vsub.f32 v3, v0  }
0x5d: {  	s10 =	sadd.s32 $0x8, s10;
	v6 =	vld [tilespmem:s17+$0xFFFFFFD0];
	[tilespmem:s9+$0xFFFFFFE0] =	vst v7;
	v1 =	vsub.f32 v1, v0  }
0x5e: {  	p1 =	slt.u32 s10, $0x1F8;
	v7 =	vld [tilespmem:s17+$0xFFFFFFE0];
	[tilespmem:s9+$0x0] =	vst v3;
	v4 =	vsub.f32 v4, v0  }
.Ltmp5:
0x5f: {  	v3 =	vld [tilespmem:s17+$0x0];
	[tilespmem:s9+$0x10] =	vst v1;
	v2 =	vsub.f32 v2, v0;
	(pc) =	sbr.rel @p1 .LBB2_4-.Ltmp5, $4  }
0x60: {  	v1 =	vld [tilespmem:s17+$0x10];
	v5 =	vsub.f32 v5, v0;
	[tilespmem:s9+$0x20] =	vst v4  }
0x61: {  	v8 =	vsub.f32 v8, v0;
	v4 =	vld [tilespmem:s17+$0x20];
	[tilespmem:s9+$0x30] =	vst v2  }
0x62: {  	v6 =	vsub.f32 v6, v0;
	v2 =	vld [tilespmem:s17+$0x30];
	[tilespmem:s9+$0xFFFFFFF0] =	vst v5;
	s9 =	smov.u32 s17  }
0x63: {  	s17 =	sadd.s32 $0x80, s17;
	[tilespmem:s9+$0xFFFFFFC0] =	vst v8;
	v7 =	vsub.f32 v7, v0;
	v5 =	vld [tilespmem:s9+$0xFFFFFFF0]  }
0x64: {  	[tilespmem:s9+$0xFFFFFFD0] =	vst v6;
	v3 =	vsub.f32 v3, v0  }
0x65: {  	[tilespmem:s9+$0xFFFFFFE0] =	vst v7;
	v1 =	vsub.f32 v1, v0  }
.Ltmp6:
0x66: {  	[tilespmem:s9+$0x0] =	vst v3;
	v3 =	vsub.f32 v4, v0;
	(pc) =	sbr.rel .LBB2_9-.Ltmp6, $4  }
0x67: {  	[tilespmem:s9+$0x10] =	vst v1;
	v1 =	vsub.f32 v2, v0  }
0x68: {  	v2 =	vsub.f32 v5, v0;
	[tilespmem:s9+$0x20] =	vst v3  }
0x69: {  	[tilespmem:s9+$0x30] =	vst v1  }
0x6a: {  	[tilespmem:s9+$0xFFFFFFF0] =	vst v2  }
.LBB2_6:
0x6b: {  	v1 =	vld [tilespmem:s9+$0xFFFFFFC0]  }
0x6c: {  	v2 =	vld [tilespmem:s9+$0xFFFFFFD0];
	_ =	sdelay $0x2  }
0x6d: {  	v3 =	vld [tilespmem:s9+$0xFFFFFFE0]  }
0x6e: {  	v5 =	vld [tilespmem:s9+$0x0]  }
0x6f: {  	v6 =	vld [tilespmem:s9+$0x10];
	v4 =	vsub.f32 v1, v0;
	v2 =	vsub.f32 v2, v0  }
0x70: {  	v1 =	vld [tilespmem:s9+$0x20]  }
0x71: {  	v8 =	vmul.f32 v4, v4;
	v4 =	vmul.f32 v2, v2;
	v2 =	vld [tilespmem:s9+$0x30]  }
0x72: {  	v9 =	vsub.f32 v3, v0;
	v3 =	vld [tilespmem:s9+$0xFFFFFFF0]  }
0x73: {  	v7 =	vsub.f32 v5, v0  }
0x74: {  	s10 =	simm.s32 $0x0;
	s17 =	simm.s32 $0x4C0;
	v6 =	vsub.f32 v6, v0;
	v5 =	vmul.f32 v9, v9;
	[tilespmem:s9+$0xFFFFFFC0] =	vst v8  }
.LBB2_7:
0x75: {  	v8 =	vld [tilespmem:s17+$0xFFFFFFC0];
	[tilespmem:s9+$0xFFFFFFD0] =	vst v4;
	v4 =	vmul.f32 v7, v7;
	v1 =	vsub.f32 v1, v0  }
0x76: {  	v7 =	vld [tilespmem:s17+$0xFFFFFFD0];
	[tilespmem:s9+$0xFFFFFFE0] =	vst v5;
	v5 =	vmul.f32 v6, v6;
	v2 =	vsub.f32 v2, v0  }
0x77: {  	v6 =	vld [tilespmem:s17+$0xFFFFFFE0];
	v3 =	vsub.f32 v3, v0;
	[tilespmem:s9+$0x0] =	vst v4;
	v1 =	vmul.f32 v1, v1  }
0x78: {  	s10 =	sadd.s32 $0x8, s10;
	v9 =	vld [tilespmem:s17+$0x0];
	[tilespmem:s9+$0x10] =	vst v5;
	v2 =	vmul.f32 v2, v2  }
0x79: {  	p1 =	slt.u32 s10, $0x1F8;
	v10 =	vld [tilespmem:s17+$0x10];
	v3 =	vmul.f32 v3, v3;
	[tilespmem:s9+$0x20] =	vst v1  }
.Ltmp7:
0x7a: {  	v4 =	vsub.f32 v8, v0;
	v1 =	vld [tilespmem:s17+$0x20];
	[tilespmem:s9+$0x30] =	vst v2;
	(pc) =	sbr.rel @p1 .LBB2_7-.Ltmp7, $4  }
0x7b: {  	v5 =	vsub.f32 v7, v0;
	v2 =	vld [tilespmem:s17+$0x30];
	[tilespmem:s9+$0xFFFFFFF0] =	vst v3;
	s9 =	smov.u32 s17  }
0x7c: {  	v8 =	vmul.f32 v4, v4;
	v6 =	vsub.f32 v6, v0;
	v3 =	vld [tilespmem:s17+$0xFFFFFFF0]  }
0x7d: {  	v4 =	vmul.f32 v5, v5;
	v7 =	vsub.f32 v9, v0  }
0x7e: {  	s17 =	sadd.s32 $0x80, s17;
	[tilespmem:s9+$0xFFFFFFC0] =	vst v8;
	v5 =	vmul.f32 v6, v6;
	v6 =	vsub.f32 v10, v0  }
0x7f: {  	[tilespmem:s9+$0xFFFFFFD0] =	vst v4;
	v62 =	vmul.f32 v7, v7;
	v1 =	vsub.f32 v1, v0  }
0x80: {  	[tilespmem:s9+$0xFFFFFFE0] =	vst v5;
	v63 =	vmul.f32 v6, v6;
	v2 =	vsub.f32 v2, v0  }
0x81: {  	v3 =	vsub.f32 v3, v0;
	[tilespmem:s9+$0x0] =	vst v62;
	v1 =	vmul.f32 v1, v1  }
0x82: {  	[tilespmem:s9+$0x10] =	vst v63;
	v2 =	vmul.f32 v2, v2  }
0x83: {  	v3 =	vmul.f32 v3, v3;
	[tilespmem:s9+$0x20] =	vst v1  }
0x84: {  	[tilespmem:s9+$0x30] =	vst v2  }
0x85: {  	[tilespmem:s9+$0xFFFFFFF0] =	vst v3  }
.LBB2_9:
0x86: {  	[spmem:s3] =	stream.indirect.scatter.add.f32 [tilespmem:s19], [sflag:$0x1], $0x10, s4, s23, $0xb8;
	[tilespmem:$0x1CC10] =	vst v63  }
0x87: {  	_ = 	snop  }
0x88: {  	[spmem:s3] =	stream.indirect.scatter.add.f32 [tilespmem:s24], [sflag:$0x1], $0x10, s23, s23, $0xb8;
	[tilespmem:$0x1CC10] =	vst v63  }
0x89: {  	_ = 	snop  }
0x8a: {  	[spmem:s3] =	stream.indirect.scatter.add.f32 [tilespmem:s26], [sflag:$0x1], $0x10, s25, s23, $0xb8;
	[tilespmem:$0x1CC10] =	vst v63  }
0x8b: {  	_ = 	snop  }
0x8c: {  	[spmem:s3] =	stream.indirect.scatter.add.f32 [tilespmem:s29], [sflag:$0x1], $0x10, s28, s23, $0xb8;
	[tilespmem:$0x1CC10] =	vst v63  }
0x8d: {  	_ =	swait.ge [sflag:s30], $0x800  }
0x8e: {  	[sflag:s30] =	ssyncset.done $0x0  }
0x8f: {  	[sflag:s30] =	ssyncadd.s32 $0xFFFFF800  }
0x90: {  	_ =	swait.ge [sflag:s30], $0x800  }
0x91: {  	[sflag:s30] =	ssyncset.done $0x0  }
0x92: {  	[sflag:s30] =	ssyncadd.s32 $0xFFFFF800  }
0x93: {  	_ =	swait.ge [sflag:s30], $0x800  }
0x94: {  	[sflag:s30] =	ssyncset.done $0x0  }
0x95: {  	[sflag:s30] =	ssyncadd.s32 $0xFFFFF800  }
0x96: {  	_ =	swait.ge [sflag:s30], $0x800  }
0x97: {  	[sflag:s30] =	ssyncset.done $0x0  }
0x98: {  	[sflag:s30] =	ssyncadd.s32 $0xFFFFF800  }
0x99: {  	s9 =	sshll.u32 s14, $0x1;
	p1 =	seq.s32 s14, $0x61;
	_ =	swait.ge [sflag:s31], $0x200  }
0x9a: {  	s9 =	sadd.s32 @!p1 $0x2, s9;
	s17 =	simm.s32 @!p1 $0x0;
	[sflag:s31] =	ssyncset.done $0x0  }
0x9b: {  	s10 =	sshll.u32 @!p1 s9, $0x9;
	s9 =	sshll.u32 @!p1 s9, $0xD;
	[sflag:s31] =	ssyncadd.s32 $0xFFFFFE00  }
0x9c: {  	s10 =	sadd.s32 @!p1 s5, s10;
	s9 =	sadd.s32 @!p1 s11, s9;
	_ =	swait.ge [sflag:s31], $0x2000  }
0x9d: {  	s10 =	sshrl.u32 @!p1 s10, $0x3;
	s9 =	sshrl.u32 @!p1 s9, $0x3;
	[sflag:s31] =	ssyncset.done $0x0  }
.Ltmp8:
0x9e: {  	s10 =	sadd.s32 @!p1 s7, s10;
	[sflag:s31] =	ssyncadd.s32 $0xFFFFE000;
	(pc) =	sbr.rel @p0 .LBB2_13-.Ltmp8, $4  }
0x9f: {  	[tilespmem:s17], [sflag:$0x2] =	stream.linear.gather @!p1 [hbm4b:s10+s17], $0x200, $0x38;
	[tilespmem:$0x1CC10] =	vst v63  }
0xa0: {  	s9 =	sadd.s32 @!p1 s6, s9;
	s10 =	simm.s32 @!p1 $0x400  }
0xa1: {  	[tilespmem:s10], [sflag:$0x2] =	stream.linear.gather @!p1 [hbm4b:s9+s17], $0x2000, $0x38;
	[tilespmem:$0x1CC10] =	vst v63  }
0xa2: {  	s9 =	simm.s32 $0x2470  }
0xa3: {  	v2 =	vld [tilespmem:s9+$0xFFFFFF90]  }
0xa4: {  	v5 =	vld [tilespmem:s9+$0xFFFFFFA0]  }
0xa5: {  	v7 =	vld [tilespmem:s9+$0xFFFFFFB0]  }
0xa6: {  	v3 =	vld [tilespmem:s9+$0xFFFFFFC0]  }
0xa7: {  	v1 =	vld [tilespmem:s9+$0xFFFFFFD0]  }
0xa8: {  	v4 =	vld [tilespmem:s9+$0xFFFFFFE0];
	v8 =	vsub.f32 v2, v0  }
0xa9: {  	v2 =	vld [tilespmem:s9+$0x0];
	v6 =	vsub.f32 v5, v0  }
0xaa: {  	s10 =	simm.s32 $0x0;
	s17 =	simm.s32 $0x24F0;
	v7 =	vsub.f32 v7, v0;
	v5 =	vld [tilespmem:s9+$0xFFFFFFF0];
	[tilespmem:s9+$0xFFFFFF90] =	vst v8  }
.LBB2_11:
0xab: {  	v8 =	vld [tilespmem:s17+$0xFFFFFF90];
	[tilespmem:s9+$0xFFFFFFA0] =	vst v6;
	v3 =	vsub.f32 v3, v0  }
0xac: {  	s10 =	sadd.s32 $0x8, s10;
	v6 =	vld [tilespmem:s17+$0xFFFFFFA0];
	[tilespmem:s9+$0xFFFFFFB0] =	vst v7;
	v1 =	vsub.f32 v1, v0  }
0xad: {  	p1 =	slt.u32 s10, $0x1F8;
	v7 =	vld [tilespmem:s17+$0xFFFFFFB0];
	[tilespmem:s9+$0xFFFFFFC0] =	vst v3;
	v4 =	vsub.f32 v4, v0  }
.Ltmp9:
0xae: {  	v3 =	vld [tilespmem:s17+$0xFFFFFFC0];
	[tilespmem:s9+$0xFFFFFFD0] =	vst v1;
	v2 =	vsub.f32 v2, v0;
	(pc) =	sbr.rel @p1 .LBB2_11-.Ltmp9, $4  }
0xaf: {  	v1 =	vld [tilespmem:s17+$0xFFFFFFD0];
	[tilespmem:s9+$0xFFFFFFE0] =	vst v4;
	v5 =	vsub.f32 v5, v0  }
0xb0: {  	v8 =	vsub.f32 v8, v0;
	v4 =	vld [tilespmem:s17+$0xFFFFFFE0];
	[tilespmem:s9+$0x0] =	vst v2  }
0xb1: {  	v6 =	vsub.f32 v6, v0;
	v2 =	vld [tilespmem:s17+$0x0];
	[tilespmem:s9+$0xFFFFFFF0] =	vst v5;
	s9 =	smov.u32 s17  }
0xb2: {  	s17 =	sadd.s32 $0x80, s17;
	[tilespmem:s9+$0xFFFFFF90] =	vst v8;
	v7 =	vsub.f32 v7, v0;
	v5 =	vld [tilespmem:s9+$0xFFFFFFF0]  }
0xb3: {  	[tilespmem:s9+$0xFFFFFFA0] =	vst v6;
	v3 =	vsub.f32 v3, v0  }
0xb4: {  	[tilespmem:s9+$0xFFFFFFB0] =	vst v7;
	v1 =	vsub.f32 v1, v0  }
.Ltmp10:
0xb5: {  	[tilespmem:s9+$0xFFFFFFC0] =	vst v3;
	v3 =	vsub.f32 v4, v0;
	(pc) =	sbr.rel .LBB2_16-.Ltmp10, $4  }
0xb6: {  	[tilespmem:s9+$0xFFFFFFD0] =	vst v1;
	v1 =	vsub.f32 v2, v0  }
0xb7: {  	[tilespmem:s9+$0xFFFFFFE0] =	vst v3;
	v2 =	vsub.f32 v5, v0  }
0xb8: {  	[tilespmem:s9+$0x0] =	vst v1  }
0xb9: {  	[tilespmem:s9+$0xFFFFFFF0] =	vst v2  }
.LBB2_13:
0xba: {  	v1 =	vld [tilespmem:s9+$0xFFFFFF90]  }
0xbb: {  	v2 =	vld [tilespmem:s9+$0xFFFFFFA0];
	_ =	sdelay $0x1  }
0xbc: {  	v3 =	vld [tilespmem:s9+$0xFFFFFFB0]  }
0xbd: {  	v5 =	vld [tilespmem:s9+$0xFFFFFFC0]  }
0xbe: {  	v6 =	vld [tilespmem:s9+$0xFFFFFFD0];
	v1 =	vsub.f32 v1, v0  }
0xbf: {  	v4 =	vsub.f32 v2, v0;
	v2 =	vld [tilespmem:s9+$0xFFFFFFE0]  }
0xc0: {  	v8 =	vmul.f32 v1, v1;
	v1 =	vld [tilespmem:s9+$0x0]  }
0xc1: {  	v9 =	vsub.f32 v3, v0;
	v3 =	vld [tilespmem:s9+$0xFFFFFFF0]  }
0xc2: {  	v7 =	vsub.f32 v5, v0;
	v4 =	vmul.f32 v4, v4  }
0xc3: {  	s10 =	simm.s32 $0x0;
	s17 =	simm.s32 $0x24F0;
	v6 =	vsub.f32 v6, v0;
	v5 =	vmul.f32 v9, v9;
	[tilespmem:s9+$0xFFFFFF90] =	vst v8  }
.LBB2_14:
0xc4: {  	v8 =	vld [tilespmem:s17+$0xFFFFFF90];
	[tilespmem:s9+$0xFFFFFFA0] =	vst v4;
	v4 =	vmul.f32 v7, v7;
	v2 =	vsub.f32 v2, v0  }
0xc5: {  	v1 =	vsub.f32 v1, v0;
	v7 =	vld [tilespmem:s17+$0xFFFFFFA0];
	[tilespmem:s9+$0xFFFFFFB0] =	vst v5;
	v5 =	vmul.f32 v6, v6  }
0xc6: {  	v3 =	vsub.f32 v3, v0;
	v6 =	vld [tilespmem:s17+$0xFFFFFFB0];
	[tilespmem:s9+$0xFFFFFFC0] =	vst v4;
	v2 =	vmul.f32 v2, v2  }
0xc7: {  	s10 =	sadd.s32 $0x8, s10;
	v1 =	vmul.f32 v1, v1;
	v9 =	vld [tilespmem:s17+$0xFFFFFFC0];
	[tilespmem:s9+$0xFFFFFFD0] =	vst v5  }
0xc8: {  	p1 =	slt.u32 s10, $0x1F8;
	v3 =	vmul.f32 v3, v3;
	v10 =	vld [tilespmem:s17+$0xFFFFFFD0];
	[tilespmem:s9+$0xFFFFFFE0] =	vst v2  }
.Ltmp11:
0xc9: {  	v4 =	vsub.f32 v8, v0;
	v2 =	vld [tilespmem:s17+$0xFFFFFFE0];
	[tilespmem:s9+$0x0] =	vst v1;
	(pc) =	sbr.rel @p1 .LBB2_14-.Ltmp11, $4  }
0xca: {  	v5 =	vsub.f32 v7, v0;
	v1 =	vld [tilespmem:s17+$0x0];
	[tilespmem:s9+$0xFFFFFFF0] =	vst v3;
	s9 =	smov.u32 s17  }
0xcb: {  	v8 =	vmul.f32 v4, v4;
	v6 =	vsub.f32 v6, v0;
	v3 =	vld [tilespmem:s17+$0xFFFFFFF0]  }
0xcc: {  	v4 =	vmul.f32 v5, v5;
	v7 =	vsub.f32 v9, v0  }
0xcd: {  	s17 =	sadd.s32 $0x80, s17;
	[tilespmem:s9+$0xFFFFFF90] =	vst v8;
	v5 =	vmul.f32 v6, v6;
	v6 =	vsub.f32 v10, v0  }
.Ltmp12:
0xce: {  	_ = 	snop;
	(pc) =	sbr.rel .LBB2_15-.Ltmp12, $1  }
0xcf: {  	_ =	sdelay $0x3  }
.LBB2_17:
0xd0: {  	[bflag:$0x0] =	sbarrier.arrive $0xFFFF  }
0xd1: {  	s9 =	rddreg [dreg:$0x7]  }
0xd2: {  	s10 =	rddreg [dreg:$0xa]  }
0xd3: {  	[hbm:s9], [sflag:s10] =	dma.local [spmem:s18], $0x3100  }
0xd4: {  	_ =	swait.ge [sflag:s16], $0x3100  }
0xd5: {  	[sflag:s16] =	ssyncset.done $0x0  }
0xd6: {  	[sflag:s16] =	ssyncadd.s32 $0xFFFFCF00  }
0xd7: {  	s17 =	rddreg [dreg:$0x1]  }
0xd8: {  	[spmem:s18], [sflag:s10] =	dma.local [hbm:s17], $0x3100  }
0xd9: {  	_ =	swait.ge [sflag:s16], $0x3100  }
0xda: {  	[sflag:s16] =	ssyncset.done $0x0  }
0xdb: {  	[sflag:s16] =	ssyncadd.s32 $0xFFFFCF00  }
.Ltmp13:
0xdc: {  	[bflag:$0x0] =	sbarrier.arrive $0xFFFF;
	(pc) =	sbr.rel .LBB2_18-.Ltmp13, $4  }
0xdd: {  	s14 =	simm.s32 $0x0;
	s10 =	rddreg [dreg:$0x5]  }
0xde: {  	[tilespmem:s14], [sflag:$0x2] =	stream.linear.gather [hbm4b:s10+s14], $0x200, $0x38;
	[tilespmem:$0x1CC10] =	vst v63  }
0xdf: {  	s17 =	rddreg [dreg:$0x6]  }
0xe0: {  	[tilespmem:s19], [sflag:$0x2] =	stream.linear.gather [hbm4b:s17+s14], $0x2000, $0x38;
	[tilespmem:$0x1CC10] =	vst v63  }
.LBB2_31:
0xe1: {  	[tilespmem:s9+$0xFFFFFFA0] =	vst v2;
	v2 =	vmul.f32 v3, v3;
	v3 =	vmul.f32 v4, v4;
	v1 =	vsub.f32 v1, v0  }
0xe2: {  	[tilespmem:s9+$0xFFFFFFB0] =	vst v5;
	v62 =	vmul.f32 v6, v6;
	v63 =	vmul.f32 v7, v7  }
0xe3: {  	[tilespmem:s9+$0xFFFFFFC0] =	vst v2;
	v2 =	vmul.f32 v3, v3;
	v1 =	vmul.f32 v1, v1  }
0xe4: {  	[tilespmem:s9+$0xFFFFFFD0] =	vst v62;
	v3 =	vmul.f32 v63, v63  }
0xe5: {  	[tilespmem:s9+$0xFFFFFFE0] =	vst v2;
	v1 =	vmul.f32 v1, v1  }
0xe6: {  	[tilespmem:s9+$0x0] =	vst v3  }
0xe7: {  	[tilespmem:s9+$0xFFFFFFF0] =	vst v1  }
.LBB2_32:
0xe8: {  	[spmem:s3] =	stream.indirect.scatter.add.f32 [tilespmem:s22], [sflag:$0x1], $0x10, s21, s23, $0xb8;
	[tilespmem:$0x1CC10] =	vst v63  }
0xe9: {  	_ = 	snop  }
0xea: {  	[spmem:s3] =	stream.indirect.scatter.add.f32 [tilespmem:s1], [sflag:$0x1], $0x10, s0, s23, $0xb8;
	[tilespmem:$0x1CC10] =	vst v63  }
0xeb: {  	_ = 	snop  }
0xec: {  	[spmem:s3] =	stream.indirect.scatter.add.f32 [tilespmem:s2], [sflag:$0x1], $0x10, s15, s23, $0xb8;
	[tilespmem:$0x1CC10] =	vst v63  }
0xed: {  	_ = 	snop  }
0xee: {  	[spmem:s3] =	stream.indirect.scatter.add.f32 [tilespmem:s12], [sflag:$0x1], $0x10, s8, s23, $0xb8;
	[tilespmem:$0x1CC10] =	vst v63  }
0xef: {  	_ =	swait.ge [sflag:s30], $0x800  }
0xf0: {  	[sflag:s30] =	ssyncset.done $0x0  }
0xf1: {  	[sflag:s30] =	ssyncadd.s32 $0xFFFFF800  }
0xf2: {  	_ =	swait.ge [sflag:s30], $0x800  }
0xf3: {  	[sflag:s30] =	ssyncset.done $0x0  }
0xf4: {  	s14 =	sadd.s32 $0x1, s14;
	[sflag:s30] =	ssyncadd.s32 $0xFFFFF800  }
0xf5: {  	p1 =	sne.s32 s14, $0x62;
	_ =	swait.ge [sflag:s30], $0x800  }
.Ltmp14:
0xf6: {  	[sflag:s30] =	ssyncset.done $0x0;
	(pc) =	sbr.rel @!p1 .LBB2_33-.Ltmp14, $4  }
0xf7: {  	[sflag:s30] =	ssyncadd.s32 $0xFFFFF800  }
0xf8: {  	_ =	swait.ge [sflag:s30], $0x800  }
0xf9: {  	[sflag:s30] =	ssyncset.done $0x0  }
0xfa: {  	[sflag:s30] =	ssyncadd.s32 $0xFFFFF800  }
.LBB2_18:
0xfb: {  	_ =	swait.ge [sflag:s20], $0x200  }
0xfc: {  	s9 =	sshllo.u32 s14, $0x1;
	[sflag:s20] =	ssyncset.done $0x0  }
0xfd: {  	s10 =	sshll.u32 s9, $0x9;
	s9 =	sshll.u32 s9, $0xD;
	[sflag:s20] =	ssyncadd.s32 $0xFFFFFE00  }
0xfe: {  	s10 =	sadd.s32 s5, s10;
	s9 =	sadd.s32 s11, s9;
	_ =	swait.ge [sflag:s20], $0x2000  }
0xff: {  	s10 =	sshrl.u32 s10, $0x3;
	s9 =	sshrl.u32 s9, $0x3;
	[sflag:s20] =	ssyncset.done $0x0  }
.Ltmp15:
0x100: {  	s10 =	sadd.s32 s7, s10;
	[sflag:s20] =	ssyncadd.s32 $0xFFFFE000;
	(pc) =	sbr.rel @p0 .LBB2_22-.Ltmp15, $4  }
0x101: {  	[tilespmem:s21], [sflag:$0x3] =	stream.linear.gather [hbm4b:s10+s4], $0x200, $0x38;
	[tilespmem:$0x1CC10] =	vst v63  }
0x102: {  	s9 =	sadd.s32 s6, s9  }
0x103: {  	[tilespmem:s22], [sflag:$0x3] =	stream.linear.gather [hbm4b:s9+s4], $0x2000, $0x38;
	[tilespmem:$0x1CC10] =	vst v63  }
0x104: {  	s9 =	simm.s32 $0x440  }
0x105: {  	v1 =	vld [tilespmem:s9+$0xFFFFFFC0]  }
0x106: {  	v2 =	vld [tilespmem:s9+$0xFFFFFFD0]  }
0x107: {  	v3 =	vld [tilespmem:s9+$0xFFFFFFE0]  }
0x108: {  	v4 =	vld [tilespmem:s9+$0x0]  }
0x109: {  	v5 =	vld [tilespmem:s9+$0x10]  }
0x10a: {  	v1 =	vsub.f32 v1, v0;
	_ =	sdelay $0x1  }
0x10b: {  	v8 =	vld [tilespmem:s9+$0x20];
	v6 =	vsub.f32 v2, v0;
	v2 =	vmul.f32 v1, v1  }
0x10c: {  	v10 =	vld [tilespmem:s9+$0x30];
	v9 =	vsub.f32 v3, v0  }
0x10d: {  	v3 =	vsub.f32 v4, v0;
	v4 =	vmul.f32 v2, v1;
	v2 =	vsub.f32 v5, v0;
	v5 =	vld [tilespmem:s9+$0xFFFFFFF0]  }
0x10e: {  	v7 =	vmul.f32 v6, v6  }
0x10f: {  	v11 =	vmul.f32 v9, v9  }
0x110: {  	v7 =	vmul.f32 v7, v6;
	v6 =	vmul.f32 v3, v3;
	v1 =	vsub.f32 v8, v0  }
0x111: {  	s10 =	simm.s32 $0x0;
	s17 =	simm.s32 $0x4C0;
	v8 =	vmul.f32 v11, v9;
	[tilespmem:s9+$0xFFFFFFC0] =	vst v4;
	v9 =	vmul.f32 v2, v2;
	v4 =	vsub.f32 v10, v0  }
.LBB2_20:
0x112: {  	v10 =	vld [tilespmem:s17+$0xFFFFFFC0];
	[tilespmem:s9+$0xFFFFFFD0] =	vst v7;
	v5 =	vsub.f32 v5, v0;
	v3 =	vmul.f32 v6, v3;
	v6 =	vmul.f32 v1, v1  }
0x113: {  	v7 =	vld [tilespmem:s17+$0xFFFFFFD0];
	[tilespmem:s9+$0xFFFFFFE0] =	vst v8;
	v2 =	vmul.f32 v9, v2;
	v8 =	vmul.f32 v4, v4  }
0x114: {  	v9 =	vld [tilespmem:s17+$0xFFFFFFE0];
	v11 =	vmul.f32 v5, v5;
	[tilespmem:s9+$0x0] =	vst v3;
	v1 =	vmul.f32 v6, v1  }
0x115: {  	v3 =	vld [tilespmem:s17+$0x0];
	[tilespmem:s9+$0x10] =	vst v2;
	v2 =	vmul.f32 v8, v4  }
0x116: {  	v4 =	vld [tilespmem:s17+$0x10];
	v5 =	vmul.f32 v11, v5;
	[tilespmem:s9+$0x20] =	vst v1  }
0x117: {  	s10 =	sadd.s32 $0x8, s10;
	v1 =	vsub.f32 v10, v0;
	v8 =	vld [tilespmem:s17+$0x20];
	[tilespmem:s9+$0x30] =	vst v2  }
0x118: {  	p1 =	slt.u32 s10, $0x1F8;
	v6 =	vsub.f32 v7, v0;
	v10 =	vld [tilespmem:s17+$0x30];
	[tilespmem:s9+$0xFFFFFFF0] =	vst v5;
	s9 =	smov.u32 s17  }
.Ltmp16:
0x119: {  	v2 =	vmul.f32 v1, v1;
	v9 =	vsub.f32 v9, v0;
	v5 =	vld [tilespmem:s17+$0xFFFFFFF0];
	(pc) =	sbr.rel @p1 .LBB2_20-.Ltmp16, $4  }
0x11a: {  	v7 =	vmul.f32 v6, v6;
	v3 =	vsub.f32 v3, v0  }
0x11b: {  	v11 =	vmul.f32 v2, v1;
	v12 =	vmul.f32 v9, v9;
	v2 =	vsub.f32 v4, v0  }
0x11c: {  	v7 =	vmul.f32 v7, v6;
	v6 =	vmul.f32 v3, v3;
	v1 =	vsub.f32 v8, v0  }
0x11d: {  	s17 =	sadd.s32 $0x80, s17;
	[tilespmem:s9+$0xFFFFFFC0] =	vst v11;
	v8 =	vmul.f32 v12, v9;
	v9 =	vmul.f32 v2, v2;
	v4 =	vsub.f32 v10, v0  }
0x11e: {  	[tilespmem:s9+$0xFFFFFFD0] =	vst v7;
	v5 =	vsub.f32 v5, v0;
	v3 =	vmul.f32 v6, v3;
	v61 =	vmul.f32 v1, v1  }
0x11f: {  	[tilespmem:s9+$0xFFFFFFE0] =	vst v8;
	v2 =	vmul.f32 v9, v2;
	v62 =	vmul.f32 v4, v4  }
.Ltmp17:
0x120: {  	v63 =	vmul.f32 v5, v5;
	[tilespmem:s9+$0x0] =	vst v3;
	v1 =	vmul.f32 v61, v1;
	(pc) =	sbr.rel .LBB2_25-.Ltmp17, $4  }
0x121: {  	[tilespmem:s9+$0x10] =	vst v2;
	v2 =	vmul.f32 v62, v4  }
0x122: {  	v3 =	vmul.f32 v63, v5;
	[tilespmem:s9+$0x20] =	vst v1  }
0x123: {  	[tilespmem:s9+$0x30] =	vst v2  }
0x124: {  	[tilespmem:s9+$0xFFFFFFF0] =	vst v3  }
.LBB2_22:
0x125: {  	v1 =	vld [tilespmem:s9+$0xFFFFFFC0];
	_ =	sdelay $0x2  }
0x126: {  	v2 =	vld [tilespmem:s9+$0xFFFFFFD0]  }
0x127: {  	v3 =	vld [tilespmem:s9+$0xFFFFFFE0]  }
0x128: {  	v4 =	vld [tilespmem:s9+$0x0];
	v1 =	vsub.f32 v1, v0  }
0x129: {  	v5 =	vld [tilespmem:s9+$0x10]  }
0x12a: {  	v6 =	vld [tilespmem:s9+$0x20];
	v1 =	vmul.f32 v1, v1  }
0x12b: {  	v7 =	vld [tilespmem:s9+$0x30];
	v2 =	vsub.f32 v2, v0  }
0x12c: {  	v3 =	vsub.f32 v3, v0;
	v9 =	vmul.f32 v1, v1;
	v1 =	vld [tilespmem:s9+$0xFFFFFFF0]  }
0x12d: {  	v8 =	vsub.f32 v4, v0;
	v2 =	vmul.f32 v2, v2  }
0x12e: {  	v11 =	vsub.f32 v5, v0;
	v10 =	vmul.f32 v3, v3  }
0x12f: {  	v3 =	vsub.f32 v6, v0;
	v4 =	vmul.f32 v2, v2;
	v2 =	vmul.f32 v8, v8  }
0x130: {  	s10 =	simm.s32 $0x0;
	s17 =	simm.s32 $0x4C0;
	v7 =	vsub.f32 v7, v0;
	v6 =	vmul.f32 v11, v11;
	v5 =	vmul.f32 v10, v10;
	[tilespmem:s9+$0xFFFFFFC0] =	vst v9  }
.LBB2_23:
0x131: {  	v8 =	vld [tilespmem:s17+$0xFFFFFFC0];
	[tilespmem:s9+$0xFFFFFFD0] =	vst v4;
	v1 =	vsub.f32 v1, v0;
	v2 =	vmul.f32 v2, v2;
	v3 =	vmul.f32 v3, v3  }
0x132: {  	v4 =	vld [tilespmem:s17+$0xFFFFFFD0];
	[tilespmem:s9+$0xFFFFFFE0] =	vst v5;
	v5 =	vmul.f32 v6, v6;
	v6 =	vmul.f32 v7, v7  }
0x133: {  	v7 =	vld [tilespmem:s17+$0xFFFFFFE0];
	v1 =	vmul.f32 v1, v1;
	[tilespmem:s9+$0x0] =	vst v2;
	v2 =	vmul.f32 v3, v3  }
0x134: {  	v3 =	vld [tilespmem:s17+$0x0];
	[tilespmem:s9+$0x10] =	vst v5;
	v5 =	vmul.f32 v6, v6  }
0x135: {  	v6 =	vld [tilespmem:s17+$0x10];
	v1 =	vmul.f32 v1, v1;
	[tilespmem:s9+$0x20] =	vst v2  }
0x136: {  	s10 =	sadd.s32 $0x8, s10;
	v2 =	vsub.f32 v8, v0;
	v8 =	vld [tilespmem:s17+$0x20];
	[tilespmem:s9+$0x30] =	vst v5  }
0x137: {  	p1 =	slt.u32 s10, $0x1F8;
	v4 =	vsub.f32 v4, v0;
	v9 =	vld [tilespmem:s17+$0x30];
	[tilespmem:s9+$0xFFFFFFF0] =	vst v1;
	s9 =	smov.u32 s17  }
.Ltmp18:
0x138: {  	v2 =	vmul.f32 v2, v2;
	v5 =	vsub.f32 v7, v0;
	v1 =	vld [tilespmem:s17+$0xFFFFFFF0];
	(pc) =	sbr.rel @p1 .LBB2_23-.Ltmp18, $4  }
0x139: {  	v4 =	vmul.f32 v4, v4;
	v3 =	vsub.f32 v3, v0  }
0x13a: {  	v7 =	vmul.f32 v2, v2;
	v5 =	vmul.f32 v5, v5;
	v6 =	vsub.f32 v6, v0  }
0x13b: {  	v4 =	vmul.f32 v4, v4;
	v2 =	vmul.f32 v3, v3;
	v3 =	vsub.f32 v8, v0  }
0x13c: {  	s17 =	sadd.s32 $0x80, s17;
	[tilespmem:s9+$0xFFFFFFC0] =	vst v7;
	v5 =	vmul.f32 v5, v5;
	v6 =	vmul.f32 v6, v6;
	v7 =	vsub.f32 v9, v0  }
0x13d: {  	[tilespmem:s9+$0xFFFFFFD0] =	vst v4;
	v1 =	vsub.f32 v1, v0;
	v2 =	vmul.f32 v2, v2;
	v3 =	vmul.f32 v3, v3  }
0x13e: {  	[tilespmem:s9+$0xFFFFFFE0] =	vst v5;
	v62 =	vmul.f32 v6, v6;
	v63 =	vmul.f32 v7, v7  }
0x13f: {  	v1 =	vmul.f32 v1, v1;
	[tilespmem:s9+$0x0] =	vst v2;
	v2 =	vmul.f32 v3, v3  }
0x140: {  	[tilespmem:s9+$0x10] =	vst v62;
	v3 =	vmul.f32 v63, v63  }
0x141: {  	v1 =	vmul.f32 v1, v1;
	[tilespmem:s9+$0x20] =	vst v2  }
0x142: {  	[tilespmem:s9+$0x30] =	vst v3  }
0x143: {  	[tilespmem:s9+$0xFFFFFFF0] =	vst v1  }
.LBB2_25:
0x144: {  	[spmem:s3] =	stream.indirect.scatter.add.f32 [tilespmem:s19], [sflag:$0x1], $0x10, s4, s23, $0xb8;
	[tilespmem:$0x1CC10] =	vst v63  }
0x145: {  	_ = 	snop  }
0x146: {  	[spmem:s3] =	stream.indirect.scatter.add.f32 [tilespmem:s24], [sflag:$0x1], $0x10, s23, s23, $0xb8;
	[tilespmem:$0x1CC10] =	vst v63  }
0x147: {  	_ = 	snop  }
0x148: {  	[spmem:s3] =	stream.indirect.scatter.add.f32 [tilespmem:s26], [sflag:$0x1], $0x10, s25, s23, $0xb8;
	[tilespmem:$0x1CC10] =	vst v63  }
0x149: {  	_ = 	snop  }
0x14a: {  	[spmem:s3] =	stream.indirect.scatter.add.f32 [tilespmem:s29], [sflag:$0x1], $0x10, s28, s23, $0xb8;
	[tilespmem:$0x1CC10] =	vst v63  }
0x14b: {  	_ =	swait.ge [sflag:s30], $0x800  }
0x14c: {  	[sflag:s30] =	ssyncset.done $0x0  }
0x14d: {  	[sflag:s30] =	ssyncadd.s32 $0xFFFFF800  }
0x14e: {  	_ =	swait.ge [sflag:s30], $0x800  }
0x14f: {  	[sflag:s30] =	ssyncset.done $0x0  }
0x150: {  	[sflag:s30] =	ssyncadd.s32 $0xFFFFF800  }
0x151: {  	_ =	swait.ge [sflag:s30], $0x800  }
0x152: {  	[sflag:s30] =	ssyncset.done $0x0  }
0x153: {  	[sflag:s30] =	ssyncadd.s32 $0xFFFFF800  }
0x154: {  	_ =	swait.ge [sflag:s30], $0x800  }
0x155: {  	[sflag:s30] =	ssyncset.done $0x0  }
0x156: {  	[sflag:s30] =	ssyncadd.s32 $0xFFFFF800  }
0x157: {  	s9 =	sshll.u32 s14, $0x1;
	p1 =	seq.s32 s14, $0x61;
	_ =	swait.ge [sflag:s31], $0x200  }
0x158: {  	s9 =	sadd.s32 @!p1 $0x2, s9;
	s17 =	simm.s32 @!p1 $0x0;
	[sflag:s31] =	ssyncset.done $0x0  }
0x159: {  	s10 =	sshll.u32 @!p1 s9, $0x9;
	s9 =	sshll.u32 @!p1 s9, $0xD;
	[sflag:s31] =	ssyncadd.s32 $0xFFFFFE00  }
0x15a: {  	s10 =	sadd.s32 @!p1 s5, s10;
	s9 =	sadd.s32 @!p1 s11, s9;
	_ =	swait.ge [sflag:s31], $0x2000  }
0x15b: {  	s10 =	sshrl.u32 @!p1 s10, $0x3;
	s9 =	sshrl.u32 @!p1 s9, $0x3;
	[sflag:s31] =	ssyncset.done $0x0  }
.Ltmp19:
0x15c: {  	s10 =	sadd.s32 @!p1 s7, s10;
	[sflag:s31] =	ssyncadd.s32 $0xFFFFE000;
	(pc) =	sbr.rel @p0 .LBB2_29-.Ltmp19, $4  }
0x15d: {  	[tilespmem:s17], [sflag:$0x2] =	stream.linear.gather @!p1 [hbm4b:s10+s17], $0x200, $0x38;
	[tilespmem:$0x1CC10] =	vst v63  }
0x15e: {  	s9 =	sadd.s32 @!p1 s6, s9;
	s10 =	simm.s32 @!p1 $0x400  }
0x15f: {  	[tilespmem:s10], [sflag:$0x2] =	stream.linear.gather @!p1 [hbm4b:s9+s17], $0x2000, $0x38;
	[tilespmem:$0x1CC10] =	vst v63  }
0x160: {  	s9 =	simm.s32 $0x2470  }
0x161: {  	v1 =	vld [tilespmem:s9+$0xFFFFFF90];
	_ =	sdelay $0x1  }
0x162: {  	v2 =	vld [tilespmem:s9+$0xFFFFFFA0]  }
0x163: {  	v3 =	vld [tilespmem:s9+$0xFFFFFFB0]  }
0x164: {  	v5 =	vld [tilespmem:s9+$0xFFFFFFD0]  }
0x165: {  	v4 =	vld [tilespmem:s9+$0xFFFFFFC0];
	v1 =	vsub.f32 v1, v0;
	_ =	sdelay $0x1  }
0x166: {  	v8 =	vld [tilespmem:s9+$0xFFFFFFE0];
	v6 =	vsub.f32 v2, v0;
	v2 =	vmul.f32 v1, v1  }
0x167: {  	v10 =	vld [tilespmem:s9+$0x0]  }
0x168: {  	v3 =	vsub.f32 v3, v0;
	v9 =	vmul.f32 v2, v1;
	v2 =	vsub.f32 v5, v0;
	v5 =	vld [tilespmem:s9+$0xFFFFFFF0]  }
0x169: {  	v4 =	vsub.f32 v4, v0;
	v7 =	vmul.f32 v6, v6  }
0x16a: {  	v11 =	vmul.f32 v3, v3  }
0x16b: {  	v6 =	vmul.f32 v7, v6;
	v7 =	vmul.f32 v4, v4;
	v1 =	vsub.f32 v8, v0  }
0x16c: {  	s10 =	simm.s32 $0x0;
	s17 =	simm.s32 $0x24F0;
	v8 =	vmul.f32 v11, v3;
	v3 =	vsub.f32 v10, v0;
	[tilespmem:s9+$0xFFFFFF90] =	vst v9;
	v9 =	vmul.f32 v2, v2  }
.LBB2_27:
0x16d: {  	v10 =	vld [tilespmem:s17+$0xFFFFFF90];
	[tilespmem:s9+$0xFFFFFFA0] =	vst v6;
	v4 =	vmul.f32 v7, v4;
	v6 =	vmul.f32 v1, v1;
	v5 =	vsub.f32 v5, v0  }
0x16e: {  	v7 =	vld [tilespmem:s17+$0xFFFFFFA0];
	[tilespmem:s9+$0xFFFFFFB0] =	vst v8;
	v2 =	vmul.f32 v9, v2;
	v8 =	vmul.f32 v3, v3  }
0x16f: {  	v9 =	vld [tilespmem:s17+$0xFFFFFFB0];
	[tilespmem:s9+$0xFFFFFFC0] =	vst v4;
	v1 =	vmul.f32 v6, v1;
	v4 =	vmul.f32 v5, v5  }
0x170: {  	v6 =	vld [tilespmem:s17+$0xFFFFFFC0];
	[tilespmem:s9+$0xFFFFFFD0] =	vst v2;
	v2 =	vmul.f32 v8, v3  }
0x171: {  	v3 =	vld [tilespmem:s17+$0xFFFFFFD0];
	[tilespmem:s9+$0xFFFFFFE0] =	vst v1;
	v1 =	vmul.f32 v4, v5  }
0x172: {  	s10 =	sadd.s32 $0x8, s10;
	v8 =	vsub.f32 v10, v0;
	v10 =	vld [tilespmem:s17+$0xFFFFFFE0];
	[tilespmem:s9+$0x0] =	vst v2  }
0x173: {  	p1 =	slt.u32 s10, $0x1F8;
	v7 =	vsub.f32 v7, v0;
	v11 =	vld [tilespmem:s17+$0x0];
	[tilespmem:s9+$0xFFFFFFF0] =	vst v1;
	s9 =	smov.u32 s17  }
.Ltmp20:
0x174: {  	v1 =	vmul.f32 v8, v8;
	v9 =	vsub.f32 v9, v0;
	v5 =	vld [tilespmem:s17+$0xFFFFFFF0];
	(pc) =	sbr.rel @p1 .LBB2_27-.Ltmp20, $4  }
0x175: {  	v12 =	vmul.f32 v7, v7;
	v4 =	vsub.f32 v6, v0  }
0x176: {  	v8 =	vmul.f32 v1, v8;
	v13 =	vmul.f32 v9, v9;
	v2 =	vsub.f32 v3, v0  }
0x177: {  	v6 =	vmul.f32 v12, v7;
	v7 =	vmul.f32 v4, v4;
	v1 =	vsub.f32 v10, v0  }
0x178: {  	s17 =	sadd.s32 $0x80, s17;
	[tilespmem:s9+$0xFFFFFF90] =	vst v8;
	v8 =	vmul.f32 v13, v9;
	v9 =	vmul.f32 v2, v2;
	v3 =	vsub.f32 v11, v0  }
0x179: {  	[tilespmem:s9+$0xFFFFFFA0] =	vst v6;
	v4 =	vmul.f32 v7, v4;
	v61 =	vmul.f32 v1, v1;
	v5 =	vsub.f32 v5, v0  }
0x17a: {  	[tilespmem:s9+$0xFFFFFFB0] =	vst v8;
	v2 =	vmul.f32 v9, v2;
	v62 =	vmul.f32 v3, v3  }
.Ltmp21:
0x17b: {  	[tilespmem:s9+$0xFFFFFFC0] =	vst v4;
	v1 =	vmul.f32 v61, v1;
	v63 =	vmul.f32 v5, v5;
	(pc) =	sbr.rel .LBB2_32-.Ltmp21, $4  }
0x17c: {  	[tilespmem:s9+$0xFFFFFFD0] =	vst v2;
	v2 =	vmul.f32 v62, v3  }
0x17d: {  	[tilespmem:s9+$0xFFFFFFE0] =	vst v1;
	v1 =	vmul.f32 v63, v5  }
0x17e: {  	[tilespmem:s9+$0x0] =	vst v2  }
0x17f: {  	[tilespmem:s9+$0xFFFFFFF0] =	vst v1  }
.LBB2_29:
0x180: {  	v1 =	vld [tilespmem:s9+$0xFFFFFF90];
	_ =	sdelay $0x2  }
0x181: {  	v2 =	vld [tilespmem:s9+$0xFFFFFFA0]  }
0x182: {  	v3 =	vld [tilespmem:s9+$0xFFFFFFB0]  }
0x183: {  	v4 =	vld [tilespmem:s9+$0xFFFFFFC0];
	v1 =	vsub.f32 v1, v0  }
0x184: {  	v5 =	vld [tilespmem:s9+$0xFFFFFFD0]  }
0x185: {  	v6 =	vld [tilespmem:s9+$0xFFFFFFE0];
	v1 =	vmul.f32 v1, v1  }
0x186: {  	v7 =	vld [tilespmem:s9+$0x0];
	v2 =	vsub.f32 v2, v0  }
0x187: {  	v3 =	vsub.f32 v3, v0;
	v8 =	vmul.f32 v1, v1;
	v1 =	vld [tilespmem:s9+$0xFFFFFFF0]  }
0x188: {  	v4 =	vsub.f32 v4, v0;
	v2 =	vmul.f32 v2, v2  }
0x189: {  	v10 =	vsub.f32 v5, v0;
	v9 =	vmul.f32 v3, v3  }
0x18a: {  	v3 =	vmul.f32 v4, v4;
	v4 =	vsub.f32 v6, v0;
	v2 =	vmul.f32 v2, v2  }
0x18b: {  	s10 =	simm.s32 $0x0;
	s17 =	simm.s32 $0x24F0;
	v7 =	vsub.f32 v7, v0;
	v6 =	vmul.f32 v10, v10;
	v5 =	vmul.f32 v9, v9;
	[tilespmem:s9+$0xFFFFFF90] =	vst v8  }
.LBB2_30:
0x18c: {  	v8 =	vld [tilespmem:s17+$0xFFFFFF90];
	[tilespmem:s9+$0xFFFFFFA0] =	vst v2;
	v2 =	vmul.f32 v3, v3;
	v3 =	vmul.f32 v4, v4;
	v1 =	vsub.f32 v1, v0  }
0x18d: {  	v4 =	vld [tilespmem:s17+$0xFFFFFFA0];
	[tilespmem:s9+$0xFFFFFFB0] =	vst v5;
	v5 =	vmul.f32 v6, v6;
	v6 =	vmul.f32 v7, v7  }
0x18e: {  	v7 =	vld [tilespmem:s17+$0xFFFFFFB0];
	[tilespmem:s9+$0xFFFFFFC0] =	vst v2;
	v2 =	vmul.f32 v3, v3;
	v1 =	vmul.f32 v1, v1  }
0x18f: {  	v3 =	vld [tilespmem:s17+$0xFFFFFFC0];
	[tilespmem:s9+$0xFFFFFFD0] =	vst v5;
	v5 =	vmul.f32 v6, v6  }
0x190: {  	v6 =	vld [tilespmem:s17+$0xFFFFFFD0];
	[tilespmem:s9+$0xFFFFFFE0] =	vst v2;
	v1 =	vmul.f32 v1, v1  }
0x191: {  	s10 =	sadd.s32 $0x8, s10;
	v2 =	vsub.f32 v8, v0;
	v8 =	vld [tilespmem:s17+$0xFFFFFFE0];
	[tilespmem:s9+$0x0] =	vst v5  }
0x192: {  	p1 =	slt.u32 s10, $0x1F8;
	v4 =	vsub.f32 v4, v0;
	v9 =	vld [tilespmem:s17+$0x0];
	[tilespmem:s9+$0xFFFFFFF0] =	vst v1;
	s9 =	smov.u32 s17  }
.Ltmp22:
0x193: {  	v2 =	vmul.f32 v2, v2;
	v5 =	vsub.f32 v7, v0;
	v1 =	vld [tilespmem:s17+$0xFFFFFFF0];
	(pc) =	sbr.rel @p1 .LBB2_30-.Ltmp22, $4  }
0x194: {  	v4 =	vmul.f32 v4, v4;
	v3 =	vsub.f32 v3, v0  }
0x195: {  	v7 =	vmul.f32 v2, v2;
	v5 =	vmul.f32 v5, v5;
	v6 =	vsub.f32 v6, v0  }
0x196: {  	v2 =	vmul.f32 v4, v4;
	v3 =	vmul.f32 v3, v3;
	v4 =	vsub.f32 v8, v0  }
0x197: {  	s17 =	sadd.s32 $0x80, s17;
	[tilespmem:s9+$0xFFFFFF90] =	vst v7;
	v5 =	vmul.f32 v5, v5;
	v6 =	vmul.f32 v6, v6;
	v7 =	vsub.f32 v9, v0  }
.Ltmp23:
0x198: {  	_ = 	snop;
	(pc) =	sbr.rel .LBB2_31-.Ltmp23, $1  }
0x199: {  	_ =	sdelay $0x3  }
.LBB2_34:
0x19a: {  	_ =	sfence.sel $0x180000  }
0x19b: {  	[bflag:$0x0] =	sbarrier.arrive $0xFFFF  }
0x19c: {  	_ =	strace $0x9000004A  }
0x19d: {  	s0 =	stileid.u32;
	[bflag:$0x2] =	sbarrier.arrive $0xFFFF  }
0x19e: {  	p0 =	sne.s32 s0, $0x0;
	s0 =	rddreg [dreg:$0x3]  }
0x19f: {  	s0 =	sadd.s32 @!p0 $0x100000, s0  }
0x1a0: {  	[sflag:s0] =	ssyncadd.tile.s32 @!p0 $0x1;
	_ =	shalt  }
.Lfunc_end2:
_tile_overlayer_lowered:
.L_overlay_start_2:
0x1a1: {  	(tag) =	ssettag $0x2  }
0x1a2: {  	s0 =	rddreg [dreg:$0x0];
	s2 =	stileid.u32  }
0x1a3: {  	s1 =	rddreg [dreg:$0x1];
	p0 =	sne.s32 s2, $0x0  }
0x1a4: {  	s3 =	rddreg [dreg:$0x2];
	[bflag:$0x3] =	sbarrier.arrive $0xFFFF;
	s2 =	simm.s32 @!p0 $0x1C04  }
0x1a5: {  	[timem:s3], [sflag:s2] =	dma.local @!p0 [hbm:s0], s1  }
0x1a6: {  	s0 =	simm.s32 @!p0 $0x4  }
0x1a7: {  	_ =	swait.ge @!p0 [sflag:s0], s1  }
0x1a8: {  	s1 =	ssub.s32 @!p0 $0x0, s1;
	[sflag:s0] =	ssyncset.done @!p0 $0x0  }
0x1a9: {  	[sflag:s0] =	ssyncadd.s32 @!p0 s1  }
0x1aa: {  	[bflag:$0x3] =	sbarrier.arrive $0xFFFF  }
0x1ab: {  	_ =	shalt  }

// kernel: kernel.7.cloned.1.call-start
scs
__scs_entry_jumppad:
0x0: {  	(pc) =	sbr.rel $0x88, $3  }
0x1: {  	(tag) =	ssettag $0x0;
	lr =	simm.s32 $0x1  }
0x2: {  	[smem:$0x3F93] =	sst lr;
	_ =	strace $0xD0000000  }
0x3: {  	_ = 	snop  }
0x4: {  	_ = 	snop  }
0x5: {  	_ = 	snop  }
0x6: {  	_ = 	snop  }
0x7: {  	_ = 	snop  }
__scs_overlays_trampoline_lowered:
0x8: {  	[smem:$0x3FA2] =	sst s0  }
0x9: {  	[smem:$0x3FA3] =	sst s1  }
0xa: {  	[smem:$0x3FA4] =	sst s2  }
0xb: {  	[smem:$0x3FA5] =	sst s3  }
0xc: {  	[smem:$0x3FA6] =	sst s4  }
0xd: {  	[smem:$0x3FA7] =	sst s5  }
0xe: {  	[smem:$0x3FA8] =	sst s6  }
0xf: {  	[smem:$0x3FA9] =	sst s7  }
0x10: {  	[smem:$0x3FAA] =	sst s8  }
0x11: {  	[smem:$0x3FAB] =	sst s9;
	s0 =	simm.s32 @!p0 $0x0  }
0x12: {  	s1 =	sld [smem:$0x3F91];
	s0 =	simm.s32 @p0 $0x1  }
0x13: {  	[smem:$0x3FAC] =	sst s0;
	s0 =	simm.s32 @!p1 $0x0  }
0x14: {  	s2 =	sld [smem:$0x3F90];
	s0 =	simm.s32 @p1 $0x1  }
0x15: {  	[smem:$0x3FAD] =	sst s0;
	s0 =	simm.s32 @!p2 $0x0  }
0x16: {  	s3 =	sld [smem:$0x3FDB];
	s0 =	simm.s32 @p2 $0x1  }
0x17: {  	s4 =	simm.s32 $0x1BF5;
	[smem:$0x3FAF] =	sst s0  }
0x18: {  	s0 =	sld [smem:$0x3F92];
	_ =	swait.ge [sflag:s4], $0x0  }
0x19: {  	s7 =	sld [smem:$0x3F93]  }
0x1a: {  	s8 =	sadd.s32 $0xFFFFE003, lr  }
0x1b: {  	s9 =	sadd.s32 $0xFFFFFEF7, lr;
	s5 =	simm.s32 $0xFFFFFFFF;
	p2 =	slt.u32 s8, $0xFFFFF086  }
0x1c: {  	p1 =	slt.u32 s9, $0xF7A;
	s5 =	simm.s32 @!p2 $0x0  }
0x1d: {  	s5 =	simm.s32 @p1 $0x1;
	p0 =	seq.s32 s7, s2  }
0x1e: {  	s7 =	smul.u32 @!p0 $0xF7A, s2;
	p2 =	seq.s32 @!p0 s5, $0x0  }
0x1f: {  	s9 =	smul.u32 $0xF7A, s1;
	s8 =	simm.s32 @!p0 $0x1BF5;
	p2 =	por !p2, p0  }
0x20: {  	[sflag:s8] =	ssyncset.s32 @!p0 $0xFFFFF086;
	s6 =	sadd.s32 @!p0 s3, s7;
	s7 =	simm.s32 @!p0 $0x108  }
0x21: {  	s3 =	sadd.s32 s3, s9;
	s6 =	sadd.s32 @!p0 $0x88, s6;
	s7 =	simm.s32 @p2 $0x1082  }
0x22: {  	[simem:s7], [sflag:s8] =	dma.local @!p0 [hbm:s6], $0xF7A  }
0x23: {  	s9 =	sor.u32 $0xD0000000, s2;
	s6 =	simm.s32 $0x108;
	_ =	swait.ge @!p0 [sflag:s8], $0x0  }
0x24: {  	s3 =	sadd.s32 $0x88, s3;
	s6 =	simm.s32 @!p1 $0x1082;
	[sflag:s4] =	ssyncset.s32 $0xFFFFF086  }
0x25: {  	[simem:s6], [sflag:s4] =	dma.local [hbm:s3], $0xF7A  }
0x26: {  	[smem:$0x3F93] =	sst s1;
	(tag) =	ssettag s2;
	_ =	strace s9  }
0x27: {  	s1 =	sld [smem:$0x3FA3]  }
0x28: {  	s2 =	sld [smem:$0x3FA4]  }
0x29: {  	s4 =	sld [smem:$0x3FA6]  }
0x2a: {  	p0 =	seq.s32 s5, $0x0;
	s5 =	sld [smem:$0x3FA7]  }
0x2b: {  	s6 =	sld [smem:$0x3FA8]  }
0x2c: {  	s7 =	sld [smem:$0x3FA9]  }
0x2d: {  	s3 =	simm.s32 $0x108;
	s8 =	sld [smem:$0x3FAA]  }
0x2e: {  	s3 =	simm.s32 @!p0 $0x1082;
	s9 =	sld [smem:$0x3FAB]  }
0x2f: {  	lr =	sadd.s32 s0, s3;
	s0 =	sld [smem:$0x3FA2]  }
0x30: {  	s3 =	sld [smem:$0x3FA5]  }
0x31: {  	[smem:$0x3FAE] =	sst s10  }
0x32: {  	s10 =	sld [smem:$0x3FAC];
	_ =	sdelay $0x3  }
0x33: {  	p0 =	seq.s32 s10, $0x1;
	s10 =	sld [smem:$0x3FAE];
	_ =	sdelay $0x3  }
0x34: {  	[smem:$0x3FAE] =	sst s10  }
0x35: {  	s10 =	sld [smem:$0x3FAD];
	_ =	sdelay $0x3  }
0x36: {  	p1 =	seq.s32 s10, $0x1;
	s10 =	sld [smem:$0x3FAE];
	_ =	sdelay $0x3  }
0x37: {  	[smem:$0x3FAE] =	sst s10  }
0x38: {  	s10 =	sld [smem:$0x3FAF]  }
0x39: {  	_ = 	snop;
	(pc) =	sbr.ind lr, $3  }
0x3a: {  	_ = 	snop  }
0x3b: {  	_ = 	snop  }
0x3c: {  	p2 =	seq.s32 s10, $0x1;
	s10 =	sld [smem:$0x3FAE]  }
0x3d: {  	_ =	shalt  }
0x3e: {  	_ =	shalt  }
0x3f: {  	_ =	shalt  }
0x40: {  	_ =	shalt  }
0x41: {  	_ =	shalt  }
0x42: {  	_ =	shalt  }
0x43: {  	_ =	shalt  }
0x44: {  	_ =	shalt  }
0x45: {  	_ =	shalt  }
0x46: {  	_ =	shalt  }
0x47: {  	_ =	shalt  }
0x48: {  	_ =	shalt  }
0x49: {  	_ =	shalt  }
0x4a: {  	_ =	shalt  }
0x4b: {  	_ =	shalt  }
0x4c: {  	_ =	shalt  }
0x4d: {  	_ =	shalt  }
0x4e: {  	_ =	shalt  }
0x4f: {  	_ =	shalt  }
0x50: {  	_ =	shalt  }
0x51: {  	_ =	shalt  }
0x52: {  	_ =	shalt  }
0x53: {  	_ =	shalt  }
0x54: {  	_ =	shalt  }
0x55: {  	_ =	shalt  }
0x56: {  	_ =	shalt  }
0x57: {  	_ =	shalt  }
0x58: {  	_ =	shalt  }
0x59: {  	_ =	shalt  }
0x5a: {  	_ =	shalt  }
0x5b: {  	_ =	shalt  }
0x5c: {  	_ =	shalt  }
0x5d: {  	_ =	shalt  }
0x5e: {  	_ =	shalt  }
0x5f: {  	_ =	shalt  }
0x60: {  	_ =	shalt  }
0x61: {  	_ =	shalt  }
0x62: {  	_ =	shalt  }
0x63: {  	_ =	shalt  }
0x64: {  	_ =	shalt  }
0x65: {  	_ =	shalt  }
0x66: {  	_ =	shalt  }
0x67: {  	_ =	shalt  }
0x68: {  	_ =	shalt  }
0x69: {  	_ =	shalt  }
0x6a: {  	_ =	shalt  }
0x6b: {  	_ =	shalt  }
0x6c: {  	_ =	shalt  }
0x6d: {  	_ =	shalt  }
0x6e: {  	_ =	shalt  }
0x6f: {  	_ =	shalt  }
0x70: {  	_ =	shalt  }
0x71: {  	_ =	shalt  }
0x72: {  	_ =	shalt  }
0x73: {  	_ =	shalt  }
0x74: {  	_ =	shalt  }
0x75: {  	_ =	shalt  }
0x76: {  	_ =	shalt  }
0x77: {  	_ =	shalt  }
0x78: {  	_ =	shalt  }
0x79: {  	_ =	shalt  }
0x7a: {  	_ =	shalt  }
0x7b: {  	_ =	shalt  }
0x7c: {  	_ =	shalt  }
0x7d: {  	_ =	shalt  }
0x7e: {  	_ =	shalt  }
0x7f: {  	_ =	shalt  }
0x80: {  	_ =	shalt  }
0x81: {  	_ =	shalt  }
0x82: {  	_ =	shalt  }
0x83: {  	_ =	shalt  }
0x84: {  	_ =	shalt  }
0x85: {  	_ =	shalt  }
0x86: {  	_ =	shalt  }
0x87: {  	_ =	shalt  }
.Lfunc_end0:
.L_simem_size_0:
called_computation_lowered:
.L_overlay_start_0:
0x88: {  	s2 =	sld [smem:$0x3FD9]  }
0x89: {  	s3 =	sld [smem:$0x3FFE];
	_ =	sdelay $0x1  }
0x8a: {  	s1 =	srdreg.scid  }
0x8b: {  	s0 =	sand.u32 $0x1, s1  }
0x8c: {  	s17 =	sshll.u32 s0, $0xA;
	s2 =	sadd.s32 s3, s2  }
0x8d: {  	s2 =	sadd.s32 s2, s17  }
0x8e: {  	[smem:$0x3FBA] =	sst s2  }
0x8f: {  	_ = 	snop  }
0x90: {  	s2 =	sld [smem:$0x3FD0];
	(tm) =	ssettm $0x1  }
0x91: {  	s18 =	sld [smem:$0x3FFB];
	_ =	sdelay $0x3  }
0x92: {  	_ =	strace s18  }
0x93: {  	s3 =	sld [smem:$0x3FFC];
	_ =	sdelay $0x3  }
0x94: {  	_ =	strace s3  }
0x95: {  	s3 =	sld [smem:$0x3FFD];
	_ =	sdelay $0x3  }
0x96: {  	_ =	strace s3  }
0x97: {  	_ =	strace $0x8FFFFFFF  }
0x98: {  	s19 =	sld [smem:$0x3FDB];
	_ =	sdelay $0x1  }
0x99: {  	s4 =	simm.s32 $_scs_section_size  }
0x9a: {  	s5 =	simm.s32 $_size__tile_overlayer_lowered;
	s6 =	simm.s32 $_tile_overlayer_lowered  }
0x9b: {  	s22 =	simm.s32 $0x1BFF;
	s21 =	sshll.u32 s6, $0x1;
	s3 =	sadd.s32 s4, s19  }
0x9c: {  	s7 =	simm.s32 $0x0;
	s20 =	sshll.u32 s5, $0x1;
	s5 =	sadd.s32 s21, s3  }
0x9d: {  	[timem:s7], [sflag:s22] =	dma.local [hbm:s5], s20  }
0x9e: {  	_ =	swait.ge [sflag:s22], s20  }
0x9f: {  	s4 =	ssub.s32 $0x0, s20;
	[sflag:s22] =	ssyncset.done $0x0  }
0xa0: {  	[sflag:s22] =	ssyncadd.s32 s4;
	_ =	sdelay $0x1  }
0xa1: {  	s23 =	simm.s32 $0x1B8B  }
0xa2: {  	_ =	swait.ge [sflag:s23], $0x1  }
0xa3: {  	[sflag:s23] =	ssyncset.done $0x0  }
0xa4: {  	s25 =	simm.s32 $0x1B8E;
	s24 =	sld [smem:$0x3FFE];
	[sflag:s23] =	ssyncadd.s32 $0xFFFFFFFF  }
0xa5: {  	s26 =	simm.s32 $execute0_lowered;
	[smem:$0x3FD2] =	sst s25  }
0xa6: {  	s5 =	sshll.u32 s26, $0x1;
	_ =	strace $0x80000046;
	[dreg:$0x1] =	wrdreg $0xFFFFFFFF  }
0xa7: {  	s28 =	simm.s32 $_size_execute0_lowered;
	s3 =	sadd.s32 s3, s5;
	[dreg:$0x0] =	wrdreg $0x0  }
0xa8: {  	s5 =	sshll.u32 s28, $0x1;
	[dreg:$0x2] =	wrdreg s3  }
0xa9: {  	[dreg:$0x3] =	wrdreg s5  }
0xaa: {  	[dreg:$0x4] =	wrdreg $0xC0  }
0xab: {  	_ =	task [dreg:s7], $0x5FFFF  }
0xac: {  	[dreg:$0x1] =	wrdreg $0xFFFFFFFF  }
0xad: {  	[dreg:$0x0] =	wrdreg $0x60  }
0xae: {  	[dreg:$0x2] =	wrdreg s2  }
0xaf: {  	[dreg:$0x3] =	wrdreg s24  }
0xb0: {  	[dreg:$0x4] =	wrdreg $0x9  }
0xb1: {  	_ =	task.clear_ibuf [dreg:s7], $0x5FFFF;
	_ =	strace $0x90000046  }
0xb2: {  	s29 =	simm.s32 $0x9;
	_ =	strace $0x80000048  }
0xb3: {  	_ =	swait.ge [sflag:s29], $0x1  }
0xb4: {  	[sflag:s29] =	ssyncadd.s32 $0xFFFFFFFF  }
0xb5: {  	_ =	strace $0x90000048  }
0xb6: {  	_ =	sfence  }
0xb7: {  	s30 =	sld [smem:$0x0];
	_ =	sdelay $0x2  }
0xb8: {  	s31 =	sshll.u32 s1, $0xD;
	s1 =	sshrl.u32 s1, $0x2  }
0xb9: {  	s3 =	sand.u32 $0x4000, s31;
	s1 =	sadd.s32 s1, s30  }
0xba: {  	s0 =	sor.u32 s3, s0;
	s1 =	sshll.u32 s1, $0x11  }
0xbb: {  	s0 =	sor.u32 s1, s0  }
0xbc: {  	s0 =	sadd.s32 $0x8F2B, s0  }
0xbd: {  	[sflag:s0] =	ssyncadd.remote.s32 $0x1  }
0xbe: {  	_ =	sfence.sel $0xFFFF  }
0xbf: {  	[dreg:$0x0] =	wrdreg $0xFFFFFFFF;
	(pc) =	sbr.abs _section_cstart, $3  }
0xc0: {  	[dreg:$0x1] =	wrdreg $0xFFFFFFFF  }
0xc1: {  	_ =	task.clear_ibuf [dreg:s7], $0x2FFFF;
	_ =	strace $0x9FFFFFFF  }
0xc2: {  	(tm) =	ssettm $0x7FFFFFFF  }
0xc3: {  	_ =	shalt  }
tec
execute0_lowered:
.L_overlay_start_1:
0x0: {  	(tag) =	ssettag $0x1  }
0x1: {  	s1 =	srdreg.scid;
	s2 =	rddreg [dreg:$0x0]  }
0x2: {  	s0 =	stileid.u32;
	s6 =	rddreg [dreg:$0x1]  }
0x3: {  	s3 =	simm.s32 $0x0;
	s10 =	simm.s32 $0xC00;
	s11 =	simm.s32 $0x100  }
0x4: {  	s12 =	simm.s32 $0x1400;
	s13 =	simm.s32 $0x180;
	s14 =	simm.s32 $0x1C00  }
0x5: {  	s15 =	simm.s32 $0x200;
	s16 =	simm.s32 $0x2400;
	s17 =	simm.s32 $0x280  }
0x6: {  	s18 =	simm.s32 $0x2C00;
	s19 =	simm.s32 $0x300;
	s20 =	simm.s32 $0x3400  }
0x7: {  	s21 =	simm.s32 $0x380;
	s22 =	simm.s32 $0x3C00;
	s5 =	smul.u32 $0x18800, s0  }
0x8: {  	s23 =	simm.s32 $0x1;
	s4 =	sand.u32 $0x1, s1;
	s8 =	smul.u32 $0x188000, s0  }
0x9: {  	s24 =	simm.s32 $0x0;
	s1 =	rddreg [dreg:$0x2];
	s7 =	smul.u32 $0xC400, s4  }
0xa: {  	[smem:$0x7FF] =	sst s3;
	s9 =	smul.u32 $0xC4000, s4;
	s4 =	ssub.s32 $0x2, s4  }
0xb: {  	_ =	strace $0x80000047;
	s29 =	sshrl.u32 s4, $0x1;
	s5 =	sadd.s32 s7, s5  }
0xc: {  	s28 =	sadd.s32 s9, s8;
	s4 =	ssub.s32 s4, s29;
	s8 =	simm.s32 $0x80  }
0xd: {  	s9 =	simm.s32 $0x400;
	s5 =	sshrl.u32 s5, $0x3;
	s7 =	sshrl.u32 s28, $0x3  }
0xe: {  	s4 =	smax.u32 s4, $0x1;
	s30 =	sadd.s32 s5, s6;
	s31 =	sadd.s32 s7, s6  }
0xf: {  	s7 =	simm.s32 $0x2;
	s5 =	sadd.s32 $0x65C00, s31;
	s6 =	sadd.s32 $0x3C00, s30  }
.LBB2_1:
0x10: {  	s25 =	sadd.s32 $0x0, s6  }
0x11: {  	[tilespmem:s3], [sflag:$0x2] =	stream.linear.gather [hbm4b:s25+s3], $0x400, $0x38;
	[tilespmem:$0x4400] =	vst v63  }
0x12: {  	_ =	swait.ge [sflag:s7], $0x400  }
0x13: {  	[sflag:s7] =	ssyncset.done $0x0  }
0x14: {  	[sflag:s7] =	ssyncadd.s32 $0xFFFFFC00  }
0x15: {  	[tilespmem:s9], [sflag:$0x1] =	stream.indirect.gather [hbm4b:s2+s8], $0x10, s3, s8, $0xb8;
	[tilespmem:$0x4400] =	vst v63  }
0x16: {  	_ = 	snop  }
0x17: {  	[tilespmem:s10], [sflag:$0x1] =	stream.indirect.gather [hbm4b:s2+s8], $0x10, s8, s8, $0xb8;
	[tilespmem:$0x4400] =	vst v63  }
0x18: {  	_ = 	snop  }
0x19: {  	[tilespmem:s12], [sflag:$0x1] =	stream.indirect.gather [hbm4b:s2+s8], $0x10, s11, s8, $0xb8;
	[tilespmem:$0x4400] =	vst v63  }
0x1a: {  	_ = 	snop  }
0x1b: {  	[tilespmem:s14], [sflag:$0x1] =	stream.indirect.gather [hbm4b:s2+s8], $0x10, s13, s8, $0xb8;
	[tilespmem:$0x4400] =	vst v63  }
0x1c: {  	_ = 	snop  }
0x1d: {  	[tilespmem:s16], [sflag:$0x1] =	stream.indirect.gather [hbm4b:s2+s8], $0x10, s15, s8, $0xb8;
	[tilespmem:$0x4400] =	vst v63  }
0x1e: {  	_ = 	snop  }
0x1f: {  	[tilespmem:s18], [sflag:$0x1] =	stream.indirect.gather [hbm4b:s2+s8], $0x10, s17, s8, $0xb8;
	[tilespmem:$0x4400] =	vst v63  }
0x20: {  	_ = 	snop  }
0x21: {  	[tilespmem:s20], [sflag:$0x1] =	stream.indirect.gather [hbm4b:s2+s8], $0x10, s19, s8, $0xb8;
	[tilespmem:$0x4400] =	vst v63  }
0x22: {  	_ = 	snop  }
0x23: {  	[tilespmem:s22], [sflag:$0x1] =	stream.indirect.gather [hbm4b:s2+s8], $0x10, s21, s8, $0xb8;
	[tilespmem:$0x4400] =	vst v63  }
0x24: {  	_ =	swait.ge [sflag:s23], $0x800  }
0x25: {  	[sflag:s23] =	ssyncset.done $0x0  }
0x26: {  	[sflag:s23] =	ssyncadd.s32 $0xFFFFF800  }
0x27: {  	_ =	swait.ge [sflag:s23], $0x800  }
0x28: {  	[sflag:s23] =	ssyncset.done $0x0  }
0x29: {  	[sflag:s23] =	ssyncadd.s32 $0xFFFFF800  }
0x2a: {  	_ =	swait.ge [sflag:s23], $0x800  }
0x2b: {  	[sflag:s23] =	ssyncset.done $0x0  }
0x2c: {  	[sflag:s23] =	ssyncadd.s32 $0xFFFFF800  }
0x2d: {  	_ =	swait.ge [sflag:s23], $0x800  }
0x2e: {  	[sflag:s23] =	ssyncset.done $0x0  }
0x2f: {  	[sflag:s23] =	ssyncadd.s32 $0xFFFFF800  }
0x30: {  	_ =	swait.ge [sflag:s23], $0x800  }
0x31: {  	[sflag:s23] =	ssyncset.done $0x0  }
0x32: {  	[sflag:s23] =	ssyncadd.s32 $0xFFFFF800  }
0x33: {  	_ =	swait.ge [sflag:s23], $0x800  }
0x34: {  	[sflag:s23] =	ssyncset.done $0x0  }
0x35: {  	[sflag:s23] =	ssyncadd.s32 $0xFFFFF800  }
0x36: {  	_ =	swait.ge [sflag:s23], $0x800  }
0x37: {  	[sflag:s23] =	ssyncset.done $0x0  }
0x38: {  	[sflag:s23] =	ssyncadd.s32 $0xFFFFF800  }
0x39: {  	_ =	swait.ge [sflag:s23], $0x800  }
0x3a: {  	[sflag:s23] =	ssyncset.done $0x0  }
0x3b: {  	[sflag:s23] =	ssyncadd.s32 $0xFFFFF800  }
0x3c: {  	[hbm4b:s5+s3] =	stream.linear.scatter [tilespmem:s9], [sflag:$0x2], $0x4000, $0x38;
	[tilespmem:$0x4400] =	vst v63  }
0x3d: {  	s26 =	simm.s32 $0x80;
	_ =	swait.ge [sflag:s7], $0x4000  }
0x3e: {  	s29 =	simm.s32 $0x100;
	s25 =	sadd.s32 $0x800, s5;
	[sflag:s7] =	ssyncset.done $0x0  }
.LBB2_2:
0x3f: {  	s30 =	sadd.s32 s26, s6  }
0x40: {  	[sflag:s7] =	ssyncadd.s32 $0xFFFFC000;
	s26 =	smov.u32 s29;
	s28 =	sadd.s32 $0x80, s29  }
0x41: {  	[tilespmem:s3], [sflag:$0x2] =	stream.linear.gather [hbm4b:s30+s3], $0x400, $0x38;
	[tilespmem:$0x4400] =	vst v63  }
0x42: {  	p0 =	sne.s32 s29, $0x1800;
	_ =	swait.ge [sflag:s7], $0x400  }
0x43: {  	[sflag:s7] =	ssyncset.done $0x0  }
0x44: {  	[sflag:s7] =	ssyncadd.s32 $0xFFFFFC00  }
0x45: {  	[tilespmem:s9], [sflag:$0x1] =	stream.indirect.gather [hbm4b:s2+s8], $0x10, s3, s8, $0xb8;
	[tilespmem:$0x4400] =	vst v63  }
0x46: {  	_ = 	snop  }
0x47: {  	[tilespmem:s10], [sflag:$0x1] =	stream.indirect.gather [hbm4b:s2+s8], $0x10, s8, s8, $0xb8;
	[tilespmem:$0x4400] =	vst v63  }
0x48: {  	_ = 	snop  }
0x49: {  	[tilespmem:s12], [sflag:$0x1] =	stream.indirect.gather [hbm4b:s2+s8], $0x10, s11, s8, $0xb8;
	[tilespmem:$0x4400] =	vst v63  }
0x4a: {  	_ = 	snop  }
0x4b: {  	[tilespmem:s14], [sflag:$0x1] =	stream.indirect.gather [hbm4b:s2+s8], $0x10, s13, s8, $0xb8;
	[tilespmem:$0x4400] =	vst v63  }
0x4c: {  	_ = 	snop  }
0x4d: {  	[tilespmem:s16], [sflag:$0x1] =	stream.indirect.gather [hbm4b:s2+s8], $0x10, s15, s8, $0xb8;
	[tilespmem:$0x4400] =	vst v63  }
0x4e: {  	_ = 	snop  }
0x4f: {  	[tilespmem:s18], [sflag:$0x1] =	stream.indirect.gather [hbm4b:s2+s8], $0x10, s17, s8, $0xb8;
	[tilespmem:$0x4400] =	vst v63  }
0x50: {  	_ = 	snop  }
0x51: {  	[tilespmem:s20], [sflag:$0x1] =	stream.indirect.gather [hbm4b:s2+s8], $0x10, s19, s8, $0xb8;
	[tilespmem:$0x4400] =	vst v63  }
0x52: {  	_ = 	snop  }
0x53: {  	[tilespmem:s22], [sflag:$0x1] =	stream.indirect.gather [hbm4b:s2+s8], $0x10, s21, s8, $0xb8;
	[tilespmem:$0x4400] =	vst v63  }
0x54: {  	_ =	swait.ge [sflag:s23], $0x800  }
0x55: {  	[sflag:s23] =	ssyncset.done $0x0  }
0x56: {  	[sflag:s23] =	ssyncadd.s32 $0xFFFFF800  }
0x57: {  	_ =	swait.ge [sflag:s23], $0x800  }
0x58: {  	[sflag:s23] =	ssyncset.done $0x0  }
0x59: {  	[sflag:s23] =	ssyncadd.s32 $0xFFFFF800  }
0x5a: {  	_ =	swait.ge [sflag:s23], $0x800  }
0x5b: {  	[sflag:s23] =	ssyncset.done $0x0  }
0x5c: {  	[sflag:s23] =	ssyncadd.s32 $0xFFFFF800  }
0x5d: {  	_ =	swait.ge [sflag:s23], $0x800  }
0x5e: {  	[sflag:s23] =	ssyncset.done $0x0  }
0x5f: {  	[sflag:s23] =	ssyncadd.s32 $0xFFFFF800  }
0x60: {  	_ =	swait.ge [sflag:s23], $0x800  }
0x61: {  	[sflag:s23] =	ssyncset.done $0x0  }
0x62: {  	[sflag:s23] =	ssyncadd.s32 $0xFFFFF800  }
0x63: {  	_ =	swait.ge [sflag:s23], $0x800  }
0x64: {  	[sflag:s23] =	ssyncset.done $0x0  }
0x65: {  	[sflag:s23] =	ssyncadd.s32 $0xFFFFF800  }
0x66: {  	_ =	swait.ge [sflag:s23], $0x800  }
0x67: {  	[sflag:s23] =	ssyncset.done $0x0  }
0x68: {  	[sflag:s23] =	ssyncadd.s32 $0xFFFFF800  }
0x69: {  	_ =	swait.ge [sflag:s23], $0x800  }
.Ltmp0:
0x6a: {  	[sflag:s23] =	ssyncset.done $0x0;
	(pc) =	sbr.rel @p0 .LBB2_2-.Ltmp0, $4  }
0x6b: {  	[sflag:s23] =	ssyncadd.s32 $0xFFFFF800  }
0x6c: {  	[hbm4b:s25+s3] =	stream.linear.scatter [tilespmem:s9], [sflag:$0x2], $0x4000, $0x38;
	[tilespmem:$0x4400] =	vst v63  }
0x6d: {  	_ =	swait.ge [sflag:s7], $0x4000  }
0x6e: {  	s29 =	smov.u32 s28;
	s25 =	sadd.s32 $0x800, s25;
	[sflag:s7] =	ssyncset.done $0x0  }
0x6f: {  	s26 =	sadd.s32 s26, s6;
	[sflag:s7] =	ssyncadd.s32 $0xFFFFC000  }
0x70: {  	[tilespmem:s3], [sflag:$0x2] =	stream.linear.gather [hbm4b:s26+s3], $0x400, $0x38;
	[tilespmem:$0x4400] =	vst v63  }
0x71: {  	_ =	swait.ge [sflag:s7], $0x400  }
0x72: {  	[sflag:s7] =	ssyncset.done $0x0  }
0x73: {  	[sflag:s7] =	ssyncadd.s32 $0xFFFFFC00  }
0x74: {  	[tilespmem:s9], [sflag:$0x1] =	stream.indirect.gather [hbm4b:s2+s8], $0x10, s3, s8, $0xb8;
	[tilespmem:$0x4400] =	vst v63  }
0x75: {  	_ = 	snop  }
0x76: {  	[tilespmem:s10], [sflag:$0x1] =	stream.indirect.gather [hbm4b:s2+s8], $0x10, s8, s8, $0xb8;
	[tilespmem:$0x4400] =	vst v63  }
0x77: {  	_ = 	snop  }
0x78: {  	[tilespmem:s12], [sflag:$0x1] =	stream.indirect.gather [hbm4b:s2+s8], $0x10, s11, s8, $0xb8;
	[tilespmem:$0x4400] =	vst v63  }
0x79: {  	_ = 	snop  }
0x7a: {  	[tilespmem:s14], [sflag:$0x1] =	stream.indirect.gather [hbm4b:s2+s8], $0x10, s13, s8, $0xb8;
	[tilespmem:$0x4400] =	vst v63  }
0x7b: {  	_ = 	snop  }
0x7c: {  	[tilespmem:s16], [sflag:$0x1] =	stream.indirect.gather [hbm4b:s2+s8], $0x10, s15, s8, $0xb8;
	[tilespmem:$0x4400] =	vst v63  }
0x7d: {  	_ = 	snop  }
0x7e: {  	[tilespmem:s18], [sflag:$0x1] =	stream.indirect.gather [hbm4b:s2+s8], $0x10, s17, s8, $0xb8;
	[tilespmem:$0x4400] =	vst v63  }
0x7f: {  	_ = 	snop  }
0x80: {  	[tilespmem:s20], [sflag:$0x1] =	stream.indirect.gather [hbm4b:s2+s8], $0x10, s19, s8, $0xb8;
	[tilespmem:$0x4400] =	vst v63  }
0x81: {  	_ = 	snop  }
0x82: {  	[tilespmem:s22], [sflag:$0x1] =	stream.indirect.gather [hbm4b:s2+s8], $0x10, s21, s8, $0xb8;
	[tilespmem:$0x4400] =	vst v63  }
0x83: {  	_ =	swait.ge [sflag:s23], $0x800  }
0x84: {  	[sflag:s23] =	ssyncset.done $0x0  }
0x85: {  	[sflag:s23] =	ssyncadd.s32 $0xFFFFF800  }
0x86: {  	_ =	swait.ge [sflag:s23], $0x800  }
0x87: {  	[sflag:s23] =	ssyncset.done $0x0  }
0x88: {  	[sflag:s23] =	ssyncadd.s32 $0xFFFFF800  }
0x89: {  	_ =	swait.ge [sflag:s23], $0x800  }
0x8a: {  	[sflag:s23] =	ssyncset.done $0x0  }
0x8b: {  	[sflag:s23] =	ssyncadd.s32 $0xFFFFF800  }
0x8c: {  	_ =	swait.ge [sflag:s23], $0x800  }
0x8d: {  	[sflag:s23] =	ssyncset.done $0x0  }
0x8e: {  	[sflag:s23] =	ssyncadd.s32 $0xFFFFF800  }
0x8f: {  	_ =	swait.ge [sflag:s23], $0x800  }
0x90: {  	[sflag:s23] =	ssyncset.done $0x0  }
0x91: {  	[sflag:s23] =	ssyncadd.s32 $0xFFFFF800  }
0x92: {  	_ =	swait.ge [sflag:s23], $0x800  }
0x93: {  	[sflag:s23] =	ssyncset.done $0x0  }
0x94: {  	[sflag:s23] =	ssyncadd.s32 $0xFFFFF800  }
0x95: {  	_ =	swait.ge [sflag:s23], $0x800  }
0x96: {  	[sflag:s23] =	ssyncset.done $0x0  }
0x97: {  	[sflag:s23] =	ssyncadd.s32 $0xFFFFF800  }
0x98: {  	s24 =	sadd.s32 $0x1, s24;
	_ =	swait.ge [sflag:s23], $0x800  }
0x99: {  	p0 =	sne.s32 s24, s4;
	[sflag:s23] =	ssyncset.done $0x0  }
.Ltmp1:
0x9a: {  	[sflag:s23] =	ssyncadd.s32 $0xFFFFF800;
	(pc) =	sbr.rel @p0 .LBB2_1-.Ltmp1, $4  }
0x9b: {  	[hbm4b:s25+s3] =	stream.linear.scatter [tilespmem:s9], [sflag:$0x2], $0x4000, $0x38;
	[tilespmem:$0x4400] =	vst v63  }
0x9c: {  	_ =	swait.ge [sflag:s7], $0x4000  }
0x9d: {  	[sflag:s7] =	ssyncset.done $0x0  }
0x9e: {  	[sflag:s7] =	ssyncadd.s32 $0xFFFFC000  }
0x9f: {  	_ =	sfence.sel $0x180000  }
0xa0: {  	[bflag:$0x0] =	sbarrier.arrive $0xFFFF  }
0xa1: {  	p0 =	sne.s32 s0, $0x0;
	_ =	strace $0x90000047  }
0xa2: {  	s0 =	sadd.s32 @!p0 $0x100000, s1;
	[bflag:$0x2] =	sbarrier.arrive $0xFFFF  }
0xa3: {  	[sflag:s0] =	ssyncadd.tile.s32 @!p0 $0x1;
	_ =	shalt  }
.Lfunc_end2:
_tile_overlayer_lowered:
.L_overlay_start_2:
0xa4: {  	(tag) =	ssettag $0x2  }
0xa5: {  	s0 =	rddreg [dreg:$0x0];
	s2 =	stileid.u32  }
0xa6: {  	s1 =	rddreg [dreg:$0x1];
	p0 =	sne.s32 s2, $0x0  }
0xa7: {  	s3 =	rddreg [dreg:$0x2];
	[bflag:$0x3] =	sbarrier.arrive $0xFFFF;
	s2 =	simm.s32 @!p0 $0x1C02  }
0xa8: {  	[timem:s3], [sflag:s2] =	dma.local @!p0 [hbm:s0], s1  }
0xa9: {  	s0 =	simm.s32 @!p0 $0x2  }
0xaa: {  	_ =	swait.ge @!p0 [sflag:s0], s1  }
0xab: {  	s1 =	ssub.s32 @!p0 $0x0, s1;
	[sflag:s0] =	ssyncset.done @!p0 $0x0  }
0xac: {  	[sflag:s0] =	ssyncadd.s32 @!p0 s1  }
0xad: {  	[bflag:$0x3] =	sbarrier.arrive $0xFFFF  }
0xae: {  	_ =	shalt  }

</sc_bundles>
